<compile_context>
chip_gen: v7x
topology: tpu7x:2x2x1
jax: 0.10.2.dev20260603
libtpu: 0.0.44.dev20260713+nightly
codegen_flags: <defaults>
</compile_context>

<pallas_src>
import functools
import math

import numpy as np
import jax
import jax.numpy as jnp
from jax import lax
from jax.experimental import pallas as pl
from jax.experimental.pallas import tpu as pltpu
from jax.experimental.pallas import tpu_sc as plsc

L = 4096
R = 4096
K = L // 2 + 1
KP = 2304
KH = 2176
TOPK = 8

BM = 256
BK = 384
NKB = KP // BK

_TABLES = {}


def _dft_tables():
    if "t" in _TABLES:
        return _TABLES["t"]
    n = np.arange(L, dtype=np.int64)[:, None]
    k = np.arange(KP, dtype=np.int64)[None, :]
    m = (n * k) % L
    ph = m.astype(np.float64) * (2.0 * np.pi / L)
    valid = (k < K)
    cosf = np.where(valid, np.cos(ph), 0.0)
    sinf = np.where(valid, np.sin(ph), 0.0)
    kk = np.arange(KP, dtype=np.int64)[:, None]
    dd = np.arange(KH, dtype=np.int64)[None, :]
    phi = ((kk * dd) % L).astype(np.float64) * (2.0 * np.pi / L)
    alpha = np.where((kk == 0) | (kk == L // 2), 1.0, 2.0)
    winv = np.where((kk < K) & (dd < K), alpha * np.cos(phi) / L, 0.0)
    tri = np.triu(np.ones((16, 16), np.float32), 1)
    t = (jnp.asarray(cosf, jnp.bfloat16),
         jnp.asarray(sinf, jnp.bfloat16),
         jnp.asarray(winv, jnp.bfloat16),
         jnp.asarray(tri, jnp.float32))
    _TABLES["t"] = t
    return t


def _corr_topk_body(x_ref, c_ref, s_ref, w_ref, tri_ref, wout_ref, dout_ref,
                    acc_ref):
    kb = pl.program_id(1)
    xr = x_ref[...]
    xre = jnp.dot(xr, c_ref[...], preferred_element_type=jnp.float32)
    xim = jnp.dot(xr, s_ref[...], preferred_element_type=jnp.float32)
    p = (xre * xre + xim * xim).astype(jnp.bfloat16)
    contrib = jnp.dot(p, w_ref[...], preferred_element_type=jnp.float32)

    @pl.when(kb == 0)
    def _():
        acc_ref[...] = contrib

    @pl.when(kb > 0)
    def _():
        acc_ref[...] = acc_ref[...] + contrib

    @pl.when(kb == NKB - 1)
    def _():
        iota = lax.broadcasted_iota(jnp.int32, (BM, KH), 1)
        corr = jnp.where(iota < K, acc_ref[...], -jnp.inf)
        vals = []
        idxs = []
        for _i in range(TOPK):
            v = jnp.max(corr, axis=1, keepdims=True)
            hit = corr >= v
            ix = jnp.min(jnp.where(hit, iota, KH), axis=1, keepdims=True)
            vals.append(v)
            idxs.append(ix)
            corr = jnp.where(iota == ix, -jnp.inf, corr)
        vj = jnp.concatenate(vals, axis=1)
        dj = jnp.concatenate(idxs, axis=1)
        s16 = lax.broadcasted_iota(jnp.int32, (BM, 16), 1)
        jsl = s16 // 2
        rsl = s16 - 2 * jsl
        vE = jnp.zeros((BM, 16), jnp.float32)
        dE = jnp.zeros((BM, 16), jnp.int32)
        for jj in range(TOPK):
            vE = jnp.where(jsl == jj, vj[:, jj:jj + 1], vE)
            dE = jnp.where(jsl == jj, dj[:, jj:jj + 1], dE)
        pair_ok = (dE != 0) & (dE != L // 2)
        dE = jnp.where(rsl == 1, L - dE, dE)
        valid = (rsl == 0) | pair_ok
        validf = valid.astype(jnp.float32)
        pos = jnp.dot(validf, tri_ref[...],
                      preferred_element_type=jnp.float32).astype(jnp.int32)
        wcols = []
        dcols = []
        for sp in range(TOPK):
            m = valid & (pos == sp)
            wcols.append(jnp.sum(jnp.where(m, vE, 0.0), axis=1,
                                 keepdims=True))
            dcols.append(jnp.sum(jnp.where(m, dE, 0), axis=1,
                                 keepdims=True))
        w = jnp.concatenate(wcols, axis=1)
        d = jnp.concatenate(dcols, axis=1)
        e = jnp.exp(w - w[:, :1])
        sm = e / jnp.sum(e, axis=1, keepdims=True)
        pad = jnp.zeros((BM, 128 - TOPK), jnp.float32)
        wout_ref[...] = jnp.concatenate([sm, pad], axis=1)
        dout_ref[...] = jnp.concatenate([d, pad.astype(jnp.int32)], axis=1)


def _corr_topk(xb, cosf, sinf, winv, tri):
    grid = (R // BM, NKB)
    return pl.pallas_call(
        _corr_topk_body,
        grid=grid,
        in_specs=[
            pl.BlockSpec((BM, L), lambda i, kb: (i, 0)),
            pl.BlockSpec((L, BK), lambda i, kb: (0, kb)),
            pl.BlockSpec((L, BK), lambda i, kb: (0, kb)),
            pl.BlockSpec((BK, KH), lambda i, kb: (kb, 0)),
            pl.BlockSpec((16, 16), lambda i, kb: (0, 0)),
        ],
        out_specs=[
            pl.BlockSpec((BM, 128), lambda i, kb: (i, 0)),
            pl.BlockSpec((BM, 128), lambda i, kb: (i, 0)),
        ],
        out_shape=[
            jax.ShapeDtypeStruct((R, 128), jnp.float32),
            jax.ShapeDtypeStruct((R, 128), jnp.int32),
        ],
        scratch_shapes=[pltpu.VMEM((BM, KH), jnp.float32)],
        compiler_params=pltpu.CompilerParams(
            dimension_semantics=("parallel", "arbitrary"),
        ),
    )(xb, cosf, sinf, winv, tri)


NSEG = 16
NSTAGE = 4
SEGL = L // NSEG
NJ = SEGL // 2


def _bitrev4(q):
    return ((q & 1) << 3) | ((q & 2) << 1) | ((q & 4) >> 1) | ((q & 8) >> 3)


def _dft_tables_ct():
    if "ct" in _TABLES:
        return _TABLES["ct"]
    tw = np.zeros((8, L // 2), np.float32)
    for t in range(NSTAGE):
        M = L >> t
        m = np.arange(M // 2, dtype=np.float64)
        tw[t, :M // 2] = np.cos(2.0 * np.pi * m / M)
        tw[4 + t, :M // 2] = -np.sin(2.0 * np.pi * m / M)
    n = np.arange(SEGL, dtype=np.float64)[:, None]
    j = np.arange(NJ, dtype=np.float64)[None, :]
    c256 = np.cos(2.0 * np.pi * n * j / SEGL)
    s256 = np.sin(2.0 * np.pi * n * j / SEGL)
    kk = np.zeros((KH,), np.int64)
    for q in range(NSEG):
        for jj in range(NJ):
            kk[q * NJ + jj] = NSEG * jj + _bitrev4(q)
    kk[NSEG * NJ] = L // 2
    dd = np.arange(KH, dtype=np.int64)[None, :]
    phi = ((kk[:, None] * dd) % L).astype(np.float64) * (2.0 * np.pi / L)
    alpha = np.where((kk[:, None] == 0) | (kk[:, None] == L // 2), 1.0, 2.0)
    lim = NSEG * NJ + 1
    rvalid = (np.arange(KH)[:, None] < lim)
    winv = np.where(rvalid & (dd < K), alpha * np.cos(phi) / L, 0.0)
    alt = ((-1.0) ** np.arange(SEGL)).astype(np.float32)[None, :]
    tri = np.triu(np.ones((16, 16), np.float32), 1)
    t = (jnp.asarray(tw, jnp.float32),
         jnp.asarray(c256, jnp.bfloat16),
         jnp.asarray(s256, jnp.bfloat16),
         jnp.asarray(winv, jnp.bfloat16),
         jnp.asarray(alt, jnp.float32),
         jnp.asarray(tri, jnp.float32))
    _TABLES["ct"] = t
    return t


def _topk_epilogue(corr, tri_ref, wout_ref, dout_ref):
    iota = lax.broadcasted_iota(jnp.int32, (BM, KH), 1)
    corr = jnp.where(iota < K, corr, -jnp.inf)
    vals = []
    idxs = []
    for _i in range(TOPK):
        v = jnp.max(corr, axis=1, keepdims=True)
        hit = corr >= v
        ix = jnp.min(jnp.where(hit, iota, KH), axis=1, keepdims=True)
        vals.append(v)
        idxs.append(ix)
        corr = jnp.where(iota == ix, -jnp.inf, corr)
    vj = jnp.concatenate(vals, axis=1)
    dj = jnp.concatenate(idxs, axis=1)
    s16 = lax.broadcasted_iota(jnp.int32, (BM, 16), 1)
    jsl = s16 // 2
    rsl = s16 - 2 * jsl
    vE = jnp.zeros((BM, 16), jnp.float32)
    dE = jnp.zeros((BM, 16), jnp.int32)
    for jj in range(TOPK):
        vE = jnp.where(jsl == jj, vj[:, jj:jj + 1], vE)
        dE = jnp.where(jsl == jj, dj[:, jj:jj + 1], dE)
    pair_ok = (dE != 0) & (dE != L // 2)
    dE = jnp.where(rsl == 1, L - dE, dE)
    valid = (rsl == 0) | pair_ok
    validf = valid.astype(jnp.float32)
    pos = jnp.dot(validf, tri_ref[...],
                  preferred_element_type=jnp.float32).astype(jnp.int32)
    wcols = []
    dcols = []
    for sp in range(TOPK):
        m = valid & (pos == sp)
        wcols.append(jnp.sum(jnp.where(m, vE, 0.0), axis=1, keepdims=True))
        dcols.append(jnp.sum(jnp.where(m, dE, 0), axis=1, keepdims=True))
    w = jnp.concatenate(wcols, axis=1)
    d = jnp.concatenate(dcols, axis=1)
    e = jnp.exp(w - w[:, :1])
    sm = e / jnp.sum(e, axis=1, keepdims=True)
    pad = jnp.zeros((BM, 128 - TOPK), jnp.float32)
    wout_ref[...] = jnp.concatenate([sm, pad], axis=1)
    dout_ref[...] = jnp.concatenate([d, pad.astype(jnp.int32)], axis=1)


def _corr_topk_ct_body(x_ref, tw_ref, c_ref, s_ref, w_ref, alt_ref, tri_ref,
                       wout_ref, dout_ref, zr, zi, pp, cbuf):
    i = pl.program_id(0)
    phase = i % 2
    corr_prev = cbuf[pl.ds((1 - phase) * BM, BM), :]
    H = L // 2
    ar = x_ref[:, :H]
    br = x_ref[:, H:]
    twr = tw_ref[0:1, :H]
    twi = tw_ref[4:5, :H]
    zr[:, :H] = ar + br
    zi[:, :H] = jnp.zeros((BM, H), jnp.float32)
    dr = ar - br
    zr[:, H:] = dr * twr
    zi[:, H:] = dr * twi
    for t in range(1, NSTAGE):
        M = L >> t
        H = M // 2
        twr = tw_ref[t:t + 1, :H]
        twi = tw_ref[4 + t:5 + t, :H]
        for s in range(1 << t):
            s0 = s * M
            ar = zr[:, s0:s0 + H]
            br = zr[:, s0 + H:s0 + M]
            ai = zi[:, s0:s0 + H]
            bi = zi[:, s0 + H:s0 + M]
            zr[:, s0:s0 + H] = ar + br
            zi[:, s0:s0 + H] = ai + bi
            dr = ar - br
            di = ai - bi
            zr[:, s0 + H:s0 + M] = dr * twr - di * twi
            zi[:, s0 + H:s0 + M] = dr * twi + di * twr
    c256 = c_ref[...]
    s256 = s_ref[...]
    for q in range(NSEG):
        q0 = q * SEGL
        sr = zr[:, q0:q0 + SEGL].astype(jnp.bfloat16)
        si = zi[:, q0:q0 + SEGL].astype(jnp.bfloat16)
        yr = (jnp.dot(sr, c256, preferred_element_type=jnp.float32)
              + jnp.dot(si, s256, preferred_element_type=jnp.float32))
        yi = (jnp.dot(si, c256, preferred_element_type=jnp.float32)
              - jnp.dot(sr, s256, preferred_element_type=jnp.float32))
        pp[:, q * NJ:(q + 1) * NJ] = yr * yr + yi * yi
    alt = alt_ref[...]
    nr = jnp.sum(zr[:, :SEGL] * alt, axis=1, keepdims=True)
    ni = jnp.sum(zi[:, :SEGL] * alt, axis=1, keepdims=True)
    pnyq = nr * nr + ni * ni
    zpad = jnp.zeros((BM, NJ - 1), jnp.float32)
    pp[:, NSEG * NJ:] = jnp.concatenate([pnyq, zpad], axis=1)
    corr = jnp.dot(pp[...].astype(jnp.bfloat16), w_ref[...],
                   preferred_element_type=jnp.float32)
    cbuf[pl.ds(phase * BM, BM), :] = corr
    _topk_epilogue(corr_prev, tri_ref, wout_ref, dout_ref)


NBLK = R // BM


def _corr_topk_ct(x2, tw, c256, s256, winv, alt, tri):
    grid = (NBLK + 1,)
    return pl.pallas_call(
        _corr_topk_ct_body,
        grid=grid,
        in_specs=[
            pl.BlockSpec((BM, L), lambda i: (jnp.minimum(i, NBLK - 1), 0)),
            pl.BlockSpec((8, L // 2), lambda i: (0, 0)),
            pl.BlockSpec((SEGL, NJ), lambda i: (0, 0)),
            pl.BlockSpec((SEGL, NJ), lambda i: (0, 0)),
            pl.BlockSpec((KH, KH), lambda i: (0, 0)),
            pl.BlockSpec((1, SEGL), lambda i: (0, 0)),
            pl.BlockSpec((16, 16), lambda i: (0, 0)),
        ],
        out_specs=[
            pl.BlockSpec((BM, 128), lambda i: (jnp.maximum(i - 1, 0), 0)),
            pl.BlockSpec((BM, 128), lambda i: (jnp.maximum(i - 1, 0), 0)),
        ],
        out_shape=[
            jax.ShapeDtypeStruct((R, 128), jnp.float32),
            jax.ShapeDtypeStruct((R, 128), jnp.int32),
        ],
        scratch_shapes=[
            pltpu.VMEM((BM, L), jnp.float32),
            pltpu.VMEM((BM, L), jnp.float32),
            pltpu.VMEM((BM, KH), jnp.float32),
            pltpu.VMEM((2 * BM, KH), jnp.float32),
        ],
        compiler_params=pltpu.CompilerParams(
            dimension_semantics=("arbitrary",),
        ),
    )(x2, tw, c256, s256, winv, alt, tri)


NWORKERS = 32
ROWS_PER_W = R // NWORKERS


def _agg_body(x_hbm, w_hbm, d_hbm, out_hbm, xbuf0, xbuf1, wall, dall,
              obuf0, obuf1, sin0, sin1, so0, so1):
    cid = lax.axis_index("c")
    sid = lax.axis_index("s")
    wid = sid * 2 + cid
    lanes = lax.iota(jnp.int32, 16)

    base = wid * ROWS_PER_W

    pltpu.sync_copy(w_hbm.at[pl.ds(base * 16, ROWS_PER_W * 16)], wall)
    pltpu.sync_copy(d_hbm.at[pl.ds(base * 16, ROWS_PER_W * 16)], dall)

    xbufs = (xbuf0, xbuf1)
    obufs = (obuf0, obuf1)
    sems_in = (sin0, sin1)
    sems_out = (so0, so1)
    pltpu.async_copy(x_hbm.at[base], xbuf0, sin0)

    def process(r, b):
        nb = 1 - b

        @pl.when(r + 1 < ROWS_PER_W)
        def _():
            pltpu.async_copy(x_hbm.at[base + r + 1], xbufs[nb],
                             sems_in[nb])

        wvec = plsc.load_gather(wall, (r * 16 + lanes,))
        dvec = plsc.load_gather(dall, (r * 16 + lanes,))
        sel0 = lanes == 0
        db0 = jnp.sum(jnp.where(sel0, dvec, 0))
        wb0 = jnp.sum(jnp.where(sel0, wvec, jnp.float32(0)))
        tailsel = (lanes >= 1) & (lanes < TOPK)
        wtail = jnp.sum(jnp.where(tailsel, wvec, jnp.float32(0)))

        pltpu.make_async_copy(x_hbm.at[base + r], xbufs[b],
                              sems_in[b]).wait()

        @pl.when(r >= 2)
        def _():
            pltpu.make_async_copy(obufs[b], out_hbm.at[base + r - 2],
                                  sems_out[b]).wait()

        @pl.when(db0 == 0)
        def _():
            @plsc.parallel_loop(0, L // 16, unroll=8)
            def chunk0l(j):
                sl = pl.ds(j * 16, 16)
                obufs[b][sl] = wb0 * xbufs[b][sl]

        @pl.when(db0 != 0)
        def _():
            @plsc.parallel_loop(0, L // 16, unroll=8)
            def chunk0(j):
                idx = (j * 16 + lanes + db0) & (L - 1)
                obufs[b][pl.ds(j * 16, 16)] = wb0 * plsc.load_gather(
                    xbufs[b], (idx,))

        @pl.when(wtail != 0.0)
        def _():
            for i in range(1, TOPK):
                sel = lanes == i
                db = jnp.sum(jnp.where(sel, dvec, 0))
                wb = jnp.sum(jnp.where(sel, wvec, jnp.float32(0)))

                @pl.when(wb != 0.0)
                def _(db=db, wb=wb):
                    @plsc.parallel_loop(0, L // 16, unroll=8)
                    def chunk(j):
                        idx = (j * 16 + lanes + db) & (L - 1)
                        sl = pl.ds(j * 16, 16)
                        obufs[b][sl] = obufs[b][sl] + wb * plsc.load_gather(
                            xbufs[b], (idx,))

        pltpu.async_copy(obufs[b], out_hbm.at[base + r], sems_out[b])

    def outer(gg, carry):
        process(2 * gg, 0)
        process(2 * gg + 1, 1)
        return carry

    lax.fori_loop(0, ROWS_PER_W // 2, outer, 0)
    pltpu.make_async_copy(obuf0, out_hbm.at[base + ROWS_PER_W - 2],
                          so0).wait()
    pltpu.make_async_copy(obuf1, out_hbm.at[base + ROWS_PER_W - 1],
                          so1).wait()


_AGG = {}


def _aggregate_kernel():
    if "k" in _AGG:
        return _AGG["k"]
    k = pl.kernel(
        _agg_body,
        out_type=jax.ShapeDtypeStruct((R, L), jnp.float32),
        mesh=plsc.VectorSubcoreMesh(
            core_axis_name="c", subcore_axis_name="s",
            num_cores=2, num_subcores=16,
        ),
        scratch_types=[
            pltpu.VMEM((L,), jnp.float32),
            pltpu.VMEM((L,), jnp.float32),
            pltpu.VMEM((ROWS_PER_W * 16,), jnp.float32),
            pltpu.VMEM((ROWS_PER_W * 16,), jnp.int32),
            pltpu.VMEM((L,), jnp.float32),
            pltpu.VMEM((L,), jnp.float32),
            pltpu.SemaphoreType.DMA,
            pltpu.SemaphoreType.DMA,
            pltpu.SemaphoreType.DMA,
            pltpu.SemaphoreType.DMA,
        ],
        compiler_params=pltpu.CompilerParams(needs_layout_passes=False),
    )
    _AGG["k"] = k
    return k


def kernel(x):
    B, C, _ = x.shape
    x2 = x.reshape(R, L)
    tw, c256, s256, winv, alt, tri = _dft_tables_ct()
    wpad, dpad = _corr_topk_ct(x2, tw, c256, s256, winv, alt, tri)
    w16 = wpad[:, :16].reshape(-1)
    d16 = dpad[:, :16].reshape(-1)
    out = _aggregate_kernel()(x2, w16, d16)
    return out.reshape(B, C, L)

# --- scband reference (transcript-rebuilt; emitter-appended) ---
"""Pipeline reference for scband-auto-correlation-28338194219699 (READ-ONLY COPY).

The authoritative reference and input builder live on the scoring server;
editing this copy changes nothing except your own understanding.
"""

import jax, jax.numpy as jnp
import numpy as np
import math

FACTOR = 1

def setup_inputs(seed: int = 0) -> dict:
    key = jax.random.key(seed)
    x = jax.random.normal(key, (4, 1024, 4096), dtype=jnp.float32)
    return {"x": x}

def reference(x):
    # x: [B, C, L] -> unsqueeze head dim
    x4 = x[:, None, :, :]  # [B, 1, C, L]
    q_fft = jnp.fft.rfft(x4, axis=-1)
    k_fft = jnp.fft.rfft(x4, axis=-1)
    res = q_fft * jnp.conj(k_fft)
    corr = jnp.fft.irfft(res, n=x4.shape[-1], axis=-1)  # [B, 1, C, L]
    B, H, C, L = x4.shape
    top_k = int(FACTOR * math.log(L))
    weights, delay = jax.lax.top_k(corr, top_k)  # [B,1,C,top_k]
    tmp_corr = jax.nn.softmax(weights, axis=-1)
    tmp_values = jnp.concatenate([x4, x4], axis=-1)  # [B,1,C,2L]
    init_index = jnp.broadcast_to(jnp.arange(L)[None, None, None, :], (B, H, C, L))
    delays_agg = jnp.zeros_like(x4)
    for i in range(top_k):
        tmp_delay = init_index + delay[..., i][..., None]
        pattern = jnp.take_along_axis(tmp_values, tmp_delay, axis=-1)
        delays_agg = delays_agg + pattern * tmp_corr[..., i][..., None]
    return delays_agg[:, 0, :, :]  # squeeze head dim -> [B, C, L]

if __name__ == "__main__":
    import jax
    _d = setup_inputs()
    print(jax.jit(kernel)(*tuple(_d.values())))

</pallas_src>

<mosaic_0001>
#map = affine_map<(d0, d1) -> (0, 0)>
#map1 = affine_map<(d0, d1) -> (0)>
module attributes {stable_mosaic.version = 14 : i64} {
  func.func @_agg_body(%arg0: i32, %arg1: i32, %arg2: memref<4096x4096xf32, #tpu.memory_space<hbm>>, %arg3: memref<65536xf32, #tpu.memory_space<hbm>>, %arg4: memref<65536xi32, #tpu.memory_space<hbm>>, %arg5: memref<4096x4096xf32, #tpu.memory_space<hbm>>, %arg6: memref<4096xf32, #tpu.memory_space<vmem>>, %arg7: memref<4096xf32, #tpu.memory_space<vmem>>, %arg8: memref<2048xf32, #tpu.memory_space<vmem>>, %arg9: memref<2048xi32, #tpu.memory_space<vmem>>, %arg10: memref<4096xf32, #tpu.memory_space<vmem>>, %arg11: memref<4096xf32, #tpu.memory_space<vmem>>, %arg12: memref<!tpu.dma_semaphore, #tpu.memory_space<semaphore_mem>>, %arg13: memref<!tpu.dma_semaphore, #tpu.memory_space<semaphore_mem>>, %arg14: memref<!tpu.dma_semaphore, #tpu.memory_space<semaphore_mem>>, %arg15: memref<!tpu.dma_semaphore, #tpu.memory_space<semaphore_mem>>) attributes {dimension_semantics = [#tpu.dimension_semantics<core_parallel>, #tpu.dimension_semantics<subcore_parallel>], iteration_bounds = array<i64: 2, 16>, scalar_prefetch = 0 : i64, scratch_operands = 10 : i64, tpu.core_type = #tpu.core_type<sc_vector_subcore>, window_params = [{transform_indices = #map}, {transform_indices = #map1}, {transform_indices = #map1}, {transform_indices = #map}]} {
    %mul3A = arith.constant 2 : i32
    %mul3A_0 = arith.muli %arg1, %mul3A : i32
    %add3A = arith.addi %mul3A_0, %arg0 : i32
    %iota3A = tpu.iota {dimensions = array<i32: 0>} : vector<16xi32>
    %mul3A_1 = arith.constant 128 : i32
    %mul3A_2 = arith.muli %add3A, %mul3A_1 : i32
    %mul3A_3 = arith.constant 16 : i32
    %mul3A_4 = arith.muli %mul3A_2, %mul3A_3 : i32
    "tpu.region"() ({
      %run_scoped3A = tpu.sem_alloc : memref<!tpu.dma_semaphore, #tpu.memory_space<semaphore_mem>>
      %dma_start3A_35 = tpu.memref_slice %arg3[%mul3A_4] : memref<65536xf32, #tpu.memory_space<hbm>> -> memref<2048xf32, #tpu.memory_space<hbm>>
      %dma_start3A_36 = tpu.memref_slice %arg3[%mul3A_4] : memref<65536xf32, #tpu.memory_space<hbm>> -> memref<2048xf32, #tpu.memory_space<hbm>>
      tpu.enqueue_dma source(%dma_start3A_36 : memref<2048xf32, #tpu.memory_space<hbm>>) target(%arg8 : memref<2048xf32, #tpu.memory_space<vmem>>) target_semaphore(%run_scoped3A : memref<!tpu.dma_semaphore, #tpu.memory_space<semaphore_mem>>)
      %dma_wait3A_37 = tpu.memref_slice %arg3[%mul3A_4] : memref<65536xf32, #tpu.memory_space<hbm>> -> memref<2048xf32, #tpu.memory_space<hbm>>
      %dma_wait3A_38 = tpu.memref_slice %arg3[%mul3A_4] : memref<65536xf32, #tpu.memory_space<hbm>> -> memref<2048xf32, #tpu.memory_space<hbm>>
      tpu.wait_dma2 semaphore(%run_scoped3A : memref<!tpu.dma_semaphore, #tpu.memory_space<semaphore_mem>>) src(%dma_wait3A_38 : memref<2048xf32, #tpu.memory_space<hbm>>) dst(%arg8 : memref<2048xf32, #tpu.memory_space<vmem>>)
      tpu.yield
    }) : () -> ()
    %mul3A_5 = arith.constant 16 : i32
    %mul3A_6 = arith.muli %mul3A_2, %mul3A_5 : i32
    "tpu.region"() ({
      %run_scoped3A = tpu.sem_alloc : memref<!tpu.dma_semaphore, #tpu.memory_space<semaphore_mem>>
      %dma_start3A_35 = tpu.memref_slice %arg4[%mul3A_6] : memref<65536xi32, #tpu.memory_space<hbm>> -> memref<2048xi32, #tpu.memory_space<hbm>>
      %dma_start3A_36 = tpu.memref_slice %arg4[%mul3A_6] : memref<65536xi32, #tpu.memory_space<hbm>> -> memref<2048xi32, #tpu.memory_space<hbm>>
      tpu.enqueue_dma source(%dma_start3A_36 : memref<2048xi32, #tpu.memory_space<hbm>>) target(%arg9 : memref<2048xi32, #tpu.memory_space<vmem>>) target_semaphore(%run_scoped3A : memref<!tpu.dma_semaphore, #tpu.memory_space<semaphore_mem>>)
      %dma_wait3A_37 = tpu.memref_slice %arg4[%mul3A_6] : memref<65536xi32, #tpu.memory_space<hbm>> -> memref<2048xi32, #tpu.memory_space<hbm>>
      %dma_wait3A_38 = tpu.memref_slice %arg4[%mul3A_6] : memref<65536xi32, #tpu.memory_space<hbm>> -> memref<2048xi32, #tpu.memory_space<hbm>>
      tpu.wait_dma2 semaphore(%run_scoped3A : memref<!tpu.dma_semaphore, #tpu.memory_space<semaphore_mem>>) src(%dma_wait3A_38 : memref<2048xi32, #tpu.memory_space<hbm>>) dst(%arg9 : memref<2048xi32, #tpu.memory_space<vmem>>)
      tpu.yield
    }) : () -> ()
    %dma_start3A = arith.constant 0 : i32
    %dma_start3A_7 = tpu.memref_slice %arg2[%mul3A_2, %dma_start3A] : memref<4096x4096xf32, #tpu.memory_space<hbm>> -> memref<1x4096xf32, #tpu.memory_space<hbm>>
    %dma_start3A_8 = tpu.memref_squeeze %dma_start3A_7 : memref<1x4096xf32, #tpu.memory_space<hbm>> -> memref<4096xf32, #tpu.memory_space<hbm>>
    %dma_start3A_9 = arith.constant 0 : i32
    %dma_start3A_10 = tpu.memref_slice %arg2[%mul3A_2, %dma_start3A_9] : memref<4096x4096xf32, #tpu.memory_space<hbm>> -> memref<1x4096xf32, #tpu.memory_space<hbm>>
    %dma_start3A_11 = tpu.memref_squeeze %dma_start3A_10 : memref<1x4096xf32, #tpu.memory_space<hbm>> -> memref<4096xf32, #tpu.memory_space<hbm>>
    tpu.enqueue_dma source(%dma_start3A_11 : memref<4096xf32, #tpu.memory_space<hbm>>) target(%arg6 : memref<4096xf32, #tpu.memory_space<vmem>>) target_semaphore(%arg12 : memref<!tpu.dma_semaphore, #tpu.memory_space<semaphore_mem>>)
    %scan3A = arith.constant 0 : i32
    %scan3A_12 = arith.constant 0 : i32
    %scan3A_13 = arith.constant 64 : i32
    %scan3A_14 = arith.addi %scan3A_12, %scan3A_13 : i32
    %scan3A_15 = arith.constant 1 : i32
    scf.for %scan3A_35 = %scan3A_12 to %scan3A_14 step %scan3A_15  : i32 {
      %mul3A_36 = arith.constant 2 : i32
      %mul3A_37 = arith.muli %mul3A_36, %scan3A_35 : i32
      %add3A_38 = arith.constant 1 : i32
      %add3A_39 = arith.addi %mul3A_37, %add3A_38 : i32
      %lt3A = arith.constant 128 : i32
      %lt3A_40 = arith.cmpi slt, %add3A_39, %lt3A : i32
      %convert_element_type3A = arith.extui %lt3A_40 : i1 to i32
      %cond3A = arith.constant 0 : i32
      %cond3A_41 = arith.cmpi ne, %convert_element_type3A, %cond3A : i32
      scf.if %cond3A_41 {
        %add3A_194 = arith.addi %mul3A_2, %mul3A_37 : i32
        %add3A_195 = arith.constant 1 : i32
        %add3A_196 = arith.addi %add3A_194, %add3A_195 : i32
        %dma_start3A_197 = arith.constant 0 : i32
        %dma_start3A_198 = tpu.memref_slice %arg2[%add3A_196, %dma_start3A_197] : memref<4096x4096xf32, #tpu.memory_space<hbm>> -> memref<1x4096xf32, #tpu.memory_space<hbm>>
        %dma_start3A_199 = tpu.memref_squeeze %dma_start3A_198 : memref<1x4096xf32, #tpu.memory_space<hbm>> -> memref<4096xf32, #tpu.memory_space<hbm>>
        %dma_start3A_200 = arith.constant 0 : i32
        %dma_start3A_201 = tpu.memref_slice %arg2[%add3A_196, %dma_start3A_200] : memref<4096x4096xf32, #tpu.memory_space<hbm>> -> memref<1x4096xf32, #tpu.memory_space<hbm>>
        %dma_start3A_202 = tpu.memref_squeeze %dma_start3A_201 : memref<1x4096xf32, #tpu.memory_space<hbm>> -> memref<4096xf32, #tpu.memory_space<hbm>>
        tpu.enqueue_dma source(%dma_start3A_202 : memref<4096xf32, #tpu.memory_space<hbm>>) target(%arg7 : memref<4096xf32, #tpu.memory_space<vmem>>) target_semaphore(%arg13 : memref<!tpu.dma_semaphore, #tpu.memory_space<semaphore_mem>>)
      } else {
      }
      %mul3A_42 = arith.constant 16 : i32
      %mul3A_43 = arith.muli %mul3A_37, %mul3A_42 : i32
      %add3A_44 = vector.broadcast %mul3A_43 : i32 to vector<16xi32>
      %add3A_45 = arith.addi %add3A_44, %iota3A : vector<16xi32>
      %gather3A = tpu.vector_load_idx %arg8[%add3A_45] : memref<2048xf32, #tpu.memory_space<vmem>>[vector<16xi32>], vector<16xf32>,
      %mul3A_46 = arith.constant 16 : i32
      %mul3A_47 = arith.muli %mul3A_37, %mul3A_46 : i32
      %add3A_48 = vector.broadcast %mul3A_47 : i32 to vector<16xi32>
      %add3A_49 = arith.addi %add3A_48, %iota3A : vector<16xi32>
      %gather3A_50 = tpu.vector_load_idx %arg9[%add3A_49] : memref<2048xi32, #tpu.memory_space<vmem>>[vector<16xi32>], vector<16xi32>,
      %eq3A = arith.constant 0 : i32
      %eq3A_51 = vector.broadcast %eq3A : i32 to vector<16xi32>
      %eq3A_52 = arith.cmpi eq, %iota3A, %eq3A_51 : vector<16xi32>
      %jit3A = arith.constant 0 : i32
      %broadcast_in_dim3A = vector.broadcast %jit3A : i32 to vector<16xi32>
      %select_n3A = arith.select %eq3A_52, %gather3A_50, %broadcast_in_dim3A : vector<16xi1>, vector<16xi32>
      %reduce_sum3A = arith.constant true
      %reduce_sum3A_53 = vector.broadcast %reduce_sum3A : i1 to vector<16xi1>
      %reduce_sum3A_54 = tpu.scan <sum>, %select_n3A masked %reduce_sum3A_53 : vector<16xi32>, vector<16xi1> -> vector<16xi32>
      %reduce_sum3A_55 = vector.extract %reduce_sum3A_54[15] : i32 from vector<16xi32>
      %jit3A_56 = arith.constant 0.000000e+00 : f32
      %broadcast_in_dim3A_57 = vector.broadcast %jit3A_56 : f32 to vector<16xf32>
      %select_n3A_58 = arith.select %eq3A_52, %gather3A, %broadcast_in_dim3A_57 : vector<16xi1>, vector<16xf32>
      %reduce_sum3A_59 = arith.constant true
      %reduce_sum3A_60 = vector.broadcast %reduce_sum3A_59 : i1 to vector<16xi1>
      %reduce_sum3A_61 = tpu.scan <sum>, %select_n3A_58 masked %reduce_sum3A_60 : vector<16xf32>, vector<16xi1> -> vector<16xf32>
      %reduce_sum3A_62 = vector.extract %reduce_sum3A_61[15] : f32 from vector<16xf32>
      %ge3A = arith.constant 1 : i32
      %ge3A_63 = vector.broadcast %ge3A : i32 to vector<16xi32>
      %ge3A_64 = arith.cmpi sge, %iota3A, %ge3A_63 : vector<16xi32>
      %lt3A_65 = arith.constant 8 : i32
      %lt3A_66 = vector.broadcast %lt3A_65 : i32 to vector<16xi32>
      %lt3A_67 = arith.cmpi slt, %iota3A, %lt3A_66 : vector<16xi32>
      %and3A = arith.andi %ge3A_64, %lt3A_67 : vector<16xi1>
      %jit3A_68 = arith.constant 0.000000e+00 : f32
      %broadcast_in_dim3A_69 = vector.broadcast %jit3A_68 : f32 to vector<16xf32>
      %select_n3A_70 = arith.select %and3A, %gather3A, %broadcast_in_dim3A_69 : vector<16xi1>, vector<16xf32>
      %reduce_sum3A_71 = arith.constant true
      %reduce_sum3A_72 = vector.broadcast %reduce_sum3A_71 : i1 to vector<16xi1>
      %reduce_sum3A_73 = tpu.scan <sum>, %select_n3A_70 masked %reduce_sum3A_72 : vector<16xf32>, vector<16xi1> -> vector<16xf32>
      %reduce_sum3A_74 = vector.extract %reduce_sum3A_73[15] : f32 from vector<16xf32>
      %add3A_75 = arith.addi %mul3A_2, %mul3A_37 : i32
      %dma_wait3A_76 = arith.constant 0 : i32
      %dma_wait3A_77 = tpu.memref_slice %arg2[%add3A_75, %dma_wait3A_76] : memref<4096x4096xf32, #tpu.memory_space<hbm>> -> memref<1x4096xf32, #tpu.memory_space<hbm>>
      %dma_wait3A_78 = tpu.memref_squeeze %dma_wait3A_77 : memref<1x4096xf32, #tpu.memory_space<hbm>> -> memref<4096xf32, #tpu.memory_space<hbm>>
      %dma_wait3A_79 = arith.constant 0 : i32
      %dma_wait3A_80 = tpu.memref_slice %arg2[%add3A_75, %dma_wait3A_79] : memref<4096x4096xf32, #tpu.memory_space<hbm>> -> memref<1x4096xf32, #tpu.memory_space<hbm>>
      %dma_wait3A_81 = tpu.memref_squeeze %dma_wait3A_80 : memref<1x4096xf32, #tpu.memory_space<hbm>> -> memref<4096xf32, #tpu.memory_space<hbm>>
      tpu.wait_dma2 semaphore(%arg12 : memref<!tpu.dma_semaphore, #tpu.memory_space<semaphore_mem>>) src(%dma_wait3A_81 : memref<4096xf32, #tpu.memory_space<hbm>>) dst(%arg6 : memref<4096xf32, #tpu.memory_space<vmem>>)
      %ge3A_82 = arith.constant 2 : i32
      %ge3A_83 = arith.cmpi sge, %mul3A_37, %ge3A_82 : i32
      %convert_element_type3A_84 = arith.extui %ge3A_83 : i1 to i32
      %cond3A_85 = arith.constant 0 : i32
      %cond3A_86 = arith.cmpi ne, %convert_element_type3A_84, %cond3A_85 : i32
      scf.if %cond3A_86 {
        %add3A_194 = arith.addi %mul3A_2, %mul3A_37 : i32
        %sub3A_195 = arith.constant 2 : i32
        %sub3A_196 = arith.subi %add3A_194, %sub3A_195 : i32
        %dma_wait3A_197 = arith.constant 0 : i32
        %dma_wait3A_198 = tpu.memref_slice %arg5[%sub3A_196, %dma_wait3A_197] : memref<4096x4096xf32, #tpu.memory_space<hbm>> -> memref<1x4096xf32, #tpu.memory_space<hbm>>
        %dma_wait3A_199 = tpu.memref_squeeze %dma_wait3A_198 : memref<1x4096xf32, #tpu.memory_space<hbm>> -> memref<4096xf32, #tpu.memory_space<hbm>>
        %dma_wait3A_200 = arith.constant 0 : i32
        %dma_wait3A_201 = tpu.memref_slice %arg5[%sub3A_196, %dma_wait3A_200] : memref<4096x4096xf32, #tpu.memory_space<hbm>> -> memref<1x4096xf32, #tpu.memory_space<hbm>>
        %dma_wait3A_202 = tpu.memref_squeeze %dma_wait3A_201 : memref<1x4096xf32, #tpu.memory_space<hbm>> -> memref<4096xf32, #tpu.memory_space<hbm>>
        tpu.wait_dma2 semaphore(%arg14 : memref<!tpu.dma_semaphore, #tpu.memory_space<semaphore_mem>>) src(%arg10 : memref<4096xf32, #tpu.memory_space<vmem>>) dst(%dma_wait3A_202 : memref<4096xf32, #tpu.memory_space<hbm>>)
      } else {
      }
      %eq3A_87 = arith.constant 0 : i32
      %eq3A_88 = arith.cmpi eq, %reduce_sum3A_55, %eq3A_87 : i32
      %convert_element_type3A_89 = arith.extui %eq3A_88 : i1 to i32
      %cond3A_90 = arith.constant 0 : i32
      %cond3A_91 = arith.cmpi ne, %convert_element_type3A_89, %cond3A_90 : i32
      scf.if %cond3A_91 {
        %parallel_loop3A = arith.constant 0 : i32
        %parallel_loop3A_194 = arith.constant 256 : i32
        %parallel_loop3A_195 = arith.constant 1 : i32
        scf.for %parallel_loop3A_196 = %parallel_loop3A to %parallel_loop3A_194 step %parallel_loop3A_195  : i32 {
          %parallel_loop3A_197 = arith.constant 16 : i32
          %parallel_loop3A_198 = arith.muli %parallel_loop3A_196, %parallel_loop3A_197 : i32
          %parallel_loop3A_199 = arith.index_cast %parallel_loop3A_198 : i32 to index
          %parallel_loop3A_200 = tpu.vector_load %arg6[%parallel_loop3A_199] {strides = array<i32>} : memref<4096xf32, #tpu.memory_space<vmem>>, vector<16xf32>,
          %parallel_loop3A_201 = vector.broadcast %reduce_sum3A_62 : f32 to vector<16xf32>
          %parallel_loop3A_202 = arith.mulf %parallel_loop3A_201, %parallel_loop3A_200 : vector<16xf32>
          %parallel_loop3A_203 = arith.index_cast %parallel_loop3A_198 : i32 to index
          %parallel_loop3A_204 = tpu.vector_load %arg10[%parallel_loop3A_203] {strides = array<i32>} : memref<4096xf32, #tpu.memory_space<vmem>>, vector<16xf32>,
          tpu.vector_store %arg10[%parallel_loop3A_203], %parallel_loop3A_202 {strides = array<i32>} : memref<4096xf32, #tpu.memory_space<vmem>>, vector<16xf32>,
        } {sc.loop_unroll_factor = 8 : i64, sc.parallel_access}
      } else {
      }
      %ne3A = arith.constant 0 : i32
      %ne3A_92 = arith.cmpi ne, %reduce_sum3A_55, %ne3A : i32
      %convert_element_type3A_93 = arith.extui %ne3A_92 : i1 to i32
      %cond3A_94 = arith.constant 0 : i32
      %cond3A_95 = arith.cmpi ne, %convert_element_type3A_93, %cond3A_94 : i32
      scf.if %cond3A_95 {
        %parallel_loop3A = arith.constant 0 : i32
        %parallel_loop3A_194 = arith.constant 256 : i32
        %parallel_loop3A_195 = arith.constant 1 : i32
        scf.for %parallel_loop3A_196 = %parallel_loop3A to %parallel_loop3A_194 step %parallel_loop3A_195  : i32 {
          %parallel_loop3A_197 = arith.constant 16 : i32
          %parallel_loop3A_198 = arith.muli %parallel_loop3A_196, %parallel_loop3A_197 : i32
          %parallel_loop3A_199 = vector.broadcast %parallel_loop3A_198 : i32 to vector<16xi32>
          %parallel_loop3A_200 = arith.addi %parallel_loop3A_199, %iota3A : vector<16xi32>
          %parallel_loop3A_201 = vector.broadcast %reduce_sum3A_55 : i32 to vector<16xi32>
          %parallel_loop3A_202 = arith.addi %parallel_loop3A_200, %parallel_loop3A_201 : vector<16xi32>
          %parallel_loop3A_203 = arith.constant 4095 : i32
          %parallel_loop3A_204 = vector.broadcast %parallel_loop3A_203 : i32 to vector<16xi32>
          %parallel_loop3A_205 = arith.andi %parallel_loop3A_202, %parallel_loop3A_204 : vector<16xi32>
          %parallel_loop3A_206 = tpu.vector_load_idx %arg6[%parallel_loop3A_205] : memref<4096xf32, #tpu.memory_space<vmem>>[vector<16xi32>], vector<16xf32>,
          %parallel_loop3A_207 = vector.broadcast %reduce_sum3A_62 : f32 to vector<16xf32>
          %parallel_loop3A_208 = arith.mulf %parallel_loop3A_207, %parallel_loop3A_206 : vector<16xf32>
          %parallel_loop3A_209 = arith.constant 16 : i32
          %parallel_loop3A_210 = arith.muli %parallel_loop3A_196, %parallel_loop3A_209 : i32
          %parallel_loop3A_211 = arith.index_cast %parallel_loop3A_210 : i32 to index
          %parallel_loop3A_212 = tpu.vector_load %arg10[%parallel_loop3A_211] {strides = array<i32>} : memref<4096xf32, #tpu.memory_space<vmem>>, vector<16xf32>,
          tpu.vector_store %arg10[%parallel_loop3A_211], %parallel_loop3A_208 {strides = array<i32>} : memref<4096xf32, #tpu.memory_space<vmem>>, vector<16xf32>,
        } {sc.loop_unroll_factor = 8 : i64, sc.parallel_access}
      } else {
      }
      %ne3A_96 = arith.constant 0.000000e+00 : f32
      %ne3A_97 = arith.cmpf one, %reduce_sum3A_74, %ne3A_96 : f32
      %convert_element_type3A_98 = arith.extui %ne3A_97 : i1 to i32
      %cond3A_99 = arith.constant 0 : i32
      %cond3A_100 = arith.cmpi ne, %convert_element_type3A_98, %cond3A_99 : i32
      scf.if %cond3A_100 {
        %eq3A_194 = arith.constant 1 : i32
        %eq3A_195 = vector.broadcast %eq3A_194 : i32 to vector<16xi32>
        %eq3A_196 = arith.cmpi eq, %iota3A, %eq3A_195 : vector<16xi32>
        %jit3A_197 = arith.constant 0 : i32
        %broadcast_in_dim3A_198 = vector.broadcast %jit3A_197 : i32 to vector<16xi32>
        %select_n3A_199 = arith.select %eq3A_196, %gather3A_50, %broadcast_in_dim3A_198 : vector<16xi1>, vector<16xi32>
        %reduce_sum3A_200 = arith.constant true
        %reduce_sum3A_201 = vector.broadcast %reduce_sum3A_200 : i1 to vector<16xi1>
        %reduce_sum3A_202 = tpu.scan <sum>, %select_n3A_199 masked %reduce_sum3A_201 : vector<16xi32>, vector<16xi1> -> vector<16xi32>
        %reduce_sum3A_203 = vector.extract %reduce_sum3A_202[15] : i32 from vector<16xi32>
        %jit3A_204 = arith.constant 0.000000e+00 : f32
        %broadcast_in_dim3A_205 = vector.broadcast %jit3A_204 : f32 to vector<16xf32>
        %select_n3A_206 = arith.select %eq3A_196, %gather3A, %broadcast_in_dim3A_205 : vector<16xi1>, vector<16xf32>
        %reduce_sum3A_207 = arith.constant true
        %reduce_sum3A_208 = vector.broadcast %reduce_sum3A_207 : i1 to vector<16xi1>
        %reduce_sum3A_209 = tpu.scan <sum>, %select_n3A_206 masked %reduce_sum3A_208 : vector<16xf32>, vector<16xi1> -> vector<16xf32>
        %reduce_sum3A_210 = vector.extract %reduce_sum3A_209[15] : f32 from vector<16xf32>
        %ne3A_211 = arith.constant 0.000000e+00 : f32
        %ne3A_212 = arith.cmpf one, %reduce_sum3A_210, %ne3A_211 : f32
        %convert_element_type3A_213 = arith.extui %ne3A_212 : i1 to i32
        %cond3A_214 = arith.constant 0 : i32
        %cond3A_215 = arith.cmpi ne, %convert_element_type3A_213, %cond3A_214 : i32
        scf.if %cond3A_215 {
          %parallel_loop3A = arith.constant 0 : i32
          %parallel_loop3A_348 = arith.constant 256 : i32
          %parallel_loop3A_349 = arith.constant 1 : i32
          scf.for %parallel_loop3A_350 = %parallel_loop3A to %parallel_loop3A_348 step %parallel_loop3A_349  : i32 {
            %parallel_loop3A_351 = arith.constant 16 : i32
            %parallel_loop3A_352 = arith.muli %parallel_loop3A_350, %parallel_loop3A_351 : i32
            %parallel_loop3A_353 = vector.broadcast %parallel_loop3A_352 : i32 to vector<16xi32>
            %parallel_loop3A_354 = arith.addi %parallel_loop3A_353, %iota3A : vector<16xi32>
            %parallel_loop3A_355 = vector.broadcast %reduce_sum3A_203 : i32 to vector<16xi32>
            %parallel_loop3A_356 = arith.addi %parallel_loop3A_354, %parallel_loop3A_355 : vector<16xi32>
            %parallel_loop3A_357 = arith.constant 4095 : i32
            %parallel_loop3A_358 = vector.broadcast %parallel_loop3A_357 : i32 to vector<16xi32>
            %parallel_loop3A_359 = arith.andi %parallel_loop3A_356, %parallel_loop3A_358 : vector<16xi32>
            %parallel_loop3A_360 = arith.constant 16 : i32
            %parallel_loop3A_361 = arith.muli %parallel_loop3A_350, %parallel_loop3A_360 : i32
            %parallel_loop3A_362 = arith.index_cast %parallel_loop3A_361 : i32 to index
            %parallel_loop3A_363 = tpu.vector_load %arg10[%parallel_loop3A_362] {strides = array<i32>} : memref<4096xf32, #tpu.memory_space<vmem>>, vector<16xf32>,
            %parallel_loop3A_364 = tpu.vector_load_idx %arg6[%parallel_loop3A_359] : memref<4096xf32, #tpu.memory_space<vmem>>[vector<16xi32>], vector<16xf32>,
            %parallel_loop3A_365 = vector.broadcast %reduce_sum3A_210 : f32 to vector<16xf32>
            %parallel_loop3A_366 = arith.mulf %parallel_loop3A_365, %parallel_loop3A_364 : vector<16xf32>
            %parallel_loop3A_367 = arith.addf %parallel_loop3A_363, %parallel_loop3A_366 : vector<16xf32>
            %parallel_loop3A_368 = arith.index_cast %parallel_loop3A_361 : i32 to index
            %parallel_loop3A_369 = tpu.vector_load %arg10[%parallel_loop3A_368] {strides = array<i32>} : memref<4096xf32, #tpu.memory_space<vmem>>, vector<16xf32>,
            tpu.vector_store %arg10[%parallel_loop3A_368], %parallel_loop3A_367 {strides = array<i32>} : memref<4096xf32, #tpu.memory_space<vmem>>, vector<16xf32>,
          } {sc.loop_unroll_factor = 8 : i64, sc.parallel_access}
        } else {
        }
        %eq3A_216 = arith.constant 2 : i32
        %eq3A_217 = vector.broadcast %eq3A_216 : i32 to vector<16xi32>
        %eq3A_218 = arith.cmpi eq, %iota3A, %eq3A_217 : vector<16xi32>
        %jit3A_219 = arith.constant 0 : i32
        %broadcast_in_dim3A_220 = vector.broadcast %jit3A_219 : i32 to vector<16xi32>
        %select_n3A_221 = arith.select %eq3A_218, %gather3A_50, %broadcast_in_dim3A_220 : vector<16xi1>, vector<16xi32>
        %reduce_sum3A_222 = arith.constant true
        %reduce_sum3A_223 = vector.broadcast %reduce_sum3A_222 : i1 to vector<16xi1>
        %reduce_sum3A_224 = tpu.scan <sum>, %select_n3A_221 masked %reduce_sum3A_223 : vector<16xi32>, vector<16xi1> -> vector<16xi32>
        %reduce_sum3A_225 = vector.extract %reduce_sum3A_224[15] : i32 from vector<16xi32>
        %jit3A_226 = arith.constant 0.000000e+00 : f32
        %broadcast_in_dim3A_227 = vector.broadcast %jit3A_226 : f32 to vector<16xf32>
        %select_n3A_228 = arith.select %eq3A_218, %gather3A, %broadcast_in_dim3A_227 : vector<16xi1>, vector<16xf32>
        %reduce_sum3A_229 = arith.constant true
        %reduce_sum3A_230 = vector.broadcast %reduce_sum3A_229 : i1 to vector<16xi1>
        %reduce_sum3A_231 = tpu.scan <sum>, %select_n3A_228 masked %reduce_sum3A_230 : vector<16xf32>, vector<16xi1> -> vector<16xf32>
        %reduce_sum3A_232 = vector.extract %reduce_sum3A_231[15] : f32 from vector<16xf32>
        %ne3A_233 = arith.constant 0.000000e+00 : f32
        %ne3A_234 = arith.cmpf one, %reduce_sum3A_232, %ne3A_233 : f32
        %convert_element_type3A_235 = arith.extui %ne3A_234 : i1 to i32
        %cond3A_236 = arith.constant 0 : i32
        %cond3A_237 = arith.cmpi ne, %convert_element_type3A_235, %cond3A_236 : i32
        scf.if %cond3A_237 {
          %parallel_loop3A = arith.constant 0 : i32
          %parallel_loop3A_348 = arith.constant 256 : i32
          %parallel_loop3A_349 = arith.constant 1 : i32
          scf.for %parallel_loop3A_350 = %parallel_loop3A to %parallel_loop3A_348 step %parallel_loop3A_349  : i32 {
            %parallel_loop3A_351 = arith.constant 16 : i32
            %parallel_loop3A_352 = arith.muli %parallel_loop3A_350, %parallel_loop3A_351 : i32
            %parallel_loop3A_353 = vector.broadcast %parallel_loop3A_352 : i32 to vector<16xi32>
            %parallel_loop3A_354 = arith.addi %parallel_loop3A_353, %iota3A : vector<16xi32>
            %parallel_loop3A_355 = vector.broadcast %reduce_sum3A_225 : i32 to vector<16xi32>
            %parallel_loop3A_356 = arith.addi %parallel_loop3A_354, %parallel_loop3A_355 : vector<16xi32>
            %parallel_loop3A_357 = arith.constant 4095 : i32
            %parallel_loop3A_358 = vector.broadcast %parallel_loop3A_357 : i32 to vector<16xi32>
            %parallel_loop3A_359 = arith.andi %parallel_loop3A_356, %parallel_loop3A_358 : vector<16xi32>
            %parallel_loop3A_360 = arith.constant 16 : i32
            %parallel_loop3A_361 = arith.muli %parallel_loop3A_350, %parallel_loop3A_360 : i32
            %parallel_loop3A_362 = arith.index_cast %parallel_loop3A_361 : i32 to index
            %parallel_loop3A_363 = tpu.vector_load %arg10[%parallel_loop3A_362] {strides = array<i32>} : memref<4096xf32, #tpu.memory_space<vmem>>, vector<16xf32>,
            %parallel_loop3A_364 = tpu.vector_load_idx %arg6[%parallel_loop3A_359] : memref<4096xf32, #tpu.memory_space<vmem>>[vector<16xi32>], vector<16xf32>,
            %parallel_loop3A_365 = vector.broadcast %reduce_sum3A_232 : f32 to vector<16xf32>
            %parallel_loop3A_366 = arith.mulf %parallel_loop3A_365, %parallel_loop3A_364 : vector<16xf32>
            %parallel_loop3A_367 = arith.addf %parallel_loop3A_363, %parallel_loop3A_366 : vector<16xf32>
            %parallel_loop3A_368 = arith.index_cast %parallel_loop3A_361 : i32 to index
            %parallel_loop3A_369 = tpu.vector_load %arg10[%parallel_loop3A_368] {strides = array<i32>} : memref<4096xf32, #tpu.memory_space<vmem>>, vector<16xf32>,
            tpu.vector_store %arg10[%parallel_loop3A_368], %parallel_loop3A_367 {strides = array<i32>} : memref<4096xf32, #tpu.memory_space<vmem>>, vector<16xf32>,
          } {sc.loop_unroll_factor = 8 : i64, sc.parallel_access}
        } else {
        }
        %eq3A_238 = arith.constant 3 : i32
        %eq3A_239 = vector.broadcast %eq3A_238 : i32 to vector<16xi32>
        %eq3A_240 = arith.cmpi eq, %iota3A, %eq3A_239 : vector<16xi32>
        %jit3A_241 = arith.constant 0 : i32
        %broadcast_in_dim3A_242 = vector.broadcast %jit3A_241 : i32 to vector<16xi32>
        %select_n3A_243 = arith.select %eq3A_240, %gather3A_50, %broadcast_in_dim3A_242 : vector<16xi1>, vector<16xi32>
        %reduce_sum3A_244 = arith.constant true
        %reduce_sum3A_245 = vector.broadcast %reduce_sum3A_244 : i1 to vector<16xi1>
        %reduce_sum3A_246 = tpu.scan <sum>, %select_n3A_243 masked %reduce_sum3A_245 : vector<16xi32>, vector<16xi1> -> vector<16xi32>
        %reduce_sum3A_247 = vector.extract %reduce_sum3A_246[15] : i32 from vector<16xi32>
        %jit3A_248 = arith.constant 0.000000e+00 : f32
        %broadcast_in_dim3A_249 = vector.broadcast %jit3A_248 : f32 to vector<16xf32>
        %select_n3A_250 = arith.select %eq3A_240, %gather3A, %broadcast_in_dim3A_249 : vector<16xi1>, vector<16xf32>
        %reduce_sum3A_251 = arith.constant true
        %reduce_sum3A_252 = vector.broadcast %reduce_sum3A_251 : i1 to vector<16xi1>
        %reduce_sum3A_253 = tpu.scan <sum>, %select_n3A_250 masked %reduce_sum3A_252 : vector<16xf32>, vector<16xi1> -> vector<16xf32>
        %reduce_sum3A_254 = vector.extract %reduce_sum3A_253[15] : f32 from vector<16xf32>
        %ne3A_255 = arith.constant 0.000000e+00 : f32
        %ne3A_256 = arith.cmpf one, %reduce_sum3A_254, %ne3A_255 : f32
        %convert_element_type3A_257 = arith.extui %ne3A_256 : i1 to i32
        %cond3A_258 = arith.constant 0 : i32
        %cond3A_259 = arith.cmpi ne, %convert_element_type3A_257, %cond3A_258 : i32
        scf.if %cond3A_259 {
          %parallel_loop3A = arith.constant 0 : i32
          %parallel_loop3A_348 = arith.constant 256 : i32
          %parallel_loop3A_349 = arith.constant 1 : i32
          scf.for %parallel_loop3A_350 = %parallel_loop3A to %parallel_loop3A_348 step %parallel_loop3A_349  : i32 {
            %parallel_loop3A_351 = arith.constant 16 : i32
            %parallel_loop3A_352 = arith.muli %parallel_loop3A_350, %parallel_loop3A_351 : i32
            %parallel_loop3A_353 = vector.broadcast %parallel_loop3A_352 : i32 to vector<16xi32>
            %parallel_loop3A_354 = arith.addi %parallel_loop3A_353, %iota3A : vector<16xi32>
            %parallel_loop3A_355 = vector.broadcast %reduce_sum3A_247 : i32 to vector<16xi32>
            %parallel_loop3A_356 = arith.addi %parallel_loop3A_354, %parallel_loop3A_355 : vector<16xi32>
            %parallel_loop3A_357 = arith.constant 4095 : i32
            %parallel_loop3A_358 = vector.broadcast %parallel_loop3A_357 : i32 to vector<16xi32>
            %parallel_loop3A_359 = arith.andi %parallel_loop3A_356, %parallel_loop3A_358 : vector<16xi32>
            %parallel_loop3A_360 = arith.constant 16 : i32
            %parallel_loop3A_361 = arith.muli %parallel_loop3A_350, %parallel_loop3A_360 : i32
            %parallel_loop3A_362 = arith.index_cast %parallel_loop3A_361 : i32 to index
            %parallel_loop3A_363 = tpu.vector_load %arg10[%parallel_loop3A_362] {strides = array<i32>} : memref<4096xf32, #tpu.memory_space<vmem>>, vector<16xf32>,
            %parallel_loop3A_364 = tpu.vector_load_idx %arg6[%parallel_loop3A_359] : memref<4096xf32, #tpu.memory_space<vmem>>[vector<16xi32>], vector<16xf32>,
            %parallel_loop3A_365 = vector.broadcast %reduce_sum3A_254 : f32 to vector<16xf32>
            %parallel_loop3A_366 = arith.mulf %parallel_loop3A_365, %parallel_loop3A_364 : vector<16xf32>
            %parallel_loop3A_367 = arith.addf %parallel_loop3A_363, %parallel_loop3A_366 : vector<16xf32>
            %parallel_loop3A_368 = arith.index_cast %parallel_loop3A_361 : i32 to index
            %parallel_loop3A_369 = tpu.vector_load %arg10[%parallel_loop3A_368] {strides = array<i32>} : memref<4096xf32, #tpu.memory_space<vmem>>, vector<16xf32>,
            tpu.vector_store %arg10[%parallel_loop3A_368], %parallel_loop3A_367 {strides = array<i32>} : memref<4096xf32, #tpu.memory_space<vmem>>, vector<16xf32>,
          } {sc.loop_unroll_factor = 8 : i64, sc.parallel_access}
        } else {
        }
        %eq3A_260 = arith.constant 4 : i32
        %eq3A_261 = vector.broadcast %eq3A_260 : i32 to vector<16xi32>
        %eq3A_262 = arith.cmpi eq, %iota3A, %eq3A_261 : vector<16xi32>
        %jit3A_263 = arith.constant 0 : i32
        %broadcast_in_dim3A_264 = vector.broadcast %jit3A_263 : i32 to vector<16xi32>
        %select_n3A_265 = arith.select %eq3A_262, %gather3A_50, %broadcast_in_dim3A_264 : vector<16xi1>, vector<16xi32>
        %reduce_sum3A_266 = arith.constant true
        %reduce_sum3A_267 = vector.broadcast %reduce_sum3A_266 : i1 to vector<16xi1>
        %reduce_sum3A_268 = tpu.scan <sum>, %select_n3A_265 masked %reduce_sum3A_267 : vector<16xi32>, vector<16xi1> -> vector<16xi32>
        %reduce_sum3A_269 = vector.extract %reduce_sum3A_268[15] : i32 from vector<16xi32>
        %jit3A_270 = arith.constant 0.000000e+00 : f32
        %broadcast_in_dim3A_271 = vector.broadcast %jit3A_270 : f32 to vector<16xf32>
        %select_n3A_272 = arith.select %eq3A_262, %gather3A, %broadcast_in_dim3A_271 : vector<16xi1>, vector<16xf32>
        %reduce_sum3A_273 = arith.constant true
        %reduce_sum3A_274 = vector.broadcast %reduce_sum3A_273 : i1 to vector<16xi1>
        %reduce_sum3A_275 = tpu.scan <sum>, %select_n3A_272 masked %reduce_sum3A_274 : vector<16xf32>, vector<16xi1> -> vector<16xf32>
        %reduce_sum3A_276 = vector.extract %reduce_sum3A_275[15] : f32 from vector<16xf32>
        %ne3A_277 = arith.constant 0.000000e+00 : f32
        %ne3A_278 = arith.cmpf one, %reduce_sum3A_276, %ne3A_277 : f32
        %convert_element_type3A_279 = arith.extui %ne3A_278 : i1 to i32
        %cond3A_280 = arith.constant 0 : i32
        %cond3A_281 = arith.cmpi ne, %convert_element_type3A_279, %cond3A_280 : i32
        scf.if %cond3A_281 {
          %parallel_loop3A = arith.constant 0 : i32
          %parallel_loop3A_348 = arith.constant 256 : i32
          %parallel_loop3A_349 = arith.constant 1 : i32
          scf.for %parallel_loop3A_350 = %parallel_loop3A to %parallel_loop3A_348 step %parallel_loop3A_349  : i32 {
            %parallel_loop3A_351 = arith.constant 16 : i32
            %parallel_loop3A_352 = arith.muli %parallel_loop3A_350, %parallel_loop3A_351 : i32
            %parallel_loop3A_353 = vector.broadcast %parallel_loop3A_352 : i32 to vector<16xi32>
            %parallel_loop3A_354 = arith.addi %parallel_loop3A_353, %iota3A : vector<16xi32>
            %parallel_loop3A_355 = vector.broadcast %reduce_sum3A_269 : i32 to vector<16xi32>
            %parallel_loop3A_356 = arith.addi %parallel_loop3A_354, %parallel_loop3A_355 : vector<16xi32>
            %parallel_loop3A_357 = arith.constant 4095 : i32
            %parallel_loop3A_358 = vector.broadcast %parallel_loop3A_357 : i32 to vector<16xi32>
            %parallel_loop3A_359 = arith.andi %parallel_loop3A_356, %parallel_loop3A_358 : vector<16xi32>
            %parallel_loop3A_360 = arith.constant 16 : i32
            %parallel_loop3A_361 = arith.muli %parallel_loop3A_350, %parallel_loop3A_360 : i32
            %parallel_loop3A_362 = arith.index_cast %parallel_loop3A_361 : i32 to index
            %parallel_loop3A_363 = tpu.vector_load %arg10[%parallel_loop3A_362] {strides = array<i32>} : memref<4096xf32, #tpu.memory_space<vmem>>, vector<16xf32>,
            %parallel_loop3A_364 = tpu.vector_load_idx %arg6[%parallel_loop3A_359] : memref<4096xf32, #tpu.memory_space<vmem>>[vector<16xi32>], vector<16xf32>,
            %parallel_loop3A_365 = vector.broadcast %reduce_sum3A_276 : f32 to vector<16xf32>
            %parallel_loop3A_366 = arith.mulf %parallel_loop3A_365, %parallel_loop3A_364 : vector<16xf32>
            %parallel_loop3A_367 = arith.addf %parallel_loop3A_363, %parallel_loop3A_366 : vector<16xf32>
            %parallel_loop3A_368 = arith.index_cast %parallel_loop3A_361 : i32 to index
            %parallel_loop3A_369 = tpu.vector_load %arg10[%parallel_loop3A_368] {strides = array<i32>} : memref<4096xf32, #tpu.memory_space<vmem>>, vector<16xf32>,
            tpu.vector_store %arg10[%parallel_loop3A_368], %parallel_loop3A_367 {strides = array<i32>} : memref<4096xf32, #tpu.memory_space<vmem>>, vector<16xf32>,
          } {sc.loop_unroll_factor = 8 : i64, sc.parallel_access}
        } else {
        }
        %eq3A_282 = arith.constant 5 : i32
        %eq3A_283 = vector.broadcast %eq3A_282 : i32 to vector<16xi32>
        %eq3A_284 = arith.cmpi eq, %iota3A, %eq3A_283 : vector<16xi32>
        %jit3A_285 = arith.constant 0 : i32
        %broadcast_in_dim3A_286 = vector.broadcast %jit3A_285 : i32 to vector<16xi32>
        %select_n3A_287 = arith.select %eq3A_284, %gather3A_50, %broadcast_in_dim3A_286 : vector<16xi1>, vector<16xi32>
        %reduce_sum3A_288 = arith.constant true
        %reduce_sum3A_289 = vector.broadcast %reduce_sum3A_288 : i1 to vector<16xi1>
        %reduce_sum3A_290 = tpu.scan <sum>, %select_n3A_287 masked %reduce_sum3A_289 : vector<16xi32>, vector<16xi1> -> vector<16xi32>
        %reduce_sum3A_291 = vector.extract %reduce_sum3A_290[15] : i32 from vector<16xi32>
        %jit3A_292 = arith.constant 0.000000e+00 : f32
        %broadcast_in_dim3A_293 = vector.broadcast %jit3A_292 : f32 to vector<16xf32>
        %select_n3A_294 = arith.select %eq3A_284, %gather3A, %broadcast_in_dim3A_293 : vector<16xi1>, vector<16xf32>
        %reduce_sum3A_295 = arith.constant true
        %reduce_sum3A_296 = vector.broadcast %reduce_sum3A_295 : i1 to vector<16xi1>
        %reduce_sum3A_297 = tpu.scan <sum>, %select_n3A_294 masked %reduce_sum3A_296 : vector<16xf32>, vector<16xi1> -> vector<16xf32>
        %reduce_sum3A_298 = vector.extract %reduce_sum3A_297[15] : f32 from vector<16xf32>
        %ne3A_299 = arith.constant 0.000000e+00 : f32
        %ne3A_300 = arith.cmpf one, %reduce_sum3A_298, %ne3A_299 : f32
        %convert_element_type3A_301 = arith.extui %ne3A_300 : i1 to i32
        %cond3A_302 = arith.constant 0 : i32
        %cond3A_303 = arith.cmpi ne, %convert_element_type3A_301, %cond3A_302 : i32
        scf.if %cond3A_303 {
          %parallel_loop3A = arith.constant 0 : i32
          %parallel_loop3A_348 = arith.constant 256 : i32
          %parallel_loop3A_349 = arith.constant 1 : i32
          scf.for %parallel_loop3A_350 = %parallel_loop3A to %parallel_loop3A_348 step %parallel_loop3A_349  : i32 {
            %parallel_loop3A_351 = arith.constant 16 : i32
            %parallel_loop3A_352 = arith.muli %parallel_loop3A_350, %parallel_loop3A_351 : i32
            %parallel_loop3A_353 = vector.broadcast %parallel_loop3A_352 : i32 to vector<16xi32>
            %parallel_loop3A_354 = arith.addi %parallel_loop3A_353, %iota3A : vector<16xi32>
            %parallel_loop3A_355 = vector.broadcast %reduce_sum3A_291 : i32 to vector<16xi32>
            %parallel_loop3A_356 = arith.addi %parallel_loop3A_354, %parallel_loop3A_355 : vector<16xi32>
            %parallel_loop3A_357 = arith.constant 4095 : i32
            %parallel_loop3A_358 = vector.broadcast %parallel_loop3A_357 : i32 to vector<16xi32>
            %parallel_loop3A_359 = arith.andi %parallel_loop3A_356, %parallel_loop3A_358 : vector<16xi32>
            %parallel_loop3A_360 = arith.constant 16 : i32
            %parallel_loop3A_361 = arith.muli %parallel_loop3A_350, %parallel_loop3A_360 : i32
            %parallel_loop3A_362 = arith.index_cast %parallel_loop3A_361 : i32 to index
            %parallel_loop3A_363 = tpu.vector_load %arg10[%parallel_loop3A_362] {strides = array<i32>} : memref<4096xf32, #tpu.memory_space<vmem>>, vector<16xf32>,
            %parallel_loop3A_364 = tpu.vector_load_idx %arg6[%parallel_loop3A_359] : memref<4096xf32, #tpu.memory_space<vmem>>[vector<16xi32>], vector<16xf32>,
            %parallel_loop3A_365 = vector.broadcast %reduce_sum3A_298 : f32 to vector<16xf32>
            %parallel_loop3A_366 = arith.mulf %parallel_loop3A_365, %parallel_loop3A_364 : vector<16xf32>
            %parallel_loop3A_367 = arith.addf %parallel_loop3A_363, %parallel_loop3A_366 : vector<16xf32>
            %parallel_loop3A_368 = arith.index_cast %parallel_loop3A_361 : i32 to index
            %parallel_loop3A_369 = tpu.vector_load %arg10[%parallel_loop3A_368] {strides = array<i32>} : memref<4096xf32, #tpu.memory_space<vmem>>, vector<16xf32>,
            tpu.vector_store %arg10[%parallel_loop3A_368], %parallel_loop3A_367 {strides = array<i32>} : memref<4096xf32, #tpu.memory_space<vmem>>, vector<16xf32>,
          } {sc.loop_unroll_factor = 8 : i64, sc.parallel_access}
        } else {
        }
        %eq3A_304 = arith.constant 6 : i32
        %eq3A_305 = vector.broadcast %eq3A_304 : i32 to vector<16xi32>
        %eq3A_306 = arith.cmpi eq, %iota3A, %eq3A_305 : vector<16xi32>
        %jit3A_307 = arith.constant 0 : i32
        %broadcast_in_dim3A_308 = vector.broadcast %jit3A_307 : i32 to vector<16xi32>
        %select_n3A_309 = arith.select %eq3A_306, %gather3A_50, %broadcast_in_dim3A_308 : vector<16xi1>, vector<16xi32>
        %reduce_sum3A_310 = arith.constant true
        %reduce_sum3A_311 = vector.broadcast %reduce_sum3A_310 : i1 to vector<16xi1>
        %reduce_sum3A_312 = tpu.scan <sum>, %select_n3A_309 masked %reduce_sum3A_311 : vector<16xi32>, vector<16xi1> -> vector<16xi32>
        %reduce_sum3A_313 = vector.extract %reduce_sum3A_312[15] : i32 from vector<16xi32>
        %jit3A_314 = arith.constant 0.000000e+00 : f32
        %broadcast_in_dim3A_315 = vector.broadcast %jit3A_314 : f32 to vector<16xf32>
        %select_n3A_316 = arith.select %eq3A_306, %gather3A, %broadcast_in_dim3A_315 : vector<16xi1>, vector<16xf32>
        %reduce_sum3A_317 = arith.constant true
        %reduce_sum3A_318 = vector.broadcast %reduce_sum3A_317 : i1 to vector<16xi1>
        %reduce_sum3A_319 = tpu.scan <sum>, %select_n3A_316 masked %reduce_sum3A_318 : vector<16xf32>, vector<16xi1> -> vector<16xf32>
        %reduce_sum3A_320 = vector.extract %reduce_sum3A_319[15] : f32 from vector<16xf32>
        %ne3A_321 = arith.constant 0.000000e+00 : f32
        %ne3A_322 = arith.cmpf one, %reduce_sum3A_320, %ne3A_321 : f32
        %convert_element_type3A_323 = arith.extui %ne3A_322 : i1 to i32
        %cond3A_324 = arith.constant 0 : i32
        %cond3A_325 = arith.cmpi ne, %convert_element_type3A_323, %cond3A_324 : i32
        scf.if %cond3A_325 {
          %parallel_loop3A = arith.constant 0 : i32
          %parallel_loop3A_348 = arith.constant 256 : i32
          %parallel_loop3A_349 = arith.constant 1 : i32
          scf.for %parallel_loop3A_350 = %parallel_loop3A to %parallel_loop3A_348 step %parallel_loop3A_349  : i32 {
            %parallel_loop3A_351 = arith.constant 16 : i32
            %parallel_loop3A_352 = arith.muli %parallel_loop3A_350, %parallel_loop3A_351 : i32
            %parallel_loop3A_353 = vector.broadcast %parallel_loop3A_352 : i32 to vector<16xi32>
            %parallel_loop3A_354 = arith.addi %parallel_loop3A_353, %iota3A : vector<16xi32>
            %parallel_loop3A_355 = vector.broadcast %reduce_sum3A_313 : i32 to vector<16xi32>
            %parallel_loop3A_356 = arith.addi %parallel_loop3A_354, %parallel_loop3A_355 : vector<16xi32>
            %parallel_loop3A_357 = arith.constant 4095 : i32
            %parallel_loop3A_358 = vector.broadcast %parallel_loop3A_357 : i32 to vector<16xi32>
            %parallel_loop3A_359 = arith.andi %parallel_loop3A_356, %parallel_loop3A_358 : vector<16xi32>
            %parallel_loop3A_360 = arith.constant 16 : i32
            %parallel_loop3A_361 = arith.muli %parallel_loop3A_350, %parallel_loop3A_360 : i32
            %parallel_loop3A_362 = arith.index_cast %parallel_loop3A_361 : i32 to index
            %parallel_loop3A_363 = tpu.vector_load %arg10[%parallel_loop3A_362] {strides = array<i32>} : memref<4096xf32, #tpu.memory_space<vmem>>, vector<16xf32>,
            %parallel_loop3A_364 = tpu.vector_load_idx %arg6[%parallel_loop3A_359] : memref<4096xf32, #tpu.memory_space<vmem>>[vector<16xi32>], vector<16xf32>,
            %parallel_loop3A_365 = vector.broadcast %reduce_sum3A_320 : f32 to vector<16xf32>
            %parallel_loop3A_366 = arith.mulf %parallel_loop3A_365, %parallel_loop3A_364 : vector<16xf32>
            %parallel_loop3A_367 = arith.addf %parallel_loop3A_363, %parallel_loop3A_366 : vector<16xf32>
            %parallel_loop3A_368 = arith.index_cast %parallel_loop3A_361 : i32 to index
            %parallel_loop3A_369 = tpu.vector_load %arg10[%parallel_loop3A_368] {strides = array<i32>} : memref<4096xf32, #tpu.memory_space<vmem>>, vector<16xf32>,
            tpu.vector_store %arg10[%parallel_loop3A_368], %parallel_loop3A_367 {strides = array<i32>} : memref<4096xf32, #tpu.memory_space<vmem>>, vector<16xf32>,
          } {sc.loop_unroll_factor = 8 : i64, sc.parallel_access}
        } else {
        }
        %eq3A_326 = arith.constant 7 : i32
        %eq3A_327 = vector.broadcast %eq3A_326 : i32 to vector<16xi32>
        %eq3A_328 = arith.cmpi eq, %iota3A, %eq3A_327 : vector<16xi32>
        %jit3A_329 = arith.constant 0 : i32
        %broadcast_in_dim3A_330 = vector.broadcast %jit3A_329 : i32 to vector<16xi32>
        %select_n3A_331 = arith.select %eq3A_328, %gather3A_50, %broadcast_in_dim3A_330 : vector<16xi1>, vector<16xi32>
        %reduce_sum3A_332 = arith.constant true
        %reduce_sum3A_333 = vector.broadcast %reduce_sum3A_332 : i1 to vector<16xi1>
        %reduce_sum3A_334 = tpu.scan <sum>, %select_n3A_331 masked %reduce_sum3A_333 : vector<16xi32>, vector<16xi1> -> vector<16xi32>
        %reduce_sum3A_335 = vector.extract %reduce_sum3A_334[15] : i32 from vector<16xi32>
        %jit3A_336 = arith.constant 0.000000e+00 : f32
        %broadcast_in_dim3A_337 = vector.broadcast %jit3A_336 : f32 to vector<16xf32>
        %select_n3A_338 = arith.select %eq3A_328, %gather3A, %broadcast_in_dim3A_337 : vector<16xi1>, vector<16xf32>
        %reduce_sum3A_339 = arith.constant true
        %reduce_sum3A_340 = vector.broadcast %reduce_sum3A_339 : i1 to vector<16xi1>
        %reduce_sum3A_341 = tpu.scan <sum>, %select_n3A_338 masked %reduce_sum3A_340 : vector<16xf32>, vector<16xi1> -> vector<16xf32>
        %reduce_sum3A_342 = vector.extract %reduce_sum3A_341[15] : f32 from vector<16xf32>
        %ne3A_343 = arith.constant 0.000000e+00 : f32
        %ne3A_344 = arith.cmpf one, %reduce_sum3A_342, %ne3A_343 : f32
        %convert_element_type3A_345 = arith.extui %ne3A_344 : i1 to i32
        %cond3A_346 = arith.constant 0 : i32
        %cond3A_347 = arith.cmpi ne, %convert_element_type3A_345, %cond3A_346 : i32
        scf.if %cond3A_347 {
          %parallel_loop3A = arith.constant 0 : i32
          %parallel_loop3A_348 = arith.constant 256 : i32
          %parallel_loop3A_349 = arith.constant 1 : i32
          scf.for %parallel_loop3A_350 = %parallel_loop3A to %parallel_loop3A_348 step %parallel_loop3A_349  : i32 {
            %parallel_loop3A_351 = arith.constant 16 : i32
            %parallel_loop3A_352 = arith.muli %parallel_loop3A_350, %parallel_loop3A_351 : i32
            %parallel_loop3A_353 = vector.broadcast %parallel_loop3A_352 : i32 to vector<16xi32>
            %parallel_loop3A_354 = arith.addi %parallel_loop3A_353, %iota3A : vector<16xi32>
            %parallel_loop3A_355 = vector.broadcast %reduce_sum3A_335 : i32 to vector<16xi32>
            %parallel_loop3A_356 = arith.addi %parallel_loop3A_354, %parallel_loop3A_355 : vector<16xi32>
            %parallel_loop3A_357 = arith.constant 4095 : i32
            %parallel_loop3A_358 = vector.broadcast %parallel_loop3A_357 : i32 to vector<16xi32>
            %parallel_loop3A_359 = arith.andi %parallel_loop3A_356, %parallel_loop3A_358 : vector<16xi32>
            %parallel_loop3A_360 = arith.constant 16 : i32
            %parallel_loop3A_361 = arith.muli %parallel_loop3A_350, %parallel_loop3A_360 : i32
            %parallel_loop3A_362 = arith.index_cast %parallel_loop3A_361 : i32 to index
            %parallel_loop3A_363 = tpu.vector_load %arg10[%parallel_loop3A_362] {strides = array<i32>} : memref<4096xf32, #tpu.memory_space<vmem>>, vector<16xf32>,
            %parallel_loop3A_364 = tpu.vector_load_idx %arg6[%parallel_loop3A_359] : memref<4096xf32, #tpu.memory_space<vmem>>[vector<16xi32>], vector<16xf32>,
            %parallel_loop3A_365 = vector.broadcast %reduce_sum3A_342 : f32 to vector<16xf32>
            %parallel_loop3A_366 = arith.mulf %parallel_loop3A_365, %parallel_loop3A_364 : vector<16xf32>
            %parallel_loop3A_367 = arith.addf %parallel_loop3A_363, %parallel_loop3A_366 : vector<16xf32>
            %parallel_loop3A_368 = arith.index_cast %parallel_loop3A_361 : i32 to index
            %parallel_loop3A_369 = tpu.vector_load %arg10[%parallel_loop3A_368] {strides = array<i32>} : memref<4096xf32, #tpu.memory_space<vmem>>, vector<16xf32>,
            tpu.vector_store %arg10[%parallel_loop3A_368], %parallel_loop3A_367 {strides = array<i32>} : memref<4096xf32, #tpu.memory_space<vmem>>, vector<16xf32>,
          } {sc.loop_unroll_factor = 8 : i64, sc.parallel_access}
        } else {
        }
      } else {
      }
      %add3A_101 = arith.addi %mul3A_2, %mul3A_37 : i32
      %dma_start3A_102 = arith.constant 0 : i32
      %dma_start3A_103 = tpu.memref_slice %arg5[%add3A_101, %dma_start3A_102] : memref<4096x4096xf32, #tpu.memory_space<hbm>> -> memref<1x4096xf32, #tpu.memory_space<hbm>>
      %dma_start3A_104 = tpu.memref_squeeze %dma_start3A_103 : memref<1x4096xf32, #tpu.memory_space<hbm>> -> memref<4096xf32, #tpu.memory_space<hbm>>
      %dma_start3A_105 = arith.constant 0 : i32
      %dma_start3A_106 = tpu.memref_slice %arg5[%add3A_101, %dma_start3A_105] : memref<4096x4096xf32, #tpu.memory_space<hbm>> -> memref<1x4096xf32, #tpu.memory_space<hbm>>
      %dma_start3A_107 = tpu.memref_squeeze %dma_start3A_106 : memref<1x4096xf32, #tpu.memory_space<hbm>> -> memref<4096xf32, #tpu.memory_space<hbm>>
      tpu.enqueue_dma source(%arg10 : memref<4096xf32, #tpu.memory_space<vmem>>) target(%dma_start3A_107 : memref<4096xf32, #tpu.memory_space<hbm>>) target_semaphore(%arg14 : memref<!tpu.dma_semaphore, #tpu.memory_space<semaphore_mem>>)
      %mul3A_108 = arith.constant 2 : i32
      %mul3A_109 = arith.muli %mul3A_108, %scan3A_35 : i32
      %add3A_110 = arith.constant 1 : i32
      %add3A_111 = arith.addi %mul3A_109, %add3A_110 : i32
      %add3A_112 = arith.constant 1 : i32
      %add3A_113 = arith.addi %add3A_111, %add3A_112 : i32
      %lt3A_114 = arith.constant 128 : i32
      %lt3A_115 = arith.cmpi slt, %add3A_113, %lt3A_114 : i32
      %convert_element_type3A_116 = arith.extui %lt3A_115 : i1 to i32
      %cond3A_117 = arith.constant 0 : i32
      %cond3A_118 = arith.cmpi ne, %convert_element_type3A_116, %cond3A_117 : i32
      scf.if %cond3A_118 {
        %add3A_194 = arith.addi %mul3A_2, %add3A_111 : i32
        %add3A_195 = arith.constant 1 : i32
        %add3A_196 = arith.addi %add3A_194, %add3A_195 : i32
        %dma_start3A_197 = arith.constant 0 : i32
        %dma_start3A_198 = tpu.memref_slice %arg2[%add3A_196, %dma_start3A_197] : memref<4096x4096xf32, #tpu.memory_space<hbm>> -> memref<1x4096xf32, #tpu.memory_space<hbm>>
        %dma_start3A_199 = tpu.memref_squeeze %dma_start3A_198 : memref<1x4096xf32, #tpu.memory_space<hbm>> -> memref<4096xf32, #tpu.memory_space<hbm>>
        %dma_start3A_200 = arith.constant 0 : i32
        %dma_start3A_201 = tpu.memref_slice %arg2[%add3A_196, %dma_start3A_200] : memref<4096x4096xf32, #tpu.memory_space<hbm>> -> memref<1x4096xf32, #tpu.memory_space<hbm>>
        %dma_start3A_202 = tpu.memref_squeeze %dma_start3A_201 : memref<1x4096xf32, #tpu.memory_space<hbm>> -> memref<4096xf32, #tpu.memory_space<hbm>>
        tpu.enqueue_dma source(%dma_start3A_202 : memref<4096xf32, #tpu.memory_space<hbm>>) target(%arg6 : memref<4096xf32, #tpu.memory_space<vmem>>) target_semaphore(%arg12 : memref<!tpu.dma_semaphore, #tpu.memory_space<semaphore_mem>>)
      } else {
      }
      %mul3A_119 = arith.constant 16 : i32
      %mul3A_120 = arith.muli %add3A_111, %mul3A_119 : i32
      %add3A_121 = vector.broadcast %mul3A_120 : i32 to vector<16xi32>
      %add3A_122 = arith.addi %add3A_121, %iota3A : vector<16xi32>
      %gather3A_123 = tpu.vector_load_idx %arg8[%add3A_122] : memref<2048xf32, #tpu.memory_space<vmem>>[vector<16xi32>], vector<16xf32>,
      %mul3A_124 = arith.constant 16 : i32
      %mul3A_125 = arith.muli %add3A_111, %mul3A_124 : i32
      %add3A_126 = vector.broadcast %mul3A_125 : i32 to vector<16xi32>
      %add3A_127 = arith.addi %add3A_126, %iota3A : vector<16xi32>
      %gather3A_128 = tpu.vector_load_idx %arg9[%add3A_127] : memref<2048xi32, #tpu.memory_space<vmem>>[vector<16xi32>], vector<16xi32>,
      %eq3A_129 = arith.constant 0 : i32
      %eq3A_130 = vector.broadcast %eq3A_129 : i32 to vector<16xi32>
      %eq3A_131 = arith.cmpi eq, %iota3A, %eq3A_130 : vector<16xi32>
      %jit3A_132 = arith.constant 0 : i32
      %broadcast_in_dim3A_133 = vector.broadcast %jit3A_132 : i32 to vector<16xi32>
      %select_n3A_134 = arith.select %eq3A_131, %gather3A_128, %broadcast_in_dim3A_133 : vector<16xi1>, vector<16xi32>
      %reduce_sum3A_135 = arith.constant true
      %reduce_sum3A_136 = vector.broadcast %reduce_sum3A_135 : i1 to vector<16xi1>
      %reduce_sum3A_137 = tpu.scan <sum>, %select_n3A_134 masked %reduce_sum3A_136 : vector<16xi32>, vector<16xi1> -> vector<16xi32>
      %reduce_sum3A_138 = vector.extract %reduce_sum3A_137[15] : i32 from vector<16xi32>
      %jit3A_139 = arith.constant 0.000000e+00 : f32
      %broadcast_in_dim3A_140 = vector.broadcast %jit3A_139 : f32 to vector<16xf32>
      %select_n3A_141 = arith.select %eq3A_131, %gather3A_123, %broadcast_in_dim3A_140 : vector<16xi1>, vector<16xf32>
      %reduce_sum3A_142 = arith.constant true
      %reduce_sum3A_143 = vector.broadcast %reduce_sum3A_142 : i1 to vector<16xi1>
      %reduce_sum3A_144 = tpu.scan <sum>, %select_n3A_141 masked %reduce_sum3A_143 : vector<16xf32>, vector<16xi1> -> vector<16xf32>
      %reduce_sum3A_145 = vector.extract %reduce_sum3A_144[15] : f32 from vector<16xf32>
      %ge3A_146 = arith.constant 1 : i32
      %ge3A_147 = vector.broadcast %ge3A_146 : i32 to vector<16xi32>
      %ge3A_148 = arith.cmpi sge, %iota3A, %ge3A_147 : vector<16xi32>
      %lt3A_149 = arith.constant 8 : i32
      %lt3A_150 = vector.broadcast %lt3A_149 : i32 to vector<16xi32>
      %lt3A_151 = arith.cmpi slt, %iota3A, %lt3A_150 : vector<16xi32>
      %and3A_152 = arith.andi %ge3A_148, %lt3A_151 : vector<16xi1>
      %jit3A_153 = arith.constant 0.000000e+00 : f32
      %broadcast_in_dim3A_154 = vector.broadcast %jit3A_153 : f32 to vector<16xf32>
      %select_n3A_155 = arith.select %and3A_152, %gather3A_123, %broadcast_in_dim3A_154 : vector<16xi1>, vector<16xf32>
      %reduce_sum3A_156 = arith.constant true
      %reduce_sum3A_157 = vector.broadcast %reduce_sum3A_156 : i1 to vector<16xi1>
      %reduce_sum3A_158 = tpu.scan <sum>, %select_n3A_155 masked %reduce_sum3A_157 : vector<16xf32>, vector<16xi1> -> vector<16xf32>
      %reduce_sum3A_159 = vector.extract %reduce_sum3A_158[15] : f32 from vector<16xf32>
      %add3A_160 = arith.addi %mul3A_2, %add3A_111 : i32
      %dma_wait3A_161 = arith.constant 0 : i32
      %dma_wait3A_162 = tpu.memref_slice %arg2[%add3A_160, %dma_wait3A_161] : memref<4096x4096xf32, #tpu.memory_space<hbm>> -> memref<1x4096xf32, #tpu.memory_space<hbm>>
      %dma_wait3A_163 = tpu.memref_squeeze %dma_wait3A_162 : memref<1x4096xf32, #tpu.memory_space<hbm>> -> memref<4096xf32, #tpu.memory_space<hbm>>
      %dma_wait3A_164 = arith.constant 0 : i32
      %dma_wait3A_165 = tpu.memref_slice %arg2[%add3A_160, %dma_wait3A_164] : memref<4096x4096xf32, #tpu.memory_space<hbm>> -> memref<1x4096xf32, #tpu.memory_space<hbm>>
      %dma_wait3A_166 = tpu.memref_squeeze %dma_wait3A_165 : memref<1x4096xf32, #tpu.memory_space<hbm>> -> memref<4096xf32, #tpu.memory_space<hbm>>
      tpu.wait_dma2 semaphore(%arg13 : memref<!tpu.dma_semaphore, #tpu.memory_space<semaphore_mem>>) src(%dma_wait3A_166 : memref<4096xf32, #tpu.memory_space<hbm>>) dst(%arg7 : memref<4096xf32, #tpu.memory_space<vmem>>)
      %ge3A_167 = arith.constant 2 : i32
      %ge3A_168 = arith.cmpi sge, %add3A_111, %ge3A_167 : i32
      %convert_element_type3A_169 = arith.extui %ge3A_168 : i1 to i32
      %cond3A_170 = arith.constant 0 : i32
      %cond3A_171 = arith.cmpi ne, %convert_element_type3A_169, %cond3A_170 : i32
      scf.if %cond3A_171 {
        %add3A_194 = arith.addi %mul3A_2, %add3A_111 : i32
        %sub3A_195 = arith.constant 2 : i32
        %sub3A_196 = arith.subi %add3A_194, %sub3A_195 : i32
        %dma_wait3A_197 = arith.constant 0 : i32
        %dma_wait3A_198 = tpu.memref_slice %arg5[%sub3A_196, %dma_wait3A_197] : memref<4096x4096xf32, #tpu.memory_space<hbm>> -> memref<1x4096xf32, #tpu.memory_space<hbm>>
        %dma_wait3A_199 = tpu.memref_squeeze %dma_wait3A_198 : memref<1x4096xf32, #tpu.memory_space<hbm>> -> memref<4096xf32, #tpu.memory_space<hbm>>
        %dma_wait3A_200 = arith.constant 0 : i32
        %dma_wait3A_201 = tpu.memref_slice %arg5[%sub3A_196, %dma_wait3A_200] : memref<4096x4096xf32, #tpu.memory_space<hbm>> -> memref<1x4096xf32, #tpu.memory_space<hbm>>
        %dma_wait3A_202 = tpu.memref_squeeze %dma_wait3A_201 : memref<1x4096xf32, #tpu.memory_space<hbm>> -> memref<4096xf32, #tpu.memory_space<hbm>>
        tpu.wait_dma2 semaphore(%arg15 : memref<!tpu.dma_semaphore, #tpu.memory_space<semaphore_mem>>) src(%arg11 : memref<4096xf32, #tpu.memory_space<vmem>>) dst(%dma_wait3A_202 : memref<4096xf32, #tpu.memory_space<hbm>>)
      } else {
      }
      %eq3A_172 = arith.constant 0 : i32
      %eq3A_173 = arith.cmpi eq, %reduce_sum3A_138, %eq3A_172 : i32
      %convert_element_type3A_174 = arith.extui %eq3A_173 : i1 to i32
      %cond3A_175 = arith.constant 0 : i32
      %cond3A_176 = arith.cmpi ne, %convert_element_type3A_174, %cond3A_175 : i32
      scf.if %cond3A_176 {
        %parallel_loop3A = arith.constant 0 : i32
        %parallel_loop3A_194 = arith.constant 256 : i32
        %parallel_loop3A_195 = arith.constant 1 : i32
        scf.for %parallel_loop3A_196 = %parallel_loop3A to %parallel_loop3A_194 step %parallel_loop3A_195  : i32 {
          %parallel_loop3A_197 = arith.constant 16 : i32
          %parallel_loop3A_198 = arith.muli %parallel_loop3A_196, %parallel_loop3A_197 : i32
          %parallel_loop3A_199 = arith.index_cast %parallel_loop3A_198 : i32 to index
          %parallel_loop3A_200 = tpu.vector_load %arg7[%parallel_loop3A_199] {strides = array<i32>} : memref<4096xf32, #tpu.memory_space<vmem>>, vector<16xf32>,
          %parallel_loop3A_201 = vector.broadcast %reduce_sum3A_145 : f32 to vector<16xf32>
          %parallel_loop3A_202 = arith.mulf %parallel_loop3A_201, %parallel_loop3A_200 : vector<16xf32>
          %parallel_loop3A_203 = arith.index_cast %parallel_loop3A_198 : i32 to index
          %parallel_loop3A_204 = tpu.vector_load %arg11[%parallel_loop3A_203] {strides = array<i32>} : memref<4096xf32, #tpu.memory_space<vmem>>, vector<16xf32>,
          tpu.vector_store %arg11[%parallel_loop3A_203], %parallel_loop3A_202 {strides = array<i32>} : memref<4096xf32, #tpu.memory_space<vmem>>, vector<16xf32>,
        } {sc.loop_unroll_factor = 8 : i64, sc.parallel_access}
      } else {
      }
      %ne3A_177 = arith.constant 0 : i32
      %ne3A_178 = arith.cmpi ne, %reduce_sum3A_138, %ne3A_177 : i32
      %convert_element_type3A_179 = arith.extui %ne3A_178 : i1 to i32
      %cond3A_180 = arith.constant 0 : i32
      %cond3A_181 = arith.cmpi ne, %convert_element_type3A_179, %cond3A_180 : i32
      scf.if %cond3A_181 {
        %parallel_loop3A = arith.constant 0 : i32
        %parallel_loop3A_194 = arith.constant 256 : i32
        %parallel_loop3A_195 = arith.constant 1 : i32
        scf.for %parallel_loop3A_196 = %parallel_loop3A to %parallel_loop3A_194 step %parallel_loop3A_195  : i32 {
          %parallel_loop3A_197 = arith.constant 16 : i32
          %parallel_loop3A_198 = arith.muli %parallel_loop3A_196, %parallel_loop3A_197 : i32
          %parallel_loop3A_199 = vector.broadcast %parallel_loop3A_198 : i32 to vector<16xi32>
          %parallel_loop3A_200 = arith.addi %parallel_loop3A_199, %iota3A : vector<16xi32>
          %parallel_loop3A_201 = vector.broadcast %reduce_sum3A_138 : i32 to vector<16xi32>
          %parallel_loop3A_202 = arith.addi %parallel_loop3A_200, %parallel_loop3A_201 : vector<16xi32>
          %parallel_loop3A_203 = arith.constant 4095 : i32
          %parallel_loop3A_204 = vector.broadcast %parallel_loop3A_203 : i32 to vector<16xi32>
          %parallel_loop3A_205 = arith.andi %parallel_loop3A_202, %parallel_loop3A_204 : vector<16xi32>
          %parallel_loop3A_206 = tpu.vector_load_idx %arg7[%parallel_loop3A_205] : memref<4096xf32, #tpu.memory_space<vmem>>[vector<16xi32>], vector<16xf32>,
          %parallel_loop3A_207 = vector.broadcast %reduce_sum3A_145 : f32 to vector<16xf32>
          %parallel_loop3A_208 = arith.mulf %parallel_loop3A_207, %parallel_loop3A_206 : vector<16xf32>
          %parallel_loop3A_209 = arith.constant 16 : i32
          %parallel_loop3A_210 = arith.muli %parallel_loop3A_196, %parallel_loop3A_209 : i32
          %parallel_loop3A_211 = arith.index_cast %parallel_loop3A_210 : i32 to index
          %parallel_loop3A_212 = tpu.vector_load %arg11[%parallel_loop3A_211] {strides = array<i32>} : memref<4096xf32, #tpu.memory_space<vmem>>, vector<16xf32>,
          tpu.vector_store %arg11[%parallel_loop3A_211], %parallel_loop3A_208 {strides = array<i32>} : memref<4096xf32, #tpu.memory_space<vmem>>, vector<16xf32>,
        } {sc.loop_unroll_factor = 8 : i64, sc.parallel_access}
      } else {
      }
      %ne3A_182 = arith.constant 0.000000e+00 : f32
      %ne3A_183 = arith.cmpf one, %reduce_sum3A_159, %ne3A_182 : f32
      %convert_element_type3A_184 = arith.extui %ne3A_183 : i1 to i32
      %cond3A_185 = arith.constant 0 : i32
      %cond3A_186 = arith.cmpi ne, %convert_element_type3A_184, %cond3A_185 : i32
      scf.if %cond3A_186 {
        %eq3A_194 = arith.constant 1 : i32
        %eq3A_195 = vector.broadcast %eq3A_194 : i32 to vector<16xi32>
        %eq3A_196 = arith.cmpi eq, %iota3A, %eq3A_195 : vector<16xi32>
        %jit3A_197 = arith.constant 0 : i32
        %broadcast_in_dim3A_198 = vector.broadcast %jit3A_197 : i32 to vector<16xi32>
        %select_n3A_199 = arith.select %eq3A_196, %gather3A_128, %broadcast_in_dim3A_198 : vector<16xi1>, vector<16xi32>
        %reduce_sum3A_200 = arith.constant true
        %reduce_sum3A_201 = vector.broadcast %reduce_sum3A_200 : i1 to vector<16xi1>
        %reduce_sum3A_202 = tpu.scan <sum>, %select_n3A_199 masked %reduce_sum3A_201 : vector<16xi32>, vector<16xi1> -> vector<16xi32>
        %reduce_sum3A_203 = vector.extract %reduce_sum3A_202[15] : i32 from vector<16xi32>
        %jit3A_204 = arith.constant 0.000000e+00 : f32
        %broadcast_in_dim3A_205 = vector.broadcast %jit3A_204 : f32 to vector<16xf32>
        %select_n3A_206 = arith.select %eq3A_196, %gather3A_123, %broadcast_in_dim3A_205 : vector<16xi1>, vector<16xf32>
        %reduce_sum3A_207 = arith.constant true
        %reduce_sum3A_208 = vector.broadcast %reduce_sum3A_207 : i1 to vector<16xi1>
        %reduce_sum3A_209 = tpu.scan <sum>, %select_n3A_206 masked %reduce_sum3A_208 : vector<16xf32>, vector<16xi1> -> vector<16xf32>
        %reduce_sum3A_210 = vector.extract %reduce_sum3A_209[15] : f32 from vector<16xf32>
        %ne3A_211 = arith.constant 0.000000e+00 : f32
        %ne3A_212 = arith.cmpf one, %reduce_sum3A_210, %ne3A_211 : f32
        %convert_element_type3A_213 = arith.extui %ne3A_212 : i1 to i32
        %cond3A_214 = arith.constant 0 : i32
        %cond3A_215 = arith.cmpi ne, %convert_element_type3A_213, %cond3A_214 : i32
        scf.if %cond3A_215 {
          %parallel_loop3A = arith.constant 0 : i32
          %parallel_loop3A_348 = arith.constant 256 : i32
          %parallel_loop3A_349 = arith.constant 1 : i32
          scf.for %parallel_loop3A_350 = %parallel_loop3A to %parallel_loop3A_348 step %parallel_loop3A_349  : i32 {
            %parallel_loop3A_351 = arith.constant 16 : i32
            %parallel_loop3A_352 = arith.muli %parallel_loop3A_350, %parallel_loop3A_351 : i32
            %parallel_loop3A_353 = vector.broadcast %parallel_loop3A_352 : i32 to vector<16xi32>
            %parallel_loop3A_354 = arith.addi %parallel_loop3A_353, %iota3A : vector<16xi32>
            %parallel_loop3A_355 = vector.broadcast %reduce_sum3A_203 : i32 to vector<16xi32>
            %parallel_loop3A_356 = arith.addi %parallel_loop3A_354, %parallel_loop3A_355 : vector<16xi32>
            %parallel_loop3A_357 = arith.constant 4095 : i32
            %parallel_loop3A_358 = vector.broadcast %parallel_loop3A_357 : i32 to vector<16xi32>
            %parallel_loop3A_359 = arith.andi %parallel_loop3A_356, %parallel_loop3A_358 : vector<16xi32>
            %parallel_loop3A_360 = arith.constant 16 : i32
            %parallel_loop3A_361 = arith.muli %parallel_loop3A_350, %parallel_loop3A_360 : i32
            %parallel_loop3A_362 = arith.index_cast %parallel_loop3A_361 : i32 to index
            %parallel_loop3A_363 = tpu.vector_load %arg11[%parallel_loop3A_362] {strides = array<i32>} : memref<4096xf32, #tpu.memory_space<vmem>>, vector<16xf32>,
            %parallel_loop3A_364 = tpu.vector_load_idx %arg7[%parallel_loop3A_359] : memref<4096xf32, #tpu.memory_space<vmem>>[vector<16xi32>], vector<16xf32>,
            %parallel_loop3A_365 = vector.broadcast %reduce_sum3A_210 : f32 to vector<16xf32>
            %parallel_loop3A_366 = arith.mulf %parallel_loop3A_365, %parallel_loop3A_364 : vector<16xf32>
            %parallel_loop3A_367 = arith.addf %parallel_loop3A_363, %parallel_loop3A_366 : vector<16xf32>
            %parallel_loop3A_368 = arith.index_cast %parallel_loop3A_361 : i32 to index
            %parallel_loop3A_369 = tpu.vector_load %arg11[%parallel_loop3A_368] {strides = array<i32>} : memref<4096xf32, #tpu.memory_space<vmem>>, vector<16xf32>,
            tpu.vector_store %arg11[%parallel_loop3A_368], %parallel_loop3A_367 {strides = array<i32>} : memref<4096xf32, #tpu.memory_space<vmem>>, vector<16xf32>,
          } {sc.loop_unroll_factor = 8 : i64, sc.parallel_access}
        } else {
        }
        %eq3A_216 = arith.constant 2 : i32
        %eq3A_217 = vector.broadcast %eq3A_216 : i32 to vector<16xi32>
        %eq3A_218 = arith.cmpi eq, %iota3A, %eq3A_217 : vector<16xi32>
        %jit3A_219 = arith.constant 0 : i32
        %broadcast_in_dim3A_220 = vector.broadcast %jit3A_219 : i32 to vector<16xi32>
        %select_n3A_221 = arith.select %eq3A_218, %gather3A_128, %broadcast_in_dim3A_220 : vector<16xi1>, vector<16xi32>
        %reduce_sum3A_222 = arith.constant true
        %reduce_sum3A_223 = vector.broadcast %reduce_sum3A_222 : i1 to vector<16xi1>
        %reduce_sum3A_224 = tpu.scan <sum>, %select_n3A_221 masked %reduce_sum3A_223 : vector<16xi32>, vector<16xi1> -> vector<16xi32>
        %reduce_sum3A_225 = vector.extract %reduce_sum3A_224[15] : i32 from vector<16xi32>
        %jit3A_226 = arith.constant 0.000000e+00 : f32
        %broadcast_in_dim3A_227 = vector.broadcast %jit3A_226 : f32 to vector<16xf32>
        %select_n3A_228 = arith.select %eq3A_218, %gather3A_123, %broadcast_in_dim3A_227 : vector<16xi1>, vector<16xf32>
        %reduce_sum3A_229 = arith.constant true
        %reduce_sum3A_230 = vector.broadcast %reduce_sum3A_229 : i1 to vector<16xi1>
        %reduce_sum3A_231 = tpu.scan <sum>, %select_n3A_228 masked %reduce_sum3A_230 : vector<16xf32>, vector<16xi1> -> vector<16xf32>
        %reduce_sum3A_232 = vector.extract %reduce_sum3A_231[15] : f32 from vector<16xf32>
        %ne3A_233 = arith.constant 0.000000e+00 : f32
        %ne3A_234 = arith.cmpf one, %reduce_sum3A_232, %ne3A_233 : f32
        %convert_element_type3A_235 = arith.extui %ne3A_234 : i1 to i32
        %cond3A_236 = arith.constant 0 : i32
        %cond3A_237 = arith.cmpi ne, %convert_element_type3A_235, %cond3A_236 : i32
        scf.if %cond3A_237 {
          %parallel_loop3A = arith.constant 0 : i32
          %parallel_loop3A_348 = arith.constant 256 : i32
          %parallel_loop3A_349 = arith.constant 1 : i32
          scf.for %parallel_loop3A_350 = %parallel_loop3A to %parallel_loop3A_348 step %parallel_loop3A_349  : i32 {
            %parallel_loop3A_351 = arith.constant 16 : i32
            %parallel_loop3A_352 = arith.muli %parallel_loop3A_350, %parallel_loop3A_351 : i32
            %parallel_loop3A_353 = vector.broadcast %parallel_loop3A_352 : i32 to vector<16xi32>
            %parallel_loop3A_354 = arith.addi %parallel_loop3A_353, %iota3A : vector<16xi32>
            %parallel_loop3A_355 = vector.broadcast %reduce_sum3A_225 : i32 to vector<16xi32>
            %parallel_loop3A_356 = arith.addi %parallel_loop3A_354, %parallel_loop3A_355 : vector<16xi32>
            %parallel_loop3A_357 = arith.constant 4095 : i32
            %parallel_loop3A_358 = vector.broadcast %parallel_loop3A_357 : i32 to vector<16xi32>
            %parallel_loop3A_359 = arith.andi %parallel_loop3A_356, %parallel_loop3A_358 : vector<16xi32>
            %parallel_loop3A_360 = arith.constant 16 : i32
            %parallel_loop3A_361 = arith.muli %parallel_loop3A_350, %parallel_loop3A_360 : i32
            %parallel_loop3A_362 = arith.index_cast %parallel_loop3A_361 : i32 to index
            %parallel_loop3A_363 = tpu.vector_load %arg11[%parallel_loop3A_362] {strides = array<i32>} : memref<4096xf32, #tpu.memory_space<vmem>>, vector<16xf32>,
            %parallel_loop3A_364 = tpu.vector_load_idx %arg7[%parallel_loop3A_359] : memref<4096xf32, #tpu.memory_space<vmem>>[vector<16xi32>], vector<16xf32>,
            %parallel_loop3A_365 = vector.broadcast %reduce_sum3A_232 : f32 to vector<16xf32>
            %parallel_loop3A_366 = arith.mulf %parallel_loop3A_365, %parallel_loop3A_364 : vector<16xf32>
            %parallel_loop3A_367 = arith.addf %parallel_loop3A_363, %parallel_loop3A_366 : vector<16xf32>
            %parallel_loop3A_368 = arith.index_cast %parallel_loop3A_361 : i32 to index
            %parallel_loop3A_369 = tpu.vector_load %arg11[%parallel_loop3A_368] {strides = array<i32>} : memref<4096xf32, #tpu.memory_space<vmem>>, vector<16xf32>,
            tpu.vector_store %arg11[%parallel_loop3A_368], %parallel_loop3A_367 {strides = array<i32>} : memref<4096xf32, #tpu.memory_space<vmem>>, vector<16xf32>,
          } {sc.loop_unroll_factor = 8 : i64, sc.parallel_access}
        } else {
        }
        %eq3A_238 = arith.constant 3 : i32
        %eq3A_239 = vector.broadcast %eq3A_238 : i32 to vector<16xi32>
        %eq3A_240 = arith.cmpi eq, %iota3A, %eq3A_239 : vector<16xi32>
        %jit3A_241 = arith.constant 0 : i32
        %broadcast_in_dim3A_242 = vector.broadcast %jit3A_241 : i32 to vector<16xi32>
        %select_n3A_243 = arith.select %eq3A_240, %gather3A_128, %broadcast_in_dim3A_242 : vector<16xi1>, vector<16xi32>
        %reduce_sum3A_244 = arith.constant true
        %reduce_sum3A_245 = vector.broadcast %reduce_sum3A_244 : i1 to vector<16xi1>
        %reduce_sum3A_246 = tpu.scan <sum>, %select_n3A_243 masked %reduce_sum3A_245 : vector<16xi32>, vector<16xi1> -> vector<16xi32>
        %reduce_sum3A_247 = vector.extract %reduce_sum3A_246[15] : i32 from vector<16xi32>
        %jit3A_248 = arith.constant 0.000000e+00 : f32
        %broadcast_in_dim3A_249 = vector.broadcast %jit3A_248 : f32 to vector<16xf32>
        %select_n3A_250 = arith.select %eq3A_240, %gather3A_123, %broadcast_in_dim3A_249 : vector<16xi1>, vector<16xf32>
        %reduce_sum3A_251 = arith.constant true
        %reduce_sum3A_252 = vector.broadcast %reduce_sum3A_251 : i1 to vector<16xi1>
        %reduce_sum3A_253 = tpu.scan <sum>, %select_n3A_250 masked %reduce_sum3A_252 : vector<16xf32>, vector<16xi1> -> vector<16xf32>
        %reduce_sum3A_254 = vector.extract %reduce_sum3A_253[15] : f32 from vector<16xf32>
        %ne3A_255 = arith.constant 0.000000e+00 : f32
        %ne3A_256 = arith.cmpf one, %reduce_sum3A_254, %ne3A_255 : f32
        %convert_element_type3A_257 = arith.extui %ne3A_256 : i1 to i32
        %cond3A_258 = arith.constant 0 : i32
        %cond3A_259 = arith.cmpi ne, %convert_element_type3A_257, %cond3A_258 : i32
        scf.if %cond3A_259 {
          %parallel_loop3A = arith.constant 0 : i32
          %parallel_loop3A_348 = arith.constant 256 : i32
          %parallel_loop3A_349 = arith.constant 1 : i32
          scf.for %parallel_loop3A_350 = %parallel_loop3A to %parallel_loop3A_348 step %parallel_loop3A_349  : i32 {
            %parallel_loop3A_351 = arith.constant 16 : i32
            %parallel_loop3A_352 = arith.muli %parallel_loop3A_350, %parallel_loop3A_351 : i32
            %parallel_loop3A_353 = vector.broadcast %parallel_loop3A_352 : i32 to vector<16xi32>
            %parallel_loop3A_354 = arith.addi %parallel_loop3A_353, %iota3A : vector<16xi32>
            %parallel_loop3A_355 = vector.broadcast %reduce_sum3A_247 : i32 to vector<16xi32>
            %parallel_loop3A_356 = arith.addi %parallel_loop3A_354, %parallel_loop3A_355 : vector<16xi32>
            %parallel_loop3A_357 = arith.constant 4095 : i32
            %parallel_loop3A_358 = vector.broadcast %parallel_loop3A_357 : i32 to vector<16xi32>
            %parallel_loop3A_359 = arith.andi %parallel_loop3A_356, %parallel_loop3A_358 : vector<16xi32>
            %parallel_loop3A_360 = arith.constant 16 : i32
            %parallel_loop3A_361 = arith.muli %parallel_loop3A_350, %parallel_loop3A_360 : i32
            %parallel_loop3A_362 = arith.index_cast %parallel_loop3A_361 : i32 to index
            %parallel_loop3A_363 = tpu.vector_load %arg11[%parallel_loop3A_362] {strides = array<i32>} : memref<4096xf32, #tpu.memory_space<vmem>>, vector<16xf32>,
            %parallel_loop3A_364 = tpu.vector_load_idx %arg7[%parallel_loop3A_359] : memref<4096xf32, #tpu.memory_space<vmem>>[vector<16xi32>], vector<16xf32>,
            %parallel_loop3A_365 = vector.broadcast %reduce_sum3A_254 : f32 to vector<16xf32>
            %parallel_loop3A_366 = arith.mulf %parallel_loop3A_365, %parallel_loop3A_364 : vector<16xf32>
            %parallel_loop3A_367 = arith.addf %parallel_loop3A_363, %parallel_loop3A_366 : vector<16xf32>
            %parallel_loop3A_368 = arith.index_cast %parallel_loop3A_361 : i32 to index
            %parallel_loop3A_369 = tpu.vector_load %arg11[%parallel_loop3A_368] {strides = array<i32>} : memref<4096xf32, #tpu.memory_space<vmem>>, vector<16xf32>,
            tpu.vector_store %arg11[%parallel_loop3A_368], %parallel_loop3A_367 {strides = array<i32>} : memref<4096xf32, #tpu.memory_space<vmem>>, vector<16xf32>,
          } {sc.loop_unroll_factor = 8 : i64, sc.parallel_access}
        } else {
        }
        %eq3A_260 = arith.constant 4 : i32
        %eq3A_261 = vector.broadcast %eq3A_260 : i32 to vector<16xi32>
        %eq3A_262 = arith.cmpi eq, %iota3A, %eq3A_261 : vector<16xi32>
        %jit3A_263 = arith.constant 0 : i32
        %broadcast_in_dim3A_264 = vector.broadcast %jit3A_263 : i32 to vector<16xi32>
        %select_n3A_265 = arith.select %eq3A_262, %gather3A_128, %broadcast_in_dim3A_264 : vector<16xi1>, vector<16xi32>
        %reduce_sum3A_266 = arith.constant true
        %reduce_sum3A_267 = vector.broadcast %reduce_sum3A_266 : i1 to vector<16xi1>
        %reduce_sum3A_268 = tpu.scan <sum>, %select_n3A_265 masked %reduce_sum3A_267 : vector<16xi32>, vector<16xi1> -> vector<16xi32>
        %reduce_sum3A_269 = vector.extract %reduce_sum3A_268[15] : i32 from vector<16xi32>
        %jit3A_270 = arith.constant 0.000000e+00 : f32
        %broadcast_in_dim3A_271 = vector.broadcast %jit3A_270 : f32 to vector<16xf32>
        %select_n3A_272 = arith.select %eq3A_262, %gather3A_123, %broadcast_in_dim3A_271 : vector<16xi1>, vector<16xf32>
        %reduce_sum3A_273 = arith.constant true
        %reduce_sum3A_274 = vector.broadcast %reduce_sum3A_273 : i1 to vector<16xi1>
        %reduce_sum3A_275 = tpu.scan <sum>, %select_n3A_272 masked %reduce_sum3A_274 : vector<16xf32>, vector<16xi1> -> vector<16xf32>
        %reduce_sum3A_276 = vector.extract %reduce_sum3A_275[15] : f32 from vector<16xf32>
        %ne3A_277 = arith.constant 0.000000e+00 : f32
        %ne3A_278 = arith.cmpf one, %reduce_sum3A_276, %ne3A_277 : f32
        %convert_element_type3A_279 = arith.extui %ne3A_278 : i1 to i32
        %cond3A_280 = arith.constant 0 : i32
        %cond3A_281 = arith.cmpi ne, %convert_element_type3A_279, %cond3A_280 : i32
        scf.if %cond3A_281 {
          %parallel_loop3A = arith.constant 0 : i32
          %parallel_loop3A_348 = arith.constant 256 : i32
          %parallel_loop3A_349 = arith.constant 1 : i32
          scf.for %parallel_loop3A_350 = %parallel_loop3A to %parallel_loop3A_348 step %parallel_loop3A_349  : i32 {
            %parallel_loop3A_351 = arith.constant 16 : i32
            %parallel_loop3A_352 = arith.muli %parallel_loop3A_350, %parallel_loop3A_351 : i32
            %parallel_loop3A_353 = vector.broadcast %parallel_loop3A_352 : i32 to vector<16xi32>
            %parallel_loop3A_354 = arith.addi %parallel_loop3A_353, %iota3A : vector<16xi32>
            %parallel_loop3A_355 = vector.broadcast %reduce_sum3A_269 : i32 to vector<16xi32>
            %parallel_loop3A_356 = arith.addi %parallel_loop3A_354, %parallel_loop3A_355 : vector<16xi32>
            %parallel_loop3A_357 = arith.constant 4095 : i32
            %parallel_loop3A_358 = vector.broadcast %parallel_loop3A_357 : i32 to vector<16xi32>
            %parallel_loop3A_359 = arith.andi %parallel_loop3A_356, %parallel_loop3A_358 : vector<16xi32>
            %parallel_loop3A_360 = arith.constant 16 : i32
            %parallel_loop3A_361 = arith.muli %parallel_loop3A_350, %parallel_loop3A_360 : i32
            %parallel_loop3A_362 = arith.index_cast %parallel_loop3A_361 : i32 to index
            %parallel_loop3A_363 = tpu.vector_load %arg11[%parallel_loop3A_362] {strides = array<i32>} : memref<4096xf32, #tpu.memory_space<vmem>>, vector<16xf32>,
            %parallel_loop3A_364 = tpu.vector_load_idx %arg7[%parallel_loop3A_359] : memref<4096xf32, #tpu.memory_space<vmem>>[vector<16xi32>], vector<16xf32>,
            %parallel_loop3A_365 = vector.broadcast %reduce_sum3A_276 : f32 to vector<16xf32>
            %parallel_loop3A_366 = arith.mulf %parallel_loop3A_365, %parallel_loop3A_364 : vector<16xf32>
            %parallel_loop3A_367 = arith.addf %parallel_loop3A_363, %parallel_loop3A_366 : vector<16xf32>
            %parallel_loop3A_368 = arith.index_cast %parallel_loop3A_361 : i32 to index
            %parallel_loop3A_369 = tpu.vector_load %arg11[%parallel_loop3A_368] {strides = array<i32>} : memref<4096xf32, #tpu.memory_space<vmem>>, vector<16xf32>,
            tpu.vector_store %arg11[%parallel_loop3A_368], %parallel_loop3A_367 {strides = array<i32>} : memref<4096xf32, #tpu.memory_space<vmem>>, vector<16xf32>,
          } {sc.loop_unroll_factor = 8 : i64, sc.parallel_access}
        } else {
        }
        %eq3A_282 = arith.constant 5 : i32
        %eq3A_283 = vector.broadcast %eq3A_282 : i32 to vector<16xi32>
        %eq3A_284 = arith.cmpi eq, %iota3A, %eq3A_283 : vector<16xi32>
        %jit3A_285 = arith.constant 0 : i32
        %broadcast_in_dim3A_286 = vector.broadcast %jit3A_285 : i32 to vector<16xi32>
        %select_n3A_287 = arith.select %eq3A_284, %gather3A_128, %broadcast_in_dim3A_286 : vector<16xi1>, vector<16xi32>
        %reduce_sum3A_288 = arith.constant true
        %reduce_sum3A_289 = vector.broadcast %reduce_sum3A_288 : i1 to vector<16xi1>
        %reduce_sum3A_290 = tpu.scan <sum>, %select_n3A_287 masked %reduce_sum3A_289 : vector<16xi32>, vector<16xi1> -> vector<16xi32>
        %reduce_sum3A_291 = vector.extract %reduce_sum3A_290[15] : i32 from vector<16xi32>
        %jit3A_292 = arith.constant 0.000000e+00 : f32
        %broadcast_in_dim3A_293 = vector.broadcast %jit3A_292 : f32 to vector<16xf32>
        %select_n3A_294 = arith.select %eq3A_284, %gather3A_123, %broadcast_in_dim3A_293 : vector<16xi1>, vector<16xf32>
        %reduce_sum3A_295 = arith.constant true
        %reduce_sum3A_296 = vector.broadcast %reduce_sum3A_295 : i1 to vector<16xi1>
        %reduce_sum3A_297 = tpu.scan <sum>, %select_n3A_294 masked %reduce_sum3A_296 : vector<16xf32>, vector<16xi1> -> vector<16xf32>
        %reduce_sum3A_298 = vector.extract %reduce_sum3A_297[15] : f32 from vector<16xf32>
        %ne3A_299 = arith.constant 0.000000e+00 : f32
        %ne3A_300 = arith.cmpf one, %reduce_sum3A_298, %ne3A_299 : f32
        %convert_element_type3A_301 = arith.extui %ne3A_300 : i1 to i32
        %cond3A_302 = arith.constant 0 : i32
        %cond3A_303 = arith.cmpi ne, %convert_element_type3A_301, %cond3A_302 : i32
        scf.if %cond3A_303 {
          %parallel_loop3A = arith.constant 0 : i32
          %parallel_loop3A_348 = arith.constant 256 : i32
          %parallel_loop3A_349 = arith.constant 1 : i32
          scf.for %parallel_loop3A_350 = %parallel_loop3A to %parallel_loop3A_348 step %parallel_loop3A_349  : i32 {
            %parallel_loop3A_351 = arith.constant 16 : i32
            %parallel_loop3A_352 = arith.muli %parallel_loop3A_350, %parallel_loop3A_351 : i32
            %parallel_loop3A_353 = vector.broadcast %parallel_loop3A_352 : i32 to vector<16xi32>
            %parallel_loop3A_354 = arith.addi %parallel_loop3A_353, %iota3A : vector<16xi32>
            %parallel_loop3A_355 = vector.broadcast %reduce_sum3A_291 : i32 to vector<16xi32>
            %parallel_loop3A_356 = arith.addi %parallel_loop3A_354, %parallel_loop3A_355 : vector<16xi32>
            %parallel_loop3A_357 = arith.constant 4095 : i32
            %parallel_loop3A_358 = vector.broadcast %parallel_loop3A_357 : i32 to vector<16xi32>
            %parallel_loop3A_359 = arith.andi %parallel_loop3A_356, %parallel_loop3A_358 : vector<16xi32>
            %parallel_loop3A_360 = arith.constant 16 : i32
            %parallel_loop3A_361 = arith.muli %parallel_loop3A_350, %parallel_loop3A_360 : i32
            %parallel_loop3A_362 = arith.index_cast %parallel_loop3A_361 : i32 to index
            %parallel_loop3A_363 = tpu.vector_load %arg11[%parallel_loop3A_362] {strides = array<i32>} : memref<4096xf32, #tpu.memory_space<vmem>>, vector<16xf32>,
            %parallel_loop3A_364 = tpu.vector_load_idx %arg7[%parallel_loop3A_359] : memref<4096xf32, #tpu.memory_space<vmem>>[vector<16xi32>], vector<16xf32>,
            %parallel_loop3A_365 = vector.broadcast %reduce_sum3A_298 : f32 to vector<16xf32>
            %parallel_loop3A_366 = arith.mulf %parallel_loop3A_365, %parallel_loop3A_364 : vector<16xf32>
            %parallel_loop3A_367 = arith.addf %parallel_loop3A_363, %parallel_loop3A_366 : vector<16xf32>
            %parallel_loop3A_368 = arith.index_cast %parallel_loop3A_361 : i32 to index
            %parallel_loop3A_369 = tpu.vector_load %arg11[%parallel_loop3A_368] {strides = array<i32>} : memref<4096xf32, #tpu.memory_space<vmem>>, vector<16xf32>,
            tpu.vector_store %arg11[%parallel_loop3A_368], %parallel_loop3A_367 {strides = array<i32>} : memref<4096xf32, #tpu.memory_space<vmem>>, vector<16xf32>,
          } {sc.loop_unroll_factor = 8 : i64, sc.parallel_access}
        } else {
        }
        %eq3A_304 = arith.constant 6 : i32
        %eq3A_305 = vector.broadcast %eq3A_304 : i32 to vector<16xi32>
        %eq3A_306 = arith.cmpi eq, %iota3A, %eq3A_305 : vector<16xi32>
        %jit3A_307 = arith.constant 0 : i32
        %broadcast_in_dim3A_308 = vector.broadcast %jit3A_307 : i32 to vector<16xi32>
        %select_n3A_309 = arith.select %eq3A_306, %gather3A_128, %broadcast_in_dim3A_308 : vector<16xi1>, vector<16xi32>
        %reduce_sum3A_310 = arith.constant true
        %reduce_sum3A_311 = vector.broadcast %reduce_sum3A_310 : i1 to vector<16xi1>
        %reduce_sum3A_312 = tpu.scan <sum>, %select_n3A_309 masked %reduce_sum3A_311 : vector<16xi32>, vector<16xi1> -> vector<16xi32>
        %reduce_sum3A_313 = vector.extract %reduce_sum3A_312[15] : i32 from vector<16xi32>
        %jit3A_314 = arith.constant 0.000000e+00 : f32
        %broadcast_in_dim3A_315 = vector.broadcast %jit3A_314 : f32 to vector<16xf32>
        %select_n3A_316 = arith.select %eq3A_306, %gather3A_123, %broadcast_in_dim3A_315 : vector<16xi1>, vector<16xf32>
        %reduce_sum3A_317 = arith.constant true
        %reduce_sum3A_318 = vector.broadcast %reduce_sum3A_317 : i1 to vector<16xi1>
        %reduce_sum3A_319 = tpu.scan <sum>, %select_n3A_316 masked %reduce_sum3A_318 : vector<16xf32>, vector<16xi1> -> vector<16xf32>
        %reduce_sum3A_320 = vector.extract %reduce_sum3A_319[15] : f32 from vector<16xf32>
        %ne3A_321 = arith.constant 0.000000e+00 : f32
        %ne3A_322 = arith.cmpf one, %reduce_sum3A_320, %ne3A_321 : f32
        %convert_element_type3A_323 = arith.extui %ne3A_322 : i1 to i32
        %cond3A_324 = arith.constant 0 : i32
        %cond3A_325 = arith.cmpi ne, %convert_element_type3A_323, %cond3A_324 : i32
        scf.if %cond3A_325 {
          %parallel_loop3A = arith.constant 0 : i32
          %parallel_loop3A_348 = arith.constant 256 : i32
          %parallel_loop3A_349 = arith.constant 1 : i32
          scf.for %parallel_loop3A_350 = %parallel_loop3A to %parallel_loop3A_348 step %parallel_loop3A_349  : i32 {
            %parallel_loop3A_351 = arith.constant 16 : i32
            %parallel_loop3A_352 = arith.muli %parallel_loop3A_350, %parallel_loop3A_351 : i32
            %parallel_loop3A_353 = vector.broadcast %parallel_loop3A_352 : i32 to vector<16xi32>
            %parallel_loop3A_354 = arith.addi %parallel_loop3A_353, %iota3A : vector<16xi32>
            %parallel_loop3A_355 = vector.broadcast %reduce_sum3A_313 : i32 to vector<16xi32>
            %parallel_loop3A_356 = arith.addi %parallel_loop3A_354, %parallel_loop3A_355 : vector<16xi32>
            %parallel_loop3A_357 = arith.constant 4095 : i32
            %parallel_loop3A_358 = vector.broadcast %parallel_loop3A_357 : i32 to vector<16xi32>
            %parallel_loop3A_359 = arith.andi %parallel_loop3A_356, %parallel_loop3A_358 : vector<16xi32>
            %parallel_loop3A_360 = arith.constant 16 : i32
            %parallel_loop3A_361 = arith.muli %parallel_loop3A_350, %parallel_loop3A_360 : i32
            %parallel_loop3A_362 = arith.index_cast %parallel_loop3A_361 : i32 to index
            %parallel_loop3A_363 = tpu.vector_load %arg11[%parallel_loop3A_362] {strides = array<i32>} : memref<4096xf32, #tpu.memory_space<vmem>>, vector<16xf32>,
            %parallel_loop3A_364 = tpu.vector_load_idx %arg7[%parallel_loop3A_359] : memref<4096xf32, #tpu.memory_space<vmem>>[vector<16xi32>], vector<16xf32>,
            %parallel_loop3A_365 = vector.broadcast %reduce_sum3A_320 : f32 to vector<16xf32>
            %parallel_loop3A_366 = arith.mulf %parallel_loop3A_365, %parallel_loop3A_364 : vector<16xf32>
            %parallel_loop3A_367 = arith.addf %parallel_loop3A_363, %parallel_loop3A_366 : vector<16xf32>
            %parallel_loop3A_368 = arith.index_cast %parallel_loop3A_361 : i32 to index
            %parallel_loop3A_369 = tpu.vector_load %arg11[%parallel_loop3A_368] {strides = array<i32>} : memref<4096xf32, #tpu.memory_space<vmem>>, vector<16xf32>,
            tpu.vector_store %arg11[%parallel_loop3A_368], %parallel_loop3A_367 {strides = array<i32>} : memref<4096xf32, #tpu.memory_space<vmem>>, vector<16xf32>,
          } {sc.loop_unroll_factor = 8 : i64, sc.parallel_access}
        } else {
        }
        %eq3A_326 = arith.constant 7 : i32
        %eq3A_327 = vector.broadcast %eq3A_326 : i32 to vector<16xi32>
        %eq3A_328 = arith.cmpi eq, %iota3A, %eq3A_327 : vector<16xi32>
        %jit3A_329 = arith.constant 0 : i32
        %broadcast_in_dim3A_330 = vector.broadcast %jit3A_329 : i32 to vector<16xi32>
        %select_n3A_331 = arith.select %eq3A_328, %gather3A_128, %broadcast_in_dim3A_330 : vector<16xi1>, vector<16xi32>
        %reduce_sum3A_332 = arith.constant true
        %reduce_sum3A_333 = vector.broadcast %reduce_sum3A_332 : i1 to vector<16xi1>
        %reduce_sum3A_334 = tpu.scan <sum>, %select_n3A_331 masked %reduce_sum3A_333 : vector<16xi32>, vector<16xi1> -> vector<16xi32>
        %reduce_sum3A_335 = vector.extract %reduce_sum3A_334[15] : i32 from vector<16xi32>
        %jit3A_336 = arith.constant 0.000000e+00 : f32
        %broadcast_in_dim3A_337 = vector.broadcast %jit3A_336 : f32 to vector<16xf32>
        %select_n3A_338 = arith.select %eq3A_328, %gather3A_123, %broadcast_in_dim3A_337 : vector<16xi1>, vector<16xf32>
        %reduce_sum3A_339 = arith.constant true
        %reduce_sum3A_340 = vector.broadcast %reduce_sum3A_339 : i1 to vector<16xi1>
        %reduce_sum3A_341 = tpu.scan <sum>, %select_n3A_338 masked %reduce_sum3A_340 : vector<16xf32>, vector<16xi1> -> vector<16xf32>
        %reduce_sum3A_342 = vector.extract %reduce_sum3A_341[15] : f32 from vector<16xf32>
        %ne3A_343 = arith.constant 0.000000e+00 : f32
        %ne3A_344 = arith.cmpf one, %reduce_sum3A_342, %ne3A_343 : f32
        %convert_element_type3A_345 = arith.extui %ne3A_344 : i1 to i32
        %cond3A_346 = arith.constant 0 : i32
        %cond3A_347 = arith.cmpi ne, %convert_element_type3A_345, %cond3A_346 : i32
        scf.if %cond3A_347 {
          %parallel_loop3A = arith.constant 0 : i32
          %parallel_loop3A_348 = arith.constant 256 : i32
          %parallel_loop3A_349 = arith.constant 1 : i32
          scf.for %parallel_loop3A_350 = %parallel_loop3A to %parallel_loop3A_348 step %parallel_loop3A_349  : i32 {
            %parallel_loop3A_351 = arith.constant 16 : i32
            %parallel_loop3A_352 = arith.muli %parallel_loop3A_350, %parallel_loop3A_351 : i32
            %parallel_loop3A_353 = vector.broadcast %parallel_loop3A_352 : i32 to vector<16xi32>
            %parallel_loop3A_354 = arith.addi %parallel_loop3A_353, %iota3A : vector<16xi32>
            %parallel_loop3A_355 = vector.broadcast %reduce_sum3A_335 : i32 to vector<16xi32>
            %parallel_loop3A_356 = arith.addi %parallel_loop3A_354, %parallel_loop3A_355 : vector<16xi32>
            %parallel_loop3A_357 = arith.constant 4095 : i32
            %parallel_loop3A_358 = vector.broadcast %parallel_loop3A_357 : i32 to vector<16xi32>
            %parallel_loop3A_359 = arith.andi %parallel_loop3A_356, %parallel_loop3A_358 : vector<16xi32>
            %parallel_loop3A_360 = arith.constant 16 : i32
            %parallel_loop3A_361 = arith.muli %parallel_loop3A_350, %parallel_loop3A_360 : i32
            %parallel_loop3A_362 = arith.index_cast %parallel_loop3A_361 : i32 to index
            %parallel_loop3A_363 = tpu.vector_load %arg11[%parallel_loop3A_362] {strides = array<i32>} : memref<4096xf32, #tpu.memory_space<vmem>>, vector<16xf32>,
            %parallel_loop3A_364 = tpu.vector_load_idx %arg7[%parallel_loop3A_359] : memref<4096xf32, #tpu.memory_space<vmem>>[vector<16xi32>], vector<16xf32>,
            %parallel_loop3A_365 = vector.broadcast %reduce_sum3A_342 : f32 to vector<16xf32>
            %parallel_loop3A_366 = arith.mulf %parallel_loop3A_365, %parallel_loop3A_364 : vector<16xf32>
            %parallel_loop3A_367 = arith.addf %parallel_loop3A_363, %parallel_loop3A_366 : vector<16xf32>
            %parallel_loop3A_368 = arith.index_cast %parallel_loop3A_361 : i32 to index
            %parallel_loop3A_369 = tpu.vector_load %arg11[%parallel_loop3A_368] {strides = array<i32>} : memref<4096xf32, #tpu.memory_space<vmem>>, vector<16xf32>,
            tpu.vector_store %arg11[%parallel_loop3A_368], %parallel_loop3A_367 {strides = array<i32>} : memref<4096xf32, #tpu.memory_space<vmem>>, vector<16xf32>,
          } {sc.loop_unroll_factor = 8 : i64, sc.parallel_access}
        } else {
        }
      } else {
      }
      %add3A_187 = arith.addi %mul3A_2, %add3A_111 : i32
      %dma_start3A_188 = arith.constant 0 : i32
      %dma_start3A_189 = tpu.memref_slice %arg5[%add3A_187, %dma_start3A_188] : memref<4096x4096xf32, #tpu.memory_space<hbm>> -> memref<1x4096xf32, #tpu.memory_space<hbm>>
      %dma_start3A_190 = tpu.memref_squeeze %dma_start3A_189 : memref<1x4096xf32, #tpu.memory_space<hbm>> -> memref<4096xf32, #tpu.memory_space<hbm>>
      %dma_start3A_191 = arith.constant 0 : i32
      %dma_start3A_192 = tpu.memref_slice %arg5[%add3A_187, %dma_start3A_191] : memref<4096x4096xf32, #tpu.memory_space<hbm>> -> memref<1x4096xf32, #tpu.memory_space<hbm>>
      %dma_start3A_193 = tpu.memref_squeeze %dma_start3A_192 : memref<1x4096xf32, #tpu.memory_space<hbm>> -> memref<4096xf32, #tpu.memory_space<hbm>>
      tpu.enqueue_dma source(%arg11 : memref<4096xf32, #tpu.memory_space<vmem>>) target(%dma_start3A_193 : memref<4096xf32, #tpu.memory_space<hbm>>) target_semaphore(%arg15 : memref<!tpu.dma_semaphore, #tpu.memory_space<semaphore_mem>>)
    }
    %scan3A_16 = arith.constant 64 : i32
    %add3A_17 = arith.constant 128 : i32
    %add3A_18 = arith.addi %mul3A_2, %add3A_17 : i32
    %sub3A = arith.constant 2 : i32
    %sub3A_19 = arith.subi %add3A_18, %sub3A : i32
    %dma_wait3A = arith.constant 0 : i32
    %dma_wait3A_20 = tpu.memref_slice %arg5[%sub3A_19, %dma_wait3A] : memref<4096x4096xf32, #tpu.memory_space<hbm>> -> memref<1x4096xf32, #tpu.memory_space<hbm>>
    %dma_wait3A_21 = tpu.memref_squeeze %dma_wait3A_20 : memref<1x4096xf32, #tpu.memory_space<hbm>> -> memref<4096xf32, #tpu.memory_space<hbm>>
    %dma_wait3A_22 = arith.constant 0 : i32
    %dma_wait3A_23 = tpu.memref_slice %arg5[%sub3A_19, %dma_wait3A_22] : memref<4096x4096xf32, #tpu.memory_space<hbm>> -> memref<1x4096xf32, #tpu.memory_space<hbm>>
    %dma_wait3A_24 = tpu.memref_squeeze %dma_wait3A_23 : memref<1x4096xf32, #tpu.memory_space<hbm>> -> memref<4096xf32, #tpu.memory_space<hbm>>
    tpu.wait_dma2 semaphore(%arg14 : memref<!tpu.dma_semaphore, #tpu.memory_space<semaphore_mem>>) src(%arg10 : memref<4096xf32, #tpu.memory_space<vmem>>) dst(%dma_wait3A_24 : memref<4096xf32, #tpu.memory_space<hbm>>)
    %add3A_25 = arith.constant 128 : i32
    %add3A_26 = arith.addi %mul3A_2, %add3A_25 : i32
    %sub3A_27 = arith.constant 1 : i32
    %sub3A_28 = arith.subi %add3A_26, %sub3A_27 : i32
    %dma_wait3A_29 = arith.constant 0 : i32
    %dma_wait3A_30 = tpu.memref_slice %arg5[%sub3A_28, %dma_wait3A_29] : memref<4096x4096xf32, #tpu.memory_space<hbm>> -> memref<1x4096xf32, #tpu.memory_space<hbm>>
    %dma_wait3A_31 = tpu.memref_squeeze %dma_wait3A_30 : memref<1x4096xf32, #tpu.memory_space<hbm>> -> memref<4096xf32, #tpu.memory_space<hbm>>
    %dma_wait3A_32 = arith.constant 0 : i32
    %dma_wait3A_33 = tpu.memref_slice %arg5[%sub3A_28, %dma_wait3A_32] : memref<4096x4096xf32, #tpu.memory_space<hbm>> -> memref<1x4096xf32, #tpu.memory_space<hbm>>
    %dma_wait3A_34 = tpu.memref_squeeze %dma_wait3A_33 : memref<1x4096xf32, #tpu.memory_space<hbm>> -> memref<4096xf32, #tpu.memory_space<hbm>>
    tpu.wait_dma2 semaphore(%arg15 : memref<!tpu.dma_semaphore, #tpu.memory_space<semaphore_mem>>) src(%arg11 : memref<4096xf32, #tpu.memory_space<vmem>>) dst(%dma_wait3A_34 : memref<4096xf32, #tpu.memory_space<hbm>>)
    return
  }
}

module attributes {stable_mosaic.version = 14 : i64} {
  func.func @_corr_topk_ct_body(%arg0: i32, %arg1: memref<256x4096xf32, #tpu.memory_space<vmem>>, %arg2: memref<8x2048xf32, #tpu.memory_space<vmem>>, %arg3: memref<256x128xbf16, #tpu.memory_space<vmem>>, %arg4: memref<256x128xbf16, #tpu.memory_space<vmem>>, %arg5: memref<2176x2176xbf16, #tpu.memory_space<vmem>>, %arg6: memref<1x256xf32, #tpu.memory_space<vmem>>, %arg7: memref<16x16xf32, #tpu.memory_space<vmem>>, %arg8: memref<256x128xf32, #tpu.memory_space<vmem>>, %arg9: memref<256x128xi32, #tpu.memory_space<vmem>>, %arg10: memref<256x4096xf32, #tpu.memory_space<vmem>>, %arg11: memref<256x4096xf32, #tpu.memory_space<vmem>>, %arg12: memref<256x2176xf32, #tpu.memory_space<vmem>>, %arg13: memref<512x2176xf32, #tpu.memory_space<vmem>>) attributes {dimension_semantics = [#tpu.dimension_semantics<arbitrary>], iteration_bounds = array<i64: 17>, scalar_prefetch = 0 : i64, scratch_operands = 4 : i64, tpu.core_type = #tpu.core_type<tc>, window_params = [{transform_indices = @transform_0, window_bounds = array<i64: 256, 4096>}, {pipeline_mode = #tpu.pipeline_mode<synchronous>, transform_indices = @transform_1, window_bounds = array<i64: 8, 2048>}, {pipeline_mode = #tpu.pipeline_mode<synchronous>, transform_indices = @transform_2, window_bounds = array<i64: 256, 128>}, {pipeline_mode = #tpu.pipeline_mode<synchronous>, transform_indices = @transform_3, window_bounds = array<i64: 256, 128>}, {pipeline_mode = #tpu.pipeline_mode<synchronous>, transform_indices = @transform_4, window_bounds = array<i64: 2176, 2176>}, {pipeline_mode = #tpu.pipeline_mode<synchronous>, transform_indices = @transform_5, window_bounds = array<i64: 1, 256>}, {pipeline_mode = #tpu.pipeline_mode<synchronous>, transform_indices = @transform_6, window_bounds = array<i64: 16, 16>}, {transform_indices = @transform_7, window_bounds = array<i64: 256, 128>}, {transform_indices = @transform_8, window_bounds = array<i64: 256, 128>}]} {
    %jit3A = arith.constant 2 : i32
    %eq3A = arith.constant 0 : i32
    %eq3A_0 = arith.cmpi eq, %jit3A, %eq3A : i32
    %jit3A_1 = arith.constant 1 : i32
    %select_n3A = arith.select %eq3A_0, %jit3A_1, %jit3A : i32
    %rem3A = arith.remsi %arg0, %select_n3A : i32
    %ne3A = arith.constant 0 : i32
    %ne3A_2 = arith.cmpi ne, %rem3A, %ne3A : i32
    %lt3A = arith.constant 0 : i32
    %lt3A_3 = arith.cmpi slt, %rem3A, %lt3A : i32
    %lt3A_4 = arith.constant 0 : i32
    %lt3A_5 = arith.cmpi slt, %select_n3A, %lt3A_4 : i32
    %ne3A_6 = arith.xori %lt3A_3, %lt3A_5 : i1
    %and3A = arith.andi %ne3A_6, %ne3A_2 : i1
    %add3A = arith.addi %rem3A, %select_n3A : i32
    %select_n3A_7 = arith.select %and3A, %add3A, %rem3A : i32
    %sub3A = arith.constant 1 : i32
    %sub3A_8 = arith.subi %sub3A, %select_n3A_7 : i32
    %mul3A = arith.constant 256 : i32
    %mul3A_9 = arith.muli %sub3A_8, %mul3A : i32
    %get3A = arith.index_cast %mul3A_9 : i32 to index
    %get3A_10 = arith.constant 0 : index
    %get3A_11 = vector.load %arg13[%get3A, %get3A_10] : memref<512x2176xf32, #tpu.memory_space<vmem>>, vector<256x2176xf32>
    %get3A_12 = arith.constant 0 : index
    %get3A_13 = arith.constant 0 : index
    %get3A_14 = vector.load %arg1[%get3A_12, %get3A_13] : memref<256x4096xf32, #tpu.memory_space<vmem>>, vector<256x2048xf32>
    %get3A_15 = arith.constant 0 : index
    %get3A_16 = arith.constant 2048 : index
    %get3A_17 = vector.load %arg1[%get3A_15, %get3A_16] : memref<256x4096xf32, #tpu.memory_space<vmem>>, vector<256x2048xf32>
    %get3A_18 = arith.constant 0 : index
    %get3A_19 = arith.constant 0 : index
    %get3A_20 = vector.load %arg2[%get3A_18, %get3A_19] : memref<8x2048xf32, #tpu.memory_space<vmem>>, vector<1x2048xf32>
    %get3A_21 = arith.constant 4 : index
    %get3A_22 = arith.constant 0 : index
    %get3A_23 = vector.load %arg2[%get3A_21, %get3A_22] : memref<8x2048xf32, #tpu.memory_space<vmem>>, vector<1x2048xf32>
    %add3A_24 = arith.addf %get3A_14, %get3A_17 : vector<256x2048xf32>
    %swap3A = arith.constant 0 : index
    %swap3A_25 = arith.constant 0 : index
    %swap3A_26 = vector.load %arg10[%swap3A, %swap3A_25] : memref<256x4096xf32, #tpu.memory_space<vmem>>, vector<256x2048xf32>
    tpu.vector_store %arg10[%swap3A, %swap3A_25], %add3A_24 {strides = array<i32>} : memref<256x4096xf32, #tpu.memory_space<vmem>>, vector<256x2048xf32>,
    %broadcast_in_dim3A = arith.constant 0.000000e+00 : f32
    %broadcast_in_dim3A_27 = vector.broadcast %broadcast_in_dim3A : f32 to vector<256x2048xf32>
    %swap3A_28 = arith.constant 0 : index
    %swap3A_29 = arith.constant 0 : index
    %swap3A_30 = vector.load %arg11[%swap3A_28, %swap3A_29] : memref<256x4096xf32, #tpu.memory_space<vmem>>, vector<256x2048xf32>
    tpu.vector_store %arg11[%swap3A_28, %swap3A_29], %broadcast_in_dim3A_27 {strides = array<i32>} : memref<256x4096xf32, #tpu.memory_space<vmem>>, vector<256x2048xf32>,
    %sub3A_31 = arith.subf %get3A_14, %get3A_17 : vector<256x2048xf32>
    %mul3A_32 = vector.broadcast %get3A_20 : vector<1x2048xf32> to vector<256x2048xf32>
    %mul3A_33 = arith.mulf %sub3A_31, %mul3A_32 : vector<256x2048xf32>
    %swap3A_34 = arith.constant 0 : index
    %swap3A_35 = arith.constant 2048 : index
    %swap3A_36 = vector.load %arg10[%swap3A_34, %swap3A_35] : memref<256x4096xf32, #tpu.memory_space<vmem>>, vector<256x2048xf32>
    tpu.vector_store %arg10[%swap3A_34, %swap3A_35], %mul3A_33 {strides = array<i32>} : memref<256x4096xf32, #tpu.memory_space<vmem>>, vector<256x2048xf32>,
    %mul3A_37 = vector.broadcast %get3A_23 : vector<1x2048xf32> to vector<256x2048xf32>
    %mul3A_38 = arith.mulf %sub3A_31, %mul3A_37 : vector<256x2048xf32>
    %swap3A_39 = arith.constant 0 : index
    %swap3A_40 = arith.constant 2048 : index
    %swap3A_41 = vector.load %arg11[%swap3A_39, %swap3A_40] : memref<256x4096xf32, #tpu.memory_space<vmem>>, vector<256x2048xf32>
    tpu.vector_store %arg11[%swap3A_39, %swap3A_40], %mul3A_38 {strides = array<i32>} : memref<256x4096xf32, #tpu.memory_space<vmem>>, vector<256x2048xf32>,
    %get3A_42 = arith.constant 1 : index
    %get3A_43 = arith.constant 0 : index
    %get3A_44 = vector.load %arg2[%get3A_42, %get3A_43] : memref<8x2048xf32, #tpu.memory_space<vmem>>, vector<1x1024xf32>
    %get3A_45 = arith.constant 5 : index
    %get3A_46 = arith.constant 0 : index
    %get3A_47 = vector.load %arg2[%get3A_45, %get3A_46] : memref<8x2048xf32, #tpu.memory_space<vmem>>, vector<1x1024xf32>
    %get3A_48 = arith.constant 0 : index
    %get3A_49 = arith.constant 0 : index
    %get3A_50 = vector.load %arg10[%get3A_48, %get3A_49] : memref<256x4096xf32, #tpu.memory_space<vmem>>, vector<256x1024xf32>
    %get3A_51 = arith.constant 0 : index
    %get3A_52 = arith.constant 1024 : index
    %get3A_53 = vector.load %arg10[%get3A_51, %get3A_52] : memref<256x4096xf32, #tpu.memory_space<vmem>>, vector<256x1024xf32>
    %get3A_54 = arith.constant 0 : index
    %get3A_55 = arith.constant 0 : index
    %get3A_56 = vector.load %arg11[%get3A_54, %get3A_55] : memref<256x4096xf32, #tpu.memory_space<vmem>>, vector<256x1024xf32>
    %get3A_57 = arith.constant 0 : index
    %get3A_58 = arith.constant 1024 : index
    %get3A_59 = vector.load %arg11[%get3A_57, %get3A_58] : memref<256x4096xf32, #tpu.memory_space<vmem>>, vector<256x1024xf32>
    %add3A_60 = arith.addf %get3A_50, %get3A_53 : vector<256x1024xf32>
    %swap3A_61 = arith.constant 0 : index
    %swap3A_62 = arith.constant 0 : index
    %swap3A_63 = vector.load %arg10[%swap3A_61, %swap3A_62] : memref<256x4096xf32, #tpu.memory_space<vmem>>, vector<256x1024xf32>
    tpu.vector_store %arg10[%swap3A_61, %swap3A_62], %add3A_60 {strides = array<i32>} : memref<256x4096xf32, #tpu.memory_space<vmem>>, vector<256x1024xf32>,
    %add3A_64 = arith.addf %get3A_56, %get3A_59 : vector<256x1024xf32>
    %swap3A_65 = arith.constant 0 : index
    %swap3A_66 = arith.constant 0 : index
    %swap3A_67 = vector.load %arg11[%swap3A_65, %swap3A_66] : memref<256x4096xf32, #tpu.memory_space<vmem>>, vector<256x1024xf32>
    tpu.vector_store %arg11[%swap3A_65, %swap3A_66], %add3A_64 {strides = array<i32>} : memref<256x4096xf32, #tpu.memory_space<vmem>>, vector<256x1024xf32>,
    %sub3A_68 = arith.subf %get3A_50, %get3A_53 : vector<256x1024xf32>
    %sub3A_69 = arith.subf %get3A_56, %get3A_59 : vector<256x1024xf32>
    %mul3A_70 = vector.broadcast %get3A_44 : vector<1x1024xf32> to vector<256x1024xf32>
    %mul3A_71 = arith.mulf %sub3A_68, %mul3A_70 : vector<256x1024xf32>
    %mul3A_72 = vector.broadcast %get3A_47 : vector<1x1024xf32> to vector<256x1024xf32>
    %mul3A_73 = arith.mulf %sub3A_69, %mul3A_72 : vector<256x1024xf32>
    %sub3A_74 = arith.subf %mul3A_71, %mul3A_73 : vector<256x1024xf32>
    %swap3A_75 = arith.constant 0 : index
    %swap3A_76 = arith.constant 1024 : index
    %swap3A_77 = vector.load %arg10[%swap3A_75, %swap3A_76] : memref<256x4096xf32, #tpu.memory_space<vmem>>, vector<256x1024xf32>
    tpu.vector_store %arg10[%swap3A_75, %swap3A_76], %sub3A_74 {strides = array<i32>} : memref<256x4096xf32, #tpu.memory_space<vmem>>, vector<256x1024xf32>,
    %mul3A_78 = vector.broadcast %get3A_47 : vector<1x1024xf32> to vector<256x1024xf32>
    %mul3A_79 = arith.mulf %sub3A_68, %mul3A_78 : vector<256x1024xf32>
    %mul3A_80 = vector.broadcast %get3A_44 : vector<1x1024xf32> to vector<256x1024xf32>
    %mul3A_81 = arith.mulf %sub3A_69, %mul3A_80 : vector<256x1024xf32>
    %add3A_82 = arith.addf %mul3A_79, %mul3A_81 : vector<256x1024xf32>
    %swap3A_83 = arith.constant 0 : index
    %swap3A_84 = arith.constant 1024 : index
    %swap3A_85 = vector.load %arg11[%swap3A_83, %swap3A_84] : memref<256x4096xf32, #tpu.memory_space<vmem>>, vector<256x1024xf32>
    tpu.vector_store %arg11[%swap3A_83, %swap3A_84], %add3A_82 {strides = array<i32>} : memref<256x4096xf32, #tpu.memory_space<vmem>>, vector<256x1024xf32>,
    %get3A_86 = arith.constant 0 : index
    %get3A_87 = arith.constant 2048 : index
    %get3A_88 = vector.load %arg10[%get3A_86, %get3A_87] : memref<256x4096xf32, #tpu.memory_space<vmem>>, vector<256x1024xf32>
    %get3A_89 = arith.constant 0 : index
    %get3A_90 = arith.constant 3072 : index
    %get3A_91 = vector.load %arg10[%get3A_89, %get3A_90] : memref<256x4096xf32, #tpu.memory_space<vmem>>, vector<256x1024xf32>
    %get3A_92 = arith.constant 0 : index
    %get3A_93 = arith.constant 2048 : index
    %get3A_94 = vector.load %arg11[%get3A_92, %get3A_93] : memref<256x4096xf32, #tpu.memory_space<vmem>>, vector<256x1024xf32>
    %get3A_95 = arith.constant 0 : index
    %get3A_96 = arith.constant 3072 : index
    %get3A_97 = vector.load %arg11[%get3A_95, %get3A_96] : memref<256x4096xf32, #tpu.memory_space<vmem>>, vector<256x1024xf32>
    %add3A_98 = arith.addf %get3A_88, %get3A_91 : vector<256x1024xf32>
    %swap3A_99 = arith.constant 0 : index
    %swap3A_100 = arith.constant 2048 : index
    %swap3A_101 = vector.load %arg10[%swap3A_99, %swap3A_100] : memref<256x4096xf32, #tpu.memory_space<vmem>>, vector<256x1024xf32>
    tpu.vector_store %arg10[%swap3A_99, %swap3A_100], %add3A_98 {strides = array<i32>} : memref<256x4096xf32, #tpu.memory_space<vmem>>, vector<256x1024xf32>,
    %add3A_102 = arith.addf %get3A_94, %get3A_97 : vector<256x1024xf32>
    %swap3A_103 = arith.constant 0 : index
    %swap3A_104 = arith.constant 2048 : index
    %swap3A_105 = vector.load %arg11[%swap3A_103, %swap3A_104] : memref<256x4096xf32, #tpu.memory_space<vmem>>, vector<256x1024xf32>
    tpu.vector_store %arg11[%swap3A_103, %swap3A_104], %add3A_102 {strides = array<i32>} : memref<256x4096xf32, #tpu.memory_space<vmem>>, vector<256x1024xf32>,
    %sub3A_106 = arith.subf %get3A_88, %get3A_91 : vector<256x1024xf32>
    %sub3A_107 = arith.subf %get3A_94, %get3A_97 : vector<256x1024xf32>
    %mul3A_108 = vector.broadcast %get3A_44 : vector<1x1024xf32> to vector<256x1024xf32>
    %mul3A_109 = arith.mulf %sub3A_106, %mul3A_108 : vector<256x1024xf32>
    %mul3A_110 = vector.broadcast %get3A_47 : vector<1x1024xf32> to vector<256x1024xf32>
    %mul3A_111 = arith.mulf %sub3A_107, %mul3A_110 : vector<256x1024xf32>
    %sub3A_112 = arith.subf %mul3A_109, %mul3A_111 : vector<256x1024xf32>
    %swap3A_113 = arith.constant 0 : index
    %swap3A_114 = arith.constant 3072 : index
    %swap3A_115 = vector.load %arg10[%swap3A_113, %swap3A_114] : memref<256x4096xf32, #tpu.memory_space<vmem>>, vector<256x1024xf32>
    tpu.vector_store %arg10[%swap3A_113, %swap3A_114], %sub3A_112 {strides = array<i32>} : memref<256x4096xf32, #tpu.memory_space<vmem>>, vector<256x1024xf32>,
    %mul3A_116 = vector.broadcast %get3A_47 : vector<1x1024xf32> to vector<256x1024xf32>
    %mul3A_117 = arith.mulf %sub3A_106, %mul3A_116 : vector<256x1024xf32>
    %mul3A_118 = vector.broadcast %get3A_44 : vector<1x1024xf32> to vector<256x1024xf32>
    %mul3A_119 = arith.mulf %sub3A_107, %mul3A_118 : vector<256x1024xf32>
    %add3A_120 = arith.addf %mul3A_117, %mul3A_119 : vector<256x1024xf32>
    %swap3A_121 = arith.constant 0 : index
    %swap3A_122 = arith.constant 3072 : index
    %swap3A_123 = vector.load %arg11[%swap3A_121, %swap3A_122] : memref<256x4096xf32, #tpu.memory_space<vmem>>, vector<256x1024xf32>
    tpu.vector_store %arg11[%swap3A_121, %swap3A_122], %add3A_120 {strides = array<i32>} : memref<256x4096xf32, #tpu.memory_space<vmem>>, vector<256x1024xf32>,
    %get3A_124 = arith.constant 2 : index
    %get3A_125 = arith.constant 0 : index
    %get3A_126 = vector.load %arg2[%get3A_124, %get3A_125] : memref<8x2048xf32, #tpu.memory_space<vmem>>, vector<1x512xf32>
    %get3A_127 = arith.constant 6 : index
    %get3A_128 = arith.constant 0 : index
    %get3A_129 = vector.load %arg2[%get3A_127, %get3A_128] : memref<8x2048xf32, #tpu.memory_space<vmem>>, vector<1x512xf32>
    %get3A_130 = arith.constant 0 : index
    %get3A_131 = arith.constant 0 : index
    %get3A_132 = vector.load %arg10[%get3A_130, %get3A_131] : memref<256x4096xf32, #tpu.memory_space<vmem>>, vector<256x512xf32>
    %get3A_133 = arith.constant 0 : index
    %get3A_134 = arith.constant 512 : index
    %get3A_135 = vector.load %arg10[%get3A_133, %get3A_134] : memref<256x4096xf32, #tpu.memory_space<vmem>>, vector<256x512xf32>
    %get3A_136 = arith.constant 0 : index
    %get3A_137 = arith.constant 0 : index
    %get3A_138 = vector.load %arg11[%get3A_136, %get3A_137] : memref<256x4096xf32, #tpu.memory_space<vmem>>, vector<256x512xf32>
    %get3A_139 = arith.constant 0 : index
    %get3A_140 = arith.constant 512 : index
    %get3A_141 = vector.load %arg11[%get3A_139, %get3A_140] : memref<256x4096xf32, #tpu.memory_space<vmem>>, vector<256x512xf32>
    %add3A_142 = arith.addf %get3A_132, %get3A_135 : vector<256x512xf32>
    %swap3A_143 = arith.constant 0 : index
    %swap3A_144 = arith.constant 0 : index
    %swap3A_145 = vector.load %arg10[%swap3A_143, %swap3A_144] : memref<256x4096xf32, #tpu.memory_space<vmem>>, vector<256x512xf32>
    tpu.vector_store %arg10[%swap3A_143, %swap3A_144], %add3A_142 {strides = array<i32>} : memref<256x4096xf32, #tpu.memory_space<vmem>>, vector<256x512xf32>,
    %add3A_146 = arith.addf %get3A_138, %get3A_141 : vector<256x512xf32>
    %swap3A_147 = arith.constant 0 : index
    %swap3A_148 = arith.constant 0 : index
    %swap3A_149 = vector.load %arg11[%swap3A_147, %swap3A_148] : memref<256x4096xf32, #tpu.memory_space<vmem>>, vector<256x512xf32>
    tpu.vector_store %arg11[%swap3A_147, %swap3A_148], %add3A_146 {strides = array<i32>} : memref<256x4096xf32, #tpu.memory_space<vmem>>, vector<256x512xf32>,
    %sub3A_150 = arith.subf %get3A_132, %get3A_135 : vector<256x512xf32>
    %sub3A_151 = arith.subf %get3A_138, %get3A_141 : vector<256x512xf32>
    %mul3A_152 = vector.broadcast %get3A_126 : vector<1x512xf32> to vector<256x512xf32>
    %mul3A_153 = arith.mulf %sub3A_150, %mul3A_152 : vector<256x512xf32>
    %mul3A_154 = vector.broadcast %get3A_129 : vector<1x512xf32> to vector<256x512xf32>
    %mul3A_155 = arith.mulf %sub3A_151, %mul3A_154 : vector<256x512xf32>
    %sub3A_156 = arith.subf %mul3A_153, %mul3A_155 : vector<256x512xf32>
    %swap3A_157 = arith.constant 0 : index
    %swap3A_158 = arith.constant 512 : index
    %swap3A_159 = vector.load %arg10[%swap3A_157, %swap3A_158] : memref<256x4096xf32, #tpu.memory_space<vmem>>, vector<256x512xf32>
    tpu.vector_store %arg10[%swap3A_157, %swap3A_158], %sub3A_156 {strides = array<i32>} : memref<256x4096xf32, #tpu.memory_space<vmem>>, vector<256x512xf32>,
    %mul3A_160 = vector.broadcast %get3A_129 : vector<1x512xf32> to vector<256x512xf32>
    %mul3A_161 = arith.mulf %sub3A_150, %mul3A_160 : vector<256x512xf32>
    %mul3A_162 = vector.broadcast %get3A_126 : vector<1x512xf32> to vector<256x512xf32>
    %mul3A_163 = arith.mulf %sub3A_151, %mul3A_162 : vector<256x512xf32>
    %add3A_164 = arith.addf %mul3A_161, %mul3A_163 : vector<256x512xf32>
    %swap3A_165 = arith.constant 0 : index
    %swap3A_166 = arith.constant 512 : index
    %swap3A_167 = vector.load %arg11[%swap3A_165, %swap3A_166] : memref<256x4096xf32, #tpu.memory_space<vmem>>, vector<256x512xf32>
    tpu.vector_store %arg11[%swap3A_165, %swap3A_166], %add3A_164 {strides = array<i32>} : memref<256x4096xf32, #tpu.memory_space<vmem>>, vector<256x512xf32>,
    %get3A_168 = arith.constant 0 : index
    %get3A_169 = arith.constant 1024 : index
    %get3A_170 = vector.load %arg10[%get3A_168, %get3A_169] : memref<256x4096xf32, #tpu.memory_space<vmem>>, vector<256x512xf32>
    %get3A_171 = arith.constant 0 : index
    %get3A_172 = arith.constant 1536 : index
    %get3A_173 = vector.load %arg10[%get3A_171, %get3A_172] : memref<256x4096xf32, #tpu.memory_space<vmem>>, vector<256x512xf32>
    %get3A_174 = arith.constant 0 : index
    %get3A_175 = arith.constant 1024 : index
    %get3A_176 = vector.load %arg11[%get3A_174, %get3A_175] : memref<256x4096xf32, #tpu.memory_space<vmem>>, vector<256x512xf32>
    %get3A_177 = arith.constant 0 : index
    %get3A_178 = arith.constant 1536 : index
    %get3A_179 = vector.load %arg11[%get3A_177, %get3A_178] : memref<256x4096xf32, #tpu.memory_space<vmem>>, vector<256x512xf32>
    %add3A_180 = arith.addf %get3A_170, %get3A_173 : vector<256x512xf32>
    %swap3A_181 = arith.constant 0 : index
    %swap3A_182 = arith.constant 1024 : index
    %swap3A_183 = vector.load %arg10[%swap3A_181, %swap3A_182] : memref<256x4096xf32, #tpu.memory_space<vmem>>, vector<256x512xf32>
    tpu.vector_store %arg10[%swap3A_181, %swap3A_182], %add3A_180 {strides = array<i32>} : memref<256x4096xf32, #tpu.memory_space<vmem>>, vector<256x512xf32>,
    %add3A_184 = arith.addf %get3A_176, %get3A_179 : vector<256x512xf32>
    %swap3A_185 = arith.constant 0 : index
    %swap3A_186 = arith.constant 1024 : index
    %swap3A_187 = vector.load %arg11[%swap3A_185, %swap3A_186] : memref<256x4096xf32, #tpu.memory_space<vmem>>, vector<256x512xf32>
    tpu.vector_store %arg11[%swap3A_185, %swap3A_186], %add3A_184 {strides = array<i32>} : memref<256x4096xf32, #tpu.memory_space<vmem>>, vector<256x512xf32>,
    %sub3A_188 = arith.subf %get3A_170, %get3A_173 : vector<256x512xf32>
    %sub3A_189 = arith.subf %get3A_176, %get3A_179 : vector<256x512xf32>
    %mul3A_190 = vector.broadcast %get3A_126 : vector<1x512xf32> to vector<256x512xf32>
    %mul3A_191 = arith.mulf %sub3A_188, %mul3A_190 : vector<256x512xf32>
    %mul3A_192 = vector.broadcast %get3A_129 : vector<1x512xf32> to vector<256x512xf32>
    %mul3A_193 = arith.mulf %sub3A_189, %mul3A_192 : vector<256x512xf32>
    %sub3A_194 = arith.subf %mul3A_191, %mul3A_193 : vector<256x512xf32>
    %swap3A_195 = arith.constant 0 : index
    %swap3A_196 = arith.constant 1536 : index
    %swap3A_197 = vector.load %arg10[%swap3A_195, %swap3A_196] : memref<256x4096xf32, #tpu.memory_space<vmem>>, vector<256x512xf32>
    tpu.vector_store %arg10[%swap3A_195, %swap3A_196], %sub3A_194 {strides = array<i32>} : memref<256x4096xf32, #tpu.memory_space<vmem>>, vector<256x512xf32>,
    %mul3A_198 = vector.broadcast %get3A_129 : vector<1x512xf32> to vector<256x512xf32>
    %mul3A_199 = arith.mulf %sub3A_188, %mul3A_198 : vector<256x512xf32>
    %mul3A_200 = vector.broadcast %get3A_126 : vector<1x512xf32> to vector<256x512xf32>
    %mul3A_201 = arith.mulf %sub3A_189, %mul3A_200 : vector<256x512xf32>
    %add3A_202 = arith.addf %mul3A_199, %mul3A_201 : vector<256x512xf32>
    %swap3A_203 = arith.constant 0 : index
    %swap3A_204 = arith.constant 1536 : index
    %swap3A_205 = vector.load %arg11[%swap3A_203, %swap3A_204] : memref<256x4096xf32, #tpu.memory_space<vmem>>, vector<256x512xf32>
    tpu.vector_store %arg11[%swap3A_203, %swap3A_204], %add3A_202 {strides = array<i32>} : memref<256x4096xf32, #tpu.memory_space<vmem>>, vector<256x512xf32>,
    %get3A_206 = arith.constant 0 : index
    %get3A_207 = arith.constant 2048 : index
    %get3A_208 = vector.load %arg10[%get3A_206, %get3A_207] : memref<256x4096xf32, #tpu.memory_space<vmem>>, vector<256x512xf32>
    %get3A_209 = arith.constant 0 : index
    %get3A_210 = arith.constant 2560 : index
    %get3A_211 = vector.load %arg10[%get3A_209, %get3A_210] : memref<256x4096xf32, #tpu.memory_space<vmem>>, vector<256x512xf32>
    %get3A_212 = arith.constant 0 : index
    %get3A_213 = arith.constant 2048 : index
    %get3A_214 = vector.load %arg11[%get3A_212, %get3A_213] : memref<256x4096xf32, #tpu.memory_space<vmem>>, vector<256x512xf32>
    %get3A_215 = arith.constant 0 : index
    %get3A_216 = arith.constant 2560 : index
    %get3A_217 = vector.load %arg11[%get3A_215, %get3A_216] : memref<256x4096xf32, #tpu.memory_space<vmem>>, vector<256x512xf32>
    %add3A_218 = arith.addf %get3A_208, %get3A_211 : vector<256x512xf32>
    %swap3A_219 = arith.constant 0 : index
    %swap3A_220 = arith.constant 2048 : index
    %swap3A_221 = vector.load %arg10[%swap3A_219, %swap3A_220] : memref<256x4096xf32, #tpu.memory_space<vmem>>, vector<256x512xf32>
    tpu.vector_store %arg10[%swap3A_219, %swap3A_220], %add3A_218 {strides = array<i32>} : memref<256x4096xf32, #tpu.memory_space<vmem>>, vector<256x512xf32>,
    %add3A_222 = arith.addf %get3A_214, %get3A_217 : vector<256x512xf32>
    %swap3A_223 = arith.constant 0 : index
    %swap3A_224 = arith.constant 2048 : index
    %swap3A_225 = vector.load %arg11[%swap3A_223, %swap3A_224] : memref<256x4096xf32, #tpu.memory_space<vmem>>, vector<256x512xf32>
    tpu.vector_store %arg11[%swap3A_223, %swap3A_224], %add3A_222 {strides = array<i32>} : memref<256x4096xf32, #tpu.memory_space<vmem>>, vector<256x512xf32>,
    %sub3A_226 = arith.subf %get3A_208, %get3A_211 : vector<256x512xf32>
    %sub3A_227 = arith.subf %get3A_214, %get3A_217 : vector<256x512xf32>
    %mul3A_228 = vector.broadcast %get3A_126 : vector<1x512xf32> to vector<256x512xf32>
    %mul3A_229 = arith.mulf %sub3A_226, %mul3A_228 : vector<256x512xf32>
    %mul3A_230 = vector.broadcast %get3A_129 : vector<1x512xf32> to vector<256x512xf32>
    %mul3A_231 = arith.mulf %sub3A_227, %mul3A_230 : vector<256x512xf32>
    %sub3A_232 = arith.subf %mul3A_229, %mul3A_231 : vector<256x512xf32>
    %swap3A_233 = arith.constant 0 : index
    %swap3A_234 = arith.constant 2560 : index
    %swap3A_235 = vector.load %arg10[%swap3A_233, %swap3A_234] : memref<256x4096xf32, #tpu.memory_space<vmem>>, vector<256x512xf32>
    tpu.vector_store %arg10[%swap3A_233, %swap3A_234], %sub3A_232 {strides = array<i32>} : memref<256x4096xf32, #tpu.memory_space<vmem>>, vector<256x512xf32>,
    %mul3A_236 = vector.broadcast %get3A_129 : vector<1x512xf32> to vector<256x512xf32>
    %mul3A_237 = arith.mulf %sub3A_226, %mul3A_236 : vector<256x512xf32>
    %mul3A_238 = vector.broadcast %get3A_126 : vector<1x512xf32> to vector<256x512xf32>
    %mul3A_239 = arith.mulf %sub3A_227, %mul3A_238 : vector<256x512xf32>
    %add3A_240 = arith.addf %mul3A_237, %mul3A_239 : vector<256x512xf32>
    %swap3A_241 = arith.constant 0 : index
    %swap3A_242 = arith.constant 2560 : index
    %swap3A_243 = vector.load %arg11[%swap3A_241, %swap3A_242] : memref<256x4096xf32, #tpu.memory_space<vmem>>, vector<256x512xf32>
    tpu.vector_store %arg11[%swap3A_241, %swap3A_242], %add3A_240 {strides = array<i32>} : memref<256x4096xf32, #tpu.memory_space<vmem>>, vector<256x512xf32>,
    %get3A_244 = arith.constant 0 : index
    %get3A_245 = arith.constant 3072 : index
    %get3A_246 = vector.load %arg10[%get3A_244, %get3A_245] : memref<256x4096xf32, #tpu.memory_space<vmem>>, vector<256x512xf32>
    %get3A_247 = arith.constant 0 : index
    %get3A_248 = arith.constant 3584 : index
    %get3A_249 = vector.load %arg10[%get3A_247, %get3A_248] : memref<256x4096xf32, #tpu.memory_space<vmem>>, vector<256x512xf32>
    %get3A_250 = arith.constant 0 : index
    %get3A_251 = arith.constant 3072 : index
    %get3A_252 = vector.load %arg11[%get3A_250, %get3A_251] : memref<256x4096xf32, #tpu.memory_space<vmem>>, vector<256x512xf32>
    %get3A_253 = arith.constant 0 : index
    %get3A_254 = arith.constant 3584 : index
    %get3A_255 = vector.load %arg11[%get3A_253, %get3A_254] : memref<256x4096xf32, #tpu.memory_space<vmem>>, vector<256x512xf32>
    %add3A_256 = arith.addf %get3A_246, %get3A_249 : vector<256x512xf32>
    %swap3A_257 = arith.constant 0 : index
    %swap3A_258 = arith.constant 3072 : index
    %swap3A_259 = vector.load %arg10[%swap3A_257, %swap3A_258] : memref<256x4096xf32, #tpu.memory_space<vmem>>, vector<256x512xf32>
    tpu.vector_store %arg10[%swap3A_257, %swap3A_258], %add3A_256 {strides = array<i32>} : memref<256x4096xf32, #tpu.memory_space<vmem>>, vector<256x512xf32>,
    %add3A_260 = arith.addf %get3A_252, %get3A_255 : vector<256x512xf32>
    %swap3A_261 = arith.constant 0 : index
    %swap3A_262 = arith.constant 3072 : index
    %swap3A_263 = vector.load %arg11[%swap3A_261, %swap3A_262] : memref<256x4096xf32, #tpu.memory_space<vmem>>, vector<256x512xf32>
    tpu.vector_store %arg11[%swap3A_261, %swap3A_262], %add3A_260 {strides = array<i32>} : memref<256x4096xf32, #tpu.memory_space<vmem>>, vector<256x512xf32>,
    %sub3A_264 = arith.subf %get3A_246, %get3A_249 : vector<256x512xf32>
    %sub3A_265 = arith.subf %get3A_252, %get3A_255 : vector<256x512xf32>
    %mul3A_266 = vector.broadcast %get3A_126 : vector<1x512xf32> to vector<256x512xf32>
    %mul3A_267 = arith.mulf %sub3A_264, %mul3A_266 : vector<256x512xf32>
    %mul3A_268 = vector.broadcast %get3A_129 : vector<1x512xf32> to vector<256x512xf32>
    %mul3A_269 = arith.mulf %sub3A_265, %mul3A_268 : vector<256x512xf32>
    %sub3A_270 = arith.subf %mul3A_267, %mul3A_269 : vector<256x512xf32>
    %swap3A_271 = arith.constant 0 : index
    %swap3A_272 = arith.constant 3584 : index
    %swap3A_273 = vector.load %arg10[%swap3A_271, %swap3A_272] : memref<256x4096xf32, #tpu.memory_space<vmem>>, vector<256x512xf32>
    tpu.vector_store %arg10[%swap3A_271, %swap3A_272], %sub3A_270 {strides = array<i32>} : memref<256x4096xf32, #tpu.memory_space<vmem>>, vector<256x512xf32>,
    %mul3A_274 = vector.broadcast %get3A_129 : vector<1x512xf32> to vector<256x512xf32>
    %mul3A_275 = arith.mulf %sub3A_264, %mul3A_274 : vector<256x512xf32>
    %mul3A_276 = vector.broadcast %get3A_126 : vector<1x512xf32> to vector<256x512xf32>
    %mul3A_277 = arith.mulf %sub3A_265, %mul3A_276 : vector<256x512xf32>
    %add3A_278 = arith.addf %mul3A_275, %mul3A_277 : vector<256x512xf32>
    %swap3A_279 = arith.constant 0 : index
    %swap3A_280 = arith.constant 3584 : index
    %swap3A_281 = vector.load %arg11[%swap3A_279, %swap3A_280] : memref<256x4096xf32, #tpu.memory_space<vmem>>, vector<256x512xf32>
    tpu.vector_store %arg11[%swap3A_279, %swap3A_280], %add3A_278 {strides = array<i32>} : memref<256x4096xf32, #tpu.memory_space<vmem>>, vector<256x512xf32>,
    %get3A_282 = arith.constant 3 : index
    %get3A_283 = arith.constant 0 : index
    %get3A_284 = vector.load %arg2[%get3A_282, %get3A_283] : memref<8x2048xf32, #tpu.memory_space<vmem>>, vector<1x256xf32>
    %get3A_285 = arith.constant 7 : index
    %get3A_286 = arith.constant 0 : index
    %get3A_287 = vector.load %arg2[%get3A_285, %get3A_286] : memref<8x2048xf32, #tpu.memory_space<vmem>>, vector<1x256xf32>
    %get3A_288 = arith.constant 0 : index
    %get3A_289 = arith.constant 0 : index
    %get3A_290 = vector.load %arg10[%get3A_288, %get3A_289] : memref<256x4096xf32, #tpu.memory_space<vmem>>, vector<256x256xf32>
    %get3A_291 = arith.constant 0 : index
    %get3A_292 = arith.constant 256 : index
    %get3A_293 = vector.load %arg10[%get3A_291, %get3A_292] : memref<256x4096xf32, #tpu.memory_space<vmem>>, vector<256x256xf32>
    %get3A_294 = arith.constant 0 : index
    %get3A_295 = arith.constant 0 : index
    %get3A_296 = vector.load %arg11[%get3A_294, %get3A_295] : memref<256x4096xf32, #tpu.memory_space<vmem>>, vector<256x256xf32>
    %get3A_297 = arith.constant 0 : index
    %get3A_298 = arith.constant 256 : index
    %get3A_299 = vector.load %arg11[%get3A_297, %get3A_298] : memref<256x4096xf32, #tpu.memory_space<vmem>>, vector<256x256xf32>
    %add3A_300 = arith.addf %get3A_290, %get3A_293 : vector<256x256xf32>
    %swap3A_301 = arith.constant 0 : index
    %swap3A_302 = arith.constant 0 : index
    %swap3A_303 = vector.load %arg10[%swap3A_301, %swap3A_302] : memref<256x4096xf32, #tpu.memory_space<vmem>>, vector<256x256xf32>
    tpu.vector_store %arg10[%swap3A_301, %swap3A_302], %add3A_300 {strides = array<i32>} : memref<256x4096xf32, #tpu.memory_space<vmem>>, vector<256x256xf32>,
    %add3A_304 = arith.addf %get3A_296, %get3A_299 : vector<256x256xf32>
    %swap3A_305 = arith.constant 0 : index
    %swap3A_306 = arith.constant 0 : index
    %swap3A_307 = vector.load %arg11[%swap3A_305, %swap3A_306] : memref<256x4096xf32, #tpu.memory_space<vmem>>, vector<256x256xf32>
    tpu.vector_store %arg11[%swap3A_305, %swap3A_306], %add3A_304 {strides = array<i32>} : memref<256x4096xf32, #tpu.memory_space<vmem>>, vector<256x256xf32>,
    %sub3A_308 = arith.subf %get3A_290, %get3A_293 : vector<256x256xf32>
    %sub3A_309 = arith.subf %get3A_296, %get3A_299 : vector<256x256xf32>
    %mul3A_310 = vector.broadcast %get3A_284 : vector<1x256xf32> to vector<256x256xf32>
    %mul3A_311 = arith.mulf %sub3A_308, %mul3A_310 : vector<256x256xf32>
    %mul3A_312 = vector.broadcast %get3A_287 : vector<1x256xf32> to vector<256x256xf32>
    %mul3A_313 = arith.mulf %sub3A_309, %mul3A_312 : vector<256x256xf32>
    %sub3A_314 = arith.subf %mul3A_311, %mul3A_313 : vector<256x256xf32>
    %swap3A_315 = arith.constant 0 : index
    %swap3A_316 = arith.constant 256 : index
    %swap3A_317 = vector.load %arg10[%swap3A_315, %swap3A_316] : memref<256x4096xf32, #tpu.memory_space<vmem>>, vector<256x256xf32>
    tpu.vector_store %arg10[%swap3A_315, %swap3A_316], %sub3A_314 {strides = array<i32>} : memref<256x4096xf32, #tpu.memory_space<vmem>>, vector<256x256xf32>,
    %mul3A_318 = vector.broadcast %get3A_287 : vector<1x256xf32> to vector<256x256xf32>
    %mul3A_319 = arith.mulf %sub3A_308, %mul3A_318 : vector<256x256xf32>
    %mul3A_320 = vector.broadcast %get3A_284 : vector<1x256xf32> to vector<256x256xf32>
    %mul3A_321 = arith.mulf %sub3A_309, %mul3A_320 : vector<256x256xf32>
    %add3A_322 = arith.addf %mul3A_319, %mul3A_321 : vector<256x256xf32>
    %swap3A_323 = arith.constant 0 : index
    %swap3A_324 = arith.constant 256 : index
    %swap3A_325 = vector.load %arg11[%swap3A_323, %swap3A_324] : memref<256x4096xf32, #tpu.memory_space<vmem>>, vector<256x256xf32>
    tpu.vector_store %arg11[%swap3A_323, %swap3A_324], %add3A_322 {strides = array<i32>} : memref<256x4096xf32, #tpu.memory_space<vmem>>, vector<256x256xf32>,
    %get3A_326 = arith.constant 0 : index
    %get3A_327 = arith.constant 512 : index
    %get3A_328 = vector.load %arg10[%get3A_326, %get3A_327] : memref<256x4096xf32, #tpu.memory_space<vmem>>, vector<256x256xf32>
    %get3A_329 = arith.constant 0 : index
    %get3A_330 = arith.constant 768 : index
    %get3A_331 = vector.load %arg10[%get3A_329, %get3A_330] : memref<256x4096xf32, #tpu.memory_space<vmem>>, vector<256x256xf32>
    %get3A_332 = arith.constant 0 : index
    %get3A_333 = arith.constant 512 : index
    %get3A_334 = vector.load %arg11[%get3A_332, %get3A_333] : memref<256x4096xf32, #tpu.memory_space<vmem>>, vector<256x256xf32>
    %get3A_335 = arith.constant 0 : index
    %get3A_336 = arith.constant 768 : index
    %get3A_337 = vector.load %arg11[%get3A_335, %get3A_336] : memref<256x4096xf32, #tpu.memory_space<vmem>>, vector<256x256xf32>
    %add3A_338 = arith.addf %get3A_328, %get3A_331 : vector<256x256xf32>
    %swap3A_339 = arith.constant 0 : index
    %swap3A_340 = arith.constant 512 : index
    %swap3A_341 = vector.load %arg10[%swap3A_339, %swap3A_340] : memref<256x4096xf32, #tpu.memory_space<vmem>>, vector<256x256xf32>
    tpu.vector_store %arg10[%swap3A_339, %swap3A_340], %add3A_338 {strides = array<i32>} : memref<256x4096xf32, #tpu.memory_space<vmem>>, vector<256x256xf32>,
    %add3A_342 = arith.addf %get3A_334, %get3A_337 : vector<256x256xf32>
    %swap3A_343 = arith.constant 0 : index
    %swap3A_344 = arith.constant 512 : index
    %swap3A_345 = vector.load %arg11[%swap3A_343, %swap3A_344] : memref<256x4096xf32, #tpu.memory_space<vmem>>, vector<256x256xf32>
    tpu.vector_store %arg11[%swap3A_343, %swap3A_344], %add3A_342 {strides = array<i32>} : memref<256x4096xf32, #tpu.memory_space<vmem>>, vector<256x256xf32>,
    %sub3A_346 = arith.subf %get3A_328, %get3A_331 : vector<256x256xf32>
    %sub3A_347 = arith.subf %get3A_334, %get3A_337 : vector<256x256xf32>
    %mul3A_348 = vector.broadcast %get3A_284 : vector<1x256xf32> to vector<256x256xf32>
    %mul3A_349 = arith.mulf %sub3A_346, %mul3A_348 : vector<256x256xf32>
    %mul3A_350 = vector.broadcast %get3A_287 : vector<1x256xf32> to vector<256x256xf32>
    %mul3A_351 = arith.mulf %sub3A_347, %mul3A_350 : vector<256x256xf32>
    %sub3A_352 = arith.subf %mul3A_349, %mul3A_351 : vector<256x256xf32>
    %swap3A_353 = arith.constant 0 : index
    %swap3A_354 = arith.constant 768 : index
    %swap3A_355 = vector.load %arg10[%swap3A_353, %swap3A_354] : memref<256x4096xf32, #tpu.memory_space<vmem>>, vector<256x256xf32>
    tpu.vector_store %arg10[%swap3A_353, %swap3A_354], %sub3A_352 {strides = array<i32>} : memref<256x4096xf32, #tpu.memory_space<vmem>>, vector<256x256xf32>,
    %mul3A_356 = vector.broadcast %get3A_287 : vector<1x256xf32> to vector<256x256xf32>
    %mul3A_357 = arith.mulf %sub3A_346, %mul3A_356 : vector<256x256xf32>
    %mul3A_358 = vector.broadcast %get3A_284 : vector<1x256xf32> to vector<256x256xf32>
    %mul3A_359 = arith.mulf %sub3A_347, %mul3A_358 : vector<256x256xf32>
    %add3A_360 = arith.addf %mul3A_357, %mul3A_359 : vector<256x256xf32>
    %swap3A_361 = arith.constant 0 : index
    %swap3A_362 = arith.constant 768 : index
    %swap3A_363 = vector.load %arg11[%swap3A_361, %swap3A_362] : memref<256x4096xf32, #tpu.memory_space<vmem>>, vector<256x256xf32>
    tpu.vector_store %arg11[%swap3A_361, %swap3A_362], %add3A_360 {strides = array<i32>} : memref<256x4096xf32, #tpu.memory_space<vmem>>, vector<256x256xf32>,
    %get3A_364 = arith.constant 0 : index
    %get3A_365 = arith.constant 1024 : index
    %get3A_366 = vector.load %arg10[%get3A_364, %get3A_365] : memref<256x4096xf32, #tpu.memory_space<vmem>>, vector<256x256xf32>
    %get3A_367 = arith.constant 0 : index
    %get3A_368 = arith.constant 1280 : index
    %get3A_369 = vector.load %arg10[%get3A_367, %get3A_368] : memref<256x4096xf32, #tpu.memory_space<vmem>>, vector<256x256xf32>
    %get3A_370 = arith.constant 0 : index
    %get3A_371 = arith.constant 1024 : index
    %get3A_372 = vector.load %arg11[%get3A_370, %get3A_371] : memref<256x4096xf32, #tpu.memory_space<vmem>>, vector<256x256xf32>
    %get3A_373 = arith.constant 0 : index
    %get3A_374 = arith.constant 1280 : index
    %get3A_375 = vector.load %arg11[%get3A_373, %get3A_374] : memref<256x4096xf32, #tpu.memory_space<vmem>>, vector<256x256xf32>
    %add3A_376 = arith.addf %get3A_366, %get3A_369 : vector<256x256xf32>
    %swap3A_377 = arith.constant 0 : index
    %swap3A_378 = arith.constant 1024 : index
    %swap3A_379 = vector.load %arg10[%swap3A_377, %swap3A_378] : memref<256x4096xf32, #tpu.memory_space<vmem>>, vector<256x256xf32>
    tpu.vector_store %arg10[%swap3A_377, %swap3A_378], %add3A_376 {strides = array<i32>} : memref<256x4096xf32, #tpu.memory_space<vmem>>, vector<256x256xf32>,
    %add3A_380 = arith.addf %get3A_372, %get3A_375 : vector<256x256xf32>
    %swap3A_381 = arith.constant 0 : index
    %swap3A_382 = arith.constant 1024 : index
    %swap3A_383 = vector.load %arg11[%swap3A_381, %swap3A_382] : memref<256x4096xf32, #tpu.memory_space<vmem>>, vector<256x256xf32>
    tpu.vector_store %arg11[%swap3A_381, %swap3A_382], %add3A_380 {strides = array<i32>} : memref<256x4096xf32, #tpu.memory_space<vmem>>, vector<256x256xf32>,
    %sub3A_384 = arith.subf %get3A_366, %get3A_369 : vector<256x256xf32>
    %sub3A_385 = arith.subf %get3A_372, %get3A_375 : vector<256x256xf32>
    %mul3A_386 = vector.broadcast %get3A_284 : vector<1x256xf32> to vector<256x256xf32>
    %mul3A_387 = arith.mulf %sub3A_384, %mul3A_386 : vector<256x256xf32>
    %mul3A_388 = vector.broadcast %get3A_287 : vector<1x256xf32> to vector<256x256xf32>
    %mul3A_389 = arith.mulf %sub3A_385, %mul3A_388 : vector<256x256xf32>
    %sub3A_390 = arith.subf %mul3A_387, %mul3A_389 : vector<256x256xf32>
    %swap3A_391 = arith.constant 0 : index
    %swap3A_392 = arith.constant 1280 : index
    %swap3A_393 = vector.load %arg10[%swap3A_391, %swap3A_392] : memref<256x4096xf32, #tpu.memory_space<vmem>>, vector<256x256xf32>
    tpu.vector_store %arg10[%swap3A_391, %swap3A_392], %sub3A_390 {strides = array<i32>} : memref<256x4096xf32, #tpu.memory_space<vmem>>, vector<256x256xf32>,
    %mul3A_394 = vector.broadcast %get3A_287 : vector<1x256xf32> to vector<256x256xf32>
    %mul3A_395 = arith.mulf %sub3A_384, %mul3A_394 : vector<256x256xf32>
    %mul3A_396 = vector.broadcast %get3A_284 : vector<1x256xf32> to vector<256x256xf32>
    %mul3A_397 = arith.mulf %sub3A_385, %mul3A_396 : vector<256x256xf32>
    %add3A_398 = arith.addf %mul3A_395, %mul3A_397 : vector<256x256xf32>
    %swap3A_399 = arith.constant 0 : index
    %swap3A_400 = arith.constant 1280 : index
    %swap3A_401 = vector.load %arg11[%swap3A_399, %swap3A_400] : memref<256x4096xf32, #tpu.memory_space<vmem>>, vector<256x256xf32>
    tpu.vector_store %arg11[%swap3A_399, %swap3A_400], %add3A_398 {strides = array<i32>} : memref<256x4096xf32, #tpu.memory_space<vmem>>, vector<256x256xf32>,
    %get3A_402 = arith.constant 0 : index
    %get3A_403 = arith.constant 1536 : index
    %get3A_404 = vector.load %arg10[%get3A_402, %get3A_403] : memref<256x4096xf32, #tpu.memory_space<vmem>>, vector<256x256xf32>
    %get3A_405 = arith.constant 0 : index
    %get3A_406 = arith.constant 1792 : index
    %get3A_407 = vector.load %arg10[%get3A_405, %get3A_406] : memref<256x4096xf32, #tpu.memory_space<vmem>>, vector<256x256xf32>
    %get3A_408 = arith.constant 0 : index
    %get3A_409 = arith.constant 1536 : index
    %get3A_410 = vector.load %arg11[%get3A_408, %get3A_409] : memref<256x4096xf32, #tpu.memory_space<vmem>>, vector<256x256xf32>
    %get3A_411 = arith.constant 0 : index
    %get3A_412 = arith.constant 1792 : index
    %get3A_413 = vector.load %arg11[%get3A_411, %get3A_412] : memref<256x4096xf32, #tpu.memory_space<vmem>>, vector<256x256xf32>
    %add3A_414 = arith.addf %get3A_404, %get3A_407 : vector<256x256xf32>
    %swap3A_415 = arith.constant 0 : index
    %swap3A_416 = arith.constant 1536 : index
    %swap3A_417 = vector.load %arg10[%swap3A_415, %swap3A_416] : memref<256x4096xf32, #tpu.memory_space<vmem>>, vector<256x256xf32>
    tpu.vector_store %arg10[%swap3A_415, %swap3A_416], %add3A_414 {strides = array<i32>} : memref<256x4096xf32, #tpu.memory_space<vmem>>, vector<256x256xf32>,
    %add3A_418 = arith.addf %get3A_410, %get3A_413 : vector<256x256xf32>
    %swap3A_419 = arith.constant 0 : index
    %swap3A_420 = arith.constant 1536 : index
    %swap3A_421 = vector.load %arg11[%swap3A_419, %swap3A_420] : memref<256x4096xf32, #tpu.memory_space<vmem>>, vector<256x256xf32>
    tpu.vector_store %arg11[%swap3A_419, %swap3A_420], %add3A_418 {strides = array<i32>} : memref<256x4096xf32, #tpu.memory_space<vmem>>, vector<256x256xf32>,
    %sub3A_422 = arith.subf %get3A_404, %get3A_407 : vector<256x256xf32>
    %sub3A_423 = arith.subf %get3A_410, %get3A_413 : vector<256x256xf32>
    %mul3A_424 = vector.broadcast %get3A_284 : vector<1x256xf32> to vector<256x256xf32>
    %mul3A_425 = arith.mulf %sub3A_422, %mul3A_424 : vector<256x256xf32>
    %mul3A_426 = vector.broadcast %get3A_287 : vector<1x256xf32> to vector<256x256xf32>
    %mul3A_427 = arith.mulf %sub3A_423, %mul3A_426 : vector<256x256xf32>
    %sub3A_428 = arith.subf %mul3A_425, %mul3A_427 : vector<256x256xf32>
    %swap3A_429 = arith.constant 0 : index
    %swap3A_430 = arith.constant 1792 : index
    %swap3A_431 = vector.load %arg10[%swap3A_429, %swap3A_430] : memref<256x4096xf32, #tpu.memory_space<vmem>>, vector<256x256xf32>
    tpu.vector_store %arg10[%swap3A_429, %swap3A_430], %sub3A_428 {strides = array<i32>} : memref<256x4096xf32, #tpu.memory_space<vmem>>, vector<256x256xf32>,
    %mul3A_432 = vector.broadcast %get3A_287 : vector<1x256xf32> to vector<256x256xf32>
    %mul3A_433 = arith.mulf %sub3A_422, %mul3A_432 : vector<256x256xf32>
    %mul3A_434 = vector.broadcast %get3A_284 : vector<1x256xf32> to vector<256x256xf32>
    %mul3A_435 = arith.mulf %sub3A_423, %mul3A_434 : vector<256x256xf32>
    %add3A_436 = arith.addf %mul3A_433, %mul3A_435 : vector<256x256xf32>
    %swap3A_437 = arith.constant 0 : index
    %swap3A_438 = arith.constant 1792 : index
    %swap3A_439 = vector.load %arg11[%swap3A_437, %swap3A_438] : memref<256x4096xf32, #tpu.memory_space<vmem>>, vector<256x256xf32>
    tpu.vector_store %arg11[%swap3A_437, %swap3A_438], %add3A_436 {strides = array<i32>} : memref<256x4096xf32, #tpu.memory_space<vmem>>, vector<256x256xf32>,
    %get3A_440 = arith.constant 0 : index
    %get3A_441 = arith.constant 2048 : index
    %get3A_442 = vector.load %arg10[%get3A_440, %get3A_441] : memref<256x4096xf32, #tpu.memory_space<vmem>>, vector<256x256xf32>
    %get3A_443 = arith.constant 0 : index
    %get3A_444 = arith.constant 2304 : index
    %get3A_445 = vector.load %arg10[%get3A_443, %get3A_444] : memref<256x4096xf32, #tpu.memory_space<vmem>>, vector<256x256xf32>
    %get3A_446 = arith.constant 0 : index
    %get3A_447 = arith.constant 2048 : index
    %get3A_448 = vector.load %arg11[%get3A_446, %get3A_447] : memref<256x4096xf32, #tpu.memory_space<vmem>>, vector<256x256xf32>
    %get3A_449 = arith.constant 0 : index
    %get3A_450 = arith.constant 2304 : index
    %get3A_451 = vector.load %arg11[%get3A_449, %get3A_450] : memref<256x4096xf32, #tpu.memory_space<vmem>>, vector<256x256xf32>
    %add3A_452 = arith.addf %get3A_442, %get3A_445 : vector<256x256xf32>
    %swap3A_453 = arith.constant 0 : index
    %swap3A_454 = arith.constant 2048 : index
    %swap3A_455 = vector.load %arg10[%swap3A_453, %swap3A_454] : memref<256x4096xf32, #tpu.memory_space<vmem>>, vector<256x256xf32>
    tpu.vector_store %arg10[%swap3A_453, %swap3A_454], %add3A_452 {strides = array<i32>} : memref<256x4096xf32, #tpu.memory_space<vmem>>, vector<256x256xf32>,
    %add3A_456 = arith.addf %get3A_448, %get3A_451 : vector<256x256xf32>
    %swap3A_457 = arith.constant 0 : index
    %swap3A_458 = arith.constant 2048 : index
    %swap3A_459 = vector.load %arg11[%swap3A_457, %swap3A_458] : memref<256x4096xf32, #tpu.memory_space<vmem>>, vector<256x256xf32>
    tpu.vector_store %arg11[%swap3A_457, %swap3A_458], %add3A_456 {strides = array<i32>} : memref<256x4096xf32, #tpu.memory_space<vmem>>, vector<256x256xf32>,
    %sub3A_460 = arith.subf %get3A_442, %get3A_445 : vector<256x256xf32>
    %sub3A_461 = arith.subf %get3A_448, %get3A_451 : vector<256x256xf32>
    %mul3A_462 = vector.broadcast %get3A_284 : vector<1x256xf32> to vector<256x256xf32>
    %mul3A_463 = arith.mulf %sub3A_460, %mul3A_462 : vector<256x256xf32>
    %mul3A_464 = vector.broadcast %get3A_287 : vector<1x256xf32> to vector<256x256xf32>
    %mul3A_465 = arith.mulf %sub3A_461, %mul3A_464 : vector<256x256xf32>
    %sub3A_466 = arith.subf %mul3A_463, %mul3A_465 : vector<256x256xf32>
    %swap3A_467 = arith.constant 0 : index
    %swap3A_468 = arith.constant 2304 : index
    %swap3A_469 = vector.load %arg10[%swap3A_467, %swap3A_468] : memref<256x4096xf32, #tpu.memory_space<vmem>>, vector<256x256xf32>
    tpu.vector_store %arg10[%swap3A_467, %swap3A_468], %sub3A_466 {strides = array<i32>} : memref<256x4096xf32, #tpu.memory_space<vmem>>, vector<256x256xf32>,
    %mul3A_470 = vector.broadcast %get3A_287 : vector<1x256xf32> to vector<256x256xf32>
    %mul3A_471 = arith.mulf %sub3A_460, %mul3A_470 : vector<256x256xf32>
    %mul3A_472 = vector.broadcast %get3A_284 : vector<1x256xf32> to vector<256x256xf32>
    %mul3A_473 = arith.mulf %sub3A_461, %mul3A_472 : vector<256x256xf32>
    %add3A_474 = arith.addf %mul3A_471, %mul3A_473 : vector<256x256xf32>
    %swap3A_475 = arith.constant 0 : index
    %swap3A_476 = arith.constant 2304 : index
    %swap3A_477 = vector.load %arg11[%swap3A_475, %swap3A_476] : memref<256x4096xf32, #tpu.memory_space<vmem>>, vector<256x256xf32>
    tpu.vector_store %arg11[%swap3A_475, %swap3A_476], %add3A_474 {strides = array<i32>} : memref<256x4096xf32, #tpu.memory_space<vmem>>, vector<256x256xf32>,
    %get3A_478 = arith.constant 0 : index
    %get3A_479 = arith.constant 2560 : index
    %get3A_480 = vector.load %arg10[%get3A_478, %get3A_479] : memref<256x4096xf32, #tpu.memory_space<vmem>>, vector<256x256xf32>
    %get3A_481 = arith.constant 0 : index
    %get3A_482 = arith.constant 2816 : index
    %get3A_483 = vector.load %arg10[%get3A_481, %get3A_482] : memref<256x4096xf32, #tpu.memory_space<vmem>>, vector<256x256xf32>
    %get3A_484 = arith.constant 0 : index
    %get3A_485 = arith.constant 2560 : index
    %get3A_486 = vector.load %arg11[%get3A_484, %get3A_485] : memref<256x4096xf32, #tpu.memory_space<vmem>>, vector<256x256xf32>
    %get3A_487 = arith.constant 0 : index
    %get3A_488 = arith.constant 2816 : index
    %get3A_489 = vector.load %arg11[%get3A_487, %get3A_488] : memref<256x4096xf32, #tpu.memory_space<vmem>>, vector<256x256xf32>
    %add3A_490 = arith.addf %get3A_480, %get3A_483 : vector<256x256xf32>
    %swap3A_491 = arith.constant 0 : index
    %swap3A_492 = arith.constant 2560 : index
    %swap3A_493 = vector.load %arg10[%swap3A_491, %swap3A_492] : memref<256x4096xf32, #tpu.memory_space<vmem>>, vector<256x256xf32>
    tpu.vector_store %arg10[%swap3A_491, %swap3A_492], %add3A_490 {strides = array<i32>} : memref<256x4096xf32, #tpu.memory_space<vmem>>, vector<256x256xf32>,
    %add3A_494 = arith.addf %get3A_486, %get3A_489 : vector<256x256xf32>
    %swap3A_495 = arith.constant 0 : index
    %swap3A_496 = arith.constant 2560 : index
    %swap3A_497 = vector.load %arg11[%swap3A_495, %swap3A_496] : memref<256x4096xf32, #tpu.memory_space<vmem>>, vector<256x256xf32>
    tpu.vector_store %arg11[%swap3A_495, %swap3A_496], %add3A_494 {strides = array<i32>} : memref<256x4096xf32, #tpu.memory_space<vmem>>, vector<256x256xf32>,
    %sub3A_498 = arith.subf %get3A_480, %get3A_483 : vector<256x256xf32>
    %sub3A_499 = arith.subf %get3A_486, %get3A_489 : vector<256x256xf32>
    %mul3A_500 = vector.broadcast %get3A_284 : vector<1x256xf32> to vector<256x256xf32>
    %mul3A_501 = arith.mulf %sub3A_498, %mul3A_500 : vector<256x256xf32>
    %mul3A_502 = vector.broadcast %get3A_287 : vector<1x256xf32> to vector<256x256xf32>
    %mul3A_503 = arith.mulf %sub3A_499, %mul3A_502 : vector<256x256xf32>
    %sub3A_504 = arith.subf %mul3A_501, %mul3A_503 : vector<256x256xf32>
    %swap3A_505 = arith.constant 0 : index
    %swap3A_506 = arith.constant 2816 : index
    %swap3A_507 = vector.load %arg10[%swap3A_505, %swap3A_506] : memref<256x4096xf32, #tpu.memory_space<vmem>>, vector<256x256xf32>
    tpu.vector_store %arg10[%swap3A_505, %swap3A_506], %sub3A_504 {strides = array<i32>} : memref<256x4096xf32, #tpu.memory_space<vmem>>, vector<256x256xf32>,
    %mul3A_508 = vector.broadcast %get3A_287 : vector<1x256xf32> to vector<256x256xf32>
    %mul3A_509 = arith.mulf %sub3A_498, %mul3A_508 : vector<256x256xf32>
    %mul3A_510 = vector.broadcast %get3A_284 : vector<1x256xf32> to vector<256x256xf32>
    %mul3A_511 = arith.mulf %sub3A_499, %mul3A_510 : vector<256x256xf32>
    %add3A_512 = arith.addf %mul3A_509, %mul3A_511 : vector<256x256xf32>
    %swap3A_513 = arith.constant 0 : index
    %swap3A_514 = arith.constant 2816 : index
    %swap3A_515 = vector.load %arg11[%swap3A_513, %swap3A_514] : memref<256x4096xf32, #tpu.memory_space<vmem>>, vector<256x256xf32>
    tpu.vector_store %arg11[%swap3A_513, %swap3A_514], %add3A_512 {strides = array<i32>} : memref<256x4096xf32, #tpu.memory_space<vmem>>, vector<256x256xf32>,
    %get3A_516 = arith.constant 0 : index
    %get3A_517 = arith.constant 3072 : index
    %get3A_518 = vector.load %arg10[%get3A_516, %get3A_517] : memref<256x4096xf32, #tpu.memory_space<vmem>>, vector<256x256xf32>
    %get3A_519 = arith.constant 0 : index
    %get3A_520 = arith.constant 3328 : index
    %get3A_521 = vector.load %arg10[%get3A_519, %get3A_520] : memref<256x4096xf32, #tpu.memory_space<vmem>>, vector<256x256xf32>
    %get3A_522 = arith.constant 0 : index
    %get3A_523 = arith.constant 3072 : index
    %get3A_524 = vector.load %arg11[%get3A_522, %get3A_523] : memref<256x4096xf32, #tpu.memory_space<vmem>>, vector<256x256xf32>
    %get3A_525 = arith.constant 0 : index
    %get3A_526 = arith.constant 3328 : index
    %get3A_527 = vector.load %arg11[%get3A_525, %get3A_526] : memref<256x4096xf32, #tpu.memory_space<vmem>>, vector<256x256xf32>
    %add3A_528 = arith.addf %get3A_518, %get3A_521 : vector<256x256xf32>
    %swap3A_529 = arith.constant 0 : index
    %swap3A_530 = arith.constant 3072 : index
    %swap3A_531 = vector.load %arg10[%swap3A_529, %swap3A_530] : memref<256x4096xf32, #tpu.memory_space<vmem>>, vector<256x256xf32>
    tpu.vector_store %arg10[%swap3A_529, %swap3A_530], %add3A_528 {strides = array<i32>} : memref<256x4096xf32, #tpu.memory_space<vmem>>, vector<256x256xf32>,
    %add3A_532 = arith.addf %get3A_524, %get3A_527 : vector<256x256xf32>
    %swap3A_533 = arith.constant 0 : index
    %swap3A_534 = arith.constant 3072 : index
    %swap3A_535 = vector.load %arg11[%swap3A_533, %swap3A_534] : memref<256x4096xf32, #tpu.memory_space<vmem>>, vector<256x256xf32>
    tpu.vector_store %arg11[%swap3A_533, %swap3A_534], %add3A_532 {strides = array<i32>} : memref<256x4096xf32, #tpu.memory_space<vmem>>, vector<256x256xf32>,
    %sub3A_536 = arith.subf %get3A_518, %get3A_521 : vector<256x256xf32>
    %sub3A_537 = arith.subf %get3A_524, %get3A_527 : vector<256x256xf32>
    %mul3A_538 = vector.broadcast %get3A_284 : vector<1x256xf32> to vector<256x256xf32>
    %mul3A_539 = arith.mulf %sub3A_536, %mul3A_538 : vector<256x256xf32>
    %mul3A_540 = vector.broadcast %get3A_287 : vector<1x256xf32> to vector<256x256xf32>
    %mul3A_541 = arith.mulf %sub3A_537, %mul3A_540 : vector<256x256xf32>
    %sub3A_542 = arith.subf %mul3A_539, %mul3A_541 : vector<256x256xf32>
    %swap3A_543 = arith.constant 0 : index
    %swap3A_544 = arith.constant 3328 : index
    %swap3A_545 = vector.load %arg10[%swap3A_543, %swap3A_544] : memref<256x4096xf32, #tpu.memory_space<vmem>>, vector<256x256xf32>
    tpu.vector_store %arg10[%swap3A_543, %swap3A_544], %sub3A_542 {strides = array<i32>} : memref<256x4096xf32, #tpu.memory_space<vmem>>, vector<256x256xf32>,
    %mul3A_546 = vector.broadcast %get3A_287 : vector<1x256xf32> to vector<256x256xf32>
    %mul3A_547 = arith.mulf %sub3A_536, %mul3A_546 : vector<256x256xf32>
    %mul3A_548 = vector.broadcast %get3A_284 : vector<1x256xf32> to vector<256x256xf32>
    %mul3A_549 = arith.mulf %sub3A_537, %mul3A_548 : vector<256x256xf32>
    %add3A_550 = arith.addf %mul3A_547, %mul3A_549 : vector<256x256xf32>
    %swap3A_551 = arith.constant 0 : index
    %swap3A_552 = arith.constant 3328 : index
    %swap3A_553 = vector.load %arg11[%swap3A_551, %swap3A_552] : memref<256x4096xf32, #tpu.memory_space<vmem>>, vector<256x256xf32>
    tpu.vector_store %arg11[%swap3A_551, %swap3A_552], %add3A_550 {strides = array<i32>} : memref<256x4096xf32, #tpu.memory_space<vmem>>, vector<256x256xf32>,
    %get3A_554 = arith.constant 0 : index
    %get3A_555 = arith.constant 3584 : index
    %get3A_556 = vector.load %arg10[%get3A_554, %get3A_555] : memref<256x4096xf32, #tpu.memory_space<vmem>>, vector<256x256xf32>
    %get3A_557 = arith.constant 0 : index
    %get3A_558 = arith.constant 3840 : index
    %get3A_559 = vector.load %arg10[%get3A_557, %get3A_558] : memref<256x4096xf32, #tpu.memory_space<vmem>>, vector<256x256xf32>
    %get3A_560 = arith.constant 0 : index
    %get3A_561 = arith.constant 3584 : index
    %get3A_562 = vector.load %arg11[%get3A_560, %get3A_561] : memref<256x4096xf32, #tpu.memory_space<vmem>>, vector<256x256xf32>
    %get3A_563 = arith.constant 0 : index
    %get3A_564 = arith.constant 3840 : index
    %get3A_565 = vector.load %arg11[%get3A_563, %get3A_564] : memref<256x4096xf32, #tpu.memory_space<vmem>>, vector<256x256xf32>
    %add3A_566 = arith.addf %get3A_556, %get3A_559 : vector<256x256xf32>
    %swap3A_567 = arith.constant 0 : index
    %swap3A_568 = arith.constant 3584 : index
    %swap3A_569 = vector.load %arg10[%swap3A_567, %swap3A_568] : memref<256x4096xf32, #tpu.memory_space<vmem>>, vector<256x256xf32>
    tpu.vector_store %arg10[%swap3A_567, %swap3A_568], %add3A_566 {strides = array<i32>} : memref<256x4096xf32, #tpu.memory_space<vmem>>, vector<256x256xf32>,
    %add3A_570 = arith.addf %get3A_562, %get3A_565 : vector<256x256xf32>
    %swap3A_571 = arith.constant 0 : index
    %swap3A_572 = arith.constant 3584 : index
    %swap3A_573 = vector.load %arg11[%swap3A_571, %swap3A_572] : memref<256x4096xf32, #tpu.memory_space<vmem>>, vector<256x256xf32>
    tpu.vector_store %arg11[%swap3A_571, %swap3A_572], %add3A_570 {strides = array<i32>} : memref<256x4096xf32, #tpu.memory_space<vmem>>, vector<256x256xf32>,
    %sub3A_574 = arith.subf %get3A_556, %get3A_559 : vector<256x256xf32>
    %sub3A_575 = arith.subf %get3A_562, %get3A_565 : vector<256x256xf32>
    %mul3A_576 = vector.broadcast %get3A_284 : vector<1x256xf32> to vector<256x256xf32>
    %mul3A_577 = arith.mulf %sub3A_574, %mul3A_576 : vector<256x256xf32>
    %mul3A_578 = vector.broadcast %get3A_287 : vector<1x256xf32> to vector<256x256xf32>
    %mul3A_579 = arith.mulf %sub3A_575, %mul3A_578 : vector<256x256xf32>
    %sub3A_580 = arith.subf %mul3A_577, %mul3A_579 : vector<256x256xf32>
    %swap3A_581 = arith.constant 0 : index
    %swap3A_582 = arith.constant 3840 : index
    %swap3A_583 = vector.load %arg10[%swap3A_581, %swap3A_582] : memref<256x4096xf32, #tpu.memory_space<vmem>>, vector<256x256xf32>
    tpu.vector_store %arg10[%swap3A_581, %swap3A_582], %sub3A_580 {strides = array<i32>} : memref<256x4096xf32, #tpu.memory_space<vmem>>, vector<256x256xf32>,
    %mul3A_584 = vector.broadcast %get3A_287 : vector<1x256xf32> to vector<256x256xf32>
    %mul3A_585 = arith.mulf %sub3A_574, %mul3A_584 : vector<256x256xf32>
    %mul3A_586 = vector.broadcast %get3A_284 : vector<1x256xf32> to vector<256x256xf32>
    %mul3A_587 = arith.mulf %sub3A_575, %mul3A_586 : vector<256x256xf32>
    %add3A_588 = arith.addf %mul3A_585, %mul3A_587 : vector<256x256xf32>
    %swap3A_589 = arith.constant 0 : index
    %swap3A_590 = arith.constant 3840 : index
    %swap3A_591 = vector.load %arg11[%swap3A_589, %swap3A_590] : memref<256x4096xf32, #tpu.memory_space<vmem>>, vector<256x256xf32>
    tpu.vector_store %arg11[%swap3A_589, %swap3A_590], %add3A_588 {strides = array<i32>} : memref<256x4096xf32, #tpu.memory_space<vmem>>, vector<256x256xf32>,
    %get3A_592 = arith.constant 0 : index
    %get3A_593 = arith.constant 0 : index
    %get3A_594 = vector.load %arg3[%get3A_592, %get3A_593] : memref<256x128xbf16, #tpu.memory_space<vmem>>, vector<256x128xbf16>
    %get3A_595 = arith.constant 0 : index
    %get3A_596 = arith.constant 0 : index
    %get3A_597 = vector.load %arg4[%get3A_595, %get3A_596] : memref<256x128xbf16, #tpu.memory_space<vmem>>, vector<256x128xbf16>
    %get3A_598 = arith.constant 0 : index
    %get3A_599 = arith.constant 0 : index
    %get3A_600 = vector.load %arg10[%get3A_598, %get3A_599] : memref<256x4096xf32, #tpu.memory_space<vmem>>, vector<256x256xf32>
    %convert_element_type3A = arith.truncf %get3A_600 : vector<256x256xf32> to vector<256x256xbf16>
    %get3A_601 = arith.constant 0 : index
    %get3A_602 = arith.constant 0 : index
    %get3A_603 = vector.load %arg11[%get3A_601, %get3A_602] : memref<256x4096xf32, #tpu.memory_space<vmem>>, vector<256x256xf32>
    %convert_element_type3A_604 = arith.truncf %get3A_603 : vector<256x256xf32> to vector<256x256xbf16>
    %dot_general3A = arith.constant dense<0.000000e+00> : vector<256x128xf32>
    %dot_general3A_605 = tpu.matmul %convert_element_type3A, %get3A_594, %dot_general3A {dimension_numbers = #tpu.dot_dimension_numbers<[1], [0], [0], [1], [0, 0, 1, 1], [], []>, transpose_lhs_hint = false} : vector<256x256xbf16>, vector<256x128xbf16>, vector<256x128xf32> -> vector<256x128xf32>
    %dot_general3A_606 = arith.constant dense<0.000000e+00> : vector<256x128xf32>
    %dot_general3A_607 = tpu.matmul %convert_element_type3A_604, %get3A_597, %dot_general3A_606 {dimension_numbers = #tpu.dot_dimension_numbers<[1], [0], [0], [1], [0, 0, 1, 1], [], []>, transpose_lhs_hint = false} : vector<256x256xbf16>, vector<256x128xbf16>, vector<256x128xf32> -> vector<256x128xf32>
    %add3A_608 = arith.addf %dot_general3A_605, %dot_general3A_607 : vector<256x128xf32>
    %dot_general3A_609 = arith.constant dense<0.000000e+00> : vector<256x128xf32>
    %dot_general3A_610 = tpu.matmul %convert_element_type3A_604, %get3A_594, %dot_general3A_609 {dimension_numbers = #tpu.dot_dimension_numbers<[1], [0], [0], [1], [0, 0, 1, 1], [], []>, transpose_lhs_hint = false} : vector<256x256xbf16>, vector<256x128xbf16>, vector<256x128xf32> -> vector<256x128xf32>
    %dot_general3A_611 = arith.constant dense<0.000000e+00> : vector<256x128xf32>
    %dot_general3A_612 = tpu.matmul %convert_element_type3A, %get3A_597, %dot_general3A_611 {dimension_numbers = #tpu.dot_dimension_numbers<[1], [0], [0], [1], [0, 0, 1, 1], [], []>, transpose_lhs_hint = false} : vector<256x256xbf16>, vector<256x128xbf16>, vector<256x128xf32> -> vector<256x128xf32>
    %sub3A_613 = arith.subf %dot_general3A_610, %dot_general3A_612 : vector<256x128xf32>
    %mul3A_614 = arith.mulf %add3A_608, %add3A_608 : vector<256x128xf32>
    %mul3A_615 = arith.mulf %sub3A_613, %sub3A_613 : vector<256x128xf32>
    %add3A_616 = arith.addf %mul3A_614, %mul3A_615 : vector<256x128xf32>
    %swap3A_617 = arith.constant 0 : index
    %swap3A_618 = arith.constant 0 : index
    %swap3A_619 = vector.load %arg12[%swap3A_617, %swap3A_618] : memref<256x2176xf32, #tpu.memory_space<vmem>>, vector<256x128xf32>
    tpu.vector_store %arg12[%swap3A_617, %swap3A_618], %add3A_616 {strides = array<i32>} : memref<256x2176xf32, #tpu.memory_space<vmem>>, vector<256x128xf32>,
    %get3A_620 = arith.constant 0 : index
    %get3A_621 = arith.constant 256 : index
    %get3A_622 = vector.load %arg10[%get3A_620, %get3A_621] : memref<256x4096xf32, #tpu.memory_space<vmem>>, vector<256x256xf32>
    %convert_element_type3A_623 = arith.truncf %get3A_622 : vector<256x256xf32> to vector<256x256xbf16>
    %get3A_624 = arith.constant 0 : index
    %get3A_625 = arith.constant 256 : index
    %get3A_626 = vector.load %arg11[%get3A_624, %get3A_625] : memref<256x4096xf32, #tpu.memory_space<vmem>>, vector<256x256xf32>
    %convert_element_type3A_627 = arith.truncf %get3A_626 : vector<256x256xf32> to vector<256x256xbf16>
    %dot_general3A_628 = arith.constant dense<0.000000e+00> : vector<256x128xf32>
    %dot_general3A_629 = tpu.matmul %convert_element_type3A_623, %get3A_594, %dot_general3A_628 {dimension_numbers = #tpu.dot_dimension_numbers<[1], [0], [0], [1], [0, 0, 1, 1], [], []>, transpose_lhs_hint = false} : vector<256x256xbf16>, vector<256x128xbf16>, vector<256x128xf32> -> vector<256x128xf32>
    %dot_general3A_630 = arith.constant dense<0.000000e+00> : vector<256x128xf32>
    %dot_general3A_631 = tpu.matmul %convert_element_type3A_627, %get3A_597, %dot_general3A_630 {dimension_numbers = #tpu.dot_dimension_numbers<[1], [0], [0], [1], [0, 0, 1, 1], [], []>, transpose_lhs_hint = false} : vector<256x256xbf16>, vector<256x128xbf16>, vector<256x128xf32> -> vector<256x128xf32>
    %add3A_632 = arith.addf %dot_general3A_629, %dot_general3A_631 : vector<256x128xf32>
    %dot_general3A_633 = arith.constant dense<0.000000e+00> : vector<256x128xf32>
    %dot_general3A_634 = tpu.matmul %convert_element_type3A_627, %get3A_594, %dot_general3A_633 {dimension_numbers = #tpu.dot_dimension_numbers<[1], [0], [0], [1], [0, 0, 1, 1], [], []>, transpose_lhs_hint = false} : vector<256x256xbf16>, vector<256x128xbf16>, vector<256x128xf32> -> vector<256x128xf32>
    %dot_general3A_635 = arith.constant dense<0.000000e+00> : vector<256x128xf32>
    %dot_general3A_636 = tpu.matmul %convert_element_type3A_623, %get3A_597, %dot_general3A_635 {dimension_numbers = #tpu.dot_dimension_numbers<[1], [0], [0], [1], [0, 0, 1, 1], [], []>, transpose_lhs_hint = false} : vector<256x256xbf16>, vector<256x128xbf16>, vector<256x128xf32> -> vector<256x128xf32>
    %sub3A_637 = arith.subf %dot_general3A_634, %dot_general3A_636 : vector<256x128xf32>
    %mul3A_638 = arith.mulf %add3A_632, %add3A_632 : vector<256x128xf32>
    %mul3A_639 = arith.mulf %sub3A_637, %sub3A_637 : vector<256x128xf32>
    %add3A_640 = arith.addf %mul3A_638, %mul3A_639 : vector<256x128xf32>
    %swap3A_641 = arith.constant 0 : index
    %swap3A_642 = arith.constant 128 : index
    %swap3A_643 = vector.load %arg12[%swap3A_641, %swap3A_642] : memref<256x2176xf32, #tpu.memory_space<vmem>>, vector<256x128xf32>
    tpu.vector_store %arg12[%swap3A_641, %swap3A_642], %add3A_640 {strides = array<i32>} : memref<256x2176xf32, #tpu.memory_space<vmem>>, vector<256x128xf32>,
    %get3A_644 = arith.constant 0 : index
    %get3A_645 = arith.constant 512 : index
    %get3A_646 = vector.load %arg10[%get3A_644, %get3A_645] : memref<256x4096xf32, #tpu.memory_space<vmem>>, vector<256x256xf32>
    %convert_element_type3A_647 = arith.truncf %get3A_646 : vector<256x256xf32> to vector<256x256xbf16>
    %get3A_648 = arith.constant 0 : index
    %get3A_649 = arith.constant 512 : index
    %get3A_650 = vector.load %arg11[%get3A_648, %get3A_649] : memref<256x4096xf32, #tpu.memory_space<vmem>>, vector<256x256xf32>
    %convert_element_type3A_651 = arith.truncf %get3A_650 : vector<256x256xf32> to vector<256x256xbf16>
    %dot_general3A_652 = arith.constant dense<0.000000e+00> : vector<256x128xf32>
    %dot_general3A_653 = tpu.matmul %convert_element_type3A_647, %get3A_594, %dot_general3A_652 {dimension_numbers = #tpu.dot_dimension_numbers<[1], [0], [0], [1], [0, 0, 1, 1], [], []>, transpose_lhs_hint = false} : vector<256x256xbf16>, vector<256x128xbf16>, vector<256x128xf32> -> vector<256x128xf32>
    %dot_general3A_654 = arith.constant dense<0.000000e+00> : vector<256x128xf32>
    %dot_general3A_655 = tpu.matmul %convert_element_type3A_651, %get3A_597, %dot_general3A_654 {dimension_numbers = #tpu.dot_dimension_numbers<[1], [0], [0], [1], [0, 0, 1, 1], [], []>, transpose_lhs_hint = false} : vector<256x256xbf16>, vector<256x128xbf16>, vector<256x128xf32> -> vector<256x128xf32>
    %add3A_656 = arith.addf %dot_general3A_653, %dot_general3A_655 : vector<256x128xf32>
    %dot_general3A_657 = arith.constant dense<0.000000e+00> : vector<256x128xf32>
    %dot_general3A_658 = tpu.matmul %convert_element_type3A_651, %get3A_594, %dot_general3A_657 {dimension_numbers = #tpu.dot_dimension_numbers<[1], [0], [0], [1], [0, 0, 1, 1], [], []>, transpose_lhs_hint = false} : vector<256x256xbf16>, vector<256x128xbf16>, vector<256x128xf32> -> vector<256x128xf32>
    %dot_general3A_659 = arith.constant dense<0.000000e+00> : vector<256x128xf32>
    %dot_general3A_660 = tpu.matmul %convert_element_type3A_647, %get3A_597, %dot_general3A_659 {dimension_numbers = #tpu.dot_dimension_numbers<[1], [0], [0], [1], [0, 0, 1, 1], [], []>, transpose_lhs_hint = false} : vector<256x256xbf16>, vector<256x128xbf16>, vector<256x128xf32> -> vector<256x128xf32>
    %sub3A_661 = arith.subf %dot_general3A_658, %dot_general3A_660 : vector<256x128xf32>
    %mul3A_662 = arith.mulf %add3A_656, %add3A_656 : vector<256x128xf32>
    %mul3A_663 = arith.mulf %sub3A_661, %sub3A_661 : vector<256x128xf32>
    %add3A_664 = arith.addf %mul3A_662, %mul3A_663 : vector<256x128xf32>
    %swap3A_665 = arith.constant 0 : index
    %swap3A_666 = arith.constant 256 : index
    %swap3A_667 = vector.load %arg12[%swap3A_665, %swap3A_666] : memref<256x2176xf32, #tpu.memory_space<vmem>>, vector<256x128xf32>
    tpu.vector_store %arg12[%swap3A_665, %swap3A_666], %add3A_664 {strides = array<i32>} : memref<256x2176xf32, #tpu.memory_space<vmem>>, vector<256x128xf32>,
    %get3A_668 = arith.constant 0 : index
    %get3A_669 = arith.constant 768 : index
    %get3A_670 = vector.load %arg10[%get3A_668, %get3A_669] : memref<256x4096xf32, #tpu.memory_space<vmem>>, vector<256x256xf32>
    %convert_element_type3A_671 = arith.truncf %get3A_670 : vector<256x256xf32> to vector<256x256xbf16>
    %get3A_672 = arith.constant 0 : index
    %get3A_673 = arith.constant 768 : index
    %get3A_674 = vector.load %arg11[%get3A_672, %get3A_673] : memref<256x4096xf32, #tpu.memory_space<vmem>>, vector<256x256xf32>
    %convert_element_type3A_675 = arith.truncf %get3A_674 : vector<256x256xf32> to vector<256x256xbf16>
    %dot_general3A_676 = arith.constant dense<0.000000e+00> : vector<256x128xf32>
    %dot_general3A_677 = tpu.matmul %convert_element_type3A_671, %get3A_594, %dot_general3A_676 {dimension_numbers = #tpu.dot_dimension_numbers<[1], [0], [0], [1], [0, 0, 1, 1], [], []>, transpose_lhs_hint = false} : vector<256x256xbf16>, vector<256x128xbf16>, vector<256x128xf32> -> vector<256x128xf32>
    %dot_general3A_678 = arith.constant dense<0.000000e+00> : vector<256x128xf32>
    %dot_general3A_679 = tpu.matmul %convert_element_type3A_675, %get3A_597, %dot_general3A_678 {dimension_numbers = #tpu.dot_dimension_numbers<[1], [0], [0], [1], [0, 0, 1, 1], [], []>, transpose_lhs_hint = false} : vector<256x256xbf16>, vector<256x128xbf16>, vector<256x128xf32> -> vector<256x128xf32>
    %add3A_680 = arith.addf %dot_general3A_677, %dot_general3A_679 : vector<256x128xf32>
    %dot_general3A_681 = arith.constant dense<0.000000e+00> : vector<256x128xf32>
    %dot_general3A_682 = tpu.matmul %convert_element_type3A_675, %get3A_594, %dot_general3A_681 {dimension_numbers = #tpu.dot_dimension_numbers<[1], [0], [0], [1], [0, 0, 1, 1], [], []>, transpose_lhs_hint = false} : vector<256x256xbf16>, vector<256x128xbf16>, vector<256x128xf32> -> vector<256x128xf32>
    %dot_general3A_683 = arith.constant dense<0.000000e+00> : vector<256x128xf32>
    %dot_general3A_684 = tpu.matmul %convert_element_type3A_671, %get3A_597, %dot_general3A_683 {dimension_numbers = #tpu.dot_dimension_numbers<[1], [0], [0], [1], [0, 0, 1, 1], [], []>, transpose_lhs_hint = false} : vector<256x256xbf16>, vector<256x128xbf16>, vector<256x128xf32> -> vector<256x128xf32>
    %sub3A_685 = arith.subf %dot_general3A_682, %dot_general3A_684 : vector<256x128xf32>
    %mul3A_686 = arith.mulf %add3A_680, %add3A_680 : vector<256x128xf32>
    %mul3A_687 = arith.mulf %sub3A_685, %sub3A_685 : vector<256x128xf32>
    %add3A_688 = arith.addf %mul3A_686, %mul3A_687 : vector<256x128xf32>
    %swap3A_689 = arith.constant 0 : index
    %swap3A_690 = arith.constant 384 : index
    %swap3A_691 = vector.load %arg12[%swap3A_689, %swap3A_690] : memref<256x2176xf32, #tpu.memory_space<vmem>>, vector<256x128xf32>
    tpu.vector_store %arg12[%swap3A_689, %swap3A_690], %add3A_688 {strides = array<i32>} : memref<256x2176xf32, #tpu.memory_space<vmem>>, vector<256x128xf32>,
    %get3A_692 = arith.constant 0 : index
    %get3A_693 = arith.constant 1024 : index
    %get3A_694 = vector.load %arg10[%get3A_692, %get3A_693] : memref<256x4096xf32, #tpu.memory_space<vmem>>, vector<256x256xf32>
    %convert_element_type3A_695 = arith.truncf %get3A_694 : vector<256x256xf32> to vector<256x256xbf16>
    %get3A_696 = arith.constant 0 : index
    %get3A_697 = arith.constant 1024 : index
    %get3A_698 = vector.load %arg11[%get3A_696, %get3A_697] : memref<256x4096xf32, #tpu.memory_space<vmem>>, vector<256x256xf32>
    %convert_element_type3A_699 = arith.truncf %get3A_698 : vector<256x256xf32> to vector<256x256xbf16>
    %dot_general3A_700 = arith.constant dense<0.000000e+00> : vector<256x128xf32>
    %dot_general3A_701 = tpu.matmul %convert_element_type3A_695, %get3A_594, %dot_general3A_700 {dimension_numbers = #tpu.dot_dimension_numbers<[1], [0], [0], [1], [0, 0, 1, 1], [], []>, transpose_lhs_hint = false} : vector<256x256xbf16>, vector<256x128xbf16>, vector<256x128xf32> -> vector<256x128xf32>
    %dot_general3A_702 = arith.constant dense<0.000000e+00> : vector<256x128xf32>
    %dot_general3A_703 = tpu.matmul %convert_element_type3A_699, %get3A_597, %dot_general3A_702 {dimension_numbers = #tpu.dot_dimension_numbers<[1], [0], [0], [1], [0, 0, 1, 1], [], []>, transpose_lhs_hint = false} : vector<256x256xbf16>, vector<256x128xbf16>, vector<256x128xf32> -> vector<256x128xf32>
    %add3A_704 = arith.addf %dot_general3A_701, %dot_general3A_703 : vector<256x128xf32>
    %dot_general3A_705 = arith.constant dense<0.000000e+00> : vector<256x128xf32>
    %dot_general3A_706 = tpu.matmul %convert_element_type3A_699, %get3A_594, %dot_general3A_705 {dimension_numbers = #tpu.dot_dimension_numbers<[1], [0], [0], [1], [0, 0, 1, 1], [], []>, transpose_lhs_hint = false} : vector<256x256xbf16>, vector<256x128xbf16>, vector<256x128xf32> -> vector<256x128xf32>
    %dot_general3A_707 = arith.constant dense<0.000000e+00> : vector<256x128xf32>
    %dot_general3A_708 = tpu.matmul %convert_element_type3A_695, %get3A_597, %dot_general3A_707 {dimension_numbers = #tpu.dot_dimension_numbers<[1], [0], [0], [1], [0, 0, 1, 1], [], []>, transpose_lhs_hint = false} : vector<256x256xbf16>, vector<256x128xbf16>, vector<256x128xf32> -> vector<256x128xf32>
    %sub3A_709 = arith.subf %dot_general3A_706, %dot_general3A_708 : vector<256x128xf32>
    %mul3A_710 = arith.mulf %add3A_704, %add3A_704 : vector<256x128xf32>
    %mul3A_711 = arith.mulf %sub3A_709, %sub3A_709 : vector<256x128xf32>
    %add3A_712 = arith.addf %mul3A_710, %mul3A_711 : vector<256x128xf32>
    %swap3A_713 = arith.constant 0 : index
    %swap3A_714 = arith.constant 512 : index
    %swap3A_715 = vector.load %arg12[%swap3A_713, %swap3A_714] : memref<256x2176xf32, #tpu.memory_space<vmem>>, vector<256x128xf32>
    tpu.vector_store %arg12[%swap3A_713, %swap3A_714], %add3A_712 {strides = array<i32>} : memref<256x2176xf32, #tpu.memory_space<vmem>>, vector<256x128xf32>,
    %get3A_716 = arith.constant 0 : index
    %get3A_717 = arith.constant 1280 : index
    %get3A_718 = vector.load %arg10[%get3A_716, %get3A_717] : memref<256x4096xf32, #tpu.memory_space<vmem>>, vector<256x256xf32>
    %convert_element_type3A_719 = arith.truncf %get3A_718 : vector<256x256xf32> to vector<256x256xbf16>
    %get3A_720 = arith.constant 0 : index
    %get3A_721 = arith.constant 1280 : index
    %get3A_722 = vector.load %arg11[%get3A_720, %get3A_721] : memref<256x4096xf32, #tpu.memory_space<vmem>>, vector<256x256xf32>
    %convert_element_type3A_723 = arith.truncf %get3A_722 : vector<256x256xf32> to vector<256x256xbf16>
    %dot_general3A_724 = arith.constant dense<0.000000e+00> : vector<256x128xf32>
    %dot_general3A_725 = tpu.matmul %convert_element_type3A_719, %get3A_594, %dot_general3A_724 {dimension_numbers = #tpu.dot_dimension_numbers<[1], [0], [0], [1], [0, 0, 1, 1], [], []>, transpose_lhs_hint = false} : vector<256x256xbf16>, vector<256x128xbf16>, vector<256x128xf32> -> vector<256x128xf32>
    %dot_general3A_726 = arith.constant dense<0.000000e+00> : vector<256x128xf32>
    %dot_general3A_727 = tpu.matmul %convert_element_type3A_723, %get3A_597, %dot_general3A_726 {dimension_numbers = #tpu.dot_dimension_numbers<[1], [0], [0], [1], [0, 0, 1, 1], [], []>, transpose_lhs_hint = false} : vector<256x256xbf16>, vector<256x128xbf16>, vector<256x128xf32> -> vector<256x128xf32>
    %add3A_728 = arith.addf %dot_general3A_725, %dot_general3A_727 : vector<256x128xf32>
    %dot_general3A_729 = arith.constant dense<0.000000e+00> : vector<256x128xf32>
    %dot_general3A_730 = tpu.matmul %convert_element_type3A_723, %get3A_594, %dot_general3A_729 {dimension_numbers = #tpu.dot_dimension_numbers<[1], [0], [0], [1], [0, 0, 1, 1], [], []>, transpose_lhs_hint = false} : vector<256x256xbf16>, vector<256x128xbf16>, vector<256x128xf32> -> vector<256x128xf32>
    %dot_general3A_731 = arith.constant dense<0.000000e+00> : vector<256x128xf32>
    %dot_general3A_732 = tpu.matmul %convert_element_type3A_719, %get3A_597, %dot_general3A_731 {dimension_numbers = #tpu.dot_dimension_numbers<[1], [0], [0], [1], [0, 0, 1, 1], [], []>, transpose_lhs_hint = false} : vector<256x256xbf16>, vector<256x128xbf16>, vector<256x128xf32> -> vector<256x128xf32>
    %sub3A_733 = arith.subf %dot_general3A_730, %dot_general3A_732 : vector<256x128xf32>
    %mul3A_734 = arith.mulf %add3A_728, %add3A_728 : vector<256x128xf32>
    %mul3A_735 = arith.mulf %sub3A_733, %sub3A_733 : vector<256x128xf32>
    %add3A_736 = arith.addf %mul3A_734, %mul3A_735 : vector<256x128xf32>
    %swap3A_737 = arith.constant 0 : index
    %swap3A_738 = arith.constant 640 : index
    %swap3A_739 = vector.load %arg12[%swap3A_737, %swap3A_738] : memref<256x2176xf32, #tpu.memory_space<vmem>>, vector<256x128xf32>
    tpu.vector_store %arg12[%swap3A_737, %swap3A_738], %add3A_736 {strides = array<i32>} : memref<256x2176xf32, #tpu.memory_space<vmem>>, vector<256x128xf32>,
    %get3A_740 = arith.constant 0 : index
    %get3A_741 = arith.constant 1536 : index
    %get3A_742 = vector.load %arg10[%get3A_740, %get3A_741] : memref<256x4096xf32, #tpu.memory_space<vmem>>, vector<256x256xf32>
    %convert_element_type3A_743 = arith.truncf %get3A_742 : vector<256x256xf32> to vector<256x256xbf16>
    %get3A_744 = arith.constant 0 : index
    %get3A_745 = arith.constant 1536 : index
    %get3A_746 = vector.load %arg11[%get3A_744, %get3A_745] : memref<256x4096xf32, #tpu.memory_space<vmem>>, vector<256x256xf32>
    %convert_element_type3A_747 = arith.truncf %get3A_746 : vector<256x256xf32> to vector<256x256xbf16>
    %dot_general3A_748 = arith.constant dense<0.000000e+00> : vector<256x128xf32>
    %dot_general3A_749 = tpu.matmul %convert_element_type3A_743, %get3A_594, %dot_general3A_748 {dimension_numbers = #tpu.dot_dimension_numbers<[1], [0], [0], [1], [0, 0, 1, 1], [], []>, transpose_lhs_hint = false} : vector<256x256xbf16>, vector<256x128xbf16>, vector<256x128xf32> -> vector<256x128xf32>
    %dot_general3A_750 = arith.constant dense<0.000000e+00> : vector<256x128xf32>
    %dot_general3A_751 = tpu.matmul %convert_element_type3A_747, %get3A_597, %dot_general3A_750 {dimension_numbers = #tpu.dot_dimension_numbers<[1], [0], [0], [1], [0, 0, 1, 1], [], []>, transpose_lhs_hint = false} : vector<256x256xbf16>, vector<256x128xbf16>, vector<256x128xf32> -> vector<256x128xf32>
    %add3A_752 = arith.addf %dot_general3A_749, %dot_general3A_751 : vector<256x128xf32>
    %dot_general3A_753 = arith.constant dense<0.000000e+00> : vector<256x128xf32>
    %dot_general3A_754 = tpu.matmul %convert_element_type3A_747, %get3A_594, %dot_general3A_753 {dimension_numbers = #tpu.dot_dimension_numbers<[1], [0], [0], [1], [0, 0, 1, 1], [], []>, transpose_lhs_hint = false} : vector<256x256xbf16>, vector<256x128xbf16>, vector<256x128xf32> -> vector<256x128xf32>
    %dot_general3A_755 = arith.constant dense<0.000000e+00> : vector<256x128xf32>
    %dot_general3A_756 = tpu.matmul %convert_element_type3A_743, %get3A_597, %dot_general3A_755 {dimension_numbers = #tpu.dot_dimension_numbers<[1], [0], [0], [1], [0, 0, 1, 1], [], []>, transpose_lhs_hint = false} : vector<256x256xbf16>, vector<256x128xbf16>, vector<256x128xf32> -> vector<256x128xf32>
    %sub3A_757 = arith.subf %dot_general3A_754, %dot_general3A_756 : vector<256x128xf32>
    %mul3A_758 = arith.mulf %add3A_752, %add3A_752 : vector<256x128xf32>
    %mul3A_759 = arith.mulf %sub3A_757, %sub3A_757 : vector<256x128xf32>
    %add3A_760 = arith.addf %mul3A_758, %mul3A_759 : vector<256x128xf32>
    %swap3A_761 = arith.constant 0 : index
    %swap3A_762 = arith.constant 768 : index
    %swap3A_763 = vector.load %arg12[%swap3A_761, %swap3A_762] : memref<256x2176xf32, #tpu.memory_space<vmem>>, vector<256x128xf32>
    tpu.vector_store %arg12[%swap3A_761, %swap3A_762], %add3A_760 {strides = array<i32>} : memref<256x2176xf32, #tpu.memory_space<vmem>>, vector<256x128xf32>,
    %get3A_764 = arith.constant 0 : index
    %get3A_765 = arith.constant 1792 : index
    %get3A_766 = vector.load %arg10[%get3A_764, %get3A_765] : memref<256x4096xf32, #tpu.memory_space<vmem>>, vector<256x256xf32>
    %convert_element_type3A_767 = arith.truncf %get3A_766 : vector<256x256xf32> to vector<256x256xbf16>
    %get3A_768 = arith.constant 0 : index
    %get3A_769 = arith.constant 1792 : index
    %get3A_770 = vector.load %arg11[%get3A_768, %get3A_769] : memref<256x4096xf32, #tpu.memory_space<vmem>>, vector<256x256xf32>
    %convert_element_type3A_771 = arith.truncf %get3A_770 : vector<256x256xf32> to vector<256x256xbf16>
    %dot_general3A_772 = arith.constant dense<0.000000e+00> : vector<256x128xf32>
    %dot_general3A_773 = tpu.matmul %convert_element_type3A_767, %get3A_594, %dot_general3A_772 {dimension_numbers = #tpu.dot_dimension_numbers<[1], [0], [0], [1], [0, 0, 1, 1], [], []>, transpose_lhs_hint = false} : vector<256x256xbf16>, vector<256x128xbf16>, vector<256x128xf32> -> vector<256x128xf32>
    %dot_general3A_774 = arith.constant dense<0.000000e+00> : vector<256x128xf32>
    %dot_general3A_775 = tpu.matmul %convert_element_type3A_771, %get3A_597, %dot_general3A_774 {dimension_numbers = #tpu.dot_dimension_numbers<[1], [0], [0], [1], [0, 0, 1, 1], [], []>, transpose_lhs_hint = false} : vector<256x256xbf16>, vector<256x128xbf16>, vector<256x128xf32> -> vector<256x128xf32>
    %add3A_776 = arith.addf %dot_general3A_773, %dot_general3A_775 : vector<256x128xf32>
    %dot_general3A_777 = arith.constant dense<0.000000e+00> : vector<256x128xf32>
    %dot_general3A_778 = tpu.matmul %convert_element_type3A_771, %get3A_594, %dot_general3A_777 {dimension_numbers = #tpu.dot_dimension_numbers<[1], [0], [0], [1], [0, 0, 1, 1], [], []>, transpose_lhs_hint = false} : vector<256x256xbf16>, vector<256x128xbf16>, vector<256x128xf32> -> vector<256x128xf32>
    %dot_general3A_779 = arith.constant dense<0.000000e+00> : vector<256x128xf32>
    %dot_general3A_780 = tpu.matmul %convert_element_type3A_767, %get3A_597, %dot_general3A_779 {dimension_numbers = #tpu.dot_dimension_numbers<[1], [0], [0], [1], [0, 0, 1, 1], [], []>, transpose_lhs_hint = false} : vector<256x256xbf16>, vector<256x128xbf16>, vector<256x128xf32> -> vector<256x128xf32>
    %sub3A_781 = arith.subf %dot_general3A_778, %dot_general3A_780 : vector<256x128xf32>
    %mul3A_782 = arith.mulf %add3A_776, %add3A_776 : vector<256x128xf32>
    %mul3A_783 = arith.mulf %sub3A_781, %sub3A_781 : vector<256x128xf32>
    %add3A_784 = arith.addf %mul3A_782, %mul3A_783 : vector<256x128xf32>
    %swap3A_785 = arith.constant 0 : index
    %swap3A_786 = arith.constant 896 : index
    %swap3A_787 = vector.load %arg12[%swap3A_785, %swap3A_786] : memref<256x2176xf32, #tpu.memory_space<vmem>>, vector<256x128xf32>
    tpu.vector_store %arg12[%swap3A_785, %swap3A_786], %add3A_784 {strides = array<i32>} : memref<256x2176xf32, #tpu.memory_space<vmem>>, vector<256x128xf32>,
    %get3A_788 = arith.constant 0 : index
    %get3A_789 = arith.constant 2048 : index
    %get3A_790 = vector.load %arg10[%get3A_788, %get3A_789] : memref<256x4096xf32, #tpu.memory_space<vmem>>, vector<256x256xf32>
    %convert_element_type3A_791 = arith.truncf %get3A_790 : vector<256x256xf32> to vector<256x256xbf16>
    %get3A_792 = arith.constant 0 : index
    %get3A_793 = arith.constant 2048 : index
    %get3A_794 = vector.load %arg11[%get3A_792, %get3A_793] : memref<256x4096xf32, #tpu.memory_space<vmem>>, vector<256x256xf32>
    %convert_element_type3A_795 = arith.truncf %get3A_794 : vector<256x256xf32> to vector<256x256xbf16>
    %dot_general3A_796 = arith.constant dense<0.000000e+00> : vector<256x128xf32>
    %dot_general3A_797 = tpu.matmul %convert_element_type3A_791, %get3A_594, %dot_general3A_796 {dimension_numbers = #tpu.dot_dimension_numbers<[1], [0], [0], [1], [0, 0, 1, 1], [], []>, transpose_lhs_hint = false} : vector<256x256xbf16>, vector<256x128xbf16>, vector<256x128xf32> -> vector<256x128xf32>
    %dot_general3A_798 = arith.constant dense<0.000000e+00> : vector<256x128xf32>
    %dot_general3A_799 = tpu.matmul %convert_element_type3A_795, %get3A_597, %dot_general3A_798 {dimension_numbers = #tpu.dot_dimension_numbers<[1], [0], [0], [1], [0, 0, 1, 1], [], []>, transpose_lhs_hint = false} : vector<256x256xbf16>, vector<256x128xbf16>, vector<256x128xf32> -> vector<256x128xf32>
    %add3A_800 = arith.addf %dot_general3A_797, %dot_general3A_799 : vector<256x128xf32>
    %dot_general3A_801 = arith.constant dense<0.000000e+00> : vector<256x128xf32>
    %dot_general3A_802 = tpu.matmul %convert_element_type3A_795, %get3A_594, %dot_general3A_801 {dimension_numbers = #tpu.dot_dimension_numbers<[1], [0], [0], [1], [0, 0, 1, 1], [], []>, transpose_lhs_hint = false} : vector<256x256xbf16>, vector<256x128xbf16>, vector<256x128xf32> -> vector<256x128xf32>
    %dot_general3A_803 = arith.constant dense<0.000000e+00> : vector<256x128xf32>
    %dot_general3A_804 = tpu.matmul %convert_element_type3A_791, %get3A_597, %dot_general3A_803 {dimension_numbers = #tpu.dot_dimension_numbers<[1], [0], [0], [1], [0, 0, 1, 1], [], []>, transpose_lhs_hint = false} : vector<256x256xbf16>, vector<256x128xbf16>, vector<256x128xf32> -> vector<256x128xf32>
    %sub3A_805 = arith.subf %dot_general3A_802, %dot_general3A_804 : vector<256x128xf32>
    %mul3A_806 = arith.mulf %add3A_800, %add3A_800 : vector<256x128xf32>
    %mul3A_807 = arith.mulf %sub3A_805, %sub3A_805 : vector<256x128xf32>
    %add3A_808 = arith.addf %mul3A_806, %mul3A_807 : vector<256x128xf32>
    %swap3A_809 = arith.constant 0 : index
    %swap3A_810 = arith.constant 1024 : index
    %swap3A_811 = vector.load %arg12[%swap3A_809, %swap3A_810] : memref<256x2176xf32, #tpu.memory_space<vmem>>, vector<256x128xf32>
    tpu.vector_store %arg12[%swap3A_809, %swap3A_810], %add3A_808 {strides = array<i32>} : memref<256x2176xf32, #tpu.memory_space<vmem>>, vector<256x128xf32>,
    %get3A_812 = arith.constant 0 : index
    %get3A_813 = arith.constant 2304 : index
    %get3A_814 = vector.load %arg10[%get3A_812, %get3A_813] : memref<256x4096xf32, #tpu.memory_space<vmem>>, vector<256x256xf32>
    %convert_element_type3A_815 = arith.truncf %get3A_814 : vector<256x256xf32> to vector<256x256xbf16>
    %get3A_816 = arith.constant 0 : index
    %get3A_817 = arith.constant 2304 : index
    %get3A_818 = vector.load %arg11[%get3A_816, %get3A_817] : memref<256x4096xf32, #tpu.memory_space<vmem>>, vector<256x256xf32>
    %convert_element_type3A_819 = arith.truncf %get3A_818 : vector<256x256xf32> to vector<256x256xbf16>
    %dot_general3A_820 = arith.constant dense<0.000000e+00> : vector<256x128xf32>
    %dot_general3A_821 = tpu.matmul %convert_element_type3A_815, %get3A_594, %dot_general3A_820 {dimension_numbers = #tpu.dot_dimension_numbers<[1], [0], [0], [1], [0, 0, 1, 1], [], []>, transpose_lhs_hint = false} : vector<256x256xbf16>, vector<256x128xbf16>, vector<256x128xf32> -> vector<256x128xf32>
    %dot_general3A_822 = arith.constant dense<0.000000e+00> : vector<256x128xf32>
    %dot_general3A_823 = tpu.matmul %convert_element_type3A_819, %get3A_597, %dot_general3A_822 {dimension_numbers = #tpu.dot_dimension_numbers<[1], [0], [0], [1], [0, 0, 1, 1], [], []>, transpose_lhs_hint = false} : vector<256x256xbf16>, vector<256x128xbf16>, vector<256x128xf32> -> vector<256x128xf32>
    %add3A_824 = arith.addf %dot_general3A_821, %dot_general3A_823 : vector<256x128xf32>
    %dot_general3A_825 = arith.constant dense<0.000000e+00> : vector<256x128xf32>
    %dot_general3A_826 = tpu.matmul %convert_element_type3A_819, %get3A_594, %dot_general3A_825 {dimension_numbers = #tpu.dot_dimension_numbers<[1], [0], [0], [1], [0, 0, 1, 1], [], []>, transpose_lhs_hint = false} : vector<256x256xbf16>, vector<256x128xbf16>, vector<256x128xf32> -> vector<256x128xf32>
    %dot_general3A_827 = arith.constant dense<0.000000e+00> : vector<256x128xf32>
    %dot_general3A_828 = tpu.matmul %convert_element_type3A_815, %get3A_597, %dot_general3A_827 {dimension_numbers = #tpu.dot_dimension_numbers<[1], [0], [0], [1], [0, 0, 1, 1], [], []>, transpose_lhs_hint = false} : vector<256x256xbf16>, vector<256x128xbf16>, vector<256x128xf32> -> vector<256x128xf32>
    %sub3A_829 = arith.subf %dot_general3A_826, %dot_general3A_828 : vector<256x128xf32>
    %mul3A_830 = arith.mulf %add3A_824, %add3A_824 : vector<256x128xf32>
    %mul3A_831 = arith.mulf %sub3A_829, %sub3A_829 : vector<256x128xf32>
    %add3A_832 = arith.addf %mul3A_830, %mul3A_831 : vector<256x128xf32>
    %swap3A_833 = arith.constant 0 : index
    %swap3A_834 = arith.constant 1152 : index
    %swap3A_835 = vector.load %arg12[%swap3A_833, %swap3A_834] : memref<256x2176xf32, #tpu.memory_space<vmem>>, vector<256x128xf32>
    tpu.vector_store %arg12[%swap3A_833, %swap3A_834], %add3A_832 {strides = array<i32>} : memref<256x2176xf32, #tpu.memory_space<vmem>>, vector<256x128xf32>,
    %get3A_836 = arith.constant 0 : index
    %get3A_837 = arith.constant 2560 : index
    %get3A_838 = vector.load %arg10[%get3A_836, %get3A_837] : memref<256x4096xf32, #tpu.memory_space<vmem>>, vector<256x256xf32>
    %convert_element_type3A_839 = arith.truncf %get3A_838 : vector<256x256xf32> to vector<256x256xbf16>
    %get3A_840 = arith.constant 0 : index
    %get3A_841 = arith.constant 2560 : index
    %get3A_842 = vector.load %arg11[%get3A_840, %get3A_841] : memref<256x4096xf32, #tpu.memory_space<vmem>>, vector<256x256xf32>
    %convert_element_type3A_843 = arith.truncf %get3A_842 : vector<256x256xf32> to vector<256x256xbf16>
    %dot_general3A_844 = arith.constant dense<0.000000e+00> : vector<256x128xf32>
    %dot_general3A_845 = tpu.matmul %convert_element_type3A_839, %get3A_594, %dot_general3A_844 {dimension_numbers = #tpu.dot_dimension_numbers<[1], [0], [0], [1], [0, 0, 1, 1], [], []>, transpose_lhs_hint = false} : vector<256x256xbf16>, vector<256x128xbf16>, vector<256x128xf32> -> vector<256x128xf32>
    %dot_general3A_846 = arith.constant dense<0.000000e+00> : vector<256x128xf32>
    %dot_general3A_847 = tpu.matmul %convert_element_type3A_843, %get3A_597, %dot_general3A_846 {dimension_numbers = #tpu.dot_dimension_numbers<[1], [0], [0], [1], [0, 0, 1, 1], [], []>, transpose_lhs_hint = false} : vector<256x256xbf16>, vector<256x128xbf16>, vector<256x128xf32> -> vector<256x128xf32>
    %add3A_848 = arith.addf %dot_general3A_845, %dot_general3A_847 : vector<256x128xf32>
    %dot_general3A_849 = arith.constant dense<0.000000e+00> : vector<256x128xf32>
    %dot_general3A_850 = tpu.matmul %convert_element_type3A_843, %get3A_594, %dot_general3A_849 {dimension_numbers = #tpu.dot_dimension_numbers<[1], [0], [0], [1], [0, 0, 1, 1], [], []>, transpose_lhs_hint = false} : vector<256x256xbf16>, vector<256x128xbf16>, vector<256x128xf32> -> vector<256x128xf32>
    %dot_general3A_851 = arith.constant dense<0.000000e+00> : vector<256x128xf32>
    %dot_general3A_852 = tpu.matmul %convert_element_type3A_839, %get3A_597, %dot_general3A_851 {dimension_numbers = #tpu.dot_dimension_numbers<[1], [0], [0], [1], [0, 0, 1, 1], [], []>, transpose_lhs_hint = false} : vector<256x256xbf16>, vector<256x128xbf16>, vector<256x128xf32> -> vector<256x128xf32>
    %sub3A_853 = arith.subf %dot_general3A_850, %dot_general3A_852 : vector<256x128xf32>
    %mul3A_854 = arith.mulf %add3A_848, %add3A_848 : vector<256x128xf32>
    %mul3A_855 = arith.mulf %sub3A_853, %sub3A_853 : vector<256x128xf32>
    %add3A_856 = arith.addf %mul3A_854, %mul3A_855 : vector<256x128xf32>
    %swap3A_857 = arith.constant 0 : index
    %swap3A_858 = arith.constant 1280 : index
    %swap3A_859 = vector.load %arg12[%swap3A_857, %swap3A_858] : memref<256x2176xf32, #tpu.memory_space<vmem>>, vector<256x128xf32>
    tpu.vector_store %arg12[%swap3A_857, %swap3A_858], %add3A_856 {strides = array<i32>} : memref<256x2176xf32, #tpu.memory_space<vmem>>, vector<256x128xf32>,
    %get3A_860 = arith.constant 0 : index
    %get3A_861 = arith.constant 2816 : index
    %get3A_862 = vector.load %arg10[%get3A_860, %get3A_861] : memref<256x4096xf32, #tpu.memory_space<vmem>>, vector<256x256xf32>
    %convert_element_type3A_863 = arith.truncf %get3A_862 : vector<256x256xf32> to vector<256x256xbf16>
    %get3A_864 = arith.constant 0 : index
    %get3A_865 = arith.constant 2816 : index
    %get3A_866 = vector.load %arg11[%get3A_864, %get3A_865] : memref<256x4096xf32, #tpu.memory_space<vmem>>, vector<256x256xf32>
    %convert_element_type3A_867 = arith.truncf %get3A_866 : vector<256x256xf32> to vector<256x256xbf16>
    %dot_general3A_868 = arith.constant dense<0.000000e+00> : vector<256x128xf32>
    %dot_general3A_869 = tpu.matmul %convert_element_type3A_863, %get3A_594, %dot_general3A_868 {dimension_numbers = #tpu.dot_dimension_numbers<[1], [0], [0], [1], [0, 0, 1, 1], [], []>, transpose_lhs_hint = false} : vector<256x256xbf16>, vector<256x128xbf16>, vector<256x128xf32> -> vector<256x128xf32>
    %dot_general3A_870 = arith.constant dense<0.000000e+00> : vector<256x128xf32>
    %dot_general3A_871 = tpu.matmul %convert_element_type3A_867, %get3A_597, %dot_general3A_870 {dimension_numbers = #tpu.dot_dimension_numbers<[1], [0], [0], [1], [0, 0, 1, 1], [], []>, transpose_lhs_hint = false} : vector<256x256xbf16>, vector<256x128xbf16>, vector<256x128xf32> -> vector<256x128xf32>
    %add3A_872 = arith.addf %dot_general3A_869, %dot_general3A_871 : vector<256x128xf32>
    %dot_general3A_873 = arith.constant dense<0.000000e+00> : vector<256x128xf32>
    %dot_general3A_874 = tpu.matmul %convert_element_type3A_867, %get3A_594, %dot_general3A_873 {dimension_numbers = #tpu.dot_dimension_numbers<[1], [0], [0], [1], [0, 0, 1, 1], [], []>, transpose_lhs_hint = false} : vector<256x256xbf16>, vector<256x128xbf16>, vector<256x128xf32> -> vector<256x128xf32>
    %dot_general3A_875 = arith.constant dense<0.000000e+00> : vector<256x128xf32>
    %dot_general3A_876 = tpu.matmul %convert_element_type3A_863, %get3A_597, %dot_general3A_875 {dimension_numbers = #tpu.dot_dimension_numbers<[1], [0], [0], [1], [0, 0, 1, 1], [], []>, transpose_lhs_hint = false} : vector<256x256xbf16>, vector<256x128xbf16>, vector<256x128xf32> -> vector<256x128xf32>
    %sub3A_877 = arith.subf %dot_general3A_874, %dot_general3A_876 : vector<256x128xf32>
    %mul3A_878 = arith.mulf %add3A_872, %add3A_872 : vector<256x128xf32>
    %mul3A_879 = arith.mulf %sub3A_877, %sub3A_877 : vector<256x128xf32>
    %add3A_880 = arith.addf %mul3A_878, %mul3A_879 : vector<256x128xf32>
    %swap3A_881 = arith.constant 0 : index
    %swap3A_882 = arith.constant 1408 : index
    %swap3A_883 = vector.load %arg12[%swap3A_881, %swap3A_882] : memref<256x2176xf32, #tpu.memory_space<vmem>>, vector<256x128xf32>
    tpu.vector_store %arg12[%swap3A_881, %swap3A_882], %add3A_880 {strides = array<i32>} : memref<256x2176xf32, #tpu.memory_space<vmem>>, vector<256x128xf32>,
    %get3A_884 = arith.constant 0 : index
    %get3A_885 = arith.constant 3072 : index
    %get3A_886 = vector.load %arg10[%get3A_884, %get3A_885] : memref<256x4096xf32, #tpu.memory_space<vmem>>, vector<256x256xf32>
    %convert_element_type3A_887 = arith.truncf %get3A_886 : vector<256x256xf32> to vector<256x256xbf16>
    %get3A_888 = arith.constant 0 : index
    %get3A_889 = arith.constant 3072 : index
    %get3A_890 = vector.load %arg11[%get3A_888, %get3A_889] : memref<256x4096xf32, #tpu.memory_space<vmem>>, vector<256x256xf32>
    %convert_element_type3A_891 = arith.truncf %get3A_890 : vector<256x256xf32> to vector<256x256xbf16>
    %dot_general3A_892 = arith.constant dense<0.000000e+00> : vector<256x128xf32>
    %dot_general3A_893 = tpu.matmul %convert_element_type3A_887, %get3A_594, %dot_general3A_892 {dimension_numbers = #tpu.dot_dimension_numbers<[1], [0], [0], [1], [0, 0, 1, 1], [], []>, transpose_lhs_hint = false} : vector<256x256xbf16>, vector<256x128xbf16>, vector<256x128xf32> -> vector<256x128xf32>
    %dot_general3A_894 = arith.constant dense<0.000000e+00> : vector<256x128xf32>
    %dot_general3A_895 = tpu.matmul %convert_element_type3A_891, %get3A_597, %dot_general3A_894 {dimension_numbers = #tpu.dot_dimension_numbers<[1], [0], [0], [1], [0, 0, 1, 1], [], []>, transpose_lhs_hint = false} : vector<256x256xbf16>, vector<256x128xbf16>, vector<256x128xf32> -> vector<256x128xf32>
    %add3A_896 = arith.addf %dot_general3A_893, %dot_general3A_895 : vector<256x128xf32>
    %dot_general3A_897 = arith.constant dense<0.000000e+00> : vector<256x128xf32>
    %dot_general3A_898 = tpu.matmul %convert_element_type3A_891, %get3A_594, %dot_general3A_897 {dimension_numbers = #tpu.dot_dimension_numbers<[1], [0], [0], [1], [0, 0, 1, 1], [], []>, transpose_lhs_hint = false} : vector<256x256xbf16>, vector<256x128xbf16>, vector<256x128xf32> -> vector<256x128xf32>
    %dot_general3A_899 = arith.constant dense<0.000000e+00> : vector<256x128xf32>
    %dot_general3A_900 = tpu.matmul %convert_element_type3A_887, %get3A_597, %dot_general3A_899 {dimension_numbers = #tpu.dot_dimension_numbers<[1], [0], [0], [1], [0, 0, 1, 1], [], []>, transpose_lhs_hint = false} : vector<256x256xbf16>, vector<256x128xbf16>, vector<256x128xf32> -> vector<256x128xf32>
    %sub3A_901 = arith.subf %dot_general3A_898, %dot_general3A_900 : vector<256x128xf32>
    %mul3A_902 = arith.mulf %add3A_896, %add3A_896 : vector<256x128xf32>
    %mul3A_903 = arith.mulf %sub3A_901, %sub3A_901 : vector<256x128xf32>
    %add3A_904 = arith.addf %mul3A_902, %mul3A_903 : vector<256x128xf32>
    %swap3A_905 = arith.constant 0 : index
    %swap3A_906 = arith.constant 1536 : index
    %swap3A_907 = vector.load %arg12[%swap3A_905, %swap3A_906] : memref<256x2176xf32, #tpu.memory_space<vmem>>, vector<256x128xf32>
    tpu.vector_store %arg12[%swap3A_905, %swap3A_906], %add3A_904 {strides = array<i32>} : memref<256x2176xf32, #tpu.memory_space<vmem>>, vector<256x128xf32>,
    %get3A_908 = arith.constant 0 : index
    %get3A_909 = arith.constant 3328 : index
    %get3A_910 = vector.load %arg10[%get3A_908, %get3A_909] : memref<256x4096xf32, #tpu.memory_space<vmem>>, vector<256x256xf32>
    %convert_element_type3A_911 = arith.truncf %get3A_910 : vector<256x256xf32> to vector<256x256xbf16>
    %get3A_912 = arith.constant 0 : index
    %get3A_913 = arith.constant 3328 : index
    %get3A_914 = vector.load %arg11[%get3A_912, %get3A_913] : memref<256x4096xf32, #tpu.memory_space<vmem>>, vector<256x256xf32>
    %convert_element_type3A_915 = arith.truncf %get3A_914 : vector<256x256xf32> to vector<256x256xbf16>
    %dot_general3A_916 = arith.constant dense<0.000000e+00> : vector<256x128xf32>
    %dot_general3A_917 = tpu.matmul %convert_element_type3A_911, %get3A_594, %dot_general3A_916 {dimension_numbers = #tpu.dot_dimension_numbers<[1], [0], [0], [1], [0, 0, 1, 1], [], []>, transpose_lhs_hint = false} : vector<256x256xbf16>, vector<256x128xbf16>, vector<256x128xf32> -> vector<256x128xf32>
    %dot_general3A_918 = arith.constant dense<0.000000e+00> : vector<256x128xf32>
    %dot_general3A_919 = tpu.matmul %convert_element_type3A_915, %get3A_597, %dot_general3A_918 {dimension_numbers = #tpu.dot_dimension_numbers<[1], [0], [0], [1], [0, 0, 1, 1], [], []>, transpose_lhs_hint = false} : vector<256x256xbf16>, vector<256x128xbf16>, vector<256x128xf32> -> vector<256x128xf32>
    %add3A_920 = arith.addf %dot_general3A_917, %dot_general3A_919 : vector<256x128xf32>
    %dot_general3A_921 = arith.constant dense<0.000000e+00> : vector<256x128xf32>
    %dot_general3A_922 = tpu.matmul %convert_element_type3A_915, %get3A_594, %dot_general3A_921 {dimension_numbers = #tpu.dot_dimension_numbers<[1], [0], [0], [1], [0, 0, 1, 1], [], []>, transpose_lhs_hint = false} : vector<256x256xbf16>, vector<256x128xbf16>, vector<256x128xf32> -> vector<256x128xf32>
    %dot_general3A_923 = arith.constant dense<0.000000e+00> : vector<256x128xf32>
    %dot_general3A_924 = tpu.matmul %convert_element_type3A_911, %get3A_597, %dot_general3A_923 {dimension_numbers = #tpu.dot_dimension_numbers<[1], [0], [0], [1], [0, 0, 1, 1], [], []>, transpose_lhs_hint = false} : vector<256x256xbf16>, vector<256x128xbf16>, vector<256x128xf32> -> vector<256x128xf32>
    %sub3A_925 = arith.subf %dot_general3A_922, %dot_general3A_924 : vector<256x128xf32>
    %mul3A_926 = arith.mulf %add3A_920, %add3A_920 : vector<256x128xf32>
    %mul3A_927 = arith.mulf %sub3A_925, %sub3A_925 : vector<256x128xf32>
    %add3A_928 = arith.addf %mul3A_926, %mul3A_927 : vector<256x128xf32>
    %swap3A_929 = arith.constant 0 : index
    %swap3A_930 = arith.constant 1664 : index
    %swap3A_931 = vector.load %arg12[%swap3A_929, %swap3A_930] : memref<256x2176xf32, #tpu.memory_space<vmem>>, vector<256x128xf32>
    tpu.vector_store %arg12[%swap3A_929, %swap3A_930], %add3A_928 {strides = array<i32>} : memref<256x2176xf32, #tpu.memory_space<vmem>>, vector<256x128xf32>,
    %get3A_932 = arith.constant 0 : index
    %get3A_933 = arith.constant 3584 : index
    %get3A_934 = vector.load %arg10[%get3A_932, %get3A_933] : memref<256x4096xf32, #tpu.memory_space<vmem>>, vector<256x256xf32>
    %convert_element_type3A_935 = arith.truncf %get3A_934 : vector<256x256xf32> to vector<256x256xbf16>
    %get3A_936 = arith.constant 0 : index
    %get3A_937 = arith.constant 3584 : index
    %get3A_938 = vector.load %arg11[%get3A_936, %get3A_937] : memref<256x4096xf32, #tpu.memory_space<vmem>>, vector<256x256xf32>
    %convert_element_type3A_939 = arith.truncf %get3A_938 : vector<256x256xf32> to vector<256x256xbf16>
    %dot_general3A_940 = arith.constant dense<0.000000e+00> : vector<256x128xf32>
    %dot_general3A_941 = tpu.matmul %convert_element_type3A_935, %get3A_594, %dot_general3A_940 {dimension_numbers = #tpu.dot_dimension_numbers<[1], [0], [0], [1], [0, 0, 1, 1], [], []>, transpose_lhs_hint = false} : vector<256x256xbf16>, vector<256x128xbf16>, vector<256x128xf32> -> vector<256x128xf32>
    %dot_general3A_942 = arith.constant dense<0.000000e+00> : vector<256x128xf32>
    %dot_general3A_943 = tpu.matmul %convert_element_type3A_939, %get3A_597, %dot_general3A_942 {dimension_numbers = #tpu.dot_dimension_numbers<[1], [0], [0], [1], [0, 0, 1, 1], [], []>, transpose_lhs_hint = false} : vector<256x256xbf16>, vector<256x128xbf16>, vector<256x128xf32> -> vector<256x128xf32>
    %add3A_944 = arith.addf %dot_general3A_941, %dot_general3A_943 : vector<256x128xf32>
    %dot_general3A_945 = arith.constant dense<0.000000e+00> : vector<256x128xf32>
    %dot_general3A_946 = tpu.matmul %convert_element_type3A_939, %get3A_594, %dot_general3A_945 {dimension_numbers = #tpu.dot_dimension_numbers<[1], [0], [0], [1], [0, 0, 1, 1], [], []>, transpose_lhs_hint = false} : vector<256x256xbf16>, vector<256x128xbf16>, vector<256x128xf32> -> vector<256x128xf32>
    %dot_general3A_947 = arith.constant dense<0.000000e+00> : vector<256x128xf32>
    %dot_general3A_948 = tpu.matmul %convert_element_type3A_935, %get3A_597, %dot_general3A_947 {dimension_numbers = #tpu.dot_dimension_numbers<[1], [0], [0], [1], [0, 0, 1, 1], [], []>, transpose_lhs_hint = false} : vector<256x256xbf16>, vector<256x128xbf16>, vector<256x128xf32> -> vector<256x128xf32>
    %sub3A_949 = arith.subf %dot_general3A_946, %dot_general3A_948 : vector<256x128xf32>
    %mul3A_950 = arith.mulf %add3A_944, %add3A_944 : vector<256x128xf32>
    %mul3A_951 = arith.mulf %sub3A_949, %sub3A_949 : vector<256x128xf32>
    %add3A_952 = arith.addf %mul3A_950, %mul3A_951 : vector<256x128xf32>
    %swap3A_953 = arith.constant 0 : index
    %swap3A_954 = arith.constant 1792 : index
    %swap3A_955 = vector.load %arg12[%swap3A_953, %swap3A_954] : memref<256x2176xf32, #tpu.memory_space<vmem>>, vector<256x128xf32>
    tpu.vector_store %arg12[%swap3A_953, %swap3A_954], %add3A_952 {strides = array<i32>} : memref<256x2176xf32, #tpu.memory_space<vmem>>, vector<256x128xf32>,
    %get3A_956 = arith.constant 0 : index
    %get3A_957 = arith.constant 3840 : index
    %get3A_958 = vector.load %arg10[%get3A_956, %get3A_957] : memref<256x4096xf32, #tpu.memory_space<vmem>>, vector<256x256xf32>
    %convert_element_type3A_959 = arith.truncf %get3A_958 : vector<256x256xf32> to vector<256x256xbf16>
    %get3A_960 = arith.constant 0 : index
    %get3A_961 = arith.constant 3840 : index
    %get3A_962 = vector.load %arg11[%get3A_960, %get3A_961] : memref<256x4096xf32, #tpu.memory_space<vmem>>, vector<256x256xf32>
    %convert_element_type3A_963 = arith.truncf %get3A_962 : vector<256x256xf32> to vector<256x256xbf16>
    %dot_general3A_964 = arith.constant dense<0.000000e+00> : vector<256x128xf32>
    %dot_general3A_965 = tpu.matmul %convert_element_type3A_959, %get3A_594, %dot_general3A_964 {dimension_numbers = #tpu.dot_dimension_numbers<[1], [0], [0], [1], [0, 0, 1, 1], [], []>, transpose_lhs_hint = false} : vector<256x256xbf16>, vector<256x128xbf16>, vector<256x128xf32> -> vector<256x128xf32>
    %dot_general3A_966 = arith.constant dense<0.000000e+00> : vector<256x128xf32>
    %dot_general3A_967 = tpu.matmul %convert_element_type3A_963, %get3A_597, %dot_general3A_966 {dimension_numbers = #tpu.dot_dimension_numbers<[1], [0], [0], [1], [0, 0, 1, 1], [], []>, transpose_lhs_hint = false} : vector<256x256xbf16>, vector<256x128xbf16>, vector<256x128xf32> -> vector<256x128xf32>
    %add3A_968 = arith.addf %dot_general3A_965, %dot_general3A_967 : vector<256x128xf32>
    %dot_general3A_969 = arith.constant dense<0.000000e+00> : vector<256x128xf32>
    %dot_general3A_970 = tpu.matmul %convert_element_type3A_963, %get3A_594, %dot_general3A_969 {dimension_numbers = #tpu.dot_dimension_numbers<[1], [0], [0], [1], [0, 0, 1, 1], [], []>, transpose_lhs_hint = false} : vector<256x256xbf16>, vector<256x128xbf16>, vector<256x128xf32> -> vector<256x128xf32>
    %dot_general3A_971 = arith.constant dense<0.000000e+00> : vector<256x128xf32>
    %dot_general3A_972 = tpu.matmul %convert_element_type3A_959, %get3A_597, %dot_general3A_971 {dimension_numbers = #tpu.dot_dimension_numbers<[1], [0], [0], [1], [0, 0, 1, 1], [], []>, transpose_lhs_hint = false} : vector<256x256xbf16>, vector<256x128xbf16>, vector<256x128xf32> -> vector<256x128xf32>
    %sub3A_973 = arith.subf %dot_general3A_970, %dot_general3A_972 : vector<256x128xf32>
    %mul3A_974 = arith.mulf %add3A_968, %add3A_968 : vector<256x128xf32>
    %mul3A_975 = arith.mulf %sub3A_973, %sub3A_973 : vector<256x128xf32>
    %add3A_976 = arith.addf %mul3A_974, %mul3A_975 : vector<256x128xf32>
    %swap3A_977 = arith.constant 0 : index
    %swap3A_978 = arith.constant 1920 : index
    %swap3A_979 = vector.load %arg12[%swap3A_977, %swap3A_978] : memref<256x2176xf32, #tpu.memory_space<vmem>>, vector<256x128xf32>
    tpu.vector_store %arg12[%swap3A_977, %swap3A_978], %add3A_976 {strides = array<i32>} : memref<256x2176xf32, #tpu.memory_space<vmem>>, vector<256x128xf32>,
    %get3A_980 = arith.constant 0 : index
    %get3A_981 = arith.constant 0 : index
    %get3A_982 = vector.load %arg6[%get3A_980, %get3A_981] : memref<1x256xf32, #tpu.memory_space<vmem>>, vector<1x256xf32>
    %get3A_983 = arith.constant 0 : index
    %get3A_984 = arith.constant 0 : index
    %get3A_985 = vector.load %arg10[%get3A_983, %get3A_984] : memref<256x4096xf32, #tpu.memory_space<vmem>>, vector<256x256xf32>
    %mul3A_986 = vector.broadcast %get3A_982 : vector<1x256xf32> to vector<256x256xf32>
    %mul3A_987 = arith.mulf %get3A_985, %mul3A_986 : vector<256x256xf32>
    %reduce_sum3A = arith.constant dense<0.000000e+00> : vector<256xf32>
    %reduce_sum3A_988 = vector.multi_reduction <add>, %mul3A_987, %reduce_sum3A [1] : vector<256x256xf32> to vector<256xf32>
    %broadcast_in_dim3A_989 = vector.shape_cast %reduce_sum3A_988 : vector<256xf32> to vector<256x1xf32>
    %get3A_990 = arith.constant 0 : index
    %get3A_991 = arith.constant 0 : index
    %get3A_992 = vector.load %arg11[%get3A_990, %get3A_991] : memref<256x4096xf32, #tpu.memory_space<vmem>>, vector<256x256xf32>
    %mul3A_993 = vector.broadcast %get3A_982 : vector<1x256xf32> to vector<256x256xf32>
    %mul3A_994 = arith.mulf %get3A_992, %mul3A_993 : vector<256x256xf32>
    %reduce_sum3A_995 = arith.constant dense<0.000000e+00> : vector<256xf32>
    %reduce_sum3A_996 = vector.multi_reduction <add>, %mul3A_994, %reduce_sum3A_995 [1] : vector<256x256xf32> to vector<256xf32>
    %broadcast_in_dim3A_997 = vector.shape_cast %reduce_sum3A_996 : vector<256xf32> to vector<256x1xf32>
    %mul3A_998 = arith.mulf %broadcast_in_dim3A_989, %broadcast_in_dim3A_989 : vector<256x1xf32>
    %mul3A_999 = arith.mulf %broadcast_in_dim3A_997, %broadcast_in_dim3A_997 : vector<256x1xf32>
    %add3A_1000 = arith.addf %mul3A_998, %mul3A_999 : vector<256x1xf32>
    %broadcast_in_dim3A_1001 = arith.constant 0.000000e+00 : f32
    %broadcast_in_dim3A_1002 = vector.broadcast %broadcast_in_dim3A_1001 : f32 to vector<256x127xf32>
    %concatenate3A = tpu.concatenate %add3A_1000, %broadcast_in_dim3A_1002 in 1 : vector<256x1xf32>, vector<256x127xf32> -> vector<256x128xf32>
    %swap3A_1003 = arith.constant 0 : index
    %swap3A_1004 = arith.constant 2048 : index
    %swap3A_1005 = vector.load %arg12[%swap3A_1003, %swap3A_1004] : memref<256x2176xf32, #tpu.memory_space<vmem>>, vector<256x128xf32>
    tpu.vector_store %arg12[%swap3A_1003, %swap3A_1004], %concatenate3A {strides = array<i32>} : memref<256x2176xf32, #tpu.memory_space<vmem>>, vector<256x128xf32>,
    %get3A_1006 = arith.constant 0 : index
    %get3A_1007 = arith.constant 0 : index
    %get3A_1008 = vector.load %arg12[%get3A_1006, %get3A_1007] : memref<256x2176xf32, #tpu.memory_space<vmem>>, vector<256x2176xf32>
    %convert_element_type3A_1009 = arith.truncf %get3A_1008 : vector<256x2176xf32> to vector<256x2176xbf16>
    %get3A_1010 = arith.constant 0 : index
    %get3A_1011 = arith.constant 0 : index
    %get3A_1012 = vector.load %arg5[%get3A_1010, %get3A_1011] : memref<2176x2176xbf16, #tpu.memory_space<vmem>>, vector<2176x2176xbf16>
    %dot_general3A_1013 = arith.constant dense<0.000000e+00> : vector<256x2176xf32>
    %dot_general3A_1014 = tpu.matmul %convert_element_type3A_1009, %get3A_1012, %dot_general3A_1013 {dimension_numbers = #tpu.dot_dimension_numbers<[1], [0], [0], [1], [0, 0, 1, 1], [], []>, transpose_lhs_hint = false} : vector<256x2176xbf16>, vector<2176x2176xbf16>, vector<256x2176xf32> -> vector<256x2176xf32>
    %mul3A_1015 = arith.constant 256 : i32
    %mul3A_1016 = arith.muli %select_n3A_7, %mul3A_1015 : i32
    %swap3A_1017 = arith.index_cast %mul3A_1016 : i32 to index
    %swap3A_1018 = arith.constant 0 : index
    %swap3A_1019 = vector.load %arg13[%swap3A_1017, %swap3A_1018] : memref<512x2176xf32, #tpu.memory_space<vmem>>, vector<256x2176xf32>
    tpu.vector_store %arg13[%swap3A_1017, %swap3A_1018], %dot_general3A_1014 {strides = array<i32>} : memref<512x2176xf32, #tpu.memory_space<vmem>>, vector<256x2176xf32>,
    %iota3A = tpu.iota {dimensions = array<i32: 1>} : vector<256x2176xi32>
    %lt3A_1020 = arith.constant 2049 : i32
    %lt3A_1021 = vector.broadcast %lt3A_1020 : i32 to vector<256x2176xi32>
    %lt3A_1022 = arith.cmpi slt, %iota3A, %lt3A_1021 : vector<256x2176xi32>
    %jit3A_1023 = arith.constant 0xFF800000 : f32
    %broadcast_in_dim3A_1024 = vector.broadcast %jit3A_1023 : f32 to vector<256x2176xf32>
    %select_n3A_1025 = arith.select %lt3A_1022, %get3A_11, %broadcast_in_dim3A_1024 : vector<256x2176xi1>, vector<256x2176xf32>
    %reduce_max3A = arith.constant dense<0xFF800000> : vector<256xf32>
    %reduce_max3A_1026 = vector.multi_reduction <maximumf>, %select_n3A_1025, %reduce_max3A [1] : vector<256x2176xf32> to vector<256xf32>
    %broadcast_in_dim3A_1027 = vector.shape_cast %reduce_max3A_1026 : vector<256xf32> to vector<256x1xf32>
    %ge3A = vector.broadcast %broadcast_in_dim3A_1027 : vector<256x1xf32> to vector<256x2176xf32>
    %ge3A_1028 = arith.cmpf oge, %select_n3A_1025, %ge3A : vector<256x2176xf32>
    %jit3A_1029 = arith.constant 2176 : i32
    %broadcast_in_dim3A_1030 = vector.broadcast %jit3A_1029 : i32 to vector<256x2176xi32>
    %select_n3A_1031 = arith.select %ge3A_1028, %iota3A, %broadcast_in_dim3A_1030 : vector<256x2176xi1>, vector<256x2176xi32>
    %reduce_min3A = arith.constant dense<2147483647> : vector<256xi32>
    %reduce_min3A_1032 = vector.multi_reduction <minsi>, %select_n3A_1031, %reduce_min3A [1] : vector<256x2176xi32> to vector<256xi32>
    %broadcast_in_dim3A_1033 = vector.shape_cast %reduce_min3A_1032 : vector<256xi32> to vector<256x1xi32>
    %eq3A_1034 = vector.broadcast %broadcast_in_dim3A_1033 : vector<256x1xi32> to vector<256x2176xi32>
    %eq3A_1035 = arith.cmpi eq, %iota3A, %eq3A_1034 : vector<256x2176xi32>
    %jit3A_1036 = arith.constant 0xFF800000 : f32
    %broadcast_in_dim3A_1037 = vector.broadcast %jit3A_1036 : f32 to vector<256x2176xf32>
    %select_n3A_1038 = arith.select %eq3A_1035, %broadcast_in_dim3A_1037, %select_n3A_1025 : vector<256x2176xi1>, vector<256x2176xf32>
    %reduce_max3A_1039 = arith.constant dense<0xFF800000> : vector<256xf32>
    %reduce_max3A_1040 = vector.multi_reduction <maximumf>, %select_n3A_1038, %reduce_max3A_1039 [1] : vector<256x2176xf32> to vector<256xf32>
    %broadcast_in_dim3A_1041 = vector.shape_cast %reduce_max3A_1040 : vector<256xf32> to vector<256x1xf32>
    %ge3A_1042 = vector.broadcast %broadcast_in_dim3A_1041 : vector<256x1xf32> to vector<256x2176xf32>
    %ge3A_1043 = arith.cmpf oge, %select_n3A_1038, %ge3A_1042 : vector<256x2176xf32>
    %jit3A_1044 = arith.constant 2176 : i32
    %broadcast_in_dim3A_1045 = vector.broadcast %jit3A_1044 : i32 to vector<256x2176xi32>
    %select_n3A_1046 = arith.select %ge3A_1043, %iota3A, %broadcast_in_dim3A_1045 : vector<256x2176xi1>, vector<256x2176xi32>
    %reduce_min3A_1047 = arith.constant dense<2147483647> : vector<256xi32>
    %reduce_min3A_1048 = vector.multi_reduction <minsi>, %select_n3A_1046, %reduce_min3A_1047 [1] : vector<256x2176xi32> to vector<256xi32>
    %broadcast_in_dim3A_1049 = vector.shape_cast %reduce_min3A_1048 : vector<256xi32> to vector<256x1xi32>
    %eq3A_1050 = vector.broadcast %broadcast_in_dim3A_1049 : vector<256x1xi32> to vector<256x2176xi32>
    %eq3A_1051 = arith.cmpi eq, %iota3A, %eq3A_1050 : vector<256x2176xi32>
    %jit3A_1052 = arith.constant 0xFF800000 : f32
    %broadcast_in_dim3A_1053 = vector.broadcast %jit3A_1052 : f32 to vector<256x2176xf32>
    %select_n3A_1054 = arith.select %eq3A_1051, %broadcast_in_dim3A_1053, %select_n3A_1038 : vector<256x2176xi1>, vector<256x2176xf32>
    %reduce_max3A_1055 = arith.constant dense<0xFF800000> : vector<256xf32>
    %reduce_max3A_1056 = vector.multi_reduction <maximumf>, %select_n3A_1054, %reduce_max3A_1055 [1] : vector<256x2176xf32> to vector<256xf32>
    %broadcast_in_dim3A_1057 = vector.shape_cast %reduce_max3A_1056 : vector<256xf32> to vector<256x1xf32>
    %ge3A_1058 = vector.broadcast %broadcast_in_dim3A_1057 : vector<256x1xf32> to vector<256x2176xf32>
    %ge3A_1059 = arith.cmpf oge, %select_n3A_1054, %ge3A_1058 : vector<256x2176xf32>
    %jit3A_1060 = arith.constant 2176 : i32
    %broadcast_in_dim3A_1061 = vector.broadcast %jit3A_1060 : i32 to vector<256x2176xi32>
    %select_n3A_1062 = arith.select %ge3A_1059, %iota3A, %broadcast_in_dim3A_1061 : vector<256x2176xi1>, vector<256x2176xi32>
    %reduce_min3A_1063 = arith.constant dense<2147483647> : vector<256xi32>
    %reduce_min3A_1064 = vector.multi_reduction <minsi>, %select_n3A_1062, %reduce_min3A_1063 [1] : vector<256x2176xi32> to vector<256xi32>
    %broadcast_in_dim3A_1065 = vector.shape_cast %reduce_min3A_1064 : vector<256xi32> to vector<256x1xi32>
    %eq3A_1066 = vector.broadcast %broadcast_in_dim3A_1065 : vector<256x1xi32> to vector<256x2176xi32>
    %eq3A_1067 = arith.cmpi eq, %iota3A, %eq3A_1066 : vector<256x2176xi32>
    %jit3A_1068 = arith.constant 0xFF800000 : f32
    %broadcast_in_dim3A_1069 = vector.broadcast %jit3A_1068 : f32 to vector<256x2176xf32>
    %select_n3A_1070 = arith.select %eq3A_1067, %broadcast_in_dim3A_1069, %select_n3A_1054 : vector<256x2176xi1>, vector<256x2176xf32>
    %reduce_max3A_1071 = arith.constant dense<0xFF800000> : vector<256xf32>
    %reduce_max3A_1072 = vector.multi_reduction <maximumf>, %select_n3A_1070, %reduce_max3A_1071 [1] : vector<256x2176xf32> to vector<256xf32>
    %broadcast_in_dim3A_1073 = vector.shape_cast %reduce_max3A_1072 : vector<256xf32> to vector<256x1xf32>
    %ge3A_1074 = vector.broadcast %broadcast_in_dim3A_1073 : vector<256x1xf32> to vector<256x2176xf32>
    %ge3A_1075 = arith.cmpf oge, %select_n3A_1070, %ge3A_1074 : vector<256x2176xf32>
    %jit3A_1076 = arith.constant 2176 : i32
    %broadcast_in_dim3A_1077 = vector.broadcast %jit3A_1076 : i32 to vector<256x2176xi32>
    %select_n3A_1078 = arith.select %ge3A_1075, %iota3A, %broadcast_in_dim3A_1077 : vector<256x2176xi1>, vector<256x2176xi32>
    %reduce_min3A_1079 = arith.constant dense<2147483647> : vector<256xi32>
    %reduce_min3A_1080 = vector.multi_reduction <minsi>, %select_n3A_1078, %reduce_min3A_1079 [1] : vector<256x2176xi32> to vector<256xi32>
    %broadcast_in_dim3A_1081 = vector.shape_cast %reduce_min3A_1080 : vector<256xi32> to vector<256x1xi32>
    %eq3A_1082 = vector.broadcast %broadcast_in_dim3A_1081 : vector<256x1xi32> to vector<256x2176xi32>
    %eq3A_1083 = arith.cmpi eq, %iota3A, %eq3A_1082 : vector<256x2176xi32>
    %jit3A_1084 = arith.constant 0xFF800000 : f32
    %broadcast_in_dim3A_1085 = vector.broadcast %jit3A_1084 : f32 to vector<256x2176xf32>
    %select_n3A_1086 = arith.select %eq3A_1083, %broadcast_in_dim3A_1085, %select_n3A_1070 : vector<256x2176xi1>, vector<256x2176xf32>
    %reduce_max3A_1087 = arith.constant dense<0xFF800000> : vector<256xf32>
    %reduce_max3A_1088 = vector.multi_reduction <maximumf>, %select_n3A_1086, %reduce_max3A_1087 [1] : vector<256x2176xf32> to vector<256xf32>
    %broadcast_in_dim3A_1089 = vector.shape_cast %reduce_max3A_1088 : vector<256xf32> to vector<256x1xf32>
    %ge3A_1090 = vector.broadcast %broadcast_in_dim3A_1089 : vector<256x1xf32> to vector<256x2176xf32>
    %ge3A_1091 = arith.cmpf oge, %select_n3A_1086, %ge3A_1090 : vector<256x2176xf32>
    %jit3A_1092 = arith.constant 2176 : i32
    %broadcast_in_dim3A_1093 = vector.broadcast %jit3A_1092 : i32 to vector<256x2176xi32>
    %select_n3A_1094 = arith.select %ge3A_1091, %iota3A, %broadcast_in_dim3A_1093 : vector<256x2176xi1>, vector<256x2176xi32>
    %reduce_min3A_1095 = arith.constant dense<2147483647> : vector<256xi32>
    %reduce_min3A_1096 = vector.multi_reduction <minsi>, %select_n3A_1094, %reduce_min3A_1095 [1] : vector<256x2176xi32> to vector<256xi32>
    %broadcast_in_dim3A_1097 = vector.shape_cast %reduce_min3A_1096 : vector<256xi32> to vector<256x1xi32>
    %eq3A_1098 = vector.broadcast %broadcast_in_dim3A_1097 : vector<256x1xi32> to vector<256x2176xi32>
    %eq3A_1099 = arith.cmpi eq, %iota3A, %eq3A_1098 : vector<256x2176xi32>
    %jit3A_1100 = arith.constant 0xFF800000 : f32
    %broadcast_in_dim3A_1101 = vector.broadcast %jit3A_1100 : f32 to vector<256x2176xf32>
    %select_n3A_1102 = arith.select %eq3A_1099, %broadcast_in_dim3A_1101, %select_n3A_1086 : vector<256x2176xi1>, vector<256x2176xf32>
    %reduce_max3A_1103 = arith.constant dense<0xFF800000> : vector<256xf32>
    %reduce_max3A_1104 = vector.multi_reduction <maximumf>, %select_n3A_1102, %reduce_max3A_1103 [1] : vector<256x2176xf32> to vector<256xf32>
    %broadcast_in_dim3A_1105 = vector.shape_cast %reduce_max3A_1104 : vector<256xf32> to vector<256x1xf32>
    %ge3A_1106 = vector.broadcast %broadcast_in_dim3A_1105 : vector<256x1xf32> to vector<256x2176xf32>
    %ge3A_1107 = arith.cmpf oge, %select_n3A_1102, %ge3A_1106 : vector<256x2176xf32>
    %jit3A_1108 = arith.constant 2176 : i32
    %broadcast_in_dim3A_1109 = vector.broadcast %jit3A_1108 : i32 to vector<256x2176xi32>
    %select_n3A_1110 = arith.select %ge3A_1107, %iota3A, %broadcast_in_dim3A_1109 : vector<256x2176xi1>, vector<256x2176xi32>
    %reduce_min3A_1111 = arith.constant dense<2147483647> : vector<256xi32>
    %reduce_min3A_1112 = vector.multi_reduction <minsi>, %select_n3A_1110, %reduce_min3A_1111 [1] : vector<256x2176xi32> to vector<256xi32>
    %broadcast_in_dim3A_1113 = vector.shape_cast %reduce_min3A_1112 : vector<256xi32> to vector<256x1xi32>
    %eq3A_1114 = vector.broadcast %broadcast_in_dim3A_1113 : vector<256x1xi32> to vector<256x2176xi32>
    %eq3A_1115 = arith.cmpi eq, %iota3A, %eq3A_1114 : vector<256x2176xi32>
    %jit3A_1116 = arith.constant 0xFF800000 : f32
    %broadcast_in_dim3A_1117 = vector.broadcast %jit3A_1116 : f32 to vector<256x2176xf32>
    %select_n3A_1118 = arith.select %eq3A_1115, %broadcast_in_dim3A_1117, %select_n3A_1102 : vector<256x2176xi1>, vector<256x2176xf32>
    %reduce_max3A_1119 = arith.constant dense<0xFF800000> : vector<256xf32>
    %reduce_max3A_1120 = vector.multi_reduction <maximumf>, %select_n3A_1118, %reduce_max3A_1119 [1] : vector<256x2176xf32> to vector<256xf32>
    %broadcast_in_dim3A_1121 = vector.shape_cast %reduce_max3A_1120 : vector<256xf32> to vector<256x1xf32>
    %ge3A_1122 = vector.broadcast %broadcast_in_dim3A_1121 : vector<256x1xf32> to vector<256x2176xf32>
    %ge3A_1123 = arith.cmpf oge, %select_n3A_1118, %ge3A_1122 : vector<256x2176xf32>
    %jit3A_1124 = arith.constant 2176 : i32
    %broadcast_in_dim3A_1125 = vector.broadcast %jit3A_1124 : i32 to vector<256x2176xi32>
    %select_n3A_1126 = arith.select %ge3A_1123, %iota3A, %broadcast_in_dim3A_1125 : vector<256x2176xi1>, vector<256x2176xi32>
    %reduce_min3A_1127 = arith.constant dense<2147483647> : vector<256xi32>
    %reduce_min3A_1128 = vector.multi_reduction <minsi>, %select_n3A_1126, %reduce_min3A_1127 [1] : vector<256x2176xi32> to vector<256xi32>
    %broadcast_in_dim3A_1129 = vector.shape_cast %reduce_min3A_1128 : vector<256xi32> to vector<256x1xi32>
    %eq3A_1130 = vector.broadcast %broadcast_in_dim3A_1129 : vector<256x1xi32> to vector<256x2176xi32>
    %eq3A_1131 = arith.cmpi eq, %iota3A, %eq3A_1130 : vector<256x2176xi32>
    %jit3A_1132 = arith.constant 0xFF800000 : f32
    %broadcast_in_dim3A_1133 = vector.broadcast %jit3A_1132 : f32 to vector<256x2176xf32>
    %select_n3A_1134 = arith.select %eq3A_1131, %broadcast_in_dim3A_1133, %select_n3A_1118 : vector<256x2176xi1>, vector<256x2176xf32>
    %reduce_max3A_1135 = arith.constant dense<0xFF800000> : vector<256xf32>
    %reduce_max3A_1136 = vector.multi_reduction <maximumf>, %select_n3A_1134, %reduce_max3A_1135 [1] : vector<256x2176xf32> to vector<256xf32>
    %broadcast_in_dim3A_1137 = vector.shape_cast %reduce_max3A_1136 : vector<256xf32> to vector<256x1xf32>
    %ge3A_1138 = vector.broadcast %broadcast_in_dim3A_1137 : vector<256x1xf32> to vector<256x2176xf32>
    %ge3A_1139 = arith.cmpf oge, %select_n3A_1134, %ge3A_1138 : vector<256x2176xf32>
    %jit3A_1140 = arith.constant 2176 : i32
    %broadcast_in_dim3A_1141 = vector.broadcast %jit3A_1140 : i32 to vector<256x2176xi32>
    %select_n3A_1142 = arith.select %ge3A_1139, %iota3A, %broadcast_in_dim3A_1141 : vector<256x2176xi1>, vector<256x2176xi32>
    %reduce_min3A_1143 = arith.constant dense<2147483647> : vector<256xi32>
    %reduce_min3A_1144 = vector.multi_reduction <minsi>, %select_n3A_1142, %reduce_min3A_1143 [1] : vector<256x2176xi32> to vector<256xi32>
    %broadcast_in_dim3A_1145 = vector.shape_cast %reduce_min3A_1144 : vector<256xi32> to vector<256x1xi32>
    %concatenate3A_1146 = tpu.concatenate %broadcast_in_dim3A_1027, %broadcast_in_dim3A_1041, %broadcast_in_dim3A_1057, %broadcast_in_dim3A_1073, %broadcast_in_dim3A_1089, %broadcast_in_dim3A_1105, %broadcast_in_dim3A_1121, %broadcast_in_dim3A_1137 in 1 : vector<256x1xf32>, vector<256x1xf32>, vector<256x1xf32>, vector<256x1xf32>, vector<256x1xf32>, vector<256x1xf32>, vector<256x1xf32>, vector<256x1xf32> -> vector<256x8xf32>
    %concatenate3A_1147 = tpu.concatenate %broadcast_in_dim3A_1033, %broadcast_in_dim3A_1049, %broadcast_in_dim3A_1065, %broadcast_in_dim3A_1081, %broadcast_in_dim3A_1097, %broadcast_in_dim3A_1113, %broadcast_in_dim3A_1129, %broadcast_in_dim3A_1145 in 1 : vector<256x1xi32>, vector<256x1xi32>, vector<256x1xi32>, vector<256x1xi32>, vector<256x1xi32>, vector<256x1xi32>, vector<256x1xi32>, vector<256x1xi32> -> vector<256x8xi32>
    %iota3A_1148 = tpu.iota {dimensions = array<i32: 1>} : vector<256x16xi32>
    %jit3A_1149 = arith.constant 2 : i32
    %div3A = vector.broadcast %jit3A_1149 : i32 to vector<256x16xi32>
    %div3A_1150 = arith.divsi %iota3A_1148, %div3A : vector<256x16xi32>
    %sign3A = arith.constant 0 : i32
    %sign3A_1151 = vector.broadcast %sign3A : i32 to vector<256x16xi32>
    %sign3A_1152 = arith.cmpi sgt, %iota3A_1148, %sign3A_1151 : vector<256x16xi32>
    %sign3A_1153 = arith.extui %sign3A_1152 : vector<256x16xi1> to vector<256x16xi32>
    %sign3A_1154 = arith.constant 0 : i32
    %sign3A_1155 = vector.broadcast %sign3A_1154 : i32 to vector<256x16xi32>
    %sign3A_1156 = arith.cmpi slt, %iota3A_1148, %sign3A_1155 : vector<256x16xi32>
    %sign3A_1157 = arith.extui %sign3A_1156 : vector<256x16xi1> to vector<256x16xi32>
    %sign3A_1158 = arith.subi %sign3A_1153, %sign3A_1157 : vector<256x16xi32>
    %sign3A_1159 = arith.constant 0 : i32
    %sign3A_1160 = arith.cmpi sgt, %jit3A_1149, %sign3A_1159 : i32
    %sign3A_1161 = arith.extui %sign3A_1160 : i1 to i32
    %sign3A_1162 = arith.constant 0 : i32
    %sign3A_1163 = arith.cmpi slt, %jit3A_1149, %sign3A_1162 : i32
    %sign3A_1164 = arith.extui %sign3A_1163 : i1 to i32
    %sign3A_1165 = arith.subi %sign3A_1161, %sign3A_1164 : i32
    %ne3A_1166 = vector.broadcast %sign3A_1165 : i32 to vector<256x16xi32>
    %ne3A_1167 = arith.cmpi ne, %sign3A_1158, %ne3A_1166 : vector<256x16xi32>
    %rem3A_1168 = vector.broadcast %jit3A_1149 : i32 to vector<256x16xi32>
    %rem3A_1169 = arith.remsi %iota3A_1148, %rem3A_1168 : vector<256x16xi32>
    %ne3A_1170 = arith.constant 0 : i32
    %ne3A_1171 = vector.broadcast %ne3A_1170 : i32 to vector<256x16xi32>
    %ne3A_1172 = arith.cmpi ne, %rem3A_1169, %ne3A_1171 : vector<256x16xi32>
    %and3A_1173 = arith.andi %ne3A_1167, %ne3A_1172 : vector<256x16xi1>
    %sub3A_1174 = arith.constant 1 : i32
    %sub3A_1175 = vector.broadcast %sub3A_1174 : i32 to vector<256x16xi32>
    %sub3A_1176 = arith.subi %div3A_1150, %sub3A_1175 : vector<256x16xi32>
    %select_n3A_1177 = arith.select %and3A_1173, %sub3A_1176, %div3A_1150 : vector<256x16xi1>, vector<256x16xi32>
    %mul3A_1178 = arith.constant 2 : i32
    %mul3A_1179 = vector.broadcast %mul3A_1178 : i32 to vector<256x16xi32>
    %mul3A_1180 = arith.muli %mul3A_1179, %select_n3A_1177 : vector<256x16xi32>
    %sub3A_1181 = arith.subi %iota3A_1148, %mul3A_1180 : vector<256x16xi32>
    %broadcast_in_dim3A_1182 = arith.constant 0.000000e+00 : f32
    %broadcast_in_dim3A_1183 = vector.broadcast %broadcast_in_dim3A_1182 : f32 to vector<256x16xf32>
    %broadcast_in_dim3A_1184 = arith.constant 0 : i32
    %broadcast_in_dim3A_1185 = vector.broadcast %broadcast_in_dim3A_1184 : i32 to vector<256x16xi32>
    %eq3A_1186 = arith.constant 0 : i32
    %eq3A_1187 = vector.broadcast %eq3A_1186 : i32 to vector<256x16xi32>
    %eq3A_1188 = arith.cmpi eq, %select_n3A_1177, %eq3A_1187 : vector<256x16xi32>
    %slice3A = vector.extract_strided_slice %concatenate3A_1146 {offsets = [0, 0], sizes = [256, 1], strides = [1, 1]} : vector<256x8xf32> to vector<256x1xf32>
    %broadcast_in_dim3A_1189 = vector.shape_cast %slice3A : vector<256x1xf32> to vector<256x1xf32>
    %broadcast_in_dim3A_1190 = vector.broadcast %broadcast_in_dim3A_1189 : vector<256x1xf32> to vector<256x16xf32>
    %select_n3A_1191 = arith.select %eq3A_1188, %broadcast_in_dim3A_1190, %broadcast_in_dim3A_1183 : vector<256x16xi1>, vector<256x16xf32>
    %eq3A_1192 = arith.constant 0 : i32
    %eq3A_1193 = vector.broadcast %eq3A_1192 : i32 to vector<256x16xi32>
    %eq3A_1194 = arith.cmpi eq, %select_n3A_1177, %eq3A_1193 : vector<256x16xi32>
    %slice3A_1195 = vector.extract_strided_slice %concatenate3A_1147 {offsets = [0, 0], sizes = [256, 1], strides = [1, 1]} : vector<256x8xi32> to vector<256x1xi32>
    %broadcast_in_dim3A_1196 = vector.shape_cast %slice3A_1195 : vector<256x1xi32> to vector<256x1xi32>
    %broadcast_in_dim3A_1197 = vector.broadcast %broadcast_in_dim3A_1196 : vector<256x1xi32> to vector<256x16xi32>
    %select_n3A_1198 = arith.select %eq3A_1194, %broadcast_in_dim3A_1197, %broadcast_in_dim3A_1185 : vector<256x16xi1>, vector<256x16xi32>
    %eq3A_1199 = arith.constant 1 : i32
    %eq3A_1200 = vector.broadcast %eq3A_1199 : i32 to vector<256x16xi32>
    %eq3A_1201 = arith.cmpi eq, %select_n3A_1177, %eq3A_1200 : vector<256x16xi32>
    %slice3A_1202 = vector.extract_strided_slice %concatenate3A_1146 {offsets = [0, 1], sizes = [256, 1], strides = [1, 1]} : vector<256x8xf32> to vector<256x1xf32>
    %broadcast_in_dim3A_1203 = vector.shape_cast %slice3A_1202 : vector<256x1xf32> to vector<256x1xf32>
    %broadcast_in_dim3A_1204 = vector.broadcast %broadcast_in_dim3A_1203 : vector<256x1xf32> to vector<256x16xf32>
    %select_n3A_1205 = arith.select %eq3A_1201, %broadcast_in_dim3A_1204, %select_n3A_1191 : vector<256x16xi1>, vector<256x16xf32>
    %eq3A_1206 = arith.constant 1 : i32
    %eq3A_1207 = vector.broadcast %eq3A_1206 : i32 to vector<256x16xi32>
    %eq3A_1208 = arith.cmpi eq, %select_n3A_1177, %eq3A_1207 : vector<256x16xi32>
    %slice3A_1209 = vector.extract_strided_slice %concatenate3A_1147 {offsets = [0, 1], sizes = [256, 1], strides = [1, 1]} : vector<256x8xi32> to vector<256x1xi32>
    %broadcast_in_dim3A_1210 = vector.shape_cast %slice3A_1209 : vector<256x1xi32> to vector<256x1xi32>
    %broadcast_in_dim3A_1211 = vector.broadcast %broadcast_in_dim3A_1210 : vector<256x1xi32> to vector<256x16xi32>
    %select_n3A_1212 = arith.select %eq3A_1208, %broadcast_in_dim3A_1211, %select_n3A_1198 : vector<256x16xi1>, vector<256x16xi32>
    %eq3A_1213 = arith.constant 2 : i32
    %eq3A_1214 = vector.broadcast %eq3A_1213 : i32 to vector<256x16xi32>
    %eq3A_1215 = arith.cmpi eq, %select_n3A_1177, %eq3A_1214 : vector<256x16xi32>
    %slice3A_1216 = vector.extract_strided_slice %concatenate3A_1146 {offsets = [0, 2], sizes = [256, 1], strides = [1, 1]} : vector<256x8xf32> to vector<256x1xf32>
    %broadcast_in_dim3A_1217 = vector.shape_cast %slice3A_1216 : vector<256x1xf32> to vector<256x1xf32>
    %broadcast_in_dim3A_1218 = vector.broadcast %broadcast_in_dim3A_1217 : vector<256x1xf32> to vector<256x16xf32>
    %select_n3A_1219 = arith.select %eq3A_1215, %broadcast_in_dim3A_1218, %select_n3A_1205 : vector<256x16xi1>, vector<256x16xf32>
    %eq3A_1220 = arith.constant 2 : i32
    %eq3A_1221 = vector.broadcast %eq3A_1220 : i32 to vector<256x16xi32>
    %eq3A_1222 = arith.cmpi eq, %select_n3A_1177, %eq3A_1221 : vector<256x16xi32>
    %slice3A_1223 = vector.extract_strided_slice %concatenate3A_1147 {offsets = [0, 2], sizes = [256, 1], strides = [1, 1]} : vector<256x8xi32> to vector<256x1xi32>
    %broadcast_in_dim3A_1224 = vector.shape_cast %slice3A_1223 : vector<256x1xi32> to vector<256x1xi32>
    %broadcast_in_dim3A_1225 = vector.broadcast %broadcast_in_dim3A_1224 : vector<256x1xi32> to vector<256x16xi32>
    %select_n3A_1226 = arith.select %eq3A_1222, %broadcast_in_dim3A_1225, %select_n3A_1212 : vector<256x16xi1>, vector<256x16xi32>
    %eq3A_1227 = arith.constant 3 : i32
    %eq3A_1228 = vector.broadcast %eq3A_1227 : i32 to vector<256x16xi32>
    %eq3A_1229 = arith.cmpi eq, %select_n3A_1177, %eq3A_1228 : vector<256x16xi32>
    %slice3A_1230 = vector.extract_strided_slice %concatenate3A_1146 {offsets = [0, 3], sizes = [256, 1], strides = [1, 1]} : vector<256x8xf32> to vector<256x1xf32>
    %broadcast_in_dim3A_1231 = vector.shape_cast %slice3A_1230 : vector<256x1xf32> to vector<256x1xf32>
    %broadcast_in_dim3A_1232 = vector.broadcast %broadcast_in_dim3A_1231 : vector<256x1xf32> to vector<256x16xf32>
    %select_n3A_1233 = arith.select %eq3A_1229, %broadcast_in_dim3A_1232, %select_n3A_1219 : vector<256x16xi1>, vector<256x16xf32>
    %eq3A_1234 = arith.constant 3 : i32
    %eq3A_1235 = vector.broadcast %eq3A_1234 : i32 to vector<256x16xi32>
    %eq3A_1236 = arith.cmpi eq, %select_n3A_1177, %eq3A_1235 : vector<256x16xi32>
    %slice3A_1237 = vector.extract_strided_slice %concatenate3A_1147 {offsets = [0, 3], sizes = [256, 1], strides = [1, 1]} : vector<256x8xi32> to vector<256x1xi32>
    %broadcast_in_dim3A_1238 = vector.shape_cast %slice3A_1237 : vector<256x1xi32> to vector<256x1xi32>
    %broadcast_in_dim3A_1239 = vector.broadcast %broadcast_in_dim3A_1238 : vector<256x1xi32> to vector<256x16xi32>
    %select_n3A_1240 = arith.select %eq3A_1236, %broadcast_in_dim3A_1239, %select_n3A_1226 : vector<256x16xi1>, vector<256x16xi32>
    %eq3A_1241 = arith.constant 4 : i32
    %eq3A_1242 = vector.broadcast %eq3A_1241 : i32 to vector<256x16xi32>
    %eq3A_1243 = arith.cmpi eq, %select_n3A_1177, %eq3A_1242 : vector<256x16xi32>
    %slice3A_1244 = vector.extract_strided_slice %concatenate3A_1146 {offsets = [0, 4], sizes = [256, 1], strides = [1, 1]} : vector<256x8xf32> to vector<256x1xf32>
    %broadcast_in_dim3A_1245 = vector.shape_cast %slice3A_1244 : vector<256x1xf32> to vector<256x1xf32>
    %broadcast_in_dim3A_1246 = vector.broadcast %broadcast_in_dim3A_1245 : vector<256x1xf32> to vector<256x16xf32>
    %select_n3A_1247 = arith.select %eq3A_1243, %broadcast_in_dim3A_1246, %select_n3A_1233 : vector<256x16xi1>, vector<256x16xf32>
    %eq3A_1248 = arith.constant 4 : i32
    %eq3A_1249 = vector.broadcast %eq3A_1248 : i32 to vector<256x16xi32>
    %eq3A_1250 = arith.cmpi eq, %select_n3A_1177, %eq3A_1249 : vector<256x16xi32>
    %slice3A_1251 = vector.extract_strided_slice %concatenate3A_1147 {offsets = [0, 4], sizes = [256, 1], strides = [1, 1]} : vector<256x8xi32> to vector<256x1xi32>
    %broadcast_in_dim3A_1252 = vector.shape_cast %slice3A_1251 : vector<256x1xi32> to vector<256x1xi32>
    %broadcast_in_dim3A_1253 = vector.broadcast %broadcast_in_dim3A_1252 : vector<256x1xi32> to vector<256x16xi32>
    %select_n3A_1254 = arith.select %eq3A_1250, %broadcast_in_dim3A_1253, %select_n3A_1240 : vector<256x16xi1>, vector<256x16xi32>
    %eq3A_1255 = arith.constant 5 : i32
    %eq3A_1256 = vector.broadcast %eq3A_1255 : i32 to vector<256x16xi32>
    %eq3A_1257 = arith.cmpi eq, %select_n3A_1177, %eq3A_1256 : vector<256x16xi32>
    %slice3A_1258 = vector.extract_strided_slice %concatenate3A_1146 {offsets = [0, 5], sizes = [256, 1], strides = [1, 1]} : vector<256x8xf32> to vector<256x1xf32>
    %broadcast_in_dim3A_1259 = vector.shape_cast %slice3A_1258 : vector<256x1xf32> to vector<256x1xf32>
    %broadcast_in_dim3A_1260 = vector.broadcast %broadcast_in_dim3A_1259 : vector<256x1xf32> to vector<256x16xf32>
    %select_n3A_1261 = arith.select %eq3A_1257, %broadcast_in_dim3A_1260, %select_n3A_1247 : vector<256x16xi1>, vector<256x16xf32>
    %eq3A_1262 = arith.constant 5 : i32
    %eq3A_1263 = vector.broadcast %eq3A_1262 : i32 to vector<256x16xi32>
    %eq3A_1264 = arith.cmpi eq, %select_n3A_1177, %eq3A_1263 : vector<256x16xi32>
    %slice3A_1265 = vector.extract_strided_slice %concatenate3A_1147 {offsets = [0, 5], sizes = [256, 1], strides = [1, 1]} : vector<256x8xi32> to vector<256x1xi32>
    %broadcast_in_dim3A_1266 = vector.shape_cast %slice3A_1265 : vector<256x1xi32> to vector<256x1xi32>
    %broadcast_in_dim3A_1267 = vector.broadcast %broadcast_in_dim3A_1266 : vector<256x1xi32> to vector<256x16xi32>
    %select_n3A_1268 = arith.select %eq3A_1264, %broadcast_in_dim3A_1267, %select_n3A_1254 : vector<256x16xi1>, vector<256x16xi32>
    %eq3A_1269 = arith.constant 6 : i32
    %eq3A_1270 = vector.broadcast %eq3A_1269 : i32 to vector<256x16xi32>
    %eq3A_1271 = arith.cmpi eq, %select_n3A_1177, %eq3A_1270 : vector<256x16xi32>
    %slice3A_1272 = vector.extract_strided_slice %concatenate3A_1146 {offsets = [0, 6], sizes = [256, 1], strides = [1, 1]} : vector<256x8xf32> to vector<256x1xf32>
    %broadcast_in_dim3A_1273 = vector.shape_cast %slice3A_1272 : vector<256x1xf32> to vector<256x1xf32>
    %broadcast_in_dim3A_1274 = vector.broadcast %broadcast_in_dim3A_1273 : vector<256x1xf32> to vector<256x16xf32>
    %select_n3A_1275 = arith.select %eq3A_1271, %broadcast_in_dim3A_1274, %select_n3A_1261 : vector<256x16xi1>, vector<256x16xf32>
    %eq3A_1276 = arith.constant 6 : i32
    %eq3A_1277 = vector.broadcast %eq3A_1276 : i32 to vector<256x16xi32>
    %eq3A_1278 = arith.cmpi eq, %select_n3A_1177, %eq3A_1277 : vector<256x16xi32>
    %slice3A_1279 = vector.extract_strided_slice %concatenate3A_1147 {offsets = [0, 6], sizes = [256, 1], strides = [1, 1]} : vector<256x8xi32> to vector<256x1xi32>
    %broadcast_in_dim3A_1280 = vector.shape_cast %slice3A_1279 : vector<256x1xi32> to vector<256x1xi32>
    %broadcast_in_dim3A_1281 = vector.broadcast %broadcast_in_dim3A_1280 : vector<256x1xi32> to vector<256x16xi32>
    %select_n3A_1282 = arith.select %eq3A_1278, %broadcast_in_dim3A_1281, %select_n3A_1268 : vector<256x16xi1>, vector<256x16xi32>
    %eq3A_1283 = arith.constant 7 : i32
    %eq3A_1284 = vector.broadcast %eq3A_1283 : i32 to vector<256x16xi32>
    %eq3A_1285 = arith.cmpi eq, %select_n3A_1177, %eq3A_1284 : vector<256x16xi32>
    %slice3A_1286 = vector.extract_strided_slice %concatenate3A_1146 {offsets = [0, 7], sizes = [256, 1], strides = [1, 1]} : vector<256x8xf32> to vector<256x1xf32>
    %broadcast_in_dim3A_1287 = vector.shape_cast %slice3A_1286 : vector<256x1xf32> to vector<256x1xf32>
    %broadcast_in_dim3A_1288 = vector.broadcast %broadcast_in_dim3A_1287 : vector<256x1xf32> to vector<256x16xf32>
    %select_n3A_1289 = arith.select %eq3A_1285, %broadcast_in_dim3A_1288, %select_n3A_1275 : vector<256x16xi1>, vector<256x16xf32>
    %eq3A_1290 = arith.constant 7 : i32
    %eq3A_1291 = vector.broadcast %eq3A_1290 : i32 to vector<256x16xi32>
    %eq3A_1292 = arith.cmpi eq, %select_n3A_1177, %eq3A_1291 : vector<256x16xi32>
    %slice3A_1293 = vector.extract_strided_slice %concatenate3A_1147 {offsets = [0, 7], sizes = [256, 1], strides = [1, 1]} : vector<256x8xi32> to vector<256x1xi32>
    %broadcast_in_dim3A_1294 = vector.shape_cast %slice3A_1293 : vector<256x1xi32> to vector<256x1xi32>
    %broadcast_in_dim3A_1295 = vector.broadcast %broadcast_in_dim3A_1294 : vector<256x1xi32> to vector<256x16xi32>
    %select_n3A_1296 = arith.select %eq3A_1292, %broadcast_in_dim3A_1295, %select_n3A_1282 : vector<256x16xi1>, vector<256x16xi32>
    %ne3A_1297 = arith.constant 0 : i32
    %ne3A_1298 = vector.broadcast %ne3A_1297 : i32 to vector<256x16xi32>
    %ne3A_1299 = arith.cmpi ne, %select_n3A_1296, %ne3A_1298 : vector<256x16xi32>
    %ne3A_1300 = arith.constant 2048 : i32
    %ne3A_1301 = vector.broadcast %ne3A_1300 : i32 to vector<256x16xi32>
    %ne3A_1302 = arith.cmpi ne, %select_n3A_1296, %ne3A_1301 : vector<256x16xi32>
    %and3A_1303 = arith.andi %ne3A_1299, %ne3A_1302 : vector<256x16xi1>
    %eq3A_1304 = arith.constant 1 : i32
    %eq3A_1305 = vector.broadcast %eq3A_1304 : i32 to vector<256x16xi32>
    %eq3A_1306 = arith.cmpi eq, %sub3A_1181, %eq3A_1305 : vector<256x16xi32>
    %sub3A_1307 = arith.constant 4096 : i32
    %sub3A_1308 = vector.broadcast %sub3A_1307 : i32 to vector<256x16xi32>
    %sub3A_1309 = arith.subi %sub3A_1308, %select_n3A_1296 : vector<256x16xi32>
    %select_n3A_1310 = arith.select %eq3A_1306, %sub3A_1309, %select_n3A_1296 : vector<256x16xi1>, vector<256x16xi32>
    %eq3A_1311 = arith.constant 0 : i32
    %eq3A_1312 = vector.broadcast %eq3A_1311 : i32 to vector<256x16xi32>
    %eq3A_1313 = arith.cmpi eq, %sub3A_1181, %eq3A_1312 : vector<256x16xi32>
    %or3A = arith.ori %eq3A_1313, %and3A_1303 : vector<256x16xi1>
    %convert_element_type3A_1314 = arith.extui %or3A : vector<256x16xi1> to vector<256x16xi32>
    %convert_element_type3A_1315 = arith.sitofp %convert_element_type3A_1314 : vector<256x16xi32> to vector<256x16xf32>
    %get3A_1316 = arith.constant 0 : index
    %get3A_1317 = arith.constant 0 : index
    %get3A_1318 = vector.load %arg7[%get3A_1316, %get3A_1317] : memref<16x16xf32, #tpu.memory_space<vmem>>, vector<16x16xf32>
    %dot_general3A_1319 = arith.constant dense<0.000000e+00> : vector<256x16xf32>
    %dot_general3A_1320 = tpu.matmul %convert_element_type3A_1315, %get3A_1318, %dot_general3A_1319 {dimension_numbers = #tpu.dot_dimension_numbers<[1], [0], [0], [1], [0, 0, 1, 1], [], []>, transpose_lhs_hint = false} : vector<256x16xf32>, vector<16x16xf32>, vector<256x16xf32> -> vector<256x16xf32>
    %convert_element_type3A_1321 = arith.fptosi %dot_general3A_1320 : vector<256x16xf32> to vector<256x16xi32>
    %eq3A_1322 = arith.constant 0 : i32
    %eq3A_1323 = vector.broadcast %eq3A_1322 : i32 to vector<256x16xi32>
    %eq3A_1324 = arith.cmpi eq, %convert_element_type3A_1321, %eq3A_1323 : vector<256x16xi32>
    %and3A_1325 = arith.andi %or3A, %eq3A_1324 : vector<256x16xi1>
    %jit3A_1326 = arith.constant 0.000000e+00 : f32
    %broadcast_in_dim3A_1327 = vector.broadcast %jit3A_1326 : f32 to vector<256x16xf32>
    %select_n3A_1328 = arith.select %and3A_1325, %select_n3A_1289, %broadcast_in_dim3A_1327 : vector<256x16xi1>, vector<256x16xf32>
    %reduce_sum3A_1329 = arith.constant dense<0.000000e+00> : vector<256xf32>
    %reduce_sum3A_1330 = vector.multi_reduction <add>, %select_n3A_1328, %reduce_sum3A_1329 [1] : vector<256x16xf32> to vector<256xf32>
    %broadcast_in_dim3A_1331 = vector.shape_cast %reduce_sum3A_1330 : vector<256xf32> to vector<256x1xf32>
    %jit3A_1332 = arith.constant 0 : i32
    %broadcast_in_dim3A_1333 = vector.broadcast %jit3A_1332 : i32 to vector<256x16xi32>
    %select_n3A_1334 = arith.select %and3A_1325, %select_n3A_1310, %broadcast_in_dim3A_1333 : vector<256x16xi1>, vector<256x16xi32>
    %reduce_sum3A_1335 = arith.constant dense<0> : vector<256xi32>
    %reduce_sum3A_1336 = vector.multi_reduction <add>, %select_n3A_1334, %reduce_sum3A_1335 [1] : vector<256x16xi32> to vector<256xi32>
    %broadcast_in_dim3A_1337 = vector.shape_cast %reduce_sum3A_1336 : vector<256xi32> to vector<256x1xi32>
    %eq3A_1338 = arith.constant 1 : i32
    %eq3A_1339 = vector.broadcast %eq3A_1338 : i32 to vector<256x16xi32>
    %eq3A_1340 = arith.cmpi eq, %convert_element_type3A_1321, %eq3A_1339 : vector<256x16xi32>
    %and3A_1341 = arith.andi %or3A, %eq3A_1340 : vector<256x16xi1>
    %jit3A_1342 = arith.constant 0.000000e+00 : f32
    %broadcast_in_dim3A_1343 = vector.broadcast %jit3A_1342 : f32 to vector<256x16xf32>
    %select_n3A_1344 = arith.select %and3A_1341, %select_n3A_1289, %broadcast_in_dim3A_1343 : vector<256x16xi1>, vector<256x16xf32>
    %reduce_sum3A_1345 = arith.constant dense<0.000000e+00> : vector<256xf32>
    %reduce_sum3A_1346 = vector.multi_reduction <add>, %select_n3A_1344, %reduce_sum3A_1345 [1] : vector<256x16xf32> to vector<256xf32>
    %broadcast_in_dim3A_1347 = vector.shape_cast %reduce_sum3A_1346 : vector<256xf32> to vector<256x1xf32>
    %jit3A_1348 = arith.constant 0 : i32
    %broadcast_in_dim3A_1349 = vector.broadcast %jit3A_1348 : i32 to vector<256x16xi32>
    %select_n3A_1350 = arith.select %and3A_1341, %select_n3A_1310, %broadcast_in_dim3A_1349 : vector<256x16xi1>, vector<256x16xi32>
    %reduce_sum3A_1351 = arith.constant dense<0> : vector<256xi32>
    %reduce_sum3A_1352 = vector.multi_reduction <add>, %select_n3A_1350, %reduce_sum3A_1351 [1] : vector<256x16xi32> to vector<256xi32>
    %broadcast_in_dim3A_1353 = vector.shape_cast %reduce_sum3A_1352 : vector<256xi32> to vector<256x1xi32>
    %eq3A_1354 = arith.constant 2 : i32
    %eq3A_1355 = vector.broadcast %eq3A_1354 : i32 to vector<256x16xi32>
    %eq3A_1356 = arith.cmpi eq, %convert_element_type3A_1321, %eq3A_1355 : vector<256x16xi32>
    %and3A_1357 = arith.andi %or3A, %eq3A_1356 : vector<256x16xi1>
    %jit3A_1358 = arith.constant 0.000000e+00 : f32
    %broadcast_in_dim3A_1359 = vector.broadcast %jit3A_1358 : f32 to vector<256x16xf32>
    %select_n3A_1360 = arith.select %and3A_1357, %select_n3A_1289, %broadcast_in_dim3A_1359 : vector<256x16xi1>, vector<256x16xf32>
    %reduce_sum3A_1361 = arith.constant dense<0.000000e+00> : vector<256xf32>
    %reduce_sum3A_1362 = vector.multi_reduction <add>, %select_n3A_1360, %reduce_sum3A_1361 [1] : vector<256x16xf32> to vector<256xf32>
    %broadcast_in_dim3A_1363 = vector.shape_cast %reduce_sum3A_1362 : vector<256xf32> to vector<256x1xf32>
    %jit3A_1364 = arith.constant 0 : i32
    %broadcast_in_dim3A_1365 = vector.broadcast %jit3A_1364 : i32 to vector<256x16xi32>
    %select_n3A_1366 = arith.select %and3A_1357, %select_n3A_1310, %broadcast_in_dim3A_1365 : vector<256x16xi1>, vector<256x16xi32>
    %reduce_sum3A_1367 = arith.constant dense<0> : vector<256xi32>
    %reduce_sum3A_1368 = vector.multi_reduction <add>, %select_n3A_1366, %reduce_sum3A_1367 [1] : vector<256x16xi32> to vector<256xi32>
    %broadcast_in_dim3A_1369 = vector.shape_cast %reduce_sum3A_1368 : vector<256xi32> to vector<256x1xi32>
    %eq3A_1370 = arith.constant 3 : i32
    %eq3A_1371 = vector.broadcast %eq3A_1370 : i32 to vector<256x16xi32>
    %eq3A_1372 = arith.cmpi eq, %convert_element_type3A_1321, %eq3A_1371 : vector<256x16xi32>
    %and3A_1373 = arith.andi %or3A, %eq3A_1372 : vector<256x16xi1>
    %jit3A_1374 = arith.constant 0.000000e+00 : f32
    %broadcast_in_dim3A_1375 = vector.broadcast %jit3A_1374 : f32 to vector<256x16xf32>
    %select_n3A_1376 = arith.select %and3A_1373, %select_n3A_1289, %broadcast_in_dim3A_1375 : vector<256x16xi1>, vector<256x16xf32>
    %reduce_sum3A_1377 = arith.constant dense<0.000000e+00> : vector<256xf32>
    %reduce_sum3A_1378 = vector.multi_reduction <add>, %select_n3A_1376, %reduce_sum3A_1377 [1] : vector<256x16xf32> to vector<256xf32>
    %broadcast_in_dim3A_1379 = vector.shape_cast %reduce_sum3A_1378 : vector<256xf32> to vector<256x1xf32>
    %jit3A_1380 = arith.constant 0 : i32
    %broadcast_in_dim3A_1381 = vector.broadcast %jit3A_1380 : i32 to vector<256x16xi32>
    %select_n3A_1382 = arith.select %and3A_1373, %select_n3A_1310, %broadcast_in_dim3A_1381 : vector<256x16xi1>, vector<256x16xi32>
    %reduce_sum3A_1383 = arith.constant dense<0> : vector<256xi32>
    %reduce_sum3A_1384 = vector.multi_reduction <add>, %select_n3A_1382, %reduce_sum3A_1383 [1] : vector<256x16xi32> to vector<256xi32>
    %broadcast_in_dim3A_1385 = vector.shape_cast %reduce_sum3A_1384 : vector<256xi32> to vector<256x1xi32>
    %eq3A_1386 = arith.constant 4 : i32
    %eq3A_1387 = vector.broadcast %eq3A_1386 : i32 to vector<256x16xi32>
    %eq3A_1388 = arith.cmpi eq, %convert_element_type3A_1321, %eq3A_1387 : vector<256x16xi32>
    %and3A_1389 = arith.andi %or3A, %eq3A_1388 : vector<256x16xi1>
    %jit3A_1390 = arith.constant 0.000000e+00 : f32
    %broadcast_in_dim3A_1391 = vector.broadcast %jit3A_1390 : f32 to vector<256x16xf32>
    %select_n3A_1392 = arith.select %and3A_1389, %select_n3A_1289, %broadcast_in_dim3A_1391 : vector<256x16xi1>, vector<256x16xf32>
    %reduce_sum3A_1393 = arith.constant dense<0.000000e+00> : vector<256xf32>
    %reduce_sum3A_1394 = vector.multi_reduction <add>, %select_n3A_1392, %reduce_sum3A_1393 [1] : vector<256x16xf32> to vector<256xf32>
    %broadcast_in_dim3A_1395 = vector.shape_cast %reduce_sum3A_1394 : vector<256xf32> to vector<256x1xf32>
    %jit3A_1396 = arith.constant 0 : i32
    %broadcast_in_dim3A_1397 = vector.broadcast %jit3A_1396 : i32 to vector<256x16xi32>
    %select_n3A_1398 = arith.select %and3A_1389, %select_n3A_1310, %broadcast_in_dim3A_1397 : vector<256x16xi1>, vector<256x16xi32>
    %reduce_sum3A_1399 = arith.constant dense<0> : vector<256xi32>
    %reduce_sum3A_1400 = vector.multi_reduction <add>, %select_n3A_1398, %reduce_sum3A_1399 [1] : vector<256x16xi32> to vector<256xi32>
    %broadcast_in_dim3A_1401 = vector.shape_cast %reduce_sum3A_1400 : vector<256xi32> to vector<256x1xi32>
    %eq3A_1402 = arith.constant 5 : i32
    %eq3A_1403 = vector.broadcast %eq3A_1402 : i32 to vector<256x16xi32>
    %eq3A_1404 = arith.cmpi eq, %convert_element_type3A_1321, %eq3A_1403 : vector<256x16xi32>
    %and3A_1405 = arith.andi %or3A, %eq3A_1404 : vector<256x16xi1>
    %jit3A_1406 = arith.constant 0.000000e+00 : f32
    %broadcast_in_dim3A_1407 = vector.broadcast %jit3A_1406 : f32 to vector<256x16xf32>
    %select_n3A_1408 = arith.select %and3A_1405, %select_n3A_1289, %broadcast_in_dim3A_1407 : vector<256x16xi1>, vector<256x16xf32>
    %reduce_sum3A_1409 = arith.constant dense<0.000000e+00> : vector<256xf32>
    %reduce_sum3A_1410 = vector.multi_reduction <add>, %select_n3A_1408, %reduce_sum3A_1409 [1] : vector<256x16xf32> to vector<256xf32>
    %broadcast_in_dim3A_1411 = vector.shape_cast %reduce_sum3A_1410 : vector<256xf32> to vector<256x1xf32>
    %jit3A_1412 = arith.constant 0 : i32
    %broadcast_in_dim3A_1413 = vector.broadcast %jit3A_1412 : i32 to vector<256x16xi32>
    %select_n3A_1414 = arith.select %and3A_1405, %select_n3A_1310, %broadcast_in_dim3A_1413 : vector<256x16xi1>, vector<256x16xi32>
    %reduce_sum3A_1415 = arith.constant dense<0> : vector<256xi32>
    %reduce_sum3A_1416 = vector.multi_reduction <add>, %select_n3A_1414, %reduce_sum3A_1415 [1] : vector<256x16xi32> to vector<256xi32>
    %broadcast_in_dim3A_1417 = vector.shape_cast %reduce_sum3A_1416 : vector<256xi32> to vector<256x1xi32>
    %eq3A_1418 = arith.constant 6 : i32
    %eq3A_1419 = vector.broadcast %eq3A_1418 : i32 to vector<256x16xi32>
    %eq3A_1420 = arith.cmpi eq, %convert_element_type3A_1321, %eq3A_1419 : vector<256x16xi32>
    %and3A_1421 = arith.andi %or3A, %eq3A_1420 : vector<256x16xi1>
    %jit3A_1422 = arith.constant 0.000000e+00 : f32
    %broadcast_in_dim3A_1423 = vector.broadcast %jit3A_1422 : f32 to vector<256x16xf32>
    %select_n3A_1424 = arith.select %and3A_1421, %select_n3A_1289, %broadcast_in_dim3A_1423 : vector<256x16xi1>, vector<256x16xf32>
    %reduce_sum3A_1425 = arith.constant dense<0.000000e+00> : vector<256xf32>
    %reduce_sum3A_1426 = vector.multi_reduction <add>, %select_n3A_1424, %reduce_sum3A_1425 [1] : vector<256x16xf32> to vector<256xf32>
    %broadcast_in_dim3A_1427 = vector.shape_cast %reduce_sum3A_1426 : vector<256xf32> to vector<256x1xf32>
    %jit3A_1428 = arith.constant 0 : i32
    %broadcast_in_dim3A_1429 = vector.broadcast %jit3A_1428 : i32 to vector<256x16xi32>
    %select_n3A_1430 = arith.select %and3A_1421, %select_n3A_1310, %broadcast_in_dim3A_1429 : vector<256x16xi1>, vector<256x16xi32>
    %reduce_sum3A_1431 = arith.constant dense<0> : vector<256xi32>
    %reduce_sum3A_1432 = vector.multi_reduction <add>, %select_n3A_1430, %reduce_sum3A_1431 [1] : vector<256x16xi32> to vector<256xi32>
    %broadcast_in_dim3A_1433 = vector.shape_cast %reduce_sum3A_1432 : vector<256xi32> to vector<256x1xi32>
    %eq3A_1434 = arith.constant 7 : i32
    %eq3A_1435 = vector.broadcast %eq3A_1434 : i32 to vector<256x16xi32>
    %eq3A_1436 = arith.cmpi eq, %convert_element_type3A_1321, %eq3A_1435 : vector<256x16xi32>
    %and3A_1437 = arith.andi %or3A, %eq3A_1436 : vector<256x16xi1>
    %jit3A_1438 = arith.constant 0.000000e+00 : f32
    %broadcast_in_dim3A_1439 = vector.broadcast %jit3A_1438 : f32 to vector<256x16xf32>
    %select_n3A_1440 = arith.select %and3A_1437, %select_n3A_1289, %broadcast_in_dim3A_1439 : vector<256x16xi1>, vector<256x16xf32>
    %reduce_sum3A_1441 = arith.constant dense<0.000000e+00> : vector<256xf32>
    %reduce_sum3A_1442 = vector.multi_reduction <add>, %select_n3A_1440, %reduce_sum3A_1441 [1] : vector<256x16xf32> to vector<256xf32>
    %broadcast_in_dim3A_1443 = vector.shape_cast %reduce_sum3A_1442 : vector<256xf32> to vector<256x1xf32>
    %jit3A_1444 = arith.constant 0 : i32
    %broadcast_in_dim3A_1445 = vector.broadcast %jit3A_1444 : i32 to vector<256x16xi32>
    %select_n3A_1446 = arith.select %and3A_1437, %select_n3A_1310, %broadcast_in_dim3A_1445 : vector<256x16xi1>, vector<256x16xi32>
    %reduce_sum3A_1447 = arith.constant dense<0> : vector<256xi32>
    %reduce_sum3A_1448 = vector.multi_reduction <add>, %select_n3A_1446, %reduce_sum3A_1447 [1] : vector<256x16xi32> to vector<256xi32>
    %broadcast_in_dim3A_1449 = vector.shape_cast %reduce_sum3A_1448 : vector<256xi32> to vector<256x1xi32>
    %concatenate3A_1450 = tpu.concatenate %broadcast_in_dim3A_1331, %broadcast_in_dim3A_1347, %broadcast_in_dim3A_1363, %broadcast_in_dim3A_1379, %broadcast_in_dim3A_1395, %broadcast_in_dim3A_1411, %broadcast_in_dim3A_1427, %broadcast_in_dim3A_1443 in 1 : vector<256x1xf32>, vector<256x1xf32>, vector<256x1xf32>, vector<256x1xf32>, vector<256x1xf32>, vector<256x1xf32>, vector<256x1xf32>, vector<256x1xf32> -> vector<256x8xf32>
    %concatenate3A_1451 = tpu.concatenate %broadcast_in_dim3A_1337, %broadcast_in_dim3A_1353, %broadcast_in_dim3A_1369, %broadcast_in_dim3A_1385, %broadcast_in_dim3A_1401, %broadcast_in_dim3A_1417, %broadcast_in_dim3A_1433, %broadcast_in_dim3A_1449 in 1 : vector<256x1xi32>, vector<256x1xi32>, vector<256x1xi32>, vector<256x1xi32>, vector<256x1xi32>, vector<256x1xi32>, vector<256x1xi32>, vector<256x1xi32> -> vector<256x8xi32>
    %slice3A_1452 = vector.extract_strided_slice %concatenate3A_1450 {offsets = [0, 0], sizes = [256, 1], strides = [1, 1]} : vector<256x8xf32> to vector<256x1xf32>
    %sub3A_1453 = vector.broadcast %slice3A_1452 : vector<256x1xf32> to vector<256x8xf32>
    %sub3A_1454 = arith.subf %concatenate3A_1450, %sub3A_1453 : vector<256x8xf32>
    %exp3A = math.exp %sub3A_1454 : vector<256x8xf32>
    %reduce_sum3A_1455 = arith.constant dense<0.000000e+00> : vector<256xf32>
    %reduce_sum3A_1456 = vector.multi_reduction <add>, %exp3A, %reduce_sum3A_1455 [1] : vector<256x8xf32> to vector<256xf32>
    %broadcast_in_dim3A_1457 = vector.shape_cast %reduce_sum3A_1456 : vector<256xf32> to vector<256x1xf32>
    %div3A_1458 = vector.broadcast %broadcast_in_dim3A_1457 : vector<256x1xf32> to vector<256x8xf32>
    %div3A_1459 = arith.divf %exp3A, %div3A_1458 : vector<256x8xf32>
    %broadcast_in_dim3A_1460 = arith.constant 0.000000e+00 : f32
    %broadcast_in_dim3A_1461 = vector.broadcast %broadcast_in_dim3A_1460 : f32 to vector<256x120xf32>
    %concatenate3A_1462 = tpu.concatenate %div3A_1459, %broadcast_in_dim3A_1461 in 1 : vector<256x8xf32>, vector<256x120xf32> -> vector<256x128xf32>
    %swap3A_1463 = arith.constant 0 : index
    %swap3A_1464 = arith.constant 0 : index
    %swap3A_1465 = vector.load %arg8[%swap3A_1463, %swap3A_1464] : memref<256x128xf32, #tpu.memory_space<vmem>>, vector<256x128xf32>
    tpu.vector_store %arg8[%swap3A_1463, %swap3A_1464], %concatenate3A_1462 {strides = array<i32>} : memref<256x128xf32, #tpu.memory_space<vmem>>, vector<256x128xf32>,
    %convert_element_type3A_1466 = arith.fptosi %broadcast_in_dim3A_1461 : vector<256x120xf32> to vector<256x120xi32>
    %concatenate3A_1467 = tpu.concatenate %concatenate3A_1451, %convert_element_type3A_1466 in 1 : vector<256x8xi32>, vector<256x120xi32> -> vector<256x128xi32>
    %swap3A_1468 = arith.constant 0 : index
    %swap3A_1469 = arith.constant 0 : index
    %swap3A_1470 = vector.load %arg9[%swap3A_1468, %swap3A_1469] : memref<256x128xi32, #tpu.memory_space<vmem>>, vector<256x128xi32>
    tpu.vector_store %arg9[%swap3A_1468, %swap3A_1469], %concatenate3A_1467 {strides = array<i32>} : memref<256x128xi32, #tpu.memory_space<vmem>>, vector<256x128xi32>,
    return
  }
  func.func @transform_0(%arg0: i32) -> (i32, i32) {
    %min3A = arith.constant 15 : i32
    %min3A_0 = arith.minsi %arg0, %min3A : i32
    %c0_i32 = arith.constant 0 : i32
    %c0_i32_1 = arith.constant 0 : i32
    return %min3A_0, %c0_i32 : i32, i32
  }
  func.func @transform_1(%arg0: i32) -> (i32, i32) {
    %c0_i32 = arith.constant 0 : i32
    %c0_i32_0 = arith.constant 0 : i32
    %c0_i32_1 = arith.constant 0 : i32
    return %c0_i32, %c0_i32_0 : i32, i32
  }
  func.func @transform_2(%arg0: i32) -> (i32, i32) {
    %c0_i32 = arith.constant 0 : i32
    %c0_i32_0 = arith.constant 0 : i32
    %c0_i32_1 = arith.constant 0 : i32
    return %c0_i32, %c0_i32_0 : i32, i32
  }
  func.func @transform_3(%arg0: i32) -> (i32, i32) {
    %c0_i32 = arith.constant 0 : i32
    %c0_i32_0 = arith.constant 0 : i32
    %c0_i32_1 = arith.constant 0 : i32
    return %c0_i32, %c0_i32_0 : i32, i32
  }
  func.func @transform_4(%arg0: i32) -> (i32, i32) {
    %c0_i32 = arith.constant 0 : i32
    %c0_i32_0 = arith.constant 0 : i32
    %c0_i32_1 = arith.constant 0 : i32
    return %c0_i32, %c0_i32_0 : i32, i32
  }
  func.func @transform_5(%arg0: i32) -> (i32, i32) {
    %c0_i32 = arith.constant 0 : i32
    %c0_i32_0 = arith.constant 0 : i32
    %c0_i32_1 = arith.constant 0 : i32
    return %c0_i32, %c0_i32_0 : i32, i32
  }
  func.func @transform_6(%arg0: i32) -> (i32, i32) {
    %c0_i32 = arith.constant 0 : i32
    %c0_i32_0 = arith.constant 0 : i32
    %c0_i32_1 = arith.constant 0 : i32
    return %c0_i32, %c0_i32_0 : i32, i32
  }
  func.func @transform_7(%arg0: i32) -> (i32, i32) {
    %sub3A = arith.constant 1 : i32
    %sub3A_0 = arith.subi %arg0, %sub3A : i32
    %max3A = arith.constant 0 : i32
    %max3A_1 = arith.maxsi %sub3A_0, %max3A : i32
    %c0_i32 = arith.constant 0 : i32
    %c0_i32_2 = arith.constant 0 : i32
    return %max3A_1, %c0_i32 : i32, i32
  }
  func.func @transform_8(%arg0: i32) -> (i32, i32) {
    %sub3A = arith.constant 1 : i32
    %sub3A_0 = arith.subi %arg0, %sub3A : i32
    %max3A = arith.constant 0 : i32
    %max3A_1 = arith.maxsi %sub3A_0, %max3A : i32
    %c0_i32 = arith.constant 0 : i32
    %c0_i32_2 = arith.constant 0 : i32
    return %max3A_1, %c0_i32 : i32, i32
  }
}

</mosaic_0001>

<sc_bundles>
// kernel: kernel.4.cloned.1.call-start
scs
__scs_entry_jumppad:
0x0: {  	(pc) =	sbr.rel $0x88, $3  }
0x1: {  	(tag) =	ssettag $0x0;
	lr =	simm.s32 $0x1  }
0x2: {  	[smem:$0x3FA0] =	sst lr;
	_ =	strace $0xD0000000  }
0x3: {  	_ = 	snop  }
0x4: {  	_ = 	snop  }
0x5: {  	_ = 	snop  }
0x6: {  	_ = 	snop  }
0x7: {  	_ = 	snop  }
__scs_overlays_trampoline_lowered:
0x8: {  	[smem:$0x3FAF] =	sst s0  }
0x9: {  	[smem:$0x3FB0] =	sst s1  }
0xa: {  	[smem:$0x3FB1] =	sst s2  }
0xb: {  	[smem:$0x3FB2] =	sst s3  }
0xc: {  	[smem:$0x3FB3] =	sst s4  }
0xd: {  	[smem:$0x3FB4] =	sst s5  }
0xe: {  	[smem:$0x3FB5] =	sst s6  }
0xf: {  	[smem:$0x3FB6] =	sst s7  }
0x10: {  	[smem:$0x3FB7] =	sst s8  }
0x11: {  	[smem:$0x3FB8] =	sst s9;
	s0 =	simm.s32 @!p0 $0x0  }
0x12: {  	s1 =	sld [smem:$0x3F9E];
	s0 =	simm.s32 @p0 $0x1  }
0x13: {  	[smem:$0x3FB9] =	sst s0;
	s0 =	simm.s32 @!p1 $0x0  }
0x14: {  	s2 =	sld [smem:$0x3F9D];
	s0 =	simm.s32 @p1 $0x1  }
0x15: {  	[smem:$0x3FBA] =	sst s0;
	s0 =	simm.s32 @!p2 $0x0  }
0x16: {  	s3 =	sld [smem:$0x3FDB];
	s0 =	simm.s32 @p2 $0x1  }
0x17: {  	s4 =	simm.s32 $0x1BF5;
	[smem:$0x3FBC] =	sst s0  }
0x18: {  	s0 =	sld [smem:$0x3F9F];
	_ =	swait.ge [sflag:s4], $0x0  }
0x19: {  	s7 =	sld [smem:$0x3FA0]  }
0x1a: {  	s8 =	sadd.s32 $0xFFFFE003, lr  }
0x1b: {  	s9 =	sadd.s32 $0xFFFFFEF7, lr;
	s5 =	simm.s32 $0xFFFFFFFF;
	p2 =	slt.u32 s8, $0xFFFFF086  }
0x1c: {  	p1 =	slt.u32 s9, $0xF7A;
	s5 =	simm.s32 @!p2 $0x0  }
0x1d: {  	s5 =	simm.s32 @p1 $0x1;
	p0 =	seq.s32 s7, s2  }
0x1e: {  	s7 =	smul.u32 @!p0 $0xF7A, s2;
	p2 =	seq.s32 @!p0 s5, $0x0  }
0x1f: {  	s9 =	smul.u32 $0xF7A, s1;
	s8 =	simm.s32 @!p0 $0x1BF5;
	p2 =	por !p2, p0  }
0x20: {  	[sflag:s8] =	ssyncset.s32 @!p0 $0xFFFFF086;
	s6 =	sadd.s32 @!p0 s3, s7;
	s7 =	simm.s32 @!p0 $0x108  }
0x21: {  	s3 =	sadd.s32 s3, s9;
	s6 =	sadd.s32 @!p0 $0x88, s6;
	s7 =	simm.s32 @p2 $0x1082  }
0x22: {  	[simem:s7], [sflag:s8] =	dma.local @!p0 [hbm:s6], $0xF7A  }
0x23: {  	s9 =	sor.u32 $0xD0000000, s2;
	s6 =	simm.s32 $0x108;
	_ =	swait.ge @!p0 [sflag:s8], $0x0  }
0x24: {  	s3 =	sadd.s32 $0x88, s3;
	s6 =	simm.s32 @!p1 $0x1082;
	[sflag:s4] =	ssyncset.s32 $0xFFFFF086  }
0x25: {  	[simem:s6], [sflag:s4] =	dma.local [hbm:s3], $0xF7A  }
0x26: {  	[smem:$0x3FA0] =	sst s1;
	(tag) =	ssettag s2;
	_ =	strace s9  }
0x27: {  	s1 =	sld [smem:$0x3FB0]  }
0x28: {  	s2 =	sld [smem:$0x3FB1]  }
0x29: {  	s4 =	sld [smem:$0x3FB3]  }
0x2a: {  	p0 =	seq.s32 s5, $0x0;
	s5 =	sld [smem:$0x3FB4]  }
0x2b: {  	s6 =	sld [smem:$0x3FB5]  }
0x2c: {  	s7 =	sld [smem:$0x3FB6]  }
0x2d: {  	s3 =	simm.s32 $0x108;
	s8 =	sld [smem:$0x3FB7]  }
0x2e: {  	s3 =	simm.s32 @!p0 $0x1082;
	s9 =	sld [smem:$0x3FB8]  }
0x2f: {  	lr =	sadd.s32 s0, s3;
	s0 =	sld [smem:$0x3FAF]  }
0x30: {  	s3 =	sld [smem:$0x3FB2]  }
0x31: {  	[smem:$0x3FBB] =	sst s10  }
0x32: {  	s10 =	sld [smem:$0x3FB9];
	_ =	sdelay $0x3  }
0x33: {  	p0 =	seq.s32 s10, $0x1;
	s10 =	sld [smem:$0x3FBB];
	_ =	sdelay $0x3  }
0x34: {  	[smem:$0x3FBB] =	sst s10  }
0x35: {  	s10 =	sld [smem:$0x3FBA];
	_ =	sdelay $0x3  }
0x36: {  	p1 =	seq.s32 s10, $0x1;
	s10 =	sld [smem:$0x3FBB];
	_ =	sdelay $0x3  }
0x37: {  	[smem:$0x3FBB] =	sst s10  }
0x38: {  	s10 =	sld [smem:$0x3FBC]  }
0x39: {  	_ = 	snop;
	(pc) =	sbr.ind lr, $3  }
0x3a: {  	_ = 	snop  }
0x3b: {  	_ = 	snop  }
0x3c: {  	p2 =	seq.s32 s10, $0x1;
	s10 =	sld [smem:$0x3FBB]  }
0x3d: {  	_ =	shalt  }
0x3e: {  	_ =	shalt  }
0x3f: {  	_ =	shalt  }
0x40: {  	_ =	shalt  }
0x41: {  	_ =	shalt  }
0x42: {  	_ =	shalt  }
0x43: {  	_ =	shalt  }
0x44: {  	_ =	shalt  }
0x45: {  	_ =	shalt  }
0x46: {  	_ =	shalt  }
0x47: {  	_ =	shalt  }
0x48: {  	_ =	shalt  }
0x49: {  	_ =	shalt  }
0x4a: {  	_ =	shalt  }
0x4b: {  	_ =	shalt  }
0x4c: {  	_ =	shalt  }
0x4d: {  	_ =	shalt  }
0x4e: {  	_ =	shalt  }
0x4f: {  	_ =	shalt  }
0x50: {  	_ =	shalt  }
0x51: {  	_ =	shalt  }
0x52: {  	_ =	shalt  }
0x53: {  	_ =	shalt  }
0x54: {  	_ =	shalt  }
0x55: {  	_ =	shalt  }
0x56: {  	_ =	shalt  }
0x57: {  	_ =	shalt  }
0x58: {  	_ =	shalt  }
0x59: {  	_ =	shalt  }
0x5a: {  	_ =	shalt  }
0x5b: {  	_ =	shalt  }
0x5c: {  	_ =	shalt  }
0x5d: {  	_ =	shalt  }
0x5e: {  	_ =	shalt  }
0x5f: {  	_ =	shalt  }
0x60: {  	_ =	shalt  }
0x61: {  	_ =	shalt  }
0x62: {  	_ =	shalt  }
0x63: {  	_ =	shalt  }
0x64: {  	_ =	shalt  }
0x65: {  	_ =	shalt  }
0x66: {  	_ =	shalt  }
0x67: {  	_ =	shalt  }
0x68: {  	_ =	shalt  }
0x69: {  	_ =	shalt  }
0x6a: {  	_ =	shalt  }
0x6b: {  	_ =	shalt  }
0x6c: {  	_ =	shalt  }
0x6d: {  	_ =	shalt  }
0x6e: {  	_ =	shalt  }
0x6f: {  	_ =	shalt  }
0x70: {  	_ =	shalt  }
0x71: {  	_ =	shalt  }
0x72: {  	_ =	shalt  }
0x73: {  	_ =	shalt  }
0x74: {  	_ =	shalt  }
0x75: {  	_ =	shalt  }
0x76: {  	_ =	shalt  }
0x77: {  	_ =	shalt  }
0x78: {  	_ =	shalt  }
0x79: {  	_ =	shalt  }
0x7a: {  	_ =	shalt  }
0x7b: {  	_ =	shalt  }
0x7c: {  	_ =	shalt  }
0x7d: {  	_ =	shalt  }
0x7e: {  	_ =	shalt  }
0x7f: {  	_ =	shalt  }
0x80: {  	_ =	shalt  }
0x81: {  	_ =	shalt  }
0x82: {  	_ =	shalt  }
0x83: {  	_ =	shalt  }
0x84: {  	_ =	shalt  }
0x85: {  	_ =	shalt  }
0x86: {  	_ =	shalt  }
0x87: {  	_ =	shalt  }
.Lfunc_end0:
.L_simem_size_0:
called_computation_lowered:
.L_overlay_start_0:
0x88: {  	s2 =	sld [smem:$0x3FD9]  }
0x89: {  	s3 =	sld [smem:$0x3FFE];
	_ =	sdelay $0x1  }
0x8a: {  	s1 =	srdreg.scid  }
0x8b: {  	s0 =	sand.u32 $0x1, s1  }
0x8c: {  	s17 =	sshll.u32 s0, $0xA;
	s2 =	sadd.s32 s3, s2  }
0x8d: {  	s2 =	sadd.s32 s2, s17  }
0x8e: {  	[smem:$0x3FC7] =	sst s2  }
0x8f: {  	_ = 	snop  }
0x90: {  	s2 =	sld [smem:$0x3FC9]  }
0x91: {  	s18 =	sld [smem:$0x3FD0];
	(tm) =	ssettm $0x1  }
0x92: {  	s4 =	sld [smem:$0x3FFB];
	_ =	sdelay $0x3  }
0x93: {  	_ =	strace s4  }
0x94: {  	s4 =	sld [smem:$0x3FFC];
	_ =	sdelay $0x3  }
0x95: {  	_ =	strace s4  }
0x96: {  	s4 =	sld [smem:$0x3FFD];
	_ =	sdelay $0x3  }
0x97: {  	_ =	strace s4  }
0x98: {  	_ =	strace $0x8FFFFFFF  }
0x99: {  	s19 =	sld [smem:$0x3FDB];
	_ =	sdelay $0x1  }
0x9a: {  	s5 =	simm.s32 $_scs_section_size  }
0x9b: {  	s6 =	simm.s32 $_size__tile_overlayer_lowered;
	s7 =	simm.s32 $_tile_overlayer_lowered  }
0x9c: {  	s22 =	simm.s32 $0x1BFF;
	s21 =	sshll.u32 s7, $0x1;
	s4 =	sadd.s32 s5, s19  }
0x9d: {  	s8 =	simm.s32 $0x0;
	s20 =	sshll.u32 s6, $0x1;
	s6 =	sadd.s32 s21, s4  }
0x9e: {  	[timem:s8], [sflag:s22] =	dma.local [hbm:s6], s20  }
0x9f: {  	_ =	swait.ge [sflag:s22], s20  }
0xa0: {  	s5 =	ssub.s32 $0x0, s20;
	[sflag:s22] =	ssyncset.done $0x0  }
0xa1: {  	[sflag:s22] =	ssyncadd.s32 s5;
	_ =	sdelay $0x1  }
0xa2: {  	s23 =	simm.s32 $0x1B8B  }
0xa3: {  	_ =	swait.ge [sflag:s23], $0x1  }
0xa4: {  	[sflag:s23] =	ssyncset.done $0x0  }
0xa5: {  	s25 =	simm.s32 $0x1B8E;
	s24 =	sld [smem:$0x3FFE];
	[sflag:s23] =	ssyncadd.s32 $0xFFFFFFFF  }
0xa6: {  	s26 =	simm.s32 $execute0_lowered;
	[smem:$0x3FD2] =	sst s25  }
0xa7: {  	s6 =	sshll.u32 s26, $0x1;
	_ =	strace $0x80000046;
	[dreg:$0x1] =	wrdreg $0xFFFFFFFF  }
0xa8: {  	s28 =	simm.s32 $_size_execute0_lowered;
	s4 =	sadd.s32 s4, s6;
	[dreg:$0x0] =	wrdreg $0x0  }
0xa9: {  	s6 =	sshll.u32 s28, $0x1;
	[dreg:$0x2] =	wrdreg s4  }
0xaa: {  	[dreg:$0x3] =	wrdreg s6  }
0xab: {  	[dreg:$0x4] =	wrdreg $0xC0  }
0xac: {  	_ =	task [dreg:s8], $0x5FFFF  }
0xad: {  	[dreg:$0x1] =	wrdreg $0xFFFFFFFF  }
0xae: {  	[dreg:$0x0] =	wrdreg $0x60  }
0xaf: {  	[dreg:$0x2] =	wrdreg s2  }
0xb0: {  	[dreg:$0x3] =	wrdreg s24  }
0xb1: {  	[dreg:$0x4] =	wrdreg s18  }
0xb2: {  	[dreg:$0x5] =	wrdreg $0x9  }
0xb3: {  	_ =	task.clear_ibuf [dreg:s8], $0x6FFFF;
	_ =	strace $0x90000046  }
0xb4: {  	s29 =	simm.s32 $0x9;
	_ =	strace $0x80000048  }
0xb5: {  	_ =	swait.ge [sflag:s29], $0x1  }
0xb6: {  	[sflag:s29] =	ssyncadd.s32 $0xFFFFFFFF  }
0xb7: {  	_ =	strace $0x90000048  }
0xb8: {  	_ =	sfence  }
0xb9: {  	s30 =	sld [smem:$0x0];
	_ =	sdelay $0x2  }
0xba: {  	s31 =	sshll.u32 s1, $0xD;
	s1 =	sshrl.u32 s1, $0x2  }
0xbb: {  	s3 =	sand.u32 $0x4000, s31;
	s1 =	sadd.s32 s1, s30  }
0xbc: {  	s0 =	sor.u32 s3, s0;
	s1 =	sshll.u32 s1, $0x11  }
0xbd: {  	s0 =	sor.u32 s1, s0  }
0xbe: {  	s0 =	sadd.s32 $0x8F2B, s0  }
0xbf: {  	[sflag:s0] =	ssyncadd.remote.s32 $0x1  }
0xc0: {  	_ =	sfence.sel $0xFFFF  }
0xc1: {  	[dreg:$0x0] =	wrdreg $0xFFFFFFFF;
	(pc) =	sbr.abs _section_cstart, $3  }
0xc2: {  	[dreg:$0x1] =	wrdreg $0xFFFFFFFF  }
0xc3: {  	_ =	task.clear_ibuf [dreg:s8], $0x2FFFF;
	_ =	strace $0x9FFFFFFF  }
0xc4: {  	(tm) =	ssettm $0x7FFFFFFF  }
0xc5: {  	_ =	shalt  }
tec
execute0_lowered:
.L_overlay_start_1:
0x0: {  	(tag) =	ssettag $0x1  }
0x1: {  	s1 =	rddreg [dreg:$0x0]  }
0x2: {  	s0 =	rddreg [dreg:$0x1]  }
0x3: {  	s3 =	rddreg [dreg:$0x2]  }
0x4: {  	s5 =	srdreg.scid;
	s2 =	stileid.u32;
	s4 =	simm.s32 $0x0  }
0x5: {  	s10 =	simm.s32 $0x2000;
	s11 =	simm.s32 $0x5;
	s12 =	simm.s32 $0x2800  }
0x6: {  	s13 =	simm.s32 $0x80;
	s14 =	simm.s32 $0x400;
	s15 =	simm.s32 $0x1000  }
0x7: {  	s16 =	simm.s32 $0x1;
	s17 =	simm.s32 $0x3000;
	s18 =	simm.s32 $0x2  }
0x8: {  	s19 =	simm.s32 $0x4000;
	s5 =	sand.u32 $0x1, s5;
	s6 =	sshll.u32 s2, $0x1  }
0x9: {  	s20 =	simm.s32 $0x3;
	s21 =	simm.s32 $0x4;
	s8 =	sor.u32 s5, s6  }
0xa: {  	s22 =	simm.s32 $0x0;
	[smem:$0x7FF] =	sst s4;
	s6 =	sshll.u32 s8, $0x8  }
.Ltmp0:
0xb: {  	s5 =	ssub.s32 $0x2, s5;
	s0 =	sadd.s32 s6, s0;
	(pc) =	sbr.rel .LBB2_1-.Ltmp0, $4  }
0xc: {  	v0 =	vlaneseq.u32;
	_ =	strace $0x80000047;
	s7 =	sshrl.u32 s5, $0x1;
	s30 =	sadd.s32 $0x1000, s0  }
0xd: {  	vm0 =	vmmov $0x1;
	vm1 =	vcmask $0x320;
	vm2 =	vcmask $0x308;
	s31 =	sshll.u32 s8, $0x10;
	s0 =	sadd.s32 $0x3000, s0;
	[dreg:$0x4] =	wrdreg s30  }
0xe: {  	vm3 =	vcmask $0x70C;
	vm4 =	vcmask $0xB10;
	vm5 =	vcmask $0xF14;
	s9 =	ssub.s32 s5, s7;
	[dreg:$0x5] =	wrdreg s0;
	s0 =	sadd.s32 s1, s31  }
0xf: {  	vm6 =	vcmask $0x1318;
	vm7 =	vcmask $0x171C;
	vm8 =	vcmask $0x1B20;
	s5 =	sshll.u32 s8, $0x7;
	s9 =	smax.u32 s9, $0x1;
	[dreg:$0x6] =	wrdreg s0  }
.LBB2_75:
0x10: {  	s22 =	sadd.s32 $0x1, s22  }
0x11: {  	_ =	swait.ge [sflag:s20], $0x1000;
	p0 =	sne.s32 s22, s9  }
.Ltmp1:
0x12: {  	[sflag:s20] =	ssyncset.done $0x0;
	(pc) =	sbr.rel @!p0 .LBB2_76-.Ltmp1, $4  }
0x13: {  	[sflag:s20] =	ssyncadd.s32 $0xFFFFF000  }
0x14: {  	_ =	swait.ge [sflag:s21], $0x1000  }
0x15: {  	[sflag:s21] =	ssyncset.done $0x0  }
0x16: {  	[sflag:s21] =	ssyncadd.s32 $0xFFFFF000  }
.LBB2_1:
0x17: {  	s0 =	rddreg [dreg:$0x4]  }
0x18: {  	[tilespmem:s10], [sflag:$0x5] =	stream.linear.gather [hbm4b:s0+s4], $0x800, $0x38;
	[tilespmem:$0x5000] =	vst v63  }
0x19: {  	_ =	swait.ge [sflag:s11], $0x800  }
0x1a: {  	[sflag:s11] =	ssyncset.done $0x0  }
0x1b: {  	s30 =	rddreg [dreg:$0x5];
	[sflag:s11] =	ssyncadd.s32 $0xFFFFF800  }
0x1c: {  	[tilespmem:s12], [sflag:$0x5] =	stream.linear.gather [hbm4b:s30+s4], $0x800, $0x38;
	[tilespmem:$0x5000] =	vst v63  }
.Ltmp2:
0x1d: {  	_ = 	snop;
	(pc) =	sbr.rel .LBB2_2-.Ltmp2, $4  }
0x1e: {  	_ =	swait.ge [sflag:s11], $0x800  }
0x1f: {  	[sflag:s11] =	ssyncset.done $0x0  }
0x20: {  	s23 =	simm.s32 $0x0;
	s31 =	rddreg [dreg:$0x6];
	[sflag:s11] =	ssyncadd.s32 $0xFFFFF800  }
0x21: {  	[tilespmem:s4], [sflag:$0x1] =	stream.strided.gather [hbm4b:s31+s13], $0x1000, s14, s13, $0x38;
	[tilespmem:$0x5000] =	vst v63  }
.LBB2_74:
0x22: {  	s23 =	sadd.s32 $0x1, s23  }
0x23: {  	p0 =	sne.s32 s23, $0x40  }
.Ltmp3:
0x24: {  	_ = 	snop;
	(pc) =	sbr.rel @!p0 .LBB2_75-.Ltmp3, $4  }
0x25: {  	s0 =	sand.u32 $0x70, s25  }
0x26: {  	s0 =	sadd.s32 s3, s0  }
0x27: {  	s0 =	sadd.s32 s24, s0  }
0x28: {  	[hbm4b:s0+s13] =	stream.strided.scatter [tilespmem:s19], [sflag:$0x4], $0x1000, s14, s13, $0x38;
	[tilespmem:$0x5000] =	vst v63  }
.LBB2_2:
0x29: {  	s0 =	sshll.u32 s23, $0x1  }
0x2a: {  	s24 =	sshll.u32 s23, $0x5;
	s0 =	sadd.s32 s5, s0  }
0x2b: {  	s25 =	sand.u32 $0x60, s24;
	v1 =	vor.u32 s24, v0;
	s0 =	sshll.u32 s0, $0x9  }
0x2c: {  	s30 =	sadd.s32 s25, s1;
	s24 =	sand.u32 $0xFFFF000, s0  }
0x2d: {  	s0 =	sadd.s32 s24, s30  }
0x2e: {  	s0 =	sadd.s32 $0x10, s0  }
0x2f: {  	[tilespmem:s15], [sflag:$0x2] =	stream.strided.gather [hbm4b:s0+s13], $0x1000, s14, s13, $0x38;
	[tilespmem:$0x5000] =	vst v63  }
0x30: {  	v2 =	vld.idx.msk [tilespmem:v1+s10+$0x0], $0xffff;
	_ =	sdelay $0x2  }
0x31: {  	v1 =	vld.idx.msk [tilespmem:v1+s12+$0x0], $0xffff;
	_ =	sdelay $0x1  }
0x32: {  	v3 =	vnsel vm0, $0x0, v2  }
0x33: {  	(xrf2) =	vadd.scan.msk.f32 $0xffff, v3;
	v3 =	vsel vm1, $0x0, v2  }
0x34: {  	(xrf2) =	vadd.scan.msk.f32 $0xffff, v3  }
0x35: {  	v3 =	vnsel vm0, $0x0, v1  }
0x36: {  	(xrf0) =	vadd.scan.msk.s32 $0xffff, v3;
	_ =	sdelay $0x5  }
0x37: {  	v4, _, _ =	vpop (xrf0)  }
0x38: {  	v3, _, _ =	vpop (xrf2)  }
0x39: {  	(v2sf) =	vpush v4, $0xF;
	v5, _, _ =	vpop (xrf2)  }
0x3a: {  	(v2sf) =	vpush v5, $0xF;
	_ =	sdelay $0xd  }
0x3b: {  	s31 =	spop (v2sf)  }
0x3c: {  	s26 =	spop (v2sf)  }
0x3d: {  	p1 =	seq.s32 s31, $0x0;
	_ =	swait.ge [sflag:s16], $0x1000  }
.Ltmp4:
0x3e: {  	p0 =	seq.s32 s23, $0x0;
	[sflag:s16] =	ssyncset.done $0x0;
	(pc) =	sbr.rel @p1 .LBB2_6-.Ltmp4, $4  }
0x3f: {  	s28 =	simm.s32 @!p0 $0x3;
	[sflag:s16] =	ssyncadd.s32 $0xFFFFF000  }
0x40: {  	_ =	swait.ge @!p0 [sflag:s28], $0x1000  }
0x41: {  	v3 =	vbroadcast v3, $0xF;
	[sflag:s28] =	ssyncset.done @!p0 $0x0  }
0x42: {  	[sflag:s28] =	ssyncadd.s32 @!p0 $0xFFFFF000  }
0x43: {  	v4 =	vbroadcast v4, $0xF;
	_ =	sdelay $0x1  }
0x44: {  	s29 =	simm.s32 $0x10;
	v4 =	vadd.s32 v0, v4  }
0x45: {  	s30 =	simm.s32 $0x0;
	v5 =	vadd.s32 s29, v4  }
0x46: {  	s0 =	simm.s32 $0x70;
	v6 =	vadd.s32 s30, v4;
	v5 =	vand.u32 $0xFFF, v5  }
0x47: {  	s6 =	simm.s32 $0x40;
	v9 =	vadd.s32 s0, v4;
	v6 =	vand.u32 $0xFFF, v6  }
0x48: {  	s30 =	simm.s32 $0x30;
	v11 =	vadd.s32 s6, v4;
	v9 =	vand.u32 $0xFFF, v9  }
0x49: {  	s29 =	simm.s32 $0x20;
	v8 =	vadd.s32 s30, v4;
	v11 =	vand.u32 $0xFFF, v11  }
0x4a: {  	s7 =	simm.s32 $0x90;
	v7 =	vadd.s32 s29, v4;
	v8 =	vand.u32 $0xFFF, v8  }
0x4b: {  	v13 =	vadd.s32 s7, v4;
	s29 =	simm.s32 $0x60;
	v7 =	vand.u32 $0xFFF, v7;
	v5 =	vld.idx.msk [tilespmem:v5+s4+$0x0], $0xffff  }
0x4c: {  	v13 =	vand.u32 $0xFFF, v13;
	v10 =	vadd.s32 s29, v4;
	s29 =	simm.s32 $0x50;
	v6 =	vld.idx.msk [tilespmem:v6+s4+$0x0], $0xffff  }
0x4d: {  	v10 =	vand.u32 $0xFFF, v10;
	v12 =	vadd.s32 s29, v4;
	s29 =	simm.s32 $0x80;
	v9 =	vld.idx.msk [tilespmem:v9+s4+$0x0], $0xffff  }
0x4e: {  	s30 =	simm.s32 $0xB0;
	v12 =	vand.u32 $0xFFF, v12;
	v14 =	vadd.s32 s29, v4;
	s29 =	simm.s32 $0xF0;
	v11 =	vld.idx.msk [tilespmem:v11+s4+$0x0], $0xffff  }
0x4f: {  	s2 =	simm.s32 $0xD0;
	v16 =	vadd.s32 s30, v4;
	v15 =	vadd.s32 s29, v4;
	s29 =	simm.s32 $0xC0;
	v17 =	vld.idx.msk [tilespmem:v8+s4+$0x0], $0xffff;
	v8 =	vand.u32 $0xFFF, v14  }
0x50: {  	v19 =	vadd.s32 s2, v4;
	s30 =	simm.s32 $0xE0;
	v18 =	vand.u32 $0xFFF, v16;
	v16 =	vadd.s32 s29, v4;
	v7 =	vld.idx.msk [tilespmem:v7+s4+$0x0], $0xffff  }
0x51: {  	s8 =	simm.s32 $0xA0;
	v21 =	vadd.s32 s30, v4;
	v15 =	vand.u32 $0xFFF, v15;
	v20 =	vand.u32 $0xFFF, v16;
	v16 =	vld.idx.msk [tilespmem:v13+s4+$0x0], $0xffff  }
0x52: {  	v14 =	vadd.s32 s8, v4;
	v13 =	vand.u32 $0xFFF, v19;
	v19 =	vand.u32 $0xFFF, v21;
	v10 =	vld.idx.msk [tilespmem:v10+s4+$0x0], $0xffff  }
0x53: {  	s30 =	simm.s32 $0x110;
	v14 =	vand.u32 $0xFFF, v14;
	v22 =	vld.idx.msk [tilespmem:v12+s4+$0x0], $0xffff  }
0x54: {  	v21 =	vmul.f32 v6, v3;
	v6 =	vmul.f32 v5, v3;
	v5 =	vadd.s32 s30, v4;
	v24 =	vld.idx.msk [tilespmem:v8+s4+$0x0], $0xffff  }
0x55: {  	v26 =	vand.u32 $0xFFF, v5;
	v5 =	vld.idx.msk [tilespmem:v18+s4+$0x0], $0xffff  }
0x56: {  	s6 =	simm.s32 $0x170;
	s29 =	simm.s32 $0x100;
	v8 =	vmul.f32 v9, v3;
	v9 =	vld.idx.msk [tilespmem:v15+s4+$0x0], $0xffff  }
0x57: {  	s28 =	simm.s32 $0x3040;
	v23 =	vadd.s32 s6, v4;
	v25 =	vadd.s32 s29, v4;
	s8 =	simm.s32 $0x150;
	v15 =	vld.idx.msk [tilespmem:v19+s4+$0x0], $0xffff  }
0x58: {  	s7 =	simm.s32 $0x130;
	s29 =	simm.s32 $0x120;
	v27 =	vadd.s32 s8, v4;
	v63 =	vmul.f32 v11, v3;
	v12 =	vmul.f32 v7, v3;
	v19 =	vld.idx.msk [tilespmem:v13+s4+$0x0], $0xffff;
	[tilespmem:s28+$0xFFFFFFD0] =	vst v6  }
0x59: {  	v18 =	vadd.s32 s29, v4;
	v13 =	vand.u32 $0xFFF, v27;
	v7 =	vld.idx.msk [tilespmem:v14+s4+$0x0], $0xffff;
	v14 =	vadd.s32 s7, v4;
	[tilespmem:s28+$0xFFFFFFC0] =	vst v21  }
0x5a: {  	v10 =	vmul.f32 v10, v3;
	v18 =	vand.u32 $0xFFF, v18;
	[tilespmem:s28+$0xFFFFFFE0] =	vst v12;
	v12 =	vand.u32 $0xFFF, v25  }
0x5b: {  	s31 =	simm.s32 $0x160;
	s29 =	simm.s32 $0x140;
	[tilespmem:s28+$0x0] =	vst v63;
	v6 =	vand.u32 $0xFFF, v14;
	v11 =	vmul.f32 v22, v3;
	v22 =	vmul.f32 v17, v3  }
0x5c: {  	s0 =	simm.s32 $0x1F0;
	v14 =	vld.idx.msk [tilespmem:v20+s4+$0x0], $0xffff;
	v20 =	vadd.s32 s31, v4;
	v17 =	vand.u32 $0xFFF, v23;
	[tilespmem:s28+$0x20] =	vst v10;
	v10 =	vadd.s32 s29, v4  }
0x5d: {  	s30 =	simm.s32 $0x30C0;
	s31 =	simm.s32 $0x10;
	v21 =	vand.u32 $0xFFF, v20;
	s29 =	simm.s32 $0x3140;
	v10 =	vand.u32 $0xFFF, v10;
	[tilespmem:s28+$0x10] =	vst v11;
	v11 =	vld.idx.msk [tilespmem:v26+s4+$0x0], $0xffff;
	v20 =	vmul.f32 v24, v3  }
.LBB2_4:
0x5e: {  	s2 =	sadd.s32 $0xFFFFFF90, s0  }
0x5f: {  	s6 =	sadd.s32 $0xFFFFFFA0, s0;
	s7 =	sadd.s32 $0xFFFFFFF0, s0;
	v23 =	vadd.s32 s0, v4;
	v24 =	vld.idx.msk [tilespmem:v12+s4+$0x0], $0xffff;
	v16 =	vmul.f32 v16, v3;
	v12 =	vmul.f32 v7, v3;
	[tilespmem:s28+$0x30] =	vst v8;
	s8 =	sadd.s32 $0xFFFFFFE0, s0  }
0x60: {  	v8 =	vmul.f32 v9, v3;
	s31 =	sadd.s32 $0x8, s31;
	v25 =	vadd.s32 s2, v4;
	v26 =	vadd.s32 s6, v4;
	s2 =	sadd.s32 $0xFFFFFFB0, s0;
	s6 =	sadd.s32 $0xFFFFFFC0, s0;
	v7 =	vld.idx.msk [tilespmem:v18+s4+$0x0], $0xffff;
	[tilespmem:s28+$0xFFFFFFF0] =	vst v22;
	v22 =	vmovc v5  }
0x61: {  	v28 =	vmul.f32 v15, v3;
	s28 =	smov.u32 s30;
	p1 =	slt.u32 s31, $0xF8;
	v26 =	vand.u32 $0xFFF, v26;
	v27 =	vadd.s32 s6, v4;
	s6 =	sadd.s32 $0xFFFFFFD0, s0;
	v5 =	vld.idx.msk [tilespmem:v6+s4+$0x0], $0xffff;
	[tilespmem:s30+$0xFFFFFFE0] =	vst v12  }
.Ltmp5:
0x62: {  	v12 =	vand.u32 $0xFFF, v25;
	v6 =	vadd.s32 s2, v4;
	v25 =	vmul.f32 v14, v3;
	s30 =	smov.u32 s29;
	v9 =	vld.idx.msk [tilespmem:v17+s4+$0x0], $0xffff;
	[tilespmem:s28+$0xFFFFFFD0] =	vst v16;
	(pc) =	sbr.rel @p1 .LBB2_4-.Ltmp5, $4  }
0x63: {  	v18 =	vand.u32 $0xFFF, v6;
	v6 =	vand.u32 $0xFFF, v27;
	v15 =	vld.idx.msk [tilespmem:v21+s4+$0x0], $0xffff;
	v21 =	vmul.f32 v19, v3;
	[tilespmem:s28+$0x20] =	vst v28  }
0x64: {  	v22 =	vmul.f32 v22, v3;
	v17 =	vadd.s32 s6, v4;
	v27 =	vadd.s32 s8, v4;
	v16 =	vmovc v11;
	v14 =	vld.idx.msk [tilespmem:v10+s4+$0x0], $0xffff;
	[tilespmem:s28+$0xFFFFFFC0] =	vst v20  }
0x65: {  	v10 =	vand.u32 $0xFFF, v17;
	v20 =	vadd.s32 s7, v4;
	v17 =	vand.u32 $0xFFF, v23;
	v19 =	vld.idx.msk [tilespmem:v13+s4+$0x0], $0xffff;
	[tilespmem:s28+$0x10] =	vst v21  }
0x66: {  	s0 =	sadd.s32 $0x80, s0;
	s29 =	sadd.s32 $0x80, s29;
	v13 =	vand.u32 $0xFFF, v27;
	v21 =	vand.u32 $0xFFF, v20;
	v20 =	vmul.f32 v24, v3;
	v11 =	vld.idx.msk [tilespmem:v26+s4+$0x0], $0xffff;
	[tilespmem:s28+$0x0] =	vst v25  }
0x67: {  	[tilespmem:s28+$0x30] =	vst v8  }
0x68: {  	v4 =	vmul.f32 v7, v3;
	[tilespmem:s28+$0xFFFFFFF0] =	vst v22  }
0x69: {  	v50 =	vmul.f32 v16, v3;
	[tilespmem:s30+$0xFFFFFFC0] =	vst v20  }
0x6a: {  	v9 =	vmul.f32 v9, v3;
	[tilespmem:s30+$0xFFFFFFE0] =	vst v4  }
0x6b: {  	v52 =	vld.idx.msk [tilespmem:v18+s4+$0x0], $0xffff;
	v5 =	vmul.f32 v5, v3;
	[tilespmem:s30+$0xFFFFFFD0] =	vst v50  }
0x6c: {  	v55 =	vld.idx.msk [tilespmem:v21+s4+$0x0], $0xffff;
	v51 =	vmul.f32 v15, v3;
	[tilespmem:s30+$0x30] =	vst v9  }
0x6d: {  	v12 =	vld.idx.msk [tilespmem:v12+s4+$0x0], $0xffff;
	v54 =	vmul.f32 v14, v3;
	[tilespmem:s30+$0xFFFFFFF0] =	vst v5  }
0x6e: {  	v56 =	vld.idx.msk [tilespmem:v13+s4+$0x0], $0xffff;
	v53 =	vmul.f32 v19, v3;
	[tilespmem:s30+$0x20] =	vst v51  }
0x6f: {  	v57 =	vld.idx.msk [tilespmem:v10+s4+$0x0], $0xffff;
	[tilespmem:s30+$0x0] =	vst v54;
	v59 =	vmul.f32 v11, v3  }
0x70: {  	v58 =	vld.idx.msk [tilespmem:v17+s4+$0x0], $0xffff;
	[tilespmem:s30+$0x10] =	vst v53;
	v8 =	vmul.f32 v52, v3  }
0x71: {  	v60 =	vld.idx.msk [tilespmem:v6+s4+$0x0], $0xffff;
	v61 =	vmul.f32 v55, v3;
	[tilespmem:s29+$0xFFFFFFD0] =	vst v59  }
0x72: {  	v62 =	vmul.f32 v12, v3;
	[tilespmem:s29+$0xFFFFFFE0] =	vst v8  }
0x73: {  	v7 =	vmul.f32 v56, v3;
	[tilespmem:s29+$0x20] =	vst v61  }
.Ltmp6:
0x74: {  	v4 =	vmul.f32 v57, v3;
	[tilespmem:s29+$0xFFFFFFC0] =	vst v62;
	(pc) =	sbr.rel .LBB2_9-.Ltmp6, $4  }
0x75: {  	v63 =	vmul.f32 v58, v3;
	[tilespmem:s29+$0x10] =	vst v7  }
0x76: {  	v3 =	vmul.f32 v60, v3;
	[tilespmem:s29+$0x0] =	vst v4  }
0x77: {  	[tilespmem:s29+$0x30] =	vst v63  }
0x78: {  	[tilespmem:s29+$0xFFFFFFF0] =	vst v3  }
.LBB2_6:
0x79: {  	s29 =	simm.s32 $0x40  }
0x7a: {  	v6 =	vld [tilespmem:s29+$0x30]  }
0x7b: {  	v8 =	vld [tilespmem:s29+$0xFFFFFFD0]  }
0x7c: {  	v10 =	vld [tilespmem:s29+$0xFFFFFFE0]  }
0x7d: {  	v7 =	vld [tilespmem:s29+$0xFFFFFFF0]  }
0x7e: {  	v5 =	vld [tilespmem:s29+$0x0]  }
0x7f: {  	v4 =	vld [tilespmem:s29+$0x10];
	v11 =	vmul.f32 v6, v3  }
0x80: {  	s0 =	simm.s32 $0x3040;
	v6 =	vld [tilespmem:s29+$0x20];
	v9 =	vmul.f32 v8, v3  }
0x81: {  	s28 =	simm.s32 $0x0;
	v8 =	vld [tilespmem:s29+$0xFFFFFFC0];
	v10 =	vmul.f32 v10, v3;
	s29 =	simm.s32 $0xC0;
	[tilespmem:s0+$0x30] =	vst v11  }
.LBB2_7:
0x82: {  	v11 =	vld [tilespmem:s29+$0x30];
	s28 =	sadd.s32 $0x8, s28;
	[tilespmem:s0+$0xFFFFFFD0] =	vst v9;
	v7 =	vmul.f32 v7, v3  }
0x83: {  	v9 =	vld [tilespmem:s29+$0xFFFFFFD0];
	p1 =	slt.u32 s28, $0xF8;
	[tilespmem:s0+$0xFFFFFFE0] =	vst v10;
	v5 =	vmul.f32 v5, v3  }
0x84: {  	v10 =	vld [tilespmem:s29+$0xFFFFFFE0];
	[tilespmem:s0+$0xFFFFFFF0] =	vst v7;
	v4 =	vmul.f32 v4, v3  }
.Ltmp7:
0x85: {  	v7 =	vld [tilespmem:s29+$0xFFFFFFF0];
	[tilespmem:s0+$0x0] =	vst v5;
	v6 =	vmul.f32 v6, v3;
	(pc) =	sbr.rel @p1 .LBB2_7-.Ltmp7, $4  }
0x86: {  	v5 =	vld [tilespmem:s29+$0x0];
	v8 =	vmul.f32 v8, v3;
	[tilespmem:s0+$0x10] =	vst v4  }
0x87: {  	v4 =	vld [tilespmem:s29+$0x10];
	v11 =	vmul.f32 v11, v3;
	[tilespmem:s0+$0x20] =	vst v6  }
0x88: {  	v9 =	vmul.f32 v9, v3;
	v6 =	vld [tilespmem:s29+$0x20];
	[tilespmem:s0+$0xFFFFFFC0] =	vst v8;
	s0 =	sadd.s32 $0x80, s0  }
0x89: {  	v8 =	vld [tilespmem:s29+$0xFFFFFFC0];
	v10 =	vmul.f32 v10, v3;
	[tilespmem:s0+$0x30] =	vst v11;
	s29 =	sadd.s32 $0x80, s29  }
0x8a: {  	[tilespmem:s0+$0xFFFFFFD0] =	vst v9;
	v7 =	vmul.f32 v7, v3  }
0x8b: {  	[tilespmem:s0+$0xFFFFFFE0] =	vst v10;
	v5 =	vmul.f32 v5, v3  }
0x8c: {  	[tilespmem:s0+$0xFFFFFFF0] =	vst v7;
	v4 =	vmul.f32 v4, v3  }
0x8d: {  	[tilespmem:s0+$0x0] =	vst v5;
	v63 =	vmul.f32 v6, v3  }
0x8e: {  	v3 =	vmul.f32 v8, v3;
	[tilespmem:s0+$0x10] =	vst v4  }
0x8f: {  	[tilespmem:s0+$0x20] =	vst v63  }
0x90: {  	[tilespmem:s0+$0xFFFFFFC0] =	vst v3  }
.LBB2_9:
0x91: {  	p1 =	slt.f32 s26, $0.0e+00;
	p2 =	sgt.f32 s26, $0.0e+00  }
0x92: {  	_ = 	snop  }
0x93: {  	p1 =	por p2, p1  }
0x94: {  	p1 =	por !p1, !p1  }
.Ltmp8:
0x95: {  	_ = 	snop;
	(pc) =	sbr.rel @p1 .LBB2_38-.Ltmp8, $1  }
0x96: {  	_ =	sdelay $0x3  }
0x97: {  	v3 =	vsel vm2, $0x0, v2  }
0x98: {  	(xrf2) =	vadd.scan.msk.f32 $0xffff, v3;
	_ =	sdelay $0x9  }
0x99: {  	v4, _, _ =	vpop (xrf2)  }
0x9a: {  	(v2sf) =	vpush v4, $0xF;
	_ =	sdelay $0xe  }
0x9b: {  	s0 =	spop (v2sf)  }
0x9c: {  	p1 =	slt.f32 s0, $0.0e+00;
	p2 =	sgt.f32 s0, $0.0e+00  }
0x9d: {  	_ = 	snop  }
0x9e: {  	p1 =	por p2, p1  }
0x9f: {  	p1 =	por !p1, !p1  }
.Ltmp9:
0xa0: {  	_ = 	snop;
	(pc) =	sbr.rel @p1 .LBB2_14-.Ltmp9, $1  }
0xa1: {  	_ =	sdelay $0x3  }
0xa2: {  	v3 =	vsel vm2, $0x0, v1  }
0xa3: {  	(xrf0) =	vadd.scan.msk.s32 $0xffff, v3;
	_ =	sdelay $0x5  }
0xa4: {  	v3, _, _ =	vpop (xrf0)  }
0xa5: {  	v3 =	vbroadcast v3, $0xF;
	_ =	sdelay $0x1  }
0xa6: {  	s2 =	simm.s32 $0x60;
	v3 =	vadd.s32 v0, v3  }
0xa7: {  	s0 =	simm.s32 $0x70;
	v6 =	vadd.s32 s2, v3  }
0xa8: {  	v5 =	vadd.s32 s0, v3;
	s2 =	simm.s32 $0x0;
	v6 =	vand.u32 $0xFFF, v6  }
0xa9: {  	s6 =	simm.s32 $0x10;
	v5 =	vand.u32 $0xFFF, v5;
	v7 =	vadd.s32 s2, v3  }
0xaa: {  	s7 =	simm.s32 $0x20;
	s26 =	simm.s32 $0x40;
	v8 =	vadd.s32 s6, v3;
	v7 =	vand.u32 $0xFFF, v7  }
0xab: {  	s8 =	simm.s32 $0x30;
	v9 =	vadd.s32 s7, v3;
	v11 =	vadd.s32 s26, v3;
	s26 =	simm.s32 $0x3040;
	v8 =	vand.u32 $0xFFF, v8  }
0xac: {  	v10 =	vadd.s32 s8, v3;
	v9 =	vand.u32 $0xFFF, v9;
	v15 =	vld [tilespmem:s26+$0x20]  }
0xad: {  	s31 =	simm.s32 $0x50;
	v10 =	vand.u32 $0xFFF, v10;
	v12 =	vld.idx.msk [tilespmem:v6+s4+$0x0], $0xffff  }
0xae: {  	v11 =	vand.u32 $0xFFF, v11;
	v5 =	vld.idx.msk [tilespmem:v5+s4+$0x0], $0xffff;
	v6 =	vadd.s32 s31, v3  }
0xaf: {  	v13 =	vld.idx.msk [tilespmem:v7+s4+$0x0], $0xffff;
	v14 =	vand.u32 $0xFFF, v6  }
0xb0: {  	v4 =	vbroadcast v4, $0xF;
	v6 =	vld.idx.msk [tilespmem:v8+s4+$0x0], $0xffff  }
0xb1: {  	v7 =	vld.idx.msk [tilespmem:v9+s4+$0x0], $0xffff  }
0xb2: {  	v8 =	vld.idx.msk [tilespmem:v10+s4+$0x0], $0xffff;
	v12 =	vmul.f32 v12, v4  }
0xb3: {  	v9 =	vld.idx.msk [tilespmem:v11+s4+$0x0], $0xffff  }
0xb4: {  	s29 =	simm.s32 $0x0;
	s30 =	simm.s32 $0xF0;
	s28 =	simm.s32 $0x3040;
	v5 =	vmul.f32 v5, v4;
	v11 =	vmul.f32 v13, v4;
	v10 =	vld.idx.msk [tilespmem:v14+s4+$0x0], $0xffff;
	v12 =	vadd.f32 v12, v15  }
.LBB2_12:
0xb5: {  	s0 =	sadd.s32 $0xFFFFFFA0, s30;
	s2 =	sadd.s32 $0xFFFFFFF0, s30;
	v13 =	vadd.s32 s30, v3;
	s29 =	sadd.s32 $0x8, s29;
	v14 =	vld [tilespmem:s26+$0xFFFFFFC0]  }
0xb6: {  	s6 =	sadd.s32 $0xFFFFFFC0, s30;
	v15 =	vadd.s32 s0, v3;
	s0 =	sadd.s32 $0xFFFFFFB0, s30;
	v16 =	vadd.s32 s2, v3;
	v13 =	vand.u32 $0xFFF, v13;
	p1 =	slt.u32 s29, $0xF8;
	v17 =	vld [tilespmem:s26+$0xFFFFFFD0];
	[tilespmem:s26+$0x20] =	vst v12  }
0xb7: {  	s2 =	sadd.s32 $0xFFFFFF90, s30;
	v18 =	vadd.s32 s6, v3;
	s6 =	sadd.s32 $0xFFFFFFE0, s30;
	v12 =	vadd.s32 s0, v3;
	s0 =	sadd.s32 $0xFFFFFFD0, s30;
	v16 =	vand.u32 $0xFFF, v16;
	v19 =	vld [tilespmem:s26+$0xFFFFFFE0]  }
0xb8: {  	v20 =	vadd.s32 s2, v3;
	v22 =	vadd.s32 s6, v3;
	v21 =	vadd.s32 s0, v3;
	v23 =	vld [tilespmem:s26+$0xFFFFFFF0]  }
0xb9: {  	v15 =	vand.u32 $0xFFF, v15;
	v20 =	vand.u32 $0xFFF, v20;
	v12 =	vand.u32 $0xFFF, v12;
	v24 =	vld [tilespmem:s26+$0x0]  }
0xba: {  	v18 =	vand.u32 $0xFFF, v18;
	v22 =	vand.u32 $0xFFF, v22;
	v21 =	vand.u32 $0xFFF, v21;
	v25 =	vld [tilespmem:s26+$0x10]  }
0xbb: {  	v6 =	vmul.f32 v6, v4;
	v7 =	vmul.f32 v7, v4;
	v11 =	vadd.f32 v11, v14;
	v13 =	vld.idx.msk [tilespmem:v13+s4+$0x0], $0xffff  }
0xbc: {  	v8 =	vmul.f32 v8, v4;
	v9 =	vmul.f32 v9, v4;
	v14 =	vld.idx.msk [tilespmem:v16+s4+$0x0], $0xffff  }
0xbd: {  	v10 =	vmul.f32 v10, v4;
	v6 =	vadd.f32 v6, v17;
	v7 =	vadd.f32 v7, v19;
	[tilespmem:s26+$0xFFFFFFC0] =	vst v11;
	v11 =	vld [tilespmem:s26+$0x30]  }
0xbe: {  	v8 =	vadd.f32 v8, v23;
	s26 =	sadd.s32 $0x80, s26;
	v16 =	vld.idx.msk [tilespmem:v20+s4+$0x0], $0xffff;
	v9 =	vadd.f32 v9, v24  }
0xbf: {  	v17 =	vld [tilespmem:s26+$0x20];
	[tilespmem:s28+$0xFFFFFFD0] =	vst v6;
	v10 =	vadd.f32 v10, v25  }
.Ltmp10:
0xc0: {  	v6 =	vld.idx.msk [tilespmem:v15+s4+$0x0], $0xffff;
	[tilespmem:s28+$0xFFFFFFE0] =	vst v7;
	(pc) =	sbr.rel @p1 .LBB2_12-.Ltmp10, $4  }
0xc1: {  	v7 =	vld.idx.msk [tilespmem:v12+s4+$0x0], $0xffff;
	v12 =	vmul.f32 v13, v4;
	[tilespmem:s28+$0xFFFFFFF0] =	vst v8  }
0xc2: {  	v13 =	vmul.f32 v14, v4;
	v8 =	vld.idx.msk [tilespmem:v18+s4+$0x0], $0xffff;
	[tilespmem:s28+$0x0] =	vst v9;
	v14 =	vadd.f32 v5, v11  }
0xc3: {  	v9 =	vld.idx.msk [tilespmem:v21+s4+$0x0], $0xffff;
	[tilespmem:s28+$0x10] =	vst v10;
	v5 =	vmov v12  }
0xc4: {  	s30 =	sadd.s32 $0x80, s30;
	v11 =	vmul.f32 v16, v4;
	v10 =	vld.idx.msk [tilespmem:v22+s4+$0x0], $0xffff;
	v12 =	vadd.f32 v13, v17;
	[tilespmem:s28+$0x30] =	vst v14;
	s28 =	smov.u32 s26  }
0xc5: {  	v3 =	vld [tilespmem:s26+$0xFFFFFFC0]  }
0xc6: {  	v13 =	vld [tilespmem:s26+$0xFFFFFFD0]  }
0xc7: {  	v15 =	vld [tilespmem:s26+$0xFFFFFFF0]  }
0xc8: {  	v16 =	vld [tilespmem:s26+$0x0]  }
0xc9: {  	v14 =	vld [tilespmem:s26+$0xFFFFFFE0];
	v6 =	vmul.f32 v6, v4  }
0xca: {  	v59 =	vld [tilespmem:s26+$0x30];
	v8 =	vmul.f32 v8, v4;
	v3 =	vadd.f32 v11, v3  }
0xcb: {  	v58 =	vld [tilespmem:s26+$0x10];
	[tilespmem:s26+$0x20] =	vst v12;
	v9 =	vmul.f32 v9, v4;
	v6 =	vadd.f32 v6, v13  }
0xcc: {  	v7 =	vmul.f32 v7, v4;
	v61 =	vadd.f32 v8, v15;
	[tilespmem:s26+$0xFFFFFFC0] =	vst v3  }
0xcd: {  	v62 =	vadd.f32 v9, v16;
	[tilespmem:s28+$0xFFFFFFD0] =	vst v6  }
0xce: {  	v60 =	vmul.f32 v10, v4;
	v3 =	vadd.f32 v7, v14;
	[tilespmem:s28+$0xFFFFFFF0] =	vst v61  }
0xcf: {  	v63 =	vadd.f32 v5, v59;
	[tilespmem:s28+$0x0] =	vst v62  }
0xd0: {  	[tilespmem:s28+$0xFFFFFFE0] =	vst v3;
	v3 =	vadd.f32 v60, v58  }
0xd1: {  	[tilespmem:s28+$0x30] =	vst v63  }
0xd2: {  	[tilespmem:s28+$0x10] =	vst v3  }
.LBB2_14:
0xd3: {  	v3 =	vsel vm3, $0x0, v2  }
0xd4: {  	(xrf2) =	vadd.scan.msk.f32 $0xffff, v3;
	_ =	sdelay $0x9  }
0xd5: {  	v4, _, _ =	vpop (xrf2)  }
0xd6: {  	(v2sf) =	vpush v4, $0xF;
	_ =	sdelay $0xe  }
0xd7: {  	s0 =	spop (v2sf)  }
0xd8: {  	p1 =	slt.f32 s0, $0.0e+00;
	p2 =	sgt.f32 s0, $0.0e+00  }
0xd9: {  	_ = 	snop  }
0xda: {  	p1 =	por p2, p1  }
0xdb: {  	p1 =	por !p1, !p1  }
.Ltmp11:
0xdc: {  	_ = 	snop;
	(pc) =	sbr.rel @p1 .LBB2_18-.Ltmp11, $1  }
0xdd: {  	_ =	sdelay $0x3  }
0xde: {  	v3 =	vsel vm3, $0x0, v1  }
0xdf: {  	(xrf0) =	vadd.scan.msk.s32 $0xffff, v3;
	_ =	sdelay $0x5  }
0xe0: {  	v3, _, _ =	vpop (xrf0)  }
0xe1: {  	v3 =	vbroadcast v3, $0xF;
	_ =	sdelay $0x1  }
0xe2: {  	s2 =	simm.s32 $0x60;
	v3 =	vadd.s32 v0, v3  }
0xe3: {  	s0 =	simm.s32 $0x70;
	v6 =	vadd.s32 s2, v3  }
0xe4: {  	v5 =	vadd.s32 s0, v3;
	s2 =	simm.s32 $0x0;
	v6 =	vand.u32 $0xFFF, v6  }
0xe5: {  	s6 =	simm.s32 $0x10;
	v5 =	vand.u32 $0xFFF, v5;
	v7 =	vadd.s32 s2, v3  }
0xe6: {  	s7 =	simm.s32 $0x20;
	s26 =	simm.s32 $0x40;
	v8 =	vadd.s32 s6, v3;
	v7 =	vand.u32 $0xFFF, v7  }
0xe7: {  	s8 =	simm.s32 $0x30;
	v9 =	vadd.s32 s7, v3;
	v11 =	vadd.s32 s26, v3;
	s26 =	simm.s32 $0x3040;
	v8 =	vand.u32 $0xFFF, v8  }
0xe8: {  	v10 =	vadd.s32 s8, v3;
	v9 =	vand.u32 $0xFFF, v9;
	v15 =	vld [tilespmem:s26+$0x20]  }
0xe9: {  	s31 =	simm.s32 $0x50;
	v10 =	vand.u32 $0xFFF, v10;
	v12 =	vld.idx.msk [tilespmem:v6+s4+$0x0], $0xffff  }
0xea: {  	v11 =	vand.u32 $0xFFF, v11;
	v5 =	vld.idx.msk [tilespmem:v5+s4+$0x0], $0xffff;
	v6 =	vadd.s32 s31, v3  }
0xeb: {  	v13 =	vld.idx.msk [tilespmem:v7+s4+$0x0], $0xffff;
	v14 =	vand.u32 $0xFFF, v6  }
0xec: {  	v4 =	vbroadcast v4, $0xF;
	v6 =	vld.idx.msk [tilespmem:v8+s4+$0x0], $0xffff  }
0xed: {  	v7 =	vld.idx.msk [tilespmem:v9+s4+$0x0], $0xffff  }
0xee: {  	v8 =	vld.idx.msk [tilespmem:v10+s4+$0x0], $0xffff;
	v12 =	vmul.f32 v12, v4  }
0xef: {  	v9 =	vld.idx.msk [tilespmem:v11+s4+$0x0], $0xffff  }
0xf0: {  	s29 =	simm.s32 $0x0;
	s30 =	simm.s32 $0xF0;
	s28 =	simm.s32 $0x3040;
	v5 =	vmul.f32 v5, v4;
	v11 =	vmul.f32 v13, v4;
	v10 =	vld.idx.msk [tilespmem:v14+s4+$0x0], $0xffff;
	v12 =	vadd.f32 v12, v15  }
.LBB2_16:
0xf1: {  	s0 =	sadd.s32 $0xFFFFFFA0, s30;
	s2 =	sadd.s32 $0xFFFFFFF0, s30;
	v13 =	vadd.s32 s30, v3;
	s29 =	sadd.s32 $0x8, s29;
	v14 =	vld [tilespmem:s26+$0xFFFFFFC0]  }
0xf2: {  	s6 =	sadd.s32 $0xFFFFFFC0, s30;
	v15 =	vadd.s32 s0, v3;
	s0 =	sadd.s32 $0xFFFFFFB0, s30;
	v16 =	vadd.s32 s2, v3;
	v13 =	vand.u32 $0xFFF, v13;
	p1 =	slt.u32 s29, $0xF8;
	v17 =	vld [tilespmem:s26+$0xFFFFFFD0];
	[tilespmem:s26+$0x20] =	vst v12  }
0xf3: {  	s2 =	sadd.s32 $0xFFFFFF90, s30;
	v18 =	vadd.s32 s6, v3;
	s6 =	sadd.s32 $0xFFFFFFE0, s30;
	v12 =	vadd.s32 s0, v3;
	s0 =	sadd.s32 $0xFFFFFFD0, s30;
	v16 =	vand.u32 $0xFFF, v16;
	v19 =	vld [tilespmem:s26+$0xFFFFFFE0]  }
0xf4: {  	v20 =	vadd.s32 s2, v3;
	v22 =	vadd.s32 s6, v3;
	v21 =	vadd.s32 s0, v3;
	v23 =	vld [tilespmem:s26+$0xFFFFFFF0]  }
0xf5: {  	v15 =	vand.u32 $0xFFF, v15;
	v20 =	vand.u32 $0xFFF, v20;
	v12 =	vand.u32 $0xFFF, v12;
	v24 =	vld [tilespmem:s26+$0x0]  }
0xf6: {  	v18 =	vand.u32 $0xFFF, v18;
	v22 =	vand.u32 $0xFFF, v22;
	v21 =	vand.u32 $0xFFF, v21;
	v25 =	vld [tilespmem:s26+$0x10]  }
0xf7: {  	v6 =	vmul.f32 v6, v4;
	v7 =	vmul.f32 v7, v4;
	v11 =	vadd.f32 v11, v14;
	v13 =	vld.idx.msk [tilespmem:v13+s4+$0x0], $0xffff  }
0xf8: {  	v8 =	vmul.f32 v8, v4;
	v9 =	vmul.f32 v9, v4;
	v14 =	vld.idx.msk [tilespmem:v16+s4+$0x0], $0xffff  }
0xf9: {  	v10 =	vmul.f32 v10, v4;
	v6 =	vadd.f32 v6, v17;
	v7 =	vadd.f32 v7, v19;
	[tilespmem:s26+$0xFFFFFFC0] =	vst v11;
	v11 =	vld [tilespmem:s26+$0x30]  }
0xfa: {  	v8 =	vadd.f32 v8, v23;
	s26 =	sadd.s32 $0x80, s26;
	v16 =	vld.idx.msk [tilespmem:v20+s4+$0x0], $0xffff;
	v9 =	vadd.f32 v9, v24  }
0xfb: {  	v17 =	vld [tilespmem:s26+$0x20];
	[tilespmem:s28+$0xFFFFFFD0] =	vst v6;
	v10 =	vadd.f32 v10, v25  }
.Ltmp12:
0xfc: {  	v6 =	vld.idx.msk [tilespmem:v15+s4+$0x0], $0xffff;
	[tilespmem:s28+$0xFFFFFFE0] =	vst v7;
	(pc) =	sbr.rel @p1 .LBB2_16-.Ltmp12, $4  }
0xfd: {  	v7 =	vld.idx.msk [tilespmem:v12+s4+$0x0], $0xffff;
	v12 =	vmul.f32 v13, v4;
	[tilespmem:s28+$0xFFFFFFF0] =	vst v8  }
0xfe: {  	v13 =	vmul.f32 v14, v4;
	v8 =	vld.idx.msk [tilespmem:v18+s4+$0x0], $0xffff;
	[tilespmem:s28+$0x0] =	vst v9;
	v14 =	vadd.f32 v5, v11  }
0xff: {  	v9 =	vld.idx.msk [tilespmem:v21+s4+$0x0], $0xffff;
	[tilespmem:s28+$0x10] =	vst v10;
	v5 =	vmov v12  }
0x100: {  	s30 =	sadd.s32 $0x80, s30;
	v11 =	vmul.f32 v16, v4;
	v10 =	vld.idx.msk [tilespmem:v22+s4+$0x0], $0xffff;
	v12 =	vadd.f32 v13, v17;
	[tilespmem:s28+$0x30] =	vst v14;
	s28 =	smov.u32 s26  }
0x101: {  	v3 =	vld [tilespmem:s26+$0xFFFFFFC0]  }
0x102: {  	v13 =	vld [tilespmem:s26+$0xFFFFFFD0]  }
0x103: {  	v15 =	vld [tilespmem:s26+$0xFFFFFFF0]  }
0x104: {  	v16 =	vld [tilespmem:s26+$0x0]  }
0x105: {  	v14 =	vld [tilespmem:s26+$0xFFFFFFE0];
	v6 =	vmul.f32 v6, v4  }
0x106: {  	v59 =	vld [tilespmem:s26+$0x30];
	v8 =	vmul.f32 v8, v4;
	v3 =	vadd.f32 v11, v3  }
0x107: {  	v58 =	vld [tilespmem:s26+$0x10];
	[tilespmem:s26+$0x20] =	vst v12;
	v9 =	vmul.f32 v9, v4;
	v6 =	vadd.f32 v6, v13  }
0x108: {  	v7 =	vmul.f32 v7, v4;
	v61 =	vadd.f32 v8, v15;
	[tilespmem:s26+$0xFFFFFFC0] =	vst v3  }
0x109: {  	v62 =	vadd.f32 v9, v16;
	[tilespmem:s28+$0xFFFFFFD0] =	vst v6  }
0x10a: {  	v60 =	vmul.f32 v10, v4;
	v3 =	vadd.f32 v7, v14;
	[tilespmem:s28+$0xFFFFFFF0] =	vst v61  }
0x10b: {  	v63 =	vadd.f32 v5, v59;
	[tilespmem:s28+$0x0] =	vst v62  }
0x10c: {  	[tilespmem:s28+$0xFFFFFFE0] =	vst v3;
	v3 =	vadd.f32 v60, v58  }
0x10d: {  	[tilespmem:s28+$0x30] =	vst v63  }
0x10e: {  	[tilespmem:s28+$0x10] =	vst v3  }
.LBB2_18:
0x10f: {  	v3 =	vsel vm4, $0x0, v2  }
0x110: {  	(xrf2) =	vadd.scan.msk.f32 $0xffff, v3;
	_ =	sdelay $0x9  }
0x111: {  	v4, _, _ =	vpop (xrf2)  }
0x112: {  	(v2sf) =	vpush v4, $0xF;
	_ =	sdelay $0xe  }
0x113: {  	s0 =	spop (v2sf)  }
0x114: {  	p1 =	slt.f32 s0, $0.0e+00;
	p2 =	sgt.f32 s0, $0.0e+00  }
0x115: {  	_ = 	snop  }
0x116: {  	p1 =	por p2, p1  }
0x117: {  	p1 =	por !p1, !p1  }
.Ltmp13:
0x118: {  	_ = 	snop;
	(pc) =	sbr.rel @p1 .LBB2_22-.Ltmp13, $1  }
0x119: {  	_ =	sdelay $0x3  }
0x11a: {  	v3 =	vsel vm4, $0x0, v1  }
0x11b: {  	(xrf0) =	vadd.scan.msk.s32 $0xffff, v3;
	_ =	sdelay $0x5  }
0x11c: {  	v3, _, _ =	vpop (xrf0)  }
0x11d: {  	v3 =	vbroadcast v3, $0xF;
	_ =	sdelay $0x1  }
0x11e: {  	s2 =	simm.s32 $0x60;
	v3 =	vadd.s32 v0, v3  }
0x11f: {  	s0 =	simm.s32 $0x70;
	v6 =	vadd.s32 s2, v3  }
0x120: {  	v5 =	vadd.s32 s0, v3;
	s2 =	simm.s32 $0x0;
	v6 =	vand.u32 $0xFFF, v6  }
0x121: {  	s6 =	simm.s32 $0x10;
	v5 =	vand.u32 $0xFFF, v5;
	v7 =	vadd.s32 s2, v3  }
0x122: {  	s7 =	simm.s32 $0x20;
	s26 =	simm.s32 $0x40;
	v8 =	vadd.s32 s6, v3;
	v7 =	vand.u32 $0xFFF, v7  }
0x123: {  	s8 =	simm.s32 $0x30;
	v9 =	vadd.s32 s7, v3;
	v11 =	vadd.s32 s26, v3;
	s26 =	simm.s32 $0x3040;
	v8 =	vand.u32 $0xFFF, v8  }
0x124: {  	v10 =	vadd.s32 s8, v3;
	v9 =	vand.u32 $0xFFF, v9;
	v15 =	vld [tilespmem:s26+$0x20]  }
0x125: {  	s31 =	simm.s32 $0x50;
	v10 =	vand.u32 $0xFFF, v10;
	v12 =	vld.idx.msk [tilespmem:v6+s4+$0x0], $0xffff  }
0x126: {  	v11 =	vand.u32 $0xFFF, v11;
	v5 =	vld.idx.msk [tilespmem:v5+s4+$0x0], $0xffff;
	v6 =	vadd.s32 s31, v3  }
0x127: {  	v13 =	vld.idx.msk [tilespmem:v7+s4+$0x0], $0xffff;
	v14 =	vand.u32 $0xFFF, v6  }
0x128: {  	v4 =	vbroadcast v4, $0xF;
	v6 =	vld.idx.msk [tilespmem:v8+s4+$0x0], $0xffff  }
0x129: {  	v7 =	vld.idx.msk [tilespmem:v9+s4+$0x0], $0xffff  }
0x12a: {  	v8 =	vld.idx.msk [tilespmem:v10+s4+$0x0], $0xffff;
	v12 =	vmul.f32 v12, v4  }
0x12b: {  	v9 =	vld.idx.msk [tilespmem:v11+s4+$0x0], $0xffff  }
0x12c: {  	s29 =	simm.s32 $0x0;
	s30 =	simm.s32 $0xF0;
	s28 =	simm.s32 $0x3040;
	v5 =	vmul.f32 v5, v4;
	v11 =	vmul.f32 v13, v4;
	v10 =	vld.idx.msk [tilespmem:v14+s4+$0x0], $0xffff;
	v12 =	vadd.f32 v12, v15  }
.LBB2_20:
0x12d: {  	s0 =	sadd.s32 $0xFFFFFFA0, s30;
	s2 =	sadd.s32 $0xFFFFFFF0, s30;
	v13 =	vadd.s32 s30, v3;
	s29 =	sadd.s32 $0x8, s29;
	v14 =	vld [tilespmem:s26+$0xFFFFFFC0]  }
0x12e: {  	s6 =	sadd.s32 $0xFFFFFFC0, s30;
	v15 =	vadd.s32 s0, v3;
	s0 =	sadd.s32 $0xFFFFFFB0, s30;
	v16 =	vadd.s32 s2, v3;
	v13 =	vand.u32 $0xFFF, v13;
	p1 =	slt.u32 s29, $0xF8;
	v17 =	vld [tilespmem:s26+$0xFFFFFFD0];
	[tilespmem:s26+$0x20] =	vst v12  }
0x12f: {  	s2 =	sadd.s32 $0xFFFFFF90, s30;
	v18 =	vadd.s32 s6, v3;
	s6 =	sadd.s32 $0xFFFFFFE0, s30;
	v12 =	vadd.s32 s0, v3;
	s0 =	sadd.s32 $0xFFFFFFD0, s30;
	v16 =	vand.u32 $0xFFF, v16;
	v19 =	vld [tilespmem:s26+$0xFFFFFFE0]  }
0x130: {  	v20 =	vadd.s32 s2, v3;
	v22 =	vadd.s32 s6, v3;
	v21 =	vadd.s32 s0, v3;
	v23 =	vld [tilespmem:s26+$0xFFFFFFF0]  }
0x131: {  	v15 =	vand.u32 $0xFFF, v15;
	v20 =	vand.u32 $0xFFF, v20;
	v12 =	vand.u32 $0xFFF, v12;
	v24 =	vld [tilespmem:s26+$0x0]  }
0x132: {  	v18 =	vand.u32 $0xFFF, v18;
	v22 =	vand.u32 $0xFFF, v22;
	v21 =	vand.u32 $0xFFF, v21;
	v25 =	vld [tilespmem:s26+$0x10]  }
0x133: {  	v6 =	vmul.f32 v6, v4;
	v7 =	vmul.f32 v7, v4;
	v11 =	vadd.f32 v11, v14;
	v13 =	vld.idx.msk [tilespmem:v13+s4+$0x0], $0xffff  }
0x134: {  	v8 =	vmul.f32 v8, v4;
	v9 =	vmul.f32 v9, v4;
	v14 =	vld.idx.msk [tilespmem:v16+s4+$0x0], $0xffff  }
0x135: {  	v10 =	vmul.f32 v10, v4;
	v6 =	vadd.f32 v6, v17;
	v7 =	vadd.f32 v7, v19;
	[tilespmem:s26+$0xFFFFFFC0] =	vst v11;
	v11 =	vld [tilespmem:s26+$0x30]  }
0x136: {  	v8 =	vadd.f32 v8, v23;
	s26 =	sadd.s32 $0x80, s26;
	v16 =	vld.idx.msk [tilespmem:v20+s4+$0x0], $0xffff;
	v9 =	vadd.f32 v9, v24  }
0x137: {  	v17 =	vld [tilespmem:s26+$0x20];
	[tilespmem:s28+$0xFFFFFFD0] =	vst v6;
	v10 =	vadd.f32 v10, v25  }
.Ltmp14:
0x138: {  	v6 =	vld.idx.msk [tilespmem:v15+s4+$0x0], $0xffff;
	[tilespmem:s28+$0xFFFFFFE0] =	vst v7;
	(pc) =	sbr.rel @p1 .LBB2_20-.Ltmp14, $4  }
0x139: {  	v7 =	vld.idx.msk [tilespmem:v12+s4+$0x0], $0xffff;
	v12 =	vmul.f32 v13, v4;
	[tilespmem:s28+$0xFFFFFFF0] =	vst v8  }
0x13a: {  	v13 =	vmul.f32 v14, v4;
	v8 =	vld.idx.msk [tilespmem:v18+s4+$0x0], $0xffff;
	[tilespmem:s28+$0x0] =	vst v9;
	v14 =	vadd.f32 v5, v11  }
0x13b: {  	v9 =	vld.idx.msk [tilespmem:v21+s4+$0x0], $0xffff;
	[tilespmem:s28+$0x10] =	vst v10;
	v5 =	vmov v12  }
0x13c: {  	s30 =	sadd.s32 $0x80, s30;
	v11 =	vmul.f32 v16, v4;
	v10 =	vld.idx.msk [tilespmem:v22+s4+$0x0], $0xffff;
	v12 =	vadd.f32 v13, v17;
	[tilespmem:s28+$0x30] =	vst v14;
	s28 =	smov.u32 s26  }
0x13d: {  	v3 =	vld [tilespmem:s26+$0xFFFFFFC0]  }
0x13e: {  	v13 =	vld [tilespmem:s26+$0xFFFFFFD0]  }
0x13f: {  	v15 =	vld [tilespmem:s26+$0xFFFFFFF0]  }
0x140: {  	v16 =	vld [tilespmem:s26+$0x0]  }
0x141: {  	v14 =	vld [tilespmem:s26+$0xFFFFFFE0];
	v6 =	vmul.f32 v6, v4  }
0x142: {  	v59 =	vld [tilespmem:s26+$0x30];
	v8 =	vmul.f32 v8, v4;
	v3 =	vadd.f32 v11, v3  }
0x143: {  	v58 =	vld [tilespmem:s26+$0x10];
	[tilespmem:s26+$0x20] =	vst v12;
	v9 =	vmul.f32 v9, v4;
	v6 =	vadd.f32 v6, v13  }
0x144: {  	v7 =	vmul.f32 v7, v4;
	v61 =	vadd.f32 v8, v15;
	[tilespmem:s26+$0xFFFFFFC0] =	vst v3  }
0x145: {  	v62 =	vadd.f32 v9, v16;
	[tilespmem:s28+$0xFFFFFFD0] =	vst v6  }
0x146: {  	v60 =	vmul.f32 v10, v4;
	v3 =	vadd.f32 v7, v14;
	[tilespmem:s28+$0xFFFFFFF0] =	vst v61  }
0x147: {  	v63 =	vadd.f32 v5, v59;
	[tilespmem:s28+$0x0] =	vst v62  }
0x148: {  	[tilespmem:s28+$0xFFFFFFE0] =	vst v3;
	v3 =	vadd.f32 v60, v58  }
0x149: {  	[tilespmem:s28+$0x30] =	vst v63  }
0x14a: {  	[tilespmem:s28+$0x10] =	vst v3  }
.LBB2_22:
0x14b: {  	v3 =	vsel vm5, $0x0, v2  }
0x14c: {  	(xrf2) =	vadd.scan.msk.f32 $0xffff, v3;
	_ =	sdelay $0x9  }
0x14d: {  	v4, _, _ =	vpop (xrf2)  }
0x14e: {  	(v2sf) =	vpush v4, $0xF;
	_ =	sdelay $0xe  }
0x14f: {  	s0 =	spop (v2sf)  }
0x150: {  	p1 =	slt.f32 s0, $0.0e+00;
	p2 =	sgt.f32 s0, $0.0e+00  }
0x151: {  	_ = 	snop  }
0x152: {  	p1 =	por p2, p1  }
0x153: {  	p1 =	por !p1, !p1  }
.Ltmp15:
0x154: {  	_ = 	snop;
	(pc) =	sbr.rel @p1 .LBB2_26-.Ltmp15, $1  }
0x155: {  	_ =	sdelay $0x3  }
0x156: {  	v3 =	vsel vm5, $0x0, v1  }
0x157: {  	(xrf0) =	vadd.scan.msk.s32 $0xffff, v3;
	_ =	sdelay $0x5  }
0x158: {  	v3, _, _ =	vpop (xrf0)  }
0x159: {  	v3 =	vbroadcast v3, $0xF;
	_ =	sdelay $0x1  }
0x15a: {  	s2 =	simm.s32 $0x60;
	v3 =	vadd.s32 v0, v3  }
0x15b: {  	s0 =	simm.s32 $0x70;
	v6 =	vadd.s32 s2, v3  }
0x15c: {  	v5 =	vadd.s32 s0, v3;
	s2 =	simm.s32 $0x0;
	v6 =	vand.u32 $0xFFF, v6  }
0x15d: {  	s6 =	simm.s32 $0x10;
	v5 =	vand.u32 $0xFFF, v5;
	v7 =	vadd.s32 s2, v3  }
0x15e: {  	s7 =	simm.s32 $0x20;
	s26 =	simm.s32 $0x40;
	v8 =	vadd.s32 s6, v3;
	v7 =	vand.u32 $0xFFF, v7  }
0x15f: {  	s8 =	simm.s32 $0x30;
	v9 =	vadd.s32 s7, v3;
	v11 =	vadd.s32 s26, v3;
	s26 =	simm.s32 $0x3040;
	v8 =	vand.u32 $0xFFF, v8  }
0x160: {  	v10 =	vadd.s32 s8, v3;
	v9 =	vand.u32 $0xFFF, v9;
	v15 =	vld [tilespmem:s26+$0x20]  }
0x161: {  	s31 =	simm.s32 $0x50;
	v10 =	vand.u32 $0xFFF, v10;
	v12 =	vld.idx.msk [tilespmem:v6+s4+$0x0], $0xffff  }
0x162: {  	v11 =	vand.u32 $0xFFF, v11;
	v5 =	vld.idx.msk [tilespmem:v5+s4+$0x0], $0xffff;
	v6 =	vadd.s32 s31, v3  }
0x163: {  	v13 =	vld.idx.msk [tilespmem:v7+s4+$0x0], $0xffff;
	v14 =	vand.u32 $0xFFF, v6  }
0x164: {  	v4 =	vbroadcast v4, $0xF;
	v6 =	vld.idx.msk [tilespmem:v8+s4+$0x0], $0xffff  }
0x165: {  	v7 =	vld.idx.msk [tilespmem:v9+s4+$0x0], $0xffff  }
0x166: {  	v8 =	vld.idx.msk [tilespmem:v10+s4+$0x0], $0xffff;
	v12 =	vmul.f32 v12, v4  }
0x167: {  	v9 =	vld.idx.msk [tilespmem:v11+s4+$0x0], $0xffff  }
0x168: {  	s29 =	simm.s32 $0x0;
	s30 =	simm.s32 $0xF0;
	s28 =	simm.s32 $0x3040;
	v5 =	vmul.f32 v5, v4;
	v11 =	vmul.f32 v13, v4;
	v10 =	vld.idx.msk [tilespmem:v14+s4+$0x0], $0xffff;
	v12 =	vadd.f32 v12, v15  }
.LBB2_24:
0x169: {  	s0 =	sadd.s32 $0xFFFFFFA0, s30;
	s2 =	sadd.s32 $0xFFFFFFF0, s30;
	v13 =	vadd.s32 s30, v3;
	s29 =	sadd.s32 $0x8, s29;
	v14 =	vld [tilespmem:s26+$0xFFFFFFC0]  }
0x16a: {  	s6 =	sadd.s32 $0xFFFFFFC0, s30;
	v15 =	vadd.s32 s0, v3;
	s0 =	sadd.s32 $0xFFFFFFB0, s30;
	v16 =	vadd.s32 s2, v3;
	v13 =	vand.u32 $0xFFF, v13;
	p1 =	slt.u32 s29, $0xF8;
	v17 =	vld [tilespmem:s26+$0xFFFFFFD0];
	[tilespmem:s26+$0x20] =	vst v12  }
0x16b: {  	s2 =	sadd.s32 $0xFFFFFF90, s30;
	v18 =	vadd.s32 s6, v3;
	s6 =	sadd.s32 $0xFFFFFFE0, s30;
	v12 =	vadd.s32 s0, v3;
	s0 =	sadd.s32 $0xFFFFFFD0, s30;
	v16 =	vand.u32 $0xFFF, v16;
	v19 =	vld [tilespmem:s26+$0xFFFFFFE0]  }
0x16c: {  	v20 =	vadd.s32 s2, v3;
	v22 =	vadd.s32 s6, v3;
	v21 =	vadd.s32 s0, v3;
	v23 =	vld [tilespmem:s26+$0xFFFFFFF0]  }
0x16d: {  	v15 =	vand.u32 $0xFFF, v15;
	v20 =	vand.u32 $0xFFF, v20;
	v12 =	vand.u32 $0xFFF, v12;
	v24 =	vld [tilespmem:s26+$0x0]  }
0x16e: {  	v18 =	vand.u32 $0xFFF, v18;
	v22 =	vand.u32 $0xFFF, v22;
	v21 =	vand.u32 $0xFFF, v21;
	v25 =	vld [tilespmem:s26+$0x10]  }
0x16f: {  	v6 =	vmul.f32 v6, v4;
	v7 =	vmul.f32 v7, v4;
	v11 =	vadd.f32 v11, v14;
	v13 =	vld.idx.msk [tilespmem:v13+s4+$0x0], $0xffff  }
0x170: {  	v8 =	vmul.f32 v8, v4;
	v9 =	vmul.f32 v9, v4;
	v14 =	vld.idx.msk [tilespmem:v16+s4+$0x0], $0xffff  }
0x171: {  	v10 =	vmul.f32 v10, v4;
	v6 =	vadd.f32 v6, v17;
	v7 =	vadd.f32 v7, v19;
	[tilespmem:s26+$0xFFFFFFC0] =	vst v11;
	v11 =	vld [tilespmem:s26+$0x30]  }
0x172: {  	v8 =	vadd.f32 v8, v23;
	s26 =	sadd.s32 $0x80, s26;
	v16 =	vld.idx.msk [tilespmem:v20+s4+$0x0], $0xffff;
	v9 =	vadd.f32 v9, v24  }
0x173: {  	v17 =	vld [tilespmem:s26+$0x20];
	[tilespmem:s28+$0xFFFFFFD0] =	vst v6;
	v10 =	vadd.f32 v10, v25  }
.Ltmp16:
0x174: {  	v6 =	vld.idx.msk [tilespmem:v15+s4+$0x0], $0xffff;
	[tilespmem:s28+$0xFFFFFFE0] =	vst v7;
	(pc) =	sbr.rel @p1 .LBB2_24-.Ltmp16, $4  }
0x175: {  	v7 =	vld.idx.msk [tilespmem:v12+s4+$0x0], $0xffff;
	v12 =	vmul.f32 v13, v4;
	[tilespmem:s28+$0xFFFFFFF0] =	vst v8  }
0x176: {  	v13 =	vmul.f32 v14, v4;
	v8 =	vld.idx.msk [tilespmem:v18+s4+$0x0], $0xffff;
	[tilespmem:s28+$0x0] =	vst v9;
	v14 =	vadd.f32 v5, v11  }
0x177: {  	v9 =	vld.idx.msk [tilespmem:v21+s4+$0x0], $0xffff;
	[tilespmem:s28+$0x10] =	vst v10;
	v5 =	vmov v12  }
0x178: {  	s30 =	sadd.s32 $0x80, s30;
	v11 =	vmul.f32 v16, v4;
	v10 =	vld.idx.msk [tilespmem:v22+s4+$0x0], $0xffff;
	v12 =	vadd.f32 v13, v17;
	[tilespmem:s28+$0x30] =	vst v14;
	s28 =	smov.u32 s26  }
0x179: {  	v3 =	vld [tilespmem:s26+$0xFFFFFFC0]  }
0x17a: {  	v13 =	vld [tilespmem:s26+$0xFFFFFFD0]  }
0x17b: {  	v15 =	vld [tilespmem:s26+$0xFFFFFFF0]  }
0x17c: {  	v16 =	vld [tilespmem:s26+$0x0]  }
0x17d: {  	v14 =	vld [tilespmem:s26+$0xFFFFFFE0];
	v6 =	vmul.f32 v6, v4  }
0x17e: {  	v59 =	vld [tilespmem:s26+$0x30];
	v8 =	vmul.f32 v8, v4;
	v3 =	vadd.f32 v11, v3  }
0x17f: {  	v58 =	vld [tilespmem:s26+$0x10];
	[tilespmem:s26+$0x20] =	vst v12;
	v9 =	vmul.f32 v9, v4;
	v6 =	vadd.f32 v6, v13  }
0x180: {  	v7 =	vmul.f32 v7, v4;
	v61 =	vadd.f32 v8, v15;
	[tilespmem:s26+$0xFFFFFFC0] =	vst v3  }
0x181: {  	v62 =	vadd.f32 v9, v16;
	[tilespmem:s28+$0xFFFFFFD0] =	vst v6  }
0x182: {  	v60 =	vmul.f32 v10, v4;
	v3 =	vadd.f32 v7, v14;
	[tilespmem:s28+$0xFFFFFFF0] =	vst v61  }
0x183: {  	v63 =	vadd.f32 v5, v59;
	[tilespmem:s28+$0x0] =	vst v62  }
0x184: {  	[tilespmem:s28+$0xFFFFFFE0] =	vst v3;
	v3 =	vadd.f32 v60, v58  }
0x185: {  	[tilespmem:s28+$0x30] =	vst v63  }
0x186: {  	[tilespmem:s28+$0x10] =	vst v3  }
.LBB2_26:
0x187: {  	v3 =	vsel vm6, $0x0, v2  }
0x188: {  	(xrf2) =	vadd.scan.msk.f32 $0xffff, v3;
	_ =	sdelay $0x9  }
0x189: {  	v4, _, _ =	vpop (xrf2)  }
0x18a: {  	(v2sf) =	vpush v4, $0xF;
	_ =	sdelay $0xe  }
0x18b: {  	s0 =	spop (v2sf)  }
0x18c: {  	p1 =	slt.f32 s0, $0.0e+00;
	p2 =	sgt.f32 s0, $0.0e+00  }
0x18d: {  	_ = 	snop  }
0x18e: {  	p1 =	por p2, p1  }
0x18f: {  	p1 =	por !p1, !p1  }
.Ltmp17:
0x190: {  	_ = 	snop;
	(pc) =	sbr.rel @p1 .LBB2_30-.Ltmp17, $1  }
0x191: {  	_ =	sdelay $0x3  }
0x192: {  	v3 =	vsel vm6, $0x0, v1  }
0x193: {  	(xrf0) =	vadd.scan.msk.s32 $0xffff, v3;
	_ =	sdelay $0x5  }
0x194: {  	v3, _, _ =	vpop (xrf0)  }
0x195: {  	v3 =	vbroadcast v3, $0xF;
	_ =	sdelay $0x1  }
0x196: {  	s2 =	simm.s32 $0x60;
	v3 =	vadd.s32 v0, v3  }
0x197: {  	s0 =	simm.s32 $0x70;
	v6 =	vadd.s32 s2, v3  }
0x198: {  	v5 =	vadd.s32 s0, v3;
	s2 =	simm.s32 $0x0;
	v6 =	vand.u32 $0xFFF, v6  }
0x199: {  	s6 =	simm.s32 $0x10;
	v5 =	vand.u32 $0xFFF, v5;
	v7 =	vadd.s32 s2, v3  }
0x19a: {  	s7 =	simm.s32 $0x20;
	s26 =	simm.s32 $0x40;
	v8 =	vadd.s32 s6, v3;
	v7 =	vand.u32 $0xFFF, v7  }
0x19b: {  	s8 =	simm.s32 $0x30;
	v9 =	vadd.s32 s7, v3;
	v11 =	vadd.s32 s26, v3;
	s26 =	simm.s32 $0x3040;
	v8 =	vand.u32 $0xFFF, v8  }
0x19c: {  	v10 =	vadd.s32 s8, v3;
	v9 =	vand.u32 $0xFFF, v9;
	v15 =	vld [tilespmem:s26+$0x20]  }
0x19d: {  	s31 =	simm.s32 $0x50;
	v10 =	vand.u32 $0xFFF, v10;
	v12 =	vld.idx.msk [tilespmem:v6+s4+$0x0], $0xffff  }
0x19e: {  	v11 =	vand.u32 $0xFFF, v11;
	v5 =	vld.idx.msk [tilespmem:v5+s4+$0x0], $0xffff;
	v6 =	vadd.s32 s31, v3  }
0x19f: {  	v13 =	vld.idx.msk [tilespmem:v7+s4+$0x0], $0xffff;
	v14 =	vand.u32 $0xFFF, v6  }
0x1a0: {  	v4 =	vbroadcast v4, $0xF;
	v6 =	vld.idx.msk [tilespmem:v8+s4+$0x0], $0xffff  }
0x1a1: {  	v7 =	vld.idx.msk [tilespmem:v9+s4+$0x0], $0xffff  }
0x1a2: {  	v8 =	vld.idx.msk [tilespmem:v10+s4+$0x0], $0xffff;
	v12 =	vmul.f32 v12, v4  }
0x1a3: {  	v9 =	vld.idx.msk [tilespmem:v11+s4+$0x0], $0xffff  }
0x1a4: {  	s29 =	simm.s32 $0x0;
	s30 =	simm.s32 $0xF0;
	s28 =	simm.s32 $0x3040;
	v5 =	vmul.f32 v5, v4;
	v11 =	vmul.f32 v13, v4;
	v10 =	vld.idx.msk [tilespmem:v14+s4+$0x0], $0xffff;
	v12 =	vadd.f32 v12, v15  }
.LBB2_28:
0x1a5: {  	s0 =	sadd.s32 $0xFFFFFFA0, s30;
	s2 =	sadd.s32 $0xFFFFFFF0, s30;
	v13 =	vadd.s32 s30, v3;
	s29 =	sadd.s32 $0x8, s29;
	v14 =	vld [tilespmem:s26+$0xFFFFFFC0]  }
0x1a6: {  	s6 =	sadd.s32 $0xFFFFFFC0, s30;
	v15 =	vadd.s32 s0, v3;
	s0 =	sadd.s32 $0xFFFFFFB0, s30;
	v16 =	vadd.s32 s2, v3;
	v13 =	vand.u32 $0xFFF, v13;
	p1 =	slt.u32 s29, $0xF8;
	v17 =	vld [tilespmem:s26+$0xFFFFFFD0];
	[tilespmem:s26+$0x20] =	vst v12  }
0x1a7: {  	s2 =	sadd.s32 $0xFFFFFF90, s30;
	v18 =	vadd.s32 s6, v3;
	s6 =	sadd.s32 $0xFFFFFFE0, s30;
	v12 =	vadd.s32 s0, v3;
	s0 =	sadd.s32 $0xFFFFFFD0, s30;
	v16 =	vand.u32 $0xFFF, v16;
	v19 =	vld [tilespmem:s26+$0xFFFFFFE0]  }
0x1a8: {  	v20 =	vadd.s32 s2, v3;
	v22 =	vadd.s32 s6, v3;
	v21 =	vadd.s32 s0, v3;
	v23 =	vld [tilespmem:s26+$0xFFFFFFF0]  }
0x1a9: {  	v15 =	vand.u32 $0xFFF, v15;
	v20 =	vand.u32 $0xFFF, v20;
	v12 =	vand.u32 $0xFFF, v12;
	v24 =	vld [tilespmem:s26+$0x0]  }
0x1aa: {  	v18 =	vand.u32 $0xFFF, v18;
	v22 =	vand.u32 $0xFFF, v22;
	v21 =	vand.u32 $0xFFF, v21;
	v25 =	vld [tilespmem:s26+$0x10]  }
0x1ab: {  	v6 =	vmul.f32 v6, v4;
	v7 =	vmul.f32 v7, v4;
	v11 =	vadd.f32 v11, v14;
	v13 =	vld.idx.msk [tilespmem:v13+s4+$0x0], $0xffff  }
0x1ac: {  	v8 =	vmul.f32 v8, v4;
	v9 =	vmul.f32 v9, v4;
	v14 =	vld.idx.msk [tilespmem:v16+s4+$0x0], $0xffff  }
0x1ad: {  	v10 =	vmul.f32 v10, v4;
	v6 =	vadd.f32 v6, v17;
	v7 =	vadd.f32 v7, v19;
	[tilespmem:s26+$0xFFFFFFC0] =	vst v11;
	v11 =	vld [tilespmem:s26+$0x30]  }
0x1ae: {  	v8 =	vadd.f32 v8, v23;
	s26 =	sadd.s32 $0x80, s26;
	v16 =	vld.idx.msk [tilespmem:v20+s4+$0x0], $0xffff;
	v9 =	vadd.f32 v9, v24  }
0x1af: {  	v17 =	vld [tilespmem:s26+$0x20];
	[tilespmem:s28+$0xFFFFFFD0] =	vst v6;
	v10 =	vadd.f32 v10, v25  }
.Ltmp18:
0x1b0: {  	v6 =	vld.idx.msk [tilespmem:v15+s4+$0x0], $0xffff;
	[tilespmem:s28+$0xFFFFFFE0] =	vst v7;
	(pc) =	sbr.rel @p1 .LBB2_28-.Ltmp18, $4  }
0x1b1: {  	v7 =	vld.idx.msk [tilespmem:v12+s4+$0x0], $0xffff;
	v12 =	vmul.f32 v13, v4;
	[tilespmem:s28+$0xFFFFFFF0] =	vst v8  }
0x1b2: {  	v13 =	vmul.f32 v14, v4;
	v8 =	vld.idx.msk [tilespmem:v18+s4+$0x0], $0xffff;
	[tilespmem:s28+$0x0] =	vst v9;
	v14 =	vadd.f32 v5, v11  }
0x1b3: {  	v9 =	vld.idx.msk [tilespmem:v21+s4+$0x0], $0xffff;
	[tilespmem:s28+$0x10] =	vst v10;
	v5 =	vmov v12  }
0x1b4: {  	s30 =	sadd.s32 $0x80, s30;
	v11 =	vmul.f32 v16, v4;
	v10 =	vld.idx.msk [tilespmem:v22+s4+$0x0], $0xffff;
	v12 =	vadd.f32 v13, v17;
	[tilespmem:s28+$0x30] =	vst v14;
	s28 =	smov.u32 s26  }
0x1b5: {  	v3 =	vld [tilespmem:s26+$0xFFFFFFC0]  }
0x1b6: {  	v13 =	vld [tilespmem:s26+$0xFFFFFFD0]  }
0x1b7: {  	v15 =	vld [tilespmem:s26+$0xFFFFFFF0]  }
0x1b8: {  	v16 =	vld [tilespmem:s26+$0x0]  }
0x1b9: {  	v14 =	vld [tilespmem:s26+$0xFFFFFFE0];
	v6 =	vmul.f32 v6, v4  }
0x1ba: {  	v59 =	vld [tilespmem:s26+$0x30];
	v8 =	vmul.f32 v8, v4;
	v3 =	vadd.f32 v11, v3  }
0x1bb: {  	v58 =	vld [tilespmem:s26+$0x10];
	[tilespmem:s26+$0x20] =	vst v12;
	v9 =	vmul.f32 v9, v4;
	v6 =	vadd.f32 v6, v13  }
0x1bc: {  	v7 =	vmul.f32 v7, v4;
	v61 =	vadd.f32 v8, v15;
	[tilespmem:s26+$0xFFFFFFC0] =	vst v3  }
0x1bd: {  	v62 =	vadd.f32 v9, v16;
	[tilespmem:s28+$0xFFFFFFD0] =	vst v6  }
0x1be: {  	v60 =	vmul.f32 v10, v4;
	v3 =	vadd.f32 v7, v14;
	[tilespmem:s28+$0xFFFFFFF0] =	vst v61  }
0x1bf: {  	v63 =	vadd.f32 v5, v59;
	[tilespmem:s28+$0x0] =	vst v62  }
0x1c0: {  	[tilespmem:s28+$0xFFFFFFE0] =	vst v3;
	v3 =	vadd.f32 v60, v58  }
0x1c1: {  	[tilespmem:s28+$0x30] =	vst v63  }
0x1c2: {  	[tilespmem:s28+$0x10] =	vst v3  }
.LBB2_30:
0x1c3: {  	v3 =	vsel vm7, $0x0, v2  }
0x1c4: {  	(xrf2) =	vadd.scan.msk.f32 $0xffff, v3;
	_ =	sdelay $0x9  }
0x1c5: {  	v4, _, _ =	vpop (xrf2)  }
0x1c6: {  	(v2sf) =	vpush v4, $0xF;
	_ =	sdelay $0xe  }
0x1c7: {  	s0 =	spop (v2sf)  }
0x1c8: {  	p1 =	slt.f32 s0, $0.0e+00;
	p2 =	sgt.f32 s0, $0.0e+00  }
0x1c9: {  	_ = 	snop  }
0x1ca: {  	p1 =	por p2, p1  }
0x1cb: {  	p1 =	por !p1, !p1  }
.Ltmp19:
0x1cc: {  	_ = 	snop;
	(pc) =	sbr.rel @p1 .LBB2_34-.Ltmp19, $1  }
0x1cd: {  	_ =	sdelay $0x3  }
0x1ce: {  	v3 =	vsel vm7, $0x0, v1  }
0x1cf: {  	(xrf0) =	vadd.scan.msk.s32 $0xffff, v3;
	_ =	sdelay $0x5  }
0x1d0: {  	v3, _, _ =	vpop (xrf0)  }
0x1d1: {  	v3 =	vbroadcast v3, $0xF;
	_ =	sdelay $0x1  }
0x1d2: {  	s2 =	simm.s32 $0x60;
	v3 =	vadd.s32 v0, v3  }
0x1d3: {  	s0 =	simm.s32 $0x70;
	v6 =	vadd.s32 s2, v3  }
0x1d4: {  	v5 =	vadd.s32 s0, v3;
	s2 =	simm.s32 $0x0;
	v6 =	vand.u32 $0xFFF, v6  }
0x1d5: {  	s6 =	simm.s32 $0x10;
	v5 =	vand.u32 $0xFFF, v5;
	v7 =	vadd.s32 s2, v3  }
0x1d6: {  	s7 =	simm.s32 $0x20;
	s26 =	simm.s32 $0x40;
	v8 =	vadd.s32 s6, v3;
	v7 =	vand.u32 $0xFFF, v7  }
0x1d7: {  	s8 =	simm.s32 $0x30;
	v9 =	vadd.s32 s7, v3;
	v11 =	vadd.s32 s26, v3;
	s26 =	simm.s32 $0x3040;
	v8 =	vand.u32 $0xFFF, v8  }
0x1d8: {  	v10 =	vadd.s32 s8, v3;
	v9 =	vand.u32 $0xFFF, v9;
	v15 =	vld [tilespmem:s26+$0x20]  }
0x1d9: {  	s31 =	simm.s32 $0x50;
	v10 =	vand.u32 $0xFFF, v10;
	v12 =	vld.idx.msk [tilespmem:v6+s4+$0x0], $0xffff  }
0x1da: {  	v11 =	vand.u32 $0xFFF, v11;
	v5 =	vld.idx.msk [tilespmem:v5+s4+$0x0], $0xffff;
	v6 =	vadd.s32 s31, v3  }
0x1db: {  	v13 =	vld.idx.msk [tilespmem:v7+s4+$0x0], $0xffff;
	v14 =	vand.u32 $0xFFF, v6  }
0x1dc: {  	v4 =	vbroadcast v4, $0xF;
	v6 =	vld.idx.msk [tilespmem:v8+s4+$0x0], $0xffff  }
0x1dd: {  	v7 =	vld.idx.msk [tilespmem:v9+s4+$0x0], $0xffff  }
0x1de: {  	v8 =	vld.idx.msk [tilespmem:v10+s4+$0x0], $0xffff;
	v12 =	vmul.f32 v12, v4  }
0x1df: {  	v9 =	vld.idx.msk [tilespmem:v11+s4+$0x0], $0xffff  }
0x1e0: {  	s29 =	simm.s32 $0x0;
	s30 =	simm.s32 $0xF0;
	s28 =	simm.s32 $0x3040;
	v5 =	vmul.f32 v5, v4;
	v11 =	vmul.f32 v13, v4;
	v10 =	vld.idx.msk [tilespmem:v14+s4+$0x0], $0xffff;
	v12 =	vadd.f32 v12, v15  }
.LBB2_32:
0x1e1: {  	s0 =	sadd.s32 $0xFFFFFFA0, s30;
	s2 =	sadd.s32 $0xFFFFFFF0, s30;
	v13 =	vadd.s32 s30, v3;
	s29 =	sadd.s32 $0x8, s29;
	v14 =	vld [tilespmem:s26+$0xFFFFFFC0]  }
0x1e2: {  	s6 =	sadd.s32 $0xFFFFFFC0, s30;
	v15 =	vadd.s32 s0, v3;
	s0 =	sadd.s32 $0xFFFFFFB0, s30;
	v16 =	vadd.s32 s2, v3;
	v13 =	vand.u32 $0xFFF, v13;
	p1 =	slt.u32 s29, $0xF8;
	v17 =	vld [tilespmem:s26+$0xFFFFFFD0];
	[tilespmem:s26+$0x20] =	vst v12  }
0x1e3: {  	s2 =	sadd.s32 $0xFFFFFF90, s30;
	v18 =	vadd.s32 s6, v3;
	s6 =	sadd.s32 $0xFFFFFFE0, s30;
	v12 =	vadd.s32 s0, v3;
	s0 =	sadd.s32 $0xFFFFFFD0, s30;
	v16 =	vand.u32 $0xFFF, v16;
	v19 =	vld [tilespmem:s26+$0xFFFFFFE0]  }
0x1e4: {  	v20 =	vadd.s32 s2, v3;
	v22 =	vadd.s32 s6, v3;
	v21 =	vadd.s32 s0, v3;
	v23 =	vld [tilespmem:s26+$0xFFFFFFF0]  }
0x1e5: {  	v15 =	vand.u32 $0xFFF, v15;
	v20 =	vand.u32 $0xFFF, v20;
	v12 =	vand.u32 $0xFFF, v12;
	v24 =	vld [tilespmem:s26+$0x0]  }
0x1e6: {  	v18 =	vand.u32 $0xFFF, v18;
	v22 =	vand.u32 $0xFFF, v22;
	v21 =	vand.u32 $0xFFF, v21;
	v25 =	vld [tilespmem:s26+$0x10]  }
0x1e7: {  	v6 =	vmul.f32 v6, v4;
	v7 =	vmul.f32 v7, v4;
	v11 =	vadd.f32 v11, v14;
	v13 =	vld.idx.msk [tilespmem:v13+s4+$0x0], $0xffff  }
0x1e8: {  	v8 =	vmul.f32 v8, v4;
	v9 =	vmul.f32 v9, v4;
	v14 =	vld.idx.msk [tilespmem:v16+s4+$0x0], $0xffff  }
0x1e9: {  	v10 =	vmul.f32 v10, v4;
	v6 =	vadd.f32 v6, v17;
	v7 =	vadd.f32 v7, v19;
	[tilespmem:s26+$0xFFFFFFC0] =	vst v11;
	v11 =	vld [tilespmem:s26+$0x30]  }
0x1ea: {  	v8 =	vadd.f32 v8, v23;
	s26 =	sadd.s32 $0x80, s26;
	v16 =	vld.idx.msk [tilespmem:v20+s4+$0x0], $0xffff;
	v9 =	vadd.f32 v9, v24  }
0x1eb: {  	v17 =	vld [tilespmem:s26+$0x20];
	[tilespmem:s28+$0xFFFFFFD0] =	vst v6;
	v10 =	vadd.f32 v10, v25  }
.Ltmp20:
0x1ec: {  	v6 =	vld.idx.msk [tilespmem:v15+s4+$0x0], $0xffff;
	[tilespmem:s28+$0xFFFFFFE0] =	vst v7;
	(pc) =	sbr.rel @p1 .LBB2_32-.Ltmp20, $4  }
0x1ed: {  	v7 =	vld.idx.msk [tilespmem:v12+s4+$0x0], $0xffff;
	v12 =	vmul.f32 v13, v4;
	[tilespmem:s28+$0xFFFFFFF0] =	vst v8  }
0x1ee: {  	v13 =	vmul.f32 v14, v4;
	v8 =	vld.idx.msk [tilespmem:v18+s4+$0x0], $0xffff;
	[tilespmem:s28+$0x0] =	vst v9;
	v14 =	vadd.f32 v5, v11  }
0x1ef: {  	v9 =	vld.idx.msk [tilespmem:v21+s4+$0x0], $0xffff;
	[tilespmem:s28+$0x10] =	vst v10;
	v5 =	vmov v12  }
0x1f0: {  	s30 =	sadd.s32 $0x80, s30;
	v11 =	vmul.f32 v16, v4;
	v10 =	vld.idx.msk [tilespmem:v22+s4+$0x0], $0xffff;
	v12 =	vadd.f32 v13, v17;
	[tilespmem:s28+$0x30] =	vst v14;
	s28 =	smov.u32 s26  }
0x1f1: {  	v3 =	vld [tilespmem:s26+$0xFFFFFFC0]  }
0x1f2: {  	v13 =	vld [tilespmem:s26+$0xFFFFFFD0]  }
0x1f3: {  	v15 =	vld [tilespmem:s26+$0xFFFFFFF0]  }
0x1f4: {  	v16 =	vld [tilespmem:s26+$0x0]  }
0x1f5: {  	v14 =	vld [tilespmem:s26+$0xFFFFFFE0];
	v6 =	vmul.f32 v6, v4  }
0x1f6: {  	v59 =	vld [tilespmem:s26+$0x30];
	v8 =	vmul.f32 v8, v4;
	v3 =	vadd.f32 v11, v3  }
0x1f7: {  	v58 =	vld [tilespmem:s26+$0x10];
	[tilespmem:s26+$0x20] =	vst v12;
	v9 =	vmul.f32 v9, v4;
	v6 =	vadd.f32 v6, v13  }
0x1f8: {  	v7 =	vmul.f32 v7, v4;
	v61 =	vadd.f32 v8, v15;
	[tilespmem:s26+$0xFFFFFFC0] =	vst v3  }
0x1f9: {  	v62 =	vadd.f32 v9, v16;
	[tilespmem:s28+$0xFFFFFFD0] =	vst v6  }
0x1fa: {  	v60 =	vmul.f32 v10, v4;
	v3 =	vadd.f32 v7, v14;
	[tilespmem:s28+$0xFFFFFFF0] =	vst v61  }
0x1fb: {  	v63 =	vadd.f32 v5, v59;
	[tilespmem:s28+$0x0] =	vst v62  }
0x1fc: {  	[tilespmem:s28+$0xFFFFFFE0] =	vst v3;
	v3 =	vadd.f32 v60, v58  }
0x1fd: {  	[tilespmem:s28+$0x30] =	vst v63  }
0x1fe: {  	[tilespmem:s28+$0x10] =	vst v3  }
.LBB2_34:
0x1ff: {  	v2 =	vsel vm8, $0x0, v2  }
0x200: {  	(xrf2) =	vadd.scan.msk.f32 $0xffff, v2;
	_ =	sdelay $0x9  }
0x201: {  	v2, _, _ =	vpop (xrf2)  }
0x202: {  	(v2sf) =	vpush v2, $0xF;
	_ =	sdelay $0xe  }
0x203: {  	s0 =	spop (v2sf)  }
0x204: {  	p1 =	slt.f32 s0, $0.0e+00;
	p2 =	sgt.f32 s0, $0.0e+00  }
0x205: {  	_ = 	snop  }
0x206: {  	p1 =	por p2, p1  }
0x207: {  	p1 =	por !p1, !p1  }
.Ltmp21:
0x208: {  	_ = 	snop;
	(pc) =	sbr.rel @p1 .LBB2_38-.Ltmp21, $1  }
0x209: {  	_ =	sdelay $0x3  }
0x20a: {  	v1 =	vsel vm8, $0x0, v1  }
0x20b: {  	(xrf0) =	vadd.scan.msk.s32 $0xffff, v1;
	_ =	sdelay $0x5  }
0x20c: {  	v1, _, _ =	vpop (xrf0)  }
0x20d: {  	v1 =	vbroadcast v1, $0xF;
	_ =	sdelay $0x1  }
0x20e: {  	s2 =	simm.s32 $0x60;
	v1 =	vadd.s32 v0, v1  }
0x20f: {  	s0 =	simm.s32 $0x70;
	v4 =	vadd.s32 s2, v1  }
0x210: {  	v3 =	vadd.s32 s0, v1;
	s2 =	simm.s32 $0x0;
	v4 =	vand.u32 $0xFFF, v4  }
0x211: {  	s6 =	simm.s32 $0x10;
	v3 =	vand.u32 $0xFFF, v3;
	v5 =	vadd.s32 s2, v1  }
0x212: {  	s7 =	simm.s32 $0x20;
	s26 =	simm.s32 $0x40;
	v6 =	vadd.s32 s6, v1;
	v5 =	vand.u32 $0xFFF, v5  }
0x213: {  	s8 =	simm.s32 $0x30;
	v7 =	vadd.s32 s7, v1;
	v9 =	vadd.s32 s26, v1;
	s26 =	simm.s32 $0x3040;
	v6 =	vand.u32 $0xFFF, v6  }
0x214: {  	v8 =	vadd.s32 s8, v1;
	v7 =	vand.u32 $0xFFF, v7;
	v13 =	vld [tilespmem:s26+$0x20]  }
0x215: {  	s31 =	simm.s32 $0x50;
	v8 =	vand.u32 $0xFFF, v8;
	v10 =	vld.idx.msk [tilespmem:v4+s4+$0x0], $0xffff  }
0x216: {  	v9 =	vand.u32 $0xFFF, v9;
	v3 =	vld.idx.msk [tilespmem:v3+s4+$0x0], $0xffff;
	v4 =	vadd.s32 s31, v1  }
0x217: {  	v11 =	vld.idx.msk [tilespmem:v5+s4+$0x0], $0xffff;
	v12 =	vand.u32 $0xFFF, v4  }
0x218: {  	v2 =	vbroadcast v2, $0xF;
	v4 =	vld.idx.msk [tilespmem:v6+s4+$0x0], $0xffff  }
0x219: {  	v5 =	vld.idx.msk [tilespmem:v7+s4+$0x0], $0xffff  }
0x21a: {  	v6 =	vld.idx.msk [tilespmem:v8+s4+$0x0], $0xffff;
	v10 =	vmul.f32 v10, v2  }
0x21b: {  	v7 =	vld.idx.msk [tilespmem:v9+s4+$0x0], $0xffff  }
0x21c: {  	s29 =	simm.s32 $0x0;
	s30 =	simm.s32 $0xF0;
	s28 =	simm.s32 $0x3040;
	v3 =	vmul.f32 v3, v2;
	v9 =	vmul.f32 v11, v2;
	v8 =	vld.idx.msk [tilespmem:v12+s4+$0x0], $0xffff;
	v10 =	vadd.f32 v10, v13  }
.LBB2_36:
0x21d: {  	s0 =	sadd.s32 $0xFFFFFFA0, s30;
	s2 =	sadd.s32 $0xFFFFFFF0, s30;
	v11 =	vadd.s32 s30, v1;
	s29 =	sadd.s32 $0x8, s29;
	v12 =	vld [tilespmem:s26+$0xFFFFFFC0]  }
0x21e: {  	s6 =	sadd.s32 $0xFFFFFFC0, s30;
	v13 =	vadd.s32 s0, v1;
	s0 =	sadd.s32 $0xFFFFFFB0, s30;
	v14 =	vadd.s32 s2, v1;
	v11 =	vand.u32 $0xFFF, v11;
	p1 =	slt.u32 s29, $0xF8;
	v15 =	vld [tilespmem:s26+$0xFFFFFFD0];
	[tilespmem:s26+$0x20] =	vst v10  }
0x21f: {  	s2 =	sadd.s32 $0xFFFFFF90, s30;
	v16 =	vadd.s32 s6, v1;
	s6 =	sadd.s32 $0xFFFFFFE0, s30;
	v10 =	vadd.s32 s0, v1;
	s0 =	sadd.s32 $0xFFFFFFD0, s30;
	v14 =	vand.u32 $0xFFF, v14;
	v17 =	vld [tilespmem:s26+$0xFFFFFFE0]  }
0x220: {  	v18 =	vadd.s32 s2, v1;
	v20 =	vadd.s32 s6, v1;
	v19 =	vadd.s32 s0, v1;
	v21 =	vld [tilespmem:s26+$0xFFFFFFF0]  }
0x221: {  	v13 =	vand.u32 $0xFFF, v13;
	v18 =	vand.u32 $0xFFF, v18;
	v10 =	vand.u32 $0xFFF, v10;
	v22 =	vld [tilespmem:s26+$0x0]  }
0x222: {  	v16 =	vand.u32 $0xFFF, v16;
	v20 =	vand.u32 $0xFFF, v20;
	v19 =	vand.u32 $0xFFF, v19;
	v23 =	vld [tilespmem:s26+$0x10]  }
0x223: {  	v4 =	vmul.f32 v4, v2;
	v5 =	vmul.f32 v5, v2;
	v9 =	vadd.f32 v9, v12;
	v11 =	vld.idx.msk [tilespmem:v11+s4+$0x0], $0xffff  }
0x224: {  	v6 =	vmul.f32 v6, v2;
	v7 =	vmul.f32 v7, v2;
	v12 =	vld.idx.msk [tilespmem:v14+s4+$0x0], $0xffff  }
0x225: {  	v8 =	vmul.f32 v8, v2;
	v4 =	vadd.f32 v4, v15;
	v5 =	vadd.f32 v5, v17;
	[tilespmem:s26+$0xFFFFFFC0] =	vst v9;
	v9 =	vld [tilespmem:s26+$0x30]  }
0x226: {  	v6 =	vadd.f32 v6, v21;
	s26 =	sadd.s32 $0x80, s26;
	v14 =	vld.idx.msk [tilespmem:v18+s4+$0x0], $0xffff;
	v7 =	vadd.f32 v7, v22  }
0x227: {  	v15 =	vld [tilespmem:s26+$0x20];
	[tilespmem:s28+$0xFFFFFFD0] =	vst v4;
	v8 =	vadd.f32 v8, v23  }
.Ltmp22:
0x228: {  	v4 =	vld.idx.msk [tilespmem:v13+s4+$0x0], $0xffff;
	[tilespmem:s28+$0xFFFFFFE0] =	vst v5;
	(pc) =	sbr.rel @p1 .LBB2_36-.Ltmp22, $4  }
0x229: {  	v5 =	vld.idx.msk [tilespmem:v10+s4+$0x0], $0xffff;
	v10 =	vmul.f32 v11, v2;
	[tilespmem:s28+$0xFFFFFFF0] =	vst v6  }
0x22a: {  	v11 =	vmul.f32 v12, v2;
	v6 =	vld.idx.msk [tilespmem:v16+s4+$0x0], $0xffff;
	[tilespmem:s28+$0x0] =	vst v7;
	v12 =	vadd.f32 v3, v9  }
0x22b: {  	v7 =	vld.idx.msk [tilespmem:v19+s4+$0x0], $0xffff;
	[tilespmem:s28+$0x10] =	vst v8;
	v3 =	vmov v10  }
0x22c: {  	s30 =	sadd.s32 $0x80, s30;
	v9 =	vmul.f32 v14, v2;
	v8 =	vld.idx.msk [tilespmem:v20+s4+$0x0], $0xffff;
	v10 =	vadd.f32 v11, v15;
	[tilespmem:s28+$0x30] =	vst v12;
	s28 =	smov.u32 s26  }
0x22d: {  	v1 =	vld [tilespmem:s26+$0xFFFFFFC0]  }
0x22e: {  	v11 =	vld [tilespmem:s26+$0xFFFFFFD0]  }
0x22f: {  	v13 =	vld [tilespmem:s26+$0xFFFFFFF0]  }
0x230: {  	v12 =	vld [tilespmem:s26+$0xFFFFFFE0]  }
0x231: {  	v14 =	vld [tilespmem:s26+$0x0];
	v4 =	vmul.f32 v4, v2  }
0x232: {  	v60 =	vld [tilespmem:s26+$0x10];
	v6 =	vmul.f32 v6, v2;
	v1 =	vadd.f32 v9, v1  }
0x233: {  	v61 =	vld [tilespmem:s26+$0x30];
	v5 =	vmul.f32 v5, v2;
	[tilespmem:s26+$0x20] =	vst v10;
	v4 =	vadd.f32 v4, v11  }
0x234: {  	v7 =	vmul.f32 v7, v2;
	v62 =	vadd.f32 v6, v13;
	[tilespmem:s26+$0xFFFFFFC0] =	vst v1  }
0x235: {  	v2 =	vmul.f32 v8, v2;
	v1 =	vadd.f32 v5, v12;
	[tilespmem:s28+$0xFFFFFFD0] =	vst v4  }
0x236: {  	v63 =	vadd.f32 v7, v14;
	[tilespmem:s28+$0xFFFFFFF0] =	vst v62  }
0x237: {  	[tilespmem:s28+$0xFFFFFFE0] =	vst v1;
	v1 =	vadd.f32 v2, v60  }
0x238: {  	[tilespmem:s28+$0x0] =	vst v63;
	v2 =	vadd.f32 v3, v61  }
0x239: {  	[tilespmem:s28+$0x10] =	vst v1  }
0x23a: {  	[tilespmem:s28+$0x30] =	vst v2  }
.LBB2_38:
0x23b: {  	s0 =	sadd.s32 s3, s25  }
0x23c: {  	s0 =	sadd.s32 s24, s0  }
0x23d: {  	[hbm4b:s0+s13] =	stream.strided.scatter [tilespmem:s17], [sflag:$0x3], $0x1000, s14, s13, $0x38;
	[tilespmem:$0x5000] =	vst v63  }
0x23e: {  	p1 =	seq.s32 s23, $0x3F;
	s0 =	sshllo.u32 s23, $0x1  }
0x23f: {  	s2 =	sor.u32 @!p1 s5, s0  }
0x240: {  	s25 =	sshll.u32 s0, $0x4;
	s2 =	sadd.s32 @!p1 $0x1, s2  }
0x241: {  	v1 =	vor.u32 s25, v0;
	s6 =	sshll.u32 @!p1 s2, $0x4  }
0x242: {  	s0 =	sshll.u32 @!p1 s2, $0x9;
	s2 =	sand.u32 @!p1 $0x60, s6  }
0x243: {  	s7 =	simm.s32 @!p1 $0x0;
	s0 =	sand.u32 @!p1 $0xFFFF000, s0;
	s2 =	sadd.s32 @!p1 s1, s2  }
0x244: {  	s6 =	simm.s32 @!p1 $0x400;
	s0 =	sadd.s32 @!p1 s0, s2;
	s2 =	simm.s32 @!p1 $0x80  }
0x245: {  	[tilespmem:s7], [sflag:$0x1] =	stream.strided.gather @!p1 [hbm4b:s0+s2], $0x1000, s6, s2, $0x38;
	[tilespmem:$0x5000] =	vst v63  }
0x246: {  	v2 =	vld.idx.msk [tilespmem:v1+s10+$0x0], $0xffff;
	_ =	sdelay $0x2  }
0x247: {  	v1 =	vld.idx.msk [tilespmem:v1+s12+$0x0], $0xffff;
	_ =	sdelay $0x1  }
0x248: {  	v3 =	vnsel vm0, $0x0, v2  }
0x249: {  	(xrf2) =	vadd.scan.msk.f32 $0xffff, v3;
	v3 =	vsel vm1, $0x0, v2  }
0x24a: {  	(xrf2) =	vadd.scan.msk.f32 $0xffff, v3  }
0x24b: {  	v3 =	vnsel vm0, $0x0, v1  }
0x24c: {  	(xrf0) =	vadd.scan.msk.s32 $0xffff, v3;
	_ =	sdelay $0x5  }
0x24d: {  	v4, _, _ =	vpop (xrf0)  }
0x24e: {  	v3, _, _ =	vpop (xrf2)  }
0x24f: {  	(v2sf) =	vpush v4, $0xF;
	v5, _, _ =	vpop (xrf2)  }
0x250: {  	(v2sf) =	vpush v5, $0xF;
	_ =	sdelay $0xd  }
0x251: {  	s31 =	spop (v2sf)  }
0x252: {  	s26 =	spop (v2sf)  }
0x253: {  	p1 =	seq.s32 s31, $0x0;
	_ =	swait.ge [sflag:s18], $0x1000  }
.Ltmp23:
0x254: {  	[sflag:s18] =	ssyncset.done $0x0;
	(pc) =	sbr.rel @p1 .LBB2_42-.Ltmp23, $4  }
0x255: {  	s2 =	simm.s32 @!p0 $0x4;
	[sflag:s18] =	ssyncadd.s32 $0xFFFFF000  }
0x256: {  	_ =	swait.ge @!p0 [sflag:s2], $0x1000  }
0x257: {  	v3 =	vbroadcast v3, $0xF;
	[sflag:s2] =	ssyncset.done @!p0 $0x0  }
0x258: {  	[sflag:s2] =	ssyncadd.s32 @!p0 $0xFFFFF000  }
0x259: {  	v4 =	vbroadcast v4, $0xF;
	_ =	sdelay $0x1  }
0x25a: {  	s2 =	simm.s32 $0x10;
	v4 =	vadd.s32 v0, v4  }
0x25b: {  	s6 =	simm.s32 $0x0;
	v5 =	vadd.s32 s2, v4  }
0x25c: {  	s7 =	simm.s32 $0x20;
	v6 =	vadd.s32 s6, v4;
	v5 =	vand.u32 $0xFFF, v5  }
0x25d: {  	s8 =	simm.s32 $0x30;
	v7 =	vadd.s32 s7, v4;
	v6 =	vand.u32 $0xFFF, v6  }
0x25e: {  	s0 =	simm.s32 $0x70;
	v8 =	vadd.s32 s8, v4;
	v7 =	vand.u32 $0xFFF, v7  }
0x25f: {  	s7 =	simm.s32 $0x60;
	v9 =	vadd.s32 s0, v4;
	v8 =	vand.u32 $0xFFF, v8  }
0x260: {  	s8 =	simm.s32 $0x40;
	v10 =	vadd.s32 s7, v4;
	v9 =	vand.u32 $0xFFF, v9  }
0x261: {  	s6 =	simm.s32 $0x50;
	v11 =	vadd.s32 s8, v4;
	v10 =	vand.u32 $0xFFF, v10;
	v5 =	vld.idx.msk [tilespmem:v5+s15+$0x0], $0xffff  }
0x262: {  	v12 =	vadd.s32 s6, v4;
	s7 =	simm.s32 $0x90;
	v11 =	vand.u32 $0xFFF, v11;
	v6 =	vld.idx.msk [tilespmem:v6+s15+$0x0], $0xffff  }
0x263: {  	s8 =	simm.s32 $0x80;
	v12 =	vand.u32 $0xFFF, v12;
	v13 =	vadd.s32 s7, v4;
	v7 =	vld.idx.msk [tilespmem:v7+s15+$0x0], $0xffff  }
0x264: {  	v14 =	vadd.s32 s8, v4;
	s7 =	simm.s32 $0xF0;
	v13 =	vand.u32 $0xFFF, v13;
	v17 =	vld.idx.msk [tilespmem:v8+s15+$0x0], $0xffff  }
0x265: {  	s6 =	simm.s32 $0xA0;
	s8 =	simm.s32 $0xB0;
	v15 =	vadd.s32 s7, v4;
	v8 =	vand.u32 $0xFFF, v14;
	v9 =	vld.idx.msk [tilespmem:v9+s15+$0x0], $0xffff  }
0x266: {  	v16 =	vadd.s32 s8, v4;
	s7 =	simm.s32 $0xC0;
	v15 =	vand.u32 $0xFFF, v15;
	v14 =	vadd.s32 s6, v4;
	v10 =	vld.idx.msk [tilespmem:v10+s15+$0x0], $0xffff  }
0x267: {  	s0 =	simm.s32 $0xD0;
	s8 =	simm.s32 $0xE0;
	v18 =	vand.u32 $0xFFF, v16;
	v16 =	vadd.s32 s7, v4;
	v14 =	vand.u32 $0xFFF, v14;
	v11 =	vld.idx.msk [tilespmem:v11+s15+$0x0], $0xffff  }
0x268: {  	v19 =	vadd.s32 s0, v4;
	v21 =	vadd.s32 s8, v4;
	s7 =	simm.s32 $0x100;
	v20 =	vand.u32 $0xFFF, v16;
	v22 =	vld.idx.msk [tilespmem:v12+s15+$0x0], $0xffff  }
0x269: {  	v25 =	vadd.s32 s7, v4;
	s6 =	simm.s32 $0x170;
	v16 =	vld.idx.msk [tilespmem:v13+s15+$0x0], $0xffff;
	v13 =	vand.u32 $0xFFF, v19;
	v19 =	vand.u32 $0xFFF, v21  }
0x26a: {  	s8 =	simm.s32 $0x110;
	v23 =	vadd.s32 s6, v4;
	v21 =	vmul.f32 v6, v3;
	v24 =	vld.idx.msk [tilespmem:v8+s15+$0x0], $0xffff;
	v12 =	vmul.f32 v7, v3  }
0x26b: {  	s28 =	simm.s32 $0x4040;
	s7 =	simm.s32 $0x130;
	s6 =	simm.s32 $0x150;
	v6 =	vmul.f32 v5, v3;
	v5 =	vadd.s32 s8, v4;
	v8 =	vmul.f32 v9, v3;
	v9 =	vld.idx.msk [tilespmem:v15+s15+$0x0], $0xffff  }
0x26c: {  	v27 =	vadd.s32 s6, v4;
	s8 =	simm.s32 $0x120;
	v7 =	vld.idx.msk [tilespmem:v14+s15+$0x0], $0xffff;
	v26 =	vand.u32 $0xFFF, v5;
	v14 =	vadd.s32 s7, v4;
	[tilespmem:s28+$0xFFFFFFE0] =	vst v12  }
0x26d: {  	v5 =	vld.idx.msk [tilespmem:v18+s15+$0x0], $0xffff;
	v10 =	vmul.f32 v10, v3;
	v18 =	vadd.s32 s8, v4;
	v63 =	vmul.f32 v11, v3;
	[tilespmem:s28+$0xFFFFFFD0] =	vst v6  }
0x26e: {  	v11 =	vmul.f32 v22, v3;
	v22 =	vmul.f32 v17, v3;
	v12 =	vand.u32 $0xFFF, v25;
	v15 =	vld.idx.msk [tilespmem:v19+s15+$0x0], $0xffff;
	[tilespmem:s28+$0xFFFFFFC0] =	vst v21  }
0x26f: {  	s7 =	simm.s32 $0x140;
	s8 =	simm.s32 $0x160;
	v17 =	vand.u32 $0xFFF, v23;
	v18 =	vand.u32 $0xFFF, v18;
	v6 =	vand.u32 $0xFFF, v14;
	v14 =	vld.idx.msk [tilespmem:v20+s15+$0x0], $0xffff;
	[tilespmem:s28+$0x20] =	vst v10  }
0x270: {  	s30 =	simm.s32 $0x40C0;
	v20 =	vadd.s32 s8, v4;
	v19 =	vld.idx.msk [tilespmem:v13+s15+$0x0], $0xffff;
	v13 =	vand.u32 $0xFFF, v27;
	v10 =	vadd.s32 s7, v4;
	[tilespmem:s28+$0x10] =	vst v11  }
0x271: {  	s31 =	simm.s32 $0x10;
	s29 =	simm.s32 $0x4140;
	s0 =	simm.s32 $0x1F0;
	v21 =	vand.u32 $0xFFF, v20;
	[tilespmem:s28+$0x0] =	vst v63;
	v10 =	vand.u32 $0xFFF, v10;
	v20 =	vmul.f32 v24, v3;
	v11 =	vld.idx.msk [tilespmem:v26+s15+$0x0], $0xffff  }
.LBB2_40:
0x272: {  	s2 =	sadd.s32 $0xFFFFFF90, s0  }
0x273: {  	s6 =	sadd.s32 $0xFFFFFFA0, s0;
	s7 =	sadd.s32 $0xFFFFFFF0, s0;
	v23 =	vadd.s32 s0, v4;
	v24 =	vld.idx.msk [tilespmem:v12+s15+$0x0], $0xffff;
	v16 =	vmul.f32 v16, v3;
	v12 =	vmul.f32 v7, v3;
	[tilespmem:s28+$0x30] =	vst v8;
	s8 =	sadd.s32 $0xFFFFFFE0, s0  }
0x274: {  	v8 =	vmul.f32 v9, v3;
	s31 =	sadd.s32 $0x8, s31;
	v25 =	vadd.s32 s2, v4;
	v26 =	vadd.s32 s6, v4;
	s2 =	sadd.s32 $0xFFFFFFB0, s0;
	s6 =	sadd.s32 $0xFFFFFFC0, s0;
	v7 =	vld.idx.msk [tilespmem:v18+s15+$0x0], $0xffff;
	[tilespmem:s28+$0xFFFFFFF0] =	vst v22;
	v22 =	vmovc v5  }
0x275: {  	v28 =	vmul.f32 v15, v3;
	s28 =	smov.u32 s30;
	p0 =	slt.u32 s31, $0xF8;
	v26 =	vand.u32 $0xFFF, v26;
	v27 =	vadd.s32 s6, v4;
	s6 =	sadd.s32 $0xFFFFFFD0, s0;
	v5 =	vld.idx.msk [tilespmem:v6+s15+$0x0], $0xffff;
	[tilespmem:s30+$0xFFFFFFE0] =	vst v12  }
.Ltmp24:
0x276: {  	v12 =	vand.u32 $0xFFF, v25;
	v6 =	vadd.s32 s2, v4;
	v25 =	vmul.f32 v14, v3;
	s30 =	smov.u32 s29;
	v9 =	vld.idx.msk [tilespmem:v17+s15+$0x0], $0xffff;
	[tilespmem:s28+$0xFFFFFFD0] =	vst v16;
	(pc) =	sbr.rel @p0 .LBB2_40-.Ltmp24, $4  }
0x277: {  	v18 =	vand.u32 $0xFFF, v6;
	v6 =	vand.u32 $0xFFF, v27;
	v15 =	vld.idx.msk [tilespmem:v21+s15+$0x0], $0xffff;
	v21 =	vmul.f32 v19, v3;
	[tilespmem:s28+$0x20] =	vst v28  }
0x278: {  	v22 =	vmul.f32 v22, v3;
	v17 =	vadd.s32 s6, v4;
	v27 =	vadd.s32 s8, v4;
	v16 =	vmovc v11;
	v14 =	vld.idx.msk [tilespmem:v10+s15+$0x0], $0xffff;
	[tilespmem:s28+$0xFFFFFFC0] =	vst v20  }
0x279: {  	v10 =	vand.u32 $0xFFF, v17;
	v20 =	vadd.s32 s7, v4;
	v17 =	vand.u32 $0xFFF, v23;
	v19 =	vld.idx.msk [tilespmem:v13+s15+$0x0], $0xffff;
	[tilespmem:s28+$0x10] =	vst v21  }
0x27a: {  	s0 =	sadd.s32 $0x80, s0;
	s29 =	sadd.s32 $0x80, s29;
	v13 =	vand.u32 $0xFFF, v27;
	v21 =	vand.u32 $0xFFF, v20;
	v20 =	vmul.f32 v24, v3;
	v11 =	vld.idx.msk [tilespmem:v26+s15+$0x0], $0xffff;
	[tilespmem:s28+$0x0] =	vst v25  }
0x27b: {  	[tilespmem:s28+$0x30] =	vst v8  }
0x27c: {  	v4 =	vmul.f32 v7, v3;
	[tilespmem:s28+$0xFFFFFFF0] =	vst v22  }
0x27d: {  	v50 =	vmul.f32 v16, v3;
	[tilespmem:s30+$0xFFFFFFC0] =	vst v20  }
0x27e: {  	v9 =	vmul.f32 v9, v3;
	[tilespmem:s30+$0xFFFFFFE0] =	vst v4  }
0x27f: {  	v52 =	vld.idx.msk [tilespmem:v18+s15+$0x0], $0xffff;
	v5 =	vmul.f32 v5, v3;
	[tilespmem:s30+$0xFFFFFFD0] =	vst v50  }
0x280: {  	v55 =	vld.idx.msk [tilespmem:v21+s15+$0x0], $0xffff;
	v51 =	vmul.f32 v15, v3;
	[tilespmem:s30+$0x30] =	vst v9  }
0x281: {  	v12 =	vld.idx.msk [tilespmem:v12+s15+$0x0], $0xffff;
	v54 =	vmul.f32 v14, v3;
	[tilespmem:s30+$0xFFFFFFF0] =	vst v5  }
0x282: {  	v56 =	vld.idx.msk [tilespmem:v13+s15+$0x0], $0xffff;
	v53 =	vmul.f32 v19, v3;
	[tilespmem:s30+$0x20] =	vst v51  }
0x283: {  	v57 =	vld.idx.msk [tilespmem:v10+s15+$0x0], $0xffff;
	[tilespmem:s30+$0x0] =	vst v54;
	v59 =	vmul.f32 v11, v3  }
0x284: {  	v58 =	vld.idx.msk [tilespmem:v17+s15+$0x0], $0xffff;
	[tilespmem:s30+$0x10] =	vst v53;
	v8 =	vmul.f32 v52, v3  }
0x285: {  	v60 =	vld.idx.msk [tilespmem:v6+s15+$0x0], $0xffff;
	v61 =	vmul.f32 v55, v3;
	[tilespmem:s29+$0xFFFFFFD0] =	vst v59  }
0x286: {  	v62 =	vmul.f32 v12, v3;
	[tilespmem:s29+$0xFFFFFFE0] =	vst v8  }
0x287: {  	v7 =	vmul.f32 v56, v3;
	[tilespmem:s29+$0x20] =	vst v61  }
.Ltmp25:
0x288: {  	v4 =	vmul.f32 v57, v3;
	[tilespmem:s29+$0xFFFFFFC0] =	vst v62;
	(pc) =	sbr.rel .LBB2_45-.Ltmp25, $4  }
0x289: {  	v63 =	vmul.f32 v58, v3;
	[tilespmem:s29+$0x10] =	vst v7  }
0x28a: {  	v3 =	vmul.f32 v60, v3;
	[tilespmem:s29+$0x0] =	vst v4  }
0x28b: {  	[tilespmem:s29+$0x30] =	vst v63  }
0x28c: {  	[tilespmem:s29+$0xFFFFFFF0] =	vst v3  }
.LBB2_42:
0x28d: {  	s2 =	simm.s32 $0x1040  }
0x28e: {  	v6 =	vld [tilespmem:s2+$0x30]  }
0x28f: {  	v8 =	vld [tilespmem:s2+$0xFFFFFFD0]  }
0x290: {  	v10 =	vld [tilespmem:s2+$0xFFFFFFE0]  }
0x291: {  	v7 =	vld [tilespmem:s2+$0xFFFFFFF0]  }
0x292: {  	v5 =	vld [tilespmem:s2+$0x0]  }
0x293: {  	v4 =	vld [tilespmem:s2+$0x10];
	v11 =	vmul.f32 v6, v3  }
0x294: {  	s0 =	simm.s32 $0x4040;
	v6 =	vld [tilespmem:s2+$0x20];
	v9 =	vmul.f32 v8, v3  }
0x295: {  	s28 =	simm.s32 $0x0;
	s29 =	simm.s32 $0x10C0;
	v8 =	vld [tilespmem:s2+$0xFFFFFFC0];
	v10 =	vmul.f32 v10, v3;
	[tilespmem:s0+$0x30] =	vst v11  }
.LBB2_43:
0x296: {  	v11 =	vld [tilespmem:s29+$0x30];
	s28 =	sadd.s32 $0x8, s28;
	[tilespmem:s0+$0xFFFFFFD0] =	vst v9;
	v7 =	vmul.f32 v7, v3  }
0x297: {  	v9 =	vld [tilespmem:s29+$0xFFFFFFD0];
	p0 =	slt.u32 s28, $0xF8;
	[tilespmem:s0+$0xFFFFFFE0] =	vst v10;
	v5 =	vmul.f32 v5, v3  }
0x298: {  	v10 =	vld [tilespmem:s29+$0xFFFFFFE0];
	[tilespmem:s0+$0xFFFFFFF0] =	vst v7;
	v4 =	vmul.f32 v4, v3  }
.Ltmp26:
0x299: {  	v7 =	vld [tilespmem:s29+$0xFFFFFFF0];
	[tilespmem:s0+$0x0] =	vst v5;
	v6 =	vmul.f32 v6, v3;
	(pc) =	sbr.rel @p0 .LBB2_43-.Ltmp26, $4  }
0x29a: {  	v5 =	vld [tilespmem:s29+$0x0];
	v8 =	vmul.f32 v8, v3;
	[tilespmem:s0+$0x10] =	vst v4  }
0x29b: {  	v4 =	vld [tilespmem:s29+$0x10];
	v11 =	vmul.f32 v11, v3;
	[tilespmem:s0+$0x20] =	vst v6  }
0x29c: {  	v9 =	vmul.f32 v9, v3;
	v6 =	vld [tilespmem:s29+$0x20];
	[tilespmem:s0+$0xFFFFFFC0] =	vst v8;
	s0 =	sadd.s32 $0x80, s0  }
0x29d: {  	v8 =	vld [tilespmem:s29+$0xFFFFFFC0];
	v10 =	vmul.f32 v10, v3;
	[tilespmem:s0+$0x30] =	vst v11;
	s29 =	sadd.s32 $0x80, s29  }
0x29e: {  	[tilespmem:s0+$0xFFFFFFD0] =	vst v9;
	v7 =	vmul.f32 v7, v3  }
0x29f: {  	[tilespmem:s0+$0xFFFFFFE0] =	vst v10;
	v5 =	vmul.f32 v5, v3  }
0x2a0: {  	[tilespmem:s0+$0xFFFFFFF0] =	vst v7;
	v4 =	vmul.f32 v4, v3  }
0x2a1: {  	[tilespmem:s0+$0x0] =	vst v5;
	v63 =	vmul.f32 v6, v3  }
0x2a2: {  	v3 =	vmul.f32 v8, v3;
	[tilespmem:s0+$0x10] =	vst v4  }
0x2a3: {  	[tilespmem:s0+$0x20] =	vst v63  }
0x2a4: {  	[tilespmem:s0+$0xFFFFFFC0] =	vst v3  }
.LBB2_45:
0x2a5: {  	p0 =	slt.f32 s26, $0.0e+00;
	p1 =	sgt.f32 s26, $0.0e+00  }
0x2a6: {  	_ = 	snop  }
0x2a7: {  	p0 =	por p1, p0  }
0x2a8: {  	p0 =	por !p0, !p0  }
.Ltmp27:
0x2a9: {  	_ = 	snop;
	(pc) =	sbr.rel @p0 .LBB2_74-.Ltmp27, $1  }
0x2aa: {  	_ =	sdelay $0x3  }
0x2ab: {  	v3 =	vsel vm2, $0x0, v2  }
0x2ac: {  	(xrf2) =	vadd.scan.msk.f32 $0xffff, v3;
	_ =	sdelay $0x9  }
0x2ad: {  	v4, _, _ =	vpop (xrf2)  }
0x2ae: {  	(v2sf) =	vpush v4, $0xF;
	_ =	sdelay $0xe  }
0x2af: {  	s0 =	spop (v2sf)  }
0x2b0: {  	p0 =	slt.f32 s0, $0.0e+00;
	p1 =	sgt.f32 s0, $0.0e+00  }
0x2b1: {  	_ = 	snop  }
0x2b2: {  	p0 =	por p1, p0  }
0x2b3: {  	p0 =	por !p0, !p0  }
.Ltmp28:
0x2b4: {  	_ = 	snop;
	(pc) =	sbr.rel @p0 .LBB2_50-.Ltmp28, $1  }
0x2b5: {  	_ =	sdelay $0x3  }
0x2b6: {  	v3 =	vsel vm2, $0x0, v1  }
0x2b7: {  	(xrf0) =	vadd.scan.msk.s32 $0xffff, v3;
	_ =	sdelay $0x5  }
0x2b8: {  	v3, _, _ =	vpop (xrf0)  }
0x2b9: {  	v3 =	vbroadcast v3, $0xF;
	_ =	sdelay $0x1  }
0x2ba: {  	s2 =	simm.s32 $0x60;
	v3 =	vadd.s32 v0, v3  }
0x2bb: {  	s0 =	simm.s32 $0x70;
	v6 =	vadd.s32 s2, v3  }
0x2bc: {  	v5 =	vadd.s32 s0, v3;
	s2 =	simm.s32 $0x0;
	v6 =	vand.u32 $0xFFF, v6  }
0x2bd: {  	s6 =	simm.s32 $0x10;
	v5 =	vand.u32 $0xFFF, v5;
	v7 =	vadd.s32 s2, v3  }
0x2be: {  	s7 =	simm.s32 $0x20;
	s26 =	simm.s32 $0x40;
	v8 =	vadd.s32 s6, v3;
	v7 =	vand.u32 $0xFFF, v7  }
0x2bf: {  	s8 =	simm.s32 $0x30;
	v9 =	vadd.s32 s7, v3;
	v11 =	vadd.s32 s26, v3;
	s26 =	simm.s32 $0x4040;
	v8 =	vand.u32 $0xFFF, v8  }
0x2c0: {  	v10 =	vadd.s32 s8, v3;
	v9 =	vand.u32 $0xFFF, v9;
	v15 =	vld [tilespmem:s26+$0x20]  }
0x2c1: {  	s31 =	simm.s32 $0x50;
	v10 =	vand.u32 $0xFFF, v10;
	v12 =	vld.idx.msk [tilespmem:v6+s15+$0x0], $0xffff  }
0x2c2: {  	v11 =	vand.u32 $0xFFF, v11;
	v5 =	vld.idx.msk [tilespmem:v5+s15+$0x0], $0xffff;
	v6 =	vadd.s32 s31, v3  }
0x2c3: {  	v13 =	vld.idx.msk [tilespmem:v7+s15+$0x0], $0xffff;
	v14 =	vand.u32 $0xFFF, v6  }
0x2c4: {  	v4 =	vbroadcast v4, $0xF;
	v6 =	vld.idx.msk [tilespmem:v8+s15+$0x0], $0xffff  }
0x2c5: {  	v7 =	vld.idx.msk [tilespmem:v9+s15+$0x0], $0xffff  }
0x2c6: {  	v8 =	vld.idx.msk [tilespmem:v10+s15+$0x0], $0xffff;
	v12 =	vmul.f32 v12, v4  }
0x2c7: {  	v9 =	vld.idx.msk [tilespmem:v11+s15+$0x0], $0xffff  }
0x2c8: {  	s29 =	simm.s32 $0x0;
	s30 =	simm.s32 $0xF0;
	s28 =	simm.s32 $0x4040;
	v5 =	vmul.f32 v5, v4;
	v11 =	vmul.f32 v13, v4;
	v10 =	vld.idx.msk [tilespmem:v14+s15+$0x0], $0xffff;
	v12 =	vadd.f32 v12, v15  }
.LBB2_48:
0x2c9: {  	s0 =	sadd.s32 $0xFFFFFFA0, s30;
	s2 =	sadd.s32 $0xFFFFFFF0, s30;
	v13 =	vadd.s32 s30, v3;
	s29 =	sadd.s32 $0x8, s29;
	v14 =	vld [tilespmem:s26+$0xFFFFFFC0]  }
0x2ca: {  	s6 =	sadd.s32 $0xFFFFFFC0, s30;
	v15 =	vadd.s32 s0, v3;
	s0 =	sadd.s32 $0xFFFFFFB0, s30;
	v16 =	vadd.s32 s2, v3;
	v13 =	vand.u32 $0xFFF, v13;
	p0 =	slt.u32 s29, $0xF8;
	v17 =	vld [tilespmem:s26+$0xFFFFFFD0];
	[tilespmem:s26+$0x20] =	vst v12  }
0x2cb: {  	s2 =	sadd.s32 $0xFFFFFF90, s30;
	v18 =	vadd.s32 s6, v3;
	s6 =	sadd.s32 $0xFFFFFFE0, s30;
	v12 =	vadd.s32 s0, v3;
	s0 =	sadd.s32 $0xFFFFFFD0, s30;
	v16 =	vand.u32 $0xFFF, v16;
	v19 =	vld [tilespmem:s26+$0xFFFFFFE0]  }
0x2cc: {  	v20 =	vadd.s32 s2, v3;
	v22 =	vadd.s32 s6, v3;
	v21 =	vadd.s32 s0, v3;
	v23 =	vld [tilespmem:s26+$0xFFFFFFF0]  }
0x2cd: {  	v15 =	vand.u32 $0xFFF, v15;
	v20 =	vand.u32 $0xFFF, v20;
	v12 =	vand.u32 $0xFFF, v12;
	v24 =	vld [tilespmem:s26+$0x0]  }
0x2ce: {  	v18 =	vand.u32 $0xFFF, v18;
	v22 =	vand.u32 $0xFFF, v22;
	v21 =	vand.u32 $0xFFF, v21;
	v25 =	vld [tilespmem:s26+$0x10]  }
0x2cf: {  	v6 =	vmul.f32 v6, v4;
	v7 =	vmul.f32 v7, v4;
	v11 =	vadd.f32 v11, v14;
	v13 =	vld.idx.msk [tilespmem:v13+s15+$0x0], $0xffff  }
0x2d0: {  	v8 =	vmul.f32 v8, v4;
	v9 =	vmul.f32 v9, v4;
	v14 =	vld.idx.msk [tilespmem:v16+s15+$0x0], $0xffff  }
0x2d1: {  	v10 =	vmul.f32 v10, v4;
	v6 =	vadd.f32 v6, v17;
	v7 =	vadd.f32 v7, v19;
	[tilespmem:s26+$0xFFFFFFC0] =	vst v11;
	v11 =	vld [tilespmem:s26+$0x30]  }
0x2d2: {  	v8 =	vadd.f32 v8, v23;
	s26 =	sadd.s32 $0x80, s26;
	v16 =	vld.idx.msk [tilespmem:v20+s15+$0x0], $0xffff;
	v9 =	vadd.f32 v9, v24  }
0x2d3: {  	v17 =	vld [tilespmem:s26+$0x20];
	[tilespmem:s28+$0xFFFFFFD0] =	vst v6;
	v10 =	vadd.f32 v10, v25  }
.Ltmp29:
0x2d4: {  	v6 =	vld.idx.msk [tilespmem:v15+s15+$0x0], $0xffff;
	[tilespmem:s28+$0xFFFFFFE0] =	vst v7;
	(pc) =	sbr.rel @p0 .LBB2_48-.Ltmp29, $4  }
0x2d5: {  	v7 =	vld.idx.msk [tilespmem:v12+s15+$0x0], $0xffff;
	v12 =	vmul.f32 v13, v4;
	[tilespmem:s28+$0xFFFFFFF0] =	vst v8  }
0x2d6: {  	v13 =	vmul.f32 v14, v4;
	v8 =	vld.idx.msk [tilespmem:v18+s15+$0x0], $0xffff;
	[tilespmem:s28+$0x0] =	vst v9;
	v14 =	vadd.f32 v5, v11  }
0x2d7: {  	v9 =	vld.idx.msk [tilespmem:v21+s15+$0x0], $0xffff;
	[tilespmem:s28+$0x10] =	vst v10;
	v5 =	vmov v12  }
0x2d8: {  	s30 =	sadd.s32 $0x80, s30;
	v11 =	vmul.f32 v16, v4;
	v10 =	vld.idx.msk [tilespmem:v22+s15+$0x0], $0xffff;
	v12 =	vadd.f32 v13, v17;
	[tilespmem:s28+$0x30] =	vst v14;
	s28 =	smov.u32 s26  }
0x2d9: {  	v3 =	vld [tilespmem:s26+$0xFFFFFFC0]  }
0x2da: {  	v13 =	vld [tilespmem:s26+$0xFFFFFFD0]  }
0x2db: {  	v15 =	vld [tilespmem:s26+$0xFFFFFFF0]  }
0x2dc: {  	v16 =	vld [tilespmem:s26+$0x0]  }
0x2dd: {  	v14 =	vld [tilespmem:s26+$0xFFFFFFE0];
	v6 =	vmul.f32 v6, v4  }
0x2de: {  	v59 =	vld [tilespmem:s26+$0x30];
	v8 =	vmul.f32 v8, v4;
	v3 =	vadd.f32 v11, v3  }
0x2df: {  	v58 =	vld [tilespmem:s26+$0x10];
	[tilespmem:s26+$0x20] =	vst v12;
	v9 =	vmul.f32 v9, v4;
	v6 =	vadd.f32 v6, v13  }
0x2e0: {  	v7 =	vmul.f32 v7, v4;
	v61 =	vadd.f32 v8, v15;
	[tilespmem:s26+$0xFFFFFFC0] =	vst v3  }
0x2e1: {  	v62 =	vadd.f32 v9, v16;
	[tilespmem:s28+$0xFFFFFFD0] =	vst v6  }
0x2e2: {  	v60 =	vmul.f32 v10, v4;
	v3 =	vadd.f32 v7, v14;
	[tilespmem:s28+$0xFFFFFFF0] =	vst v61  }
0x2e3: {  	v63 =	vadd.f32 v5, v59;
	[tilespmem:s28+$0x0] =	vst v62  }
0x2e4: {  	[tilespmem:s28+$0xFFFFFFE0] =	vst v3;
	v3 =	vadd.f32 v60, v58  }
0x2e5: {  	[tilespmem:s28+$0x30] =	vst v63  }
0x2e6: {  	[tilespmem:s28+$0x10] =	vst v3  }
.LBB2_50:
0x2e7: {  	v3 =	vsel vm3, $0x0, v2  }
0x2e8: {  	(xrf2) =	vadd.scan.msk.f32 $0xffff, v3;
	_ =	sdelay $0x9  }
0x2e9: {  	v4, _, _ =	vpop (xrf2)  }
0x2ea: {  	(v2sf) =	vpush v4, $0xF;
	_ =	sdelay $0xe  }
0x2eb: {  	s0 =	spop (v2sf)  }
0x2ec: {  	p0 =	slt.f32 s0, $0.0e+00;
	p1 =	sgt.f32 s0, $0.0e+00  }
0x2ed: {  	_ = 	snop  }
0x2ee: {  	p0 =	por p1, p0  }
0x2ef: {  	p0 =	por !p0, !p0  }
.Ltmp30:
0x2f0: {  	_ = 	snop;
	(pc) =	sbr.rel @p0 .LBB2_54-.Ltmp30, $1  }
0x2f1: {  	_ =	sdelay $0x3  }
0x2f2: {  	v3 =	vsel vm3, $0x0, v1  }
0x2f3: {  	(xrf0) =	vadd.scan.msk.s32 $0xffff, v3;
	_ =	sdelay $0x5  }
0x2f4: {  	v3, _, _ =	vpop (xrf0)  }
0x2f5: {  	v3 =	vbroadcast v3, $0xF;
	_ =	sdelay $0x1  }
0x2f6: {  	s2 =	simm.s32 $0x60;
	v3 =	vadd.s32 v0, v3  }
0x2f7: {  	s0 =	simm.s32 $0x70;
	v6 =	vadd.s32 s2, v3  }
0x2f8: {  	v5 =	vadd.s32 s0, v3;
	s2 =	simm.s32 $0x0;
	v6 =	vand.u32 $0xFFF, v6  }
0x2f9: {  	s6 =	simm.s32 $0x10;
	v5 =	vand.u32 $0xFFF, v5;
	v7 =	vadd.s32 s2, v3  }
0x2fa: {  	s7 =	simm.s32 $0x20;
	s26 =	simm.s32 $0x40;
	v8 =	vadd.s32 s6, v3;
	v7 =	vand.u32 $0xFFF, v7  }
0x2fb: {  	s8 =	simm.s32 $0x30;
	v9 =	vadd.s32 s7, v3;
	v11 =	vadd.s32 s26, v3;
	s26 =	simm.s32 $0x4040;
	v8 =	vand.u32 $0xFFF, v8  }
0x2fc: {  	v10 =	vadd.s32 s8, v3;
	v9 =	vand.u32 $0xFFF, v9;
	v15 =	vld [tilespmem:s26+$0x20]  }
0x2fd: {  	s31 =	simm.s32 $0x50;
	v10 =	vand.u32 $0xFFF, v10;
	v12 =	vld.idx.msk [tilespmem:v6+s15+$0x0], $0xffff  }
0x2fe: {  	v11 =	vand.u32 $0xFFF, v11;
	v5 =	vld.idx.msk [tilespmem:v5+s15+$0x0], $0xffff;
	v6 =	vadd.s32 s31, v3  }
0x2ff: {  	v13 =	vld.idx.msk [tilespmem:v7+s15+$0x0], $0xffff;
	v14 =	vand.u32 $0xFFF, v6  }
0x300: {  	v4 =	vbroadcast v4, $0xF;
	v6 =	vld.idx.msk [tilespmem:v8+s15+$0x0], $0xffff  }
0x301: {  	v7 =	vld.idx.msk [tilespmem:v9+s15+$0x0], $0xffff  }
0x302: {  	v8 =	vld.idx.msk [tilespmem:v10+s15+$0x0], $0xffff;
	v12 =	vmul.f32 v12, v4  }
0x303: {  	v9 =	vld.idx.msk [tilespmem:v11+s15+$0x0], $0xffff  }
0x304: {  	s29 =	simm.s32 $0x0;
	s30 =	simm.s32 $0xF0;
	s28 =	simm.s32 $0x4040;
	v5 =	vmul.f32 v5, v4;
	v11 =	vmul.f32 v13, v4;
	v10 =	vld.idx.msk [tilespmem:v14+s15+$0x0], $0xffff;
	v12 =	vadd.f32 v12, v15  }
.LBB2_52:
0x305: {  	s0 =	sadd.s32 $0xFFFFFFA0, s30;
	s2 =	sadd.s32 $0xFFFFFFF0, s30;
	v13 =	vadd.s32 s30, v3;
	s29 =	sadd.s32 $0x8, s29;
	v14 =	vld [tilespmem:s26+$0xFFFFFFC0]  }
0x306: {  	s6 =	sadd.s32 $0xFFFFFFC0, s30;
	v15 =	vadd.s32 s0, v3;
	s0 =	sadd.s32 $0xFFFFFFB0, s30;
	v16 =	vadd.s32 s2, v3;
	v13 =	vand.u32 $0xFFF, v13;
	p0 =	slt.u32 s29, $0xF8;
	v17 =	vld [tilespmem:s26+$0xFFFFFFD0];
	[tilespmem:s26+$0x20] =	vst v12  }
0x307: {  	s2 =	sadd.s32 $0xFFFFFF90, s30;
	v18 =	vadd.s32 s6, v3;
	s6 =	sadd.s32 $0xFFFFFFE0, s30;
	v12 =	vadd.s32 s0, v3;
	s0 =	sadd.s32 $0xFFFFFFD0, s30;
	v16 =	vand.u32 $0xFFF, v16;
	v19 =	vld [tilespmem:s26+$0xFFFFFFE0]  }
0x308: {  	v20 =	vadd.s32 s2, v3;
	v22 =	vadd.s32 s6, v3;
	v21 =	vadd.s32 s0, v3;
	v23 =	vld [tilespmem:s26+$0xFFFFFFF0]  }
0x309: {  	v15 =	vand.u32 $0xFFF, v15;
	v20 =	vand.u32 $0xFFF, v20;
	v12 =	vand.u32 $0xFFF, v12;
	v24 =	vld [tilespmem:s26+$0x0]  }
0x30a: {  	v18 =	vand.u32 $0xFFF, v18;
	v22 =	vand.u32 $0xFFF, v22;
	v21 =	vand.u32 $0xFFF, v21;
	v25 =	vld [tilespmem:s26+$0x10]  }
0x30b: {  	v6 =	vmul.f32 v6, v4;
	v7 =	vmul.f32 v7, v4;
	v11 =	vadd.f32 v11, v14;
	v13 =	vld.idx.msk [tilespmem:v13+s15+$0x0], $0xffff  }
0x30c: {  	v8 =	vmul.f32 v8, v4;
	v9 =	vmul.f32 v9, v4;
	v14 =	vld.idx.msk [tilespmem:v16+s15+$0x0], $0xffff  }
0x30d: {  	v10 =	vmul.f32 v10, v4;
	v6 =	vadd.f32 v6, v17;
	v7 =	vadd.f32 v7, v19;
	[tilespmem:s26+$0xFFFFFFC0] =	vst v11;
	v11 =	vld [tilespmem:s26+$0x30]  }
0x30e: {  	v8 =	vadd.f32 v8, v23;
	s26 =	sadd.s32 $0x80, s26;
	v16 =	vld.idx.msk [tilespmem:v20+s15+$0x0], $0xffff;
	v9 =	vadd.f32 v9, v24  }
0x30f: {  	v17 =	vld [tilespmem:s26+$0x20];
	[tilespmem:s28+$0xFFFFFFD0] =	vst v6;
	v10 =	vadd.f32 v10, v25  }
.Ltmp31:
0x310: {  	v6 =	vld.idx.msk [tilespmem:v15+s15+$0x0], $0xffff;
	[tilespmem:s28+$0xFFFFFFE0] =	vst v7;
	(pc) =	sbr.rel @p0 .LBB2_52-.Ltmp31, $4  }
0x311: {  	v7 =	vld.idx.msk [tilespmem:v12+s15+$0x0], $0xffff;
	v12 =	vmul.f32 v13, v4;
	[tilespmem:s28+$0xFFFFFFF0] =	vst v8  }
0x312: {  	v13 =	vmul.f32 v14, v4;
	v8 =	vld.idx.msk [tilespmem:v18+s15+$0x0], $0xffff;
	[tilespmem:s28+$0x0] =	vst v9;
	v14 =	vadd.f32 v5, v11  }
0x313: {  	v9 =	vld.idx.msk [tilespmem:v21+s15+$0x0], $0xffff;
	[tilespmem:s28+$0x10] =	vst v10;
	v5 =	vmov v12  }
0x314: {  	s30 =	sadd.s32 $0x80, s30;
	v11 =	vmul.f32 v16, v4;
	v10 =	vld.idx.msk [tilespmem:v22+s15+$0x0], $0xffff;
	v12 =	vadd.f32 v13, v17;
	[tilespmem:s28+$0x30] =	vst v14;
	s28 =	smov.u32 s26  }
0x315: {  	v3 =	vld [tilespmem:s26+$0xFFFFFFC0]  }
0x316: {  	v13 =	vld [tilespmem:s26+$0xFFFFFFD0]  }
0x317: {  	v15 =	vld [tilespmem:s26+$0xFFFFFFF0]  }
0x318: {  	v16 =	vld [tilespmem:s26+$0x0]  }
0x319: {  	v14 =	vld [tilespmem:s26+$0xFFFFFFE0];
	v6 =	vmul.f32 v6, v4  }
0x31a: {  	v59 =	vld [tilespmem:s26+$0x30];
	v8 =	vmul.f32 v8, v4;
	v3 =	vadd.f32 v11, v3  }
0x31b: {  	v58 =	vld [tilespmem:s26+$0x10];
	[tilespmem:s26+$0x20] =	vst v12;
	v9 =	vmul.f32 v9, v4;
	v6 =	vadd.f32 v6, v13  }
0x31c: {  	v7 =	vmul.f32 v7, v4;
	v61 =	vadd.f32 v8, v15;
	[tilespmem:s26+$0xFFFFFFC0] =	vst v3  }
0x31d: {  	v62 =	vadd.f32 v9, v16;
	[tilespmem:s28+$0xFFFFFFD0] =	vst v6  }
0x31e: {  	v60 =	vmul.f32 v10, v4;
	v3 =	vadd.f32 v7, v14;
	[tilespmem:s28+$0xFFFFFFF0] =	vst v61  }
0x31f: {  	v63 =	vadd.f32 v5, v59;
	[tilespmem:s28+$0x0] =	vst v62  }
0x320: {  	[tilespmem:s28+$0xFFFFFFE0] =	vst v3;
	v3 =	vadd.f32 v60, v58  }
0x321: {  	[tilespmem:s28+$0x30] =	vst v63  }
0x322: {  	[tilespmem:s28+$0x10] =	vst v3  }
.LBB2_54:
0x323: {  	v3 =	vsel vm4, $0x0, v2  }
0x324: {  	(xrf2) =	vadd.scan.msk.f32 $0xffff, v3;
	_ =	sdelay $0x9  }
0x325: {  	v4, _, _ =	vpop (xrf2)  }
0x326: {  	(v2sf) =	vpush v4, $0xF;
	_ =	sdelay $0xe  }
0x327: {  	s0 =	spop (v2sf)  }
0x328: {  	p0 =	slt.f32 s0, $0.0e+00;
	p1 =	sgt.f32 s0, $0.0e+00  }
0x329: {  	_ = 	snop  }
0x32a: {  	p0 =	por p1, p0  }
0x32b: {  	p0 =	por !p0, !p0  }
.Ltmp32:
0x32c: {  	_ = 	snop;
	(pc) =	sbr.rel @p0 .LBB2_58-.Ltmp32, $1  }
0x32d: {  	_ =	sdelay $0x3  }
0x32e: {  	v3 =	vsel vm4, $0x0, v1  }
0x32f: {  	(xrf0) =	vadd.scan.msk.s32 $0xffff, v3;
	_ =	sdelay $0x5  }
0x330: {  	v3, _, _ =	vpop (xrf0)  }
0x331: {  	v3 =	vbroadcast v3, $0xF;
	_ =	sdelay $0x1  }
0x332: {  	s2 =	simm.s32 $0x60;
	v3 =	vadd.s32 v0, v3  }
0x333: {  	s0 =	simm.s32 $0x70;
	v6 =	vadd.s32 s2, v3  }
0x334: {  	v5 =	vadd.s32 s0, v3;
	s2 =	simm.s32 $0x0;
	v6 =	vand.u32 $0xFFF, v6  }
0x335: {  	s6 =	simm.s32 $0x10;
	v5 =	vand.u32 $0xFFF, v5;
	v7 =	vadd.s32 s2, v3  }
0x336: {  	s7 =	simm.s32 $0x20;
	s26 =	simm.s32 $0x40;
	v8 =	vadd.s32 s6, v3;
	v7 =	vand.u32 $0xFFF, v7  }
0x337: {  	s8 =	simm.s32 $0x30;
	v9 =	vadd.s32 s7, v3;
	v11 =	vadd.s32 s26, v3;
	s26 =	simm.s32 $0x4040;
	v8 =	vand.u32 $0xFFF, v8  }
0x338: {  	v10 =	vadd.s32 s8, v3;
	v9 =	vand.u32 $0xFFF, v9;
	v15 =	vld [tilespmem:s26+$0x20]  }
0x339: {  	s31 =	simm.s32 $0x50;
	v10 =	vand.u32 $0xFFF, v10;
	v12 =	vld.idx.msk [tilespmem:v6+s15+$0x0], $0xffff  }
0x33a: {  	v11 =	vand.u32 $0xFFF, v11;
	v5 =	vld.idx.msk [tilespmem:v5+s15+$0x0], $0xffff;
	v6 =	vadd.s32 s31, v3  }
0x33b: {  	v13 =	vld.idx.msk [tilespmem:v7+s15+$0x0], $0xffff;
	v14 =	vand.u32 $0xFFF, v6  }
0x33c: {  	v4 =	vbroadcast v4, $0xF;
	v6 =	vld.idx.msk [tilespmem:v8+s15+$0x0], $0xffff  }
0x33d: {  	v7 =	vld.idx.msk [tilespmem:v9+s15+$0x0], $0xffff  }
0x33e: {  	v8 =	vld.idx.msk [tilespmem:v10+s15+$0x0], $0xffff;
	v12 =	vmul.f32 v12, v4  }
0x33f: {  	v9 =	vld.idx.msk [tilespmem:v11+s15+$0x0], $0xffff  }
0x340: {  	s29 =	simm.s32 $0x0;
	s30 =	simm.s32 $0xF0;
	s28 =	simm.s32 $0x4040;
	v5 =	vmul.f32 v5, v4;
	v11 =	vmul.f32 v13, v4;
	v10 =	vld.idx.msk [tilespmem:v14+s15+$0x0], $0xffff;
	v12 =	vadd.f32 v12, v15  }
.LBB2_56:
0x341: {  	s0 =	sadd.s32 $0xFFFFFFA0, s30;
	s2 =	sadd.s32 $0xFFFFFFF0, s30;
	v13 =	vadd.s32 s30, v3;
	s29 =	sadd.s32 $0x8, s29;
	v14 =	vld [tilespmem:s26+$0xFFFFFFC0]  }
0x342: {  	s6 =	sadd.s32 $0xFFFFFFC0, s30;
	v15 =	vadd.s32 s0, v3;
	s0 =	sadd.s32 $0xFFFFFFB0, s30;
	v16 =	vadd.s32 s2, v3;
	v13 =	vand.u32 $0xFFF, v13;
	p0 =	slt.u32 s29, $0xF8;
	v17 =	vld [tilespmem:s26+$0xFFFFFFD0];
	[tilespmem:s26+$0x20] =	vst v12  }
0x343: {  	s2 =	sadd.s32 $0xFFFFFF90, s30;
	v18 =	vadd.s32 s6, v3;
	s6 =	sadd.s32 $0xFFFFFFE0, s30;
	v12 =	vadd.s32 s0, v3;
	s0 =	sadd.s32 $0xFFFFFFD0, s30;
	v16 =	vand.u32 $0xFFF, v16;
	v19 =	vld [tilespmem:s26+$0xFFFFFFE0]  }
0x344: {  	v20 =	vadd.s32 s2, v3;
	v22 =	vadd.s32 s6, v3;
	v21 =	vadd.s32 s0, v3;
	v23 =	vld [tilespmem:s26+$0xFFFFFFF0]  }
0x345: {  	v15 =	vand.u32 $0xFFF, v15;
	v20 =	vand.u32 $0xFFF, v20;
	v12 =	vand.u32 $0xFFF, v12;
	v24 =	vld [tilespmem:s26+$0x0]  }
0x346: {  	v18 =	vand.u32 $0xFFF, v18;
	v22 =	vand.u32 $0xFFF, v22;
	v21 =	vand.u32 $0xFFF, v21;
	v25 =	vld [tilespmem:s26+$0x10]  }
0x347: {  	v6 =	vmul.f32 v6, v4;
	v7 =	vmul.f32 v7, v4;
	v11 =	vadd.f32 v11, v14;
	v13 =	vld.idx.msk [tilespmem:v13+s15+$0x0], $0xffff  }
0x348: {  	v8 =	vmul.f32 v8, v4;
	v9 =	vmul.f32 v9, v4;
	v14 =	vld.idx.msk [tilespmem:v16+s15+$0x0], $0xffff  }
0x349: {  	v10 =	vmul.f32 v10, v4;
	v6 =	vadd.f32 v6, v17;
	v7 =	vadd.f32 v7, v19;
	[tilespmem:s26+$0xFFFFFFC0] =	vst v11;
	v11 =	vld [tilespmem:s26+$0x30]  }
0x34a: {  	v8 =	vadd.f32 v8, v23;
	s26 =	sadd.s32 $0x80, s26;
	v16 =	vld.idx.msk [tilespmem:v20+s15+$0x0], $0xffff;
	v9 =	vadd.f32 v9, v24  }
0x34b: {  	v17 =	vld [tilespmem:s26+$0x20];
	[tilespmem:s28+$0xFFFFFFD0] =	vst v6;
	v10 =	vadd.f32 v10, v25  }
.Ltmp33:
0x34c: {  	v6 =	vld.idx.msk [tilespmem:v15+s15+$0x0], $0xffff;
	[tilespmem:s28+$0xFFFFFFE0] =	vst v7;
	(pc) =	sbr.rel @p0 .LBB2_56-.Ltmp33, $4  }
0x34d: {  	v7 =	vld.idx.msk [tilespmem:v12+s15+$0x0], $0xffff;
	v12 =	vmul.f32 v13, v4;
	[tilespmem:s28+$0xFFFFFFF0] =	vst v8  }
0x34e: {  	v13 =	vmul.f32 v14, v4;
	v8 =	vld.idx.msk [tilespmem:v18+s15+$0x0], $0xffff;
	[tilespmem:s28+$0x0] =	vst v9;
	v14 =	vadd.f32 v5, v11  }
0x34f: {  	v9 =	vld.idx.msk [tilespmem:v21+s15+$0x0], $0xffff;
	[tilespmem:s28+$0x10] =	vst v10;
	v5 =	vmov v12  }
0x350: {  	s30 =	sadd.s32 $0x80, s30;
	v11 =	vmul.f32 v16, v4;
	v10 =	vld.idx.msk [tilespmem:v22+s15+$0x0], $0xffff;
	v12 =	vadd.f32 v13, v17;
	[tilespmem:s28+$0x30] =	vst v14;
	s28 =	smov.u32 s26  }
0x351: {  	v3 =	vld [tilespmem:s26+$0xFFFFFFC0]  }
0x352: {  	v13 =	vld [tilespmem:s26+$0xFFFFFFD0]  }
0x353: {  	v15 =	vld [tilespmem:s26+$0xFFFFFFF0]  }
0x354: {  	v16 =	vld [tilespmem:s26+$0x0]  }
0x355: {  	v14 =	vld [tilespmem:s26+$0xFFFFFFE0];
	v6 =	vmul.f32 v6, v4  }
0x356: {  	v59 =	vld [tilespmem:s26+$0x30];
	v8 =	vmul.f32 v8, v4;
	v3 =	vadd.f32 v11, v3  }
0x357: {  	v58 =	vld [tilespmem:s26+$0x10];
	[tilespmem:s26+$0x20] =	vst v12;
	v9 =	vmul.f32 v9, v4;
	v6 =	vadd.f32 v6, v13  }
0x358: {  	v7 =	vmul.f32 v7, v4;
	v61 =	vadd.f32 v8, v15;
	[tilespmem:s26+$0xFFFFFFC0] =	vst v3  }
0x359: {  	v62 =	vadd.f32 v9, v16;
	[tilespmem:s28+$0xFFFFFFD0] =	vst v6  }
0x35a: {  	v60 =	vmul.f32 v10, v4;
	v3 =	vadd.f32 v7, v14;
	[tilespmem:s28+$0xFFFFFFF0] =	vst v61  }
0x35b: {  	v63 =	vadd.f32 v5, v59;
	[tilespmem:s28+$0x0] =	vst v62  }
0x35c: {  	[tilespmem:s28+$0xFFFFFFE0] =	vst v3;
	v3 =	vadd.f32 v60, v58  }
0x35d: {  	[tilespmem:s28+$0x30] =	vst v63  }
0x35e: {  	[tilespmem:s28+$0x10] =	vst v3  }
.LBB2_58:
0x35f: {  	v3 =	vsel vm5, $0x0, v2  }
0x360: {  	(xrf2) =	vadd.scan.msk.f32 $0xffff, v3;
	_ =	sdelay $0x9  }
0x361: {  	v4, _, _ =	vpop (xrf2)  }
0x362: {  	(v2sf) =	vpush v4, $0xF;
	_ =	sdelay $0xe  }
0x363: {  	s0 =	spop (v2sf)  }
0x364: {  	p0 =	slt.f32 s0, $0.0e+00;
	p1 =	sgt.f32 s0, $0.0e+00  }
0x365: {  	_ = 	snop  }
0x366: {  	p0 =	por p1, p0  }
0x367: {  	p0 =	por !p0, !p0  }
.Ltmp34:
0x368: {  	_ = 	snop;
	(pc) =	sbr.rel @p0 .LBB2_62-.Ltmp34, $1  }
0x369: {  	_ =	sdelay $0x3  }
0x36a: {  	v3 =	vsel vm5, $0x0, v1  }
0x36b: {  	(xrf0) =	vadd.scan.msk.s32 $0xffff, v3;
	_ =	sdelay $0x5  }
0x36c: {  	v3, _, _ =	vpop (xrf0)  }
0x36d: {  	v3 =	vbroadcast v3, $0xF;
	_ =	sdelay $0x1  }
0x36e: {  	s2 =	simm.s32 $0x60;
	v3 =	vadd.s32 v0, v3  }
0x36f: {  	s0 =	simm.s32 $0x70;
	v6 =	vadd.s32 s2, v3  }
0x370: {  	v5 =	vadd.s32 s0, v3;
	s2 =	simm.s32 $0x0;
	v6 =	vand.u32 $0xFFF, v6  }
0x371: {  	s6 =	simm.s32 $0x10;
	v5 =	vand.u32 $0xFFF, v5;
	v7 =	vadd.s32 s2, v3  }
0x372: {  	s7 =	simm.s32 $0x20;
	s26 =	simm.s32 $0x40;
	v8 =	vadd.s32 s6, v3;
	v7 =	vand.u32 $0xFFF, v7  }
0x373: {  	s8 =	simm.s32 $0x30;
	v9 =	vadd.s32 s7, v3;
	v11 =	vadd.s32 s26, v3;
	s26 =	simm.s32 $0x4040;
	v8 =	vand.u32 $0xFFF, v8  }
0x374: {  	v10 =	vadd.s32 s8, v3;
	v9 =	vand.u32 $0xFFF, v9;
	v15 =	vld [tilespmem:s26+$0x20]  }
0x375: {  	s31 =	simm.s32 $0x50;
	v10 =	vand.u32 $0xFFF, v10;
	v12 =	vld.idx.msk [tilespmem:v6+s15+$0x0], $0xffff  }
0x376: {  	v11 =	vand.u32 $0xFFF, v11;
	v5 =	vld.idx.msk [tilespmem:v5+s15+$0x0], $0xffff;
	v6 =	vadd.s32 s31, v3  }
0x377: {  	v13 =	vld.idx.msk [tilespmem:v7+s15+$0x0], $0xffff;
	v14 =	vand.u32 $0xFFF, v6  }
0x378: {  	v4 =	vbroadcast v4, $0xF;
	v6 =	vld.idx.msk [tilespmem:v8+s15+$0x0], $0xffff  }
0x379: {  	v7 =	vld.idx.msk [tilespmem:v9+s15+$0x0], $0xffff  }
0x37a: {  	v8 =	vld.idx.msk [tilespmem:v10+s15+$0x0], $0xffff;
	v12 =	vmul.f32 v12, v4  }
0x37b: {  	v9 =	vld.idx.msk [tilespmem:v11+s15+$0x0], $0xffff  }
0x37c: {  	s29 =	simm.s32 $0x0;
	s30 =	simm.s32 $0xF0;
	s28 =	simm.s32 $0x4040;
	v5 =	vmul.f32 v5, v4;
	v11 =	vmul.f32 v13, v4;
	v10 =	vld.idx.msk [tilespmem:v14+s15+$0x0], $0xffff;
	v12 =	vadd.f32 v12, v15  }
.LBB2_60:
0x37d: {  	s0 =	sadd.s32 $0xFFFFFFA0, s30;
	s2 =	sadd.s32 $0xFFFFFFF0, s30;
	v13 =	vadd.s32 s30, v3;
	s29 =	sadd.s32 $0x8, s29;
	v14 =	vld [tilespmem:s26+$0xFFFFFFC0]  }
0x37e: {  	s6 =	sadd.s32 $0xFFFFFFC0, s30;
	v15 =	vadd.s32 s0, v3;
	s0 =	sadd.s32 $0xFFFFFFB0, s30;
	v16 =	vadd.s32 s2, v3;
	v13 =	vand.u32 $0xFFF, v13;
	p0 =	slt.u32 s29, $0xF8;
	v17 =	vld [tilespmem:s26+$0xFFFFFFD0];
	[tilespmem:s26+$0x20] =	vst v12  }
0x37f: {  	s2 =	sadd.s32 $0xFFFFFF90, s30;
	v18 =	vadd.s32 s6, v3;
	s6 =	sadd.s32 $0xFFFFFFE0, s30;
	v12 =	vadd.s32 s0, v3;
	s0 =	sadd.s32 $0xFFFFFFD0, s30;
	v16 =	vand.u32 $0xFFF, v16;
	v19 =	vld [tilespmem:s26+$0xFFFFFFE0]  }
0x380: {  	v20 =	vadd.s32 s2, v3;
	v22 =	vadd.s32 s6, v3;
	v21 =	vadd.s32 s0, v3;
	v23 =	vld [tilespmem:s26+$0xFFFFFFF0]  }
0x381: {  	v15 =	vand.u32 $0xFFF, v15;
	v20 =	vand.u32 $0xFFF, v20;
	v12 =	vand.u32 $0xFFF, v12;
	v24 =	vld [tilespmem:s26+$0x0]  }
0x382: {  	v18 =	vand.u32 $0xFFF, v18;
	v22 =	vand.u32 $0xFFF, v22;
	v21 =	vand.u32 $0xFFF, v21;
	v25 =	vld [tilespmem:s26+$0x10]  }
0x383: {  	v6 =	vmul.f32 v6, v4;
	v7 =	vmul.f32 v7, v4;
	v11 =	vadd.f32 v11, v14;
	v13 =	vld.idx.msk [tilespmem:v13+s15+$0x0], $0xffff  }
0x384: {  	v8 =	vmul.f32 v8, v4;
	v9 =	vmul.f32 v9, v4;
	v14 =	vld.idx.msk [tilespmem:v16+s15+$0x0], $0xffff  }
0x385: {  	v10 =	vmul.f32 v10, v4;
	v6 =	vadd.f32 v6, v17;
	v7 =	vadd.f32 v7, v19;
	[tilespmem:s26+$0xFFFFFFC0] =	vst v11;
	v11 =	vld [tilespmem:s26+$0x30]  }
0x386: {  	v8 =	vadd.f32 v8, v23;
	s26 =	sadd.s32 $0x80, s26;
	v16 =	vld.idx.msk [tilespmem:v20+s15+$0x0], $0xffff;
	v9 =	vadd.f32 v9, v24  }
0x387: {  	v17 =	vld [tilespmem:s26+$0x20];
	[tilespmem:s28+$0xFFFFFFD0] =	vst v6;
	v10 =	vadd.f32 v10, v25  }
.Ltmp35:
0x388: {  	v6 =	vld.idx.msk [tilespmem:v15+s15+$0x0], $0xffff;
	[tilespmem:s28+$0xFFFFFFE0] =	vst v7;
	(pc) =	sbr.rel @p0 .LBB2_60-.Ltmp35, $4  }
0x389: {  	v7 =	vld.idx.msk [tilespmem:v12+s15+$0x0], $0xffff;
	v12 =	vmul.f32 v13, v4;
	[tilespmem:s28+$0xFFFFFFF0] =	vst v8  }
0x38a: {  	v13 =	vmul.f32 v14, v4;
	v8 =	vld.idx.msk [tilespmem:v18+s15+$0x0], $0xffff;
	[tilespmem:s28+$0x0] =	vst v9;
	v14 =	vadd.f32 v5, v11  }
0x38b: {  	v9 =	vld.idx.msk [tilespmem:v21+s15+$0x0], $0xffff;
	[tilespmem:s28+$0x10] =	vst v10;
	v5 =	vmov v12  }
0x38c: {  	s30 =	sadd.s32 $0x80, s30;
	v11 =	vmul.f32 v16, v4;
	v10 =	vld.idx.msk [tilespmem:v22+s15+$0x0], $0xffff;
	v12 =	vadd.f32 v13, v17;
	[tilespmem:s28+$0x30] =	vst v14;
	s28 =	smov.u32 s26  }
0x38d: {  	v3 =	vld [tilespmem:s26+$0xFFFFFFC0]  }
0x38e: {  	v13 =	vld [tilespmem:s26+$0xFFFFFFD0]  }
0x38f: {  	v15 =	vld [tilespmem:s26+$0xFFFFFFF0]  }
0x390: {  	v16 =	vld [tilespmem:s26+$0x0]  }
0x391: {  	v14 =	vld [tilespmem:s26+$0xFFFFFFE0];
	v6 =	vmul.f32 v6, v4  }
0x392: {  	v59 =	vld [tilespmem:s26+$0x30];
	v8 =	vmul.f32 v8, v4;
	v3 =	vadd.f32 v11, v3  }
0x393: {  	v58 =	vld [tilespmem:s26+$0x10];
	[tilespmem:s26+$0x20] =	vst v12;
	v9 =	vmul.f32 v9, v4;
	v6 =	vadd.f32 v6, v13  }
0x394: {  	v7 =	vmul.f32 v7, v4;
	v61 =	vadd.f32 v8, v15;
	[tilespmem:s26+$0xFFFFFFC0] =	vst v3  }
0x395: {  	v62 =	vadd.f32 v9, v16;
	[tilespmem:s28+$0xFFFFFFD0] =	vst v6  }
0x396: {  	v60 =	vmul.f32 v10, v4;
	v3 =	vadd.f32 v7, v14;
	[tilespmem:s28+$0xFFFFFFF0] =	vst v61  }
0x397: {  	v63 =	vadd.f32 v5, v59;
	[tilespmem:s28+$0x0] =	vst v62  }
0x398: {  	[tilespmem:s28+$0xFFFFFFE0] =	vst v3;
	v3 =	vadd.f32 v60, v58  }
0x399: {  	[tilespmem:s28+$0x30] =	vst v63  }
0x39a: {  	[tilespmem:s28+$0x10] =	vst v3  }
.LBB2_62:
0x39b: {  	v3 =	vsel vm6, $0x0, v2  }
0x39c: {  	(xrf2) =	vadd.scan.msk.f32 $0xffff, v3;
	_ =	sdelay $0x9  }
0x39d: {  	v4, _, _ =	vpop (xrf2)  }
0x39e: {  	(v2sf) =	vpush v4, $0xF;
	_ =	sdelay $0xe  }
0x39f: {  	s0 =	spop (v2sf)  }
0x3a0: {  	p0 =	slt.f32 s0, $0.0e+00;
	p1 =	sgt.f32 s0, $0.0e+00  }
0x3a1: {  	_ = 	snop  }
0x3a2: {  	p0 =	por p1, p0  }
0x3a3: {  	p0 =	por !p0, !p0  }
.Ltmp36:
0x3a4: {  	_ = 	snop;
	(pc) =	sbr.rel @p0 .LBB2_66-.Ltmp36, $1  }
0x3a5: {  	_ =	sdelay $0x3  }
0x3a6: {  	v3 =	vsel vm6, $0x0, v1  }
0x3a7: {  	(xrf0) =	vadd.scan.msk.s32 $0xffff, v3;
	_ =	sdelay $0x5  }
0x3a8: {  	v3, _, _ =	vpop (xrf0)  }
0x3a9: {  	v3 =	vbroadcast v3, $0xF;
	_ =	sdelay $0x1  }
0x3aa: {  	s2 =	simm.s32 $0x60;
	v3 =	vadd.s32 v0, v3  }
0x3ab: {  	s0 =	simm.s32 $0x70;
	v6 =	vadd.s32 s2, v3  }
0x3ac: {  	v5 =	vadd.s32 s0, v3;
	s2 =	simm.s32 $0x0;
	v6 =	vand.u32 $0xFFF, v6  }
0x3ad: {  	s6 =	simm.s32 $0x10;
	v5 =	vand.u32 $0xFFF, v5;
	v7 =	vadd.s32 s2, v3  }
0x3ae: {  	s7 =	simm.s32 $0x20;
	s26 =	simm.s32 $0x40;
	v8 =	vadd.s32 s6, v3;
	v7 =	vand.u32 $0xFFF, v7  }
0x3af: {  	s8 =	simm.s32 $0x30;
	v9 =	vadd.s32 s7, v3;
	v11 =	vadd.s32 s26, v3;
	s26 =	simm.s32 $0x4040;
	v8 =	vand.u32 $0xFFF, v8  }
0x3b0: {  	v10 =	vadd.s32 s8, v3;
	v9 =	vand.u32 $0xFFF, v9;
	v15 =	vld [tilespmem:s26+$0x20]  }
0x3b1: {  	s31 =	simm.s32 $0x50;
	v10 =	vand.u32 $0xFFF, v10;
	v12 =	vld.idx.msk [tilespmem:v6+s15+$0x0], $0xffff  }
0x3b2: {  	v11 =	vand.u32 $0xFFF, v11;
	v5 =	vld.idx.msk [tilespmem:v5+s15+$0x0], $0xffff;
	v6 =	vadd.s32 s31, v3  }
0x3b3: {  	v13 =	vld.idx.msk [tilespmem:v7+s15+$0x0], $0xffff;
	v14 =	vand.u32 $0xFFF, v6  }
0x3b4: {  	v4 =	vbroadcast v4, $0xF;
	v6 =	vld.idx.msk [tilespmem:v8+s15+$0x0], $0xffff  }
0x3b5: {  	v7 =	vld.idx.msk [tilespmem:v9+s15+$0x0], $0xffff  }
0x3b6: {  	v8 =	vld.idx.msk [tilespmem:v10+s15+$0x0], $0xffff;
	v12 =	vmul.f32 v12, v4  }
0x3b7: {  	v9 =	vld.idx.msk [tilespmem:v11+s15+$0x0], $0xffff  }
0x3b8: {  	s29 =	simm.s32 $0x0;
	s30 =	simm.s32 $0xF0;
	s28 =	simm.s32 $0x4040;
	v5 =	vmul.f32 v5, v4;
	v11 =	vmul.f32 v13, v4;
	v10 =	vld.idx.msk [tilespmem:v14+s15+$0x0], $0xffff;
	v12 =	vadd.f32 v12, v15  }
.LBB2_64:
0x3b9: {  	s0 =	sadd.s32 $0xFFFFFFA0, s30;
	s2 =	sadd.s32 $0xFFFFFFF0, s30;
	v13 =	vadd.s32 s30, v3;
	s29 =	sadd.s32 $0x8, s29;
	v14 =	vld [tilespmem:s26+$0xFFFFFFC0]  }
0x3ba: {  	s6 =	sadd.s32 $0xFFFFFFC0, s30;
	v15 =	vadd.s32 s0, v3;
	s0 =	sadd.s32 $0xFFFFFFB0, s30;
	v16 =	vadd.s32 s2, v3;
	v13 =	vand.u32 $0xFFF, v13;
	p0 =	slt.u32 s29, $0xF8;
	v17 =	vld [tilespmem:s26+$0xFFFFFFD0];
	[tilespmem:s26+$0x20] =	vst v12  }
0x3bb: {  	s2 =	sadd.s32 $0xFFFFFF90, s30;
	v18 =	vadd.s32 s6, v3;
	s6 =	sadd.s32 $0xFFFFFFE0, s30;
	v12 =	vadd.s32 s0, v3;
	s0 =	sadd.s32 $0xFFFFFFD0, s30;
	v16 =	vand.u32 $0xFFF, v16;
	v19 =	vld [tilespmem:s26+$0xFFFFFFE0]  }
0x3bc: {  	v20 =	vadd.s32 s2, v3;
	v22 =	vadd.s32 s6, v3;
	v21 =	vadd.s32 s0, v3;
	v23 =	vld [tilespmem:s26+$0xFFFFFFF0]  }
0x3bd: {  	v15 =	vand.u32 $0xFFF, v15;
	v20 =	vand.u32 $0xFFF, v20;
	v12 =	vand.u32 $0xFFF, v12;
	v24 =	vld [tilespmem:s26+$0x0]  }
0x3be: {  	v18 =	vand.u32 $0xFFF, v18;
	v22 =	vand.u32 $0xFFF, v22;
	v21 =	vand.u32 $0xFFF, v21;
	v25 =	vld [tilespmem:s26+$0x10]  }
0x3bf: {  	v6 =	vmul.f32 v6, v4;
	v7 =	vmul.f32 v7, v4;
	v11 =	vadd.f32 v11, v14;
	v13 =	vld.idx.msk [tilespmem:v13+s15+$0x0], $0xffff  }
0x3c0: {  	v8 =	vmul.f32 v8, v4;
	v9 =	vmul.f32 v9, v4;
	v14 =	vld.idx.msk [tilespmem:v16+s15+$0x0], $0xffff  }
0x3c1: {  	v10 =	vmul.f32 v10, v4;
	v6 =	vadd.f32 v6, v17;
	v7 =	vadd.f32 v7, v19;
	[tilespmem:s26+$0xFFFFFFC0] =	vst v11;
	v11 =	vld [tilespmem:s26+$0x30]  }
0x3c2: {  	v8 =	vadd.f32 v8, v23;
	s26 =	sadd.s32 $0x80, s26;
	v16 =	vld.idx.msk [tilespmem:v20+s15+$0x0], $0xffff;
	v9 =	vadd.f32 v9, v24  }
0x3c3: {  	v17 =	vld [tilespmem:s26+$0x20];
	[tilespmem:s28+$0xFFFFFFD0] =	vst v6;
	v10 =	vadd.f32 v10, v25  }
.Ltmp37:
0x3c4: {  	v6 =	vld.idx.msk [tilespmem:v15+s15+$0x0], $0xffff;
	[tilespmem:s28+$0xFFFFFFE0] =	vst v7;
	(pc) =	sbr.rel @p0 .LBB2_64-.Ltmp37, $4  }
0x3c5: {  	v7 =	vld.idx.msk [tilespmem:v12+s15+$0x0], $0xffff;
	v12 =	vmul.f32 v13, v4;
	[tilespmem:s28+$0xFFFFFFF0] =	vst v8  }
0x3c6: {  	v13 =	vmul.f32 v14, v4;
	v8 =	vld.idx.msk [tilespmem:v18+s15+$0x0], $0xffff;
	[tilespmem:s28+$0x0] =	vst v9;
	v14 =	vadd.f32 v5, v11  }
0x3c7: {  	v9 =	vld.idx.msk [tilespmem:v21+s15+$0x0], $0xffff;
	[tilespmem:s28+$0x10] =	vst v10;
	v5 =	vmov v12  }
0x3c8: {  	s30 =	sadd.s32 $0x80, s30;
	v11 =	vmul.f32 v16, v4;
	v10 =	vld.idx.msk [tilespmem:v22+s15+$0x0], $0xffff;
	v12 =	vadd.f32 v13, v17;
	[tilespmem:s28+$0x30] =	vst v14;
	s28 =	smov.u32 s26  }
0x3c9: {  	v3 =	vld [tilespmem:s26+$0xFFFFFFC0]  }
0x3ca: {  	v13 =	vld [tilespmem:s26+$0xFFFFFFD0]  }
0x3cb: {  	v15 =	vld [tilespmem:s26+$0xFFFFFFF0]  }
0x3cc: {  	v16 =	vld [tilespmem:s26+$0x0]  }
0x3cd: {  	v14 =	vld [tilespmem:s26+$0xFFFFFFE0];
	v6 =	vmul.f32 v6, v4  }
0x3ce: {  	v59 =	vld [tilespmem:s26+$0x30];
	v8 =	vmul.f32 v8, v4;
	v3 =	vadd.f32 v11, v3  }
0x3cf: {  	v58 =	vld [tilespmem:s26+$0x10];
	[tilespmem:s26+$0x20] =	vst v12;
	v9 =	vmul.f32 v9, v4;
	v6 =	vadd.f32 v6, v13  }
0x3d0: {  	v7 =	vmul.f32 v7, v4;
	v61 =	vadd.f32 v8, v15;
	[tilespmem:s26+$0xFFFFFFC0] =	vst v3  }
0x3d1: {  	v62 =	vadd.f32 v9, v16;
	[tilespmem:s28+$0xFFFFFFD0] =	vst v6  }
0x3d2: {  	v60 =	vmul.f32 v10, v4;
	v3 =	vadd.f32 v7, v14;
	[tilespmem:s28+$0xFFFFFFF0] =	vst v61  }
0x3d3: {  	v63 =	vadd.f32 v5, v59;
	[tilespmem:s28+$0x0] =	vst v62  }
0x3d4: {  	[tilespmem:s28+$0xFFFFFFE0] =	vst v3;
	v3 =	vadd.f32 v60, v58  }
0x3d5: {  	[tilespmem:s28+$0x30] =	vst v63  }
0x3d6: {  	[tilespmem:s28+$0x10] =	vst v3  }
.LBB2_66:
0x3d7: {  	v3 =	vsel vm7, $0x0, v2  }
0x3d8: {  	(xrf2) =	vadd.scan.msk.f32 $0xffff, v3;
	_ =	sdelay $0x9  }
0x3d9: {  	v4, _, _ =	vpop (xrf2)  }
0x3da: {  	(v2sf) =	vpush v4, $0xF;
	_ =	sdelay $0xe  }
0x3db: {  	s0 =	spop (v2sf)  }
0x3dc: {  	p0 =	slt.f32 s0, $0.0e+00;
	p1 =	sgt.f32 s0, $0.0e+00  }
0x3dd: {  	_ = 	snop  }
0x3de: {  	p0 =	por p1, p0  }
0x3df: {  	p0 =	por !p0, !p0  }
.Ltmp38:
0x3e0: {  	_ = 	snop;
	(pc) =	sbr.rel @p0 .LBB2_70-.Ltmp38, $1  }
0x3e1: {  	_ =	sdelay $0x3  }
0x3e2: {  	v3 =	vsel vm7, $0x0, v1  }
0x3e3: {  	(xrf0) =	vadd.scan.msk.s32 $0xffff, v3;
	_ =	sdelay $0x5  }
0x3e4: {  	v3, _, _ =	vpop (xrf0)  }
0x3e5: {  	v3 =	vbroadcast v3, $0xF;
	_ =	sdelay $0x1  }
0x3e6: {  	s2 =	simm.s32 $0x60;
	v3 =	vadd.s32 v0, v3  }
0x3e7: {  	s0 =	simm.s32 $0x70;
	v6 =	vadd.s32 s2, v3  }
0x3e8: {  	v5 =	vadd.s32 s0, v3;
	s2 =	simm.s32 $0x0;
	v6 =	vand.u32 $0xFFF, v6  }
0x3e9: {  	s6 =	simm.s32 $0x10;
	v5 =	vand.u32 $0xFFF, v5;
	v7 =	vadd.s32 s2, v3  }
0x3ea: {  	s7 =	simm.s32 $0x20;
	s26 =	simm.s32 $0x40;
	v8 =	vadd.s32 s6, v3;
	v7 =	vand.u32 $0xFFF, v7  }
0x3eb: {  	s8 =	simm.s32 $0x30;
	v9 =	vadd.s32 s7, v3;
	v11 =	vadd.s32 s26, v3;
	s26 =	simm.s32 $0x4040;
	v8 =	vand.u32 $0xFFF, v8  }
0x3ec: {  	v10 =	vadd.s32 s8, v3;
	v9 =	vand.u32 $0xFFF, v9;
	v15 =	vld [tilespmem:s26+$0x20]  }
0x3ed: {  	s31 =	simm.s32 $0x50;
	v10 =	vand.u32 $0xFFF, v10;
	v12 =	vld.idx.msk [tilespmem:v6+s15+$0x0], $0xffff  }
0x3ee: {  	v11 =	vand.u32 $0xFFF, v11;
	v5 =	vld.idx.msk [tilespmem:v5+s15+$0x0], $0xffff;
	v6 =	vadd.s32 s31, v3  }
0x3ef: {  	v13 =	vld.idx.msk [tilespmem:v7+s15+$0x0], $0xffff;
	v14 =	vand.u32 $0xFFF, v6  }
0x3f0: {  	v4 =	vbroadcast v4, $0xF;
	v6 =	vld.idx.msk [tilespmem:v8+s15+$0x0], $0xffff  }
0x3f1: {  	v7 =	vld.idx.msk [tilespmem:v9+s15+$0x0], $0xffff  }
0x3f2: {  	v8 =	vld.idx.msk [tilespmem:v10+s15+$0x0], $0xffff;
	v12 =	vmul.f32 v12, v4  }
0x3f3: {  	v9 =	vld.idx.msk [tilespmem:v11+s15+$0x0], $0xffff  }
0x3f4: {  	s29 =	simm.s32 $0x0;
	s30 =	simm.s32 $0xF0;
	s28 =	simm.s32 $0x4040;
	v5 =	vmul.f32 v5, v4;
	v11 =	vmul.f32 v13, v4;
	v10 =	vld.idx.msk [tilespmem:v14+s15+$0x0], $0xffff;
	v12 =	vadd.f32 v12, v15  }
.LBB2_68:
0x3f5: {  	s0 =	sadd.s32 $0xFFFFFFA0, s30;
	s2 =	sadd.s32 $0xFFFFFFF0, s30;
	v13 =	vadd.s32 s30, v3;
	s29 =	sadd.s32 $0x8, s29;
	v14 =	vld [tilespmem:s26+$0xFFFFFFC0]  }
0x3f6: {  	s6 =	sadd.s32 $0xFFFFFFC0, s30;
	v15 =	vadd.s32 s0, v3;
	s0 =	sadd.s32 $0xFFFFFFB0, s30;
	v16 =	vadd.s32 s2, v3;
	v13 =	vand.u32 $0xFFF, v13;
	p0 =	slt.u32 s29, $0xF8;
	v17 =	vld [tilespmem:s26+$0xFFFFFFD0];
	[tilespmem:s26+$0x20] =	vst v12  }
0x3f7: {  	s2 =	sadd.s32 $0xFFFFFF90, s30;
	v18 =	vadd.s32 s6, v3;
	s6 =	sadd.s32 $0xFFFFFFE0, s30;
	v12 =	vadd.s32 s0, v3;
	s0 =	sadd.s32 $0xFFFFFFD0, s30;
	v16 =	vand.u32 $0xFFF, v16;
	v19 =	vld [tilespmem:s26+$0xFFFFFFE0]  }
0x3f8: {  	v20 =	vadd.s32 s2, v3;
	v22 =	vadd.s32 s6, v3;
	v21 =	vadd.s32 s0, v3;
	v23 =	vld [tilespmem:s26+$0xFFFFFFF0]  }
0x3f9: {  	v15 =	vand.u32 $0xFFF, v15;
	v20 =	vand.u32 $0xFFF, v20;
	v12 =	vand.u32 $0xFFF, v12;
	v24 =	vld [tilespmem:s26+$0x0]  }
0x3fa: {  	v18 =	vand.u32 $0xFFF, v18;
	v22 =	vand.u32 $0xFFF, v22;
	v21 =	vand.u32 $0xFFF, v21;
	v25 =	vld [tilespmem:s26+$0x10]  }
0x3fb: {  	v6 =	vmul.f32 v6, v4;
	v7 =	vmul.f32 v7, v4;
	v11 =	vadd.f32 v11, v14;
	v13 =	vld.idx.msk [tilespmem:v13+s15+$0x0], $0xffff  }
0x3fc: {  	v8 =	vmul.f32 v8, v4;
	v9 =	vmul.f32 v9, v4;
	v14 =	vld.idx.msk [tilespmem:v16+s15+$0x0], $0xffff  }
0x3fd: {  	v10 =	vmul.f32 v10, v4;
	v6 =	vadd.f32 v6, v17;
	v7 =	vadd.f32 v7, v19;
	[tilespmem:s26+$0xFFFFFFC0] =	vst v11;
	v11 =	vld [tilespmem:s26+$0x30]  }
0x3fe: {  	v8 =	vadd.f32 v8, v23;
	s26 =	sadd.s32 $0x80, s26;
	v16 =	vld.idx.msk [tilespmem:v20+s15+$0x0], $0xffff;
	v9 =	vadd.f32 v9, v24  }
0x3ff: {  	v17 =	vld [tilespmem:s26+$0x20];
	[tilespmem:s28+$0xFFFFFFD0] =	vst v6;
	v10 =	vadd.f32 v10, v25  }
.Ltmp39:
0x400: {  	v6 =	vld.idx.msk [tilespmem:v15+s15+$0x0], $0xffff;
	[tilespmem:s28+$0xFFFFFFE0] =	vst v7;
	(pc) =	sbr.rel @p0 .LBB2_68-.Ltmp39, $4  }
0x401: {  	v7 =	vld.idx.msk [tilespmem:v12+s15+$0x0], $0xffff;
	v12 =	vmul.f32 v13, v4;
	[tilespmem:s28+$0xFFFFFFF0] =	vst v8  }
0x402: {  	v13 =	vmul.f32 v14, v4;
	v8 =	vld.idx.msk [tilespmem:v18+s15+$0x0], $0xffff;
	[tilespmem:s28+$0x0] =	vst v9;
	v14 =	vadd.f32 v5, v11  }
0x403: {  	v9 =	vld.idx.msk [tilespmem:v21+s15+$0x0], $0xffff;
	[tilespmem:s28+$0x10] =	vst v10;
	v5 =	vmov v12  }
0x404: {  	s30 =	sadd.s32 $0x80, s30;
	v11 =	vmul.f32 v16, v4;
	v10 =	vld.idx.msk [tilespmem:v22+s15+$0x0], $0xffff;
	v12 =	vadd.f32 v13, v17;
	[tilespmem:s28+$0x30] =	vst v14;
	s28 =	smov.u32 s26  }
0x405: {  	v3 =	vld [tilespmem:s26+$0xFFFFFFC0]  }
0x406: {  	v13 =	vld [tilespmem:s26+$0xFFFFFFD0]  }
0x407: {  	v15 =	vld [tilespmem:s26+$0xFFFFFFF0]  }
0x408: {  	v16 =	vld [tilespmem:s26+$0x0]  }
0x409: {  	v14 =	vld [tilespmem:s26+$0xFFFFFFE0];
	v6 =	vmul.f32 v6, v4  }
0x40a: {  	v59 =	vld [tilespmem:s26+$0x30];
	v8 =	vmul.f32 v8, v4;
	v3 =	vadd.f32 v11, v3  }
0x40b: {  	v58 =	vld [tilespmem:s26+$0x10];
	[tilespmem:s26+$0x20] =	vst v12;
	v9 =	vmul.f32 v9, v4;
	v6 =	vadd.f32 v6, v13  }
0x40c: {  	v7 =	vmul.f32 v7, v4;
	v61 =	vadd.f32 v8, v15;
	[tilespmem:s26+$0xFFFFFFC0] =	vst v3  }
0x40d: {  	v62 =	vadd.f32 v9, v16;
	[tilespmem:s28+$0xFFFFFFD0] =	vst v6  }
0x40e: {  	v60 =	vmul.f32 v10, v4;
	v3 =	vadd.f32 v7, v14;
	[tilespmem:s28+$0xFFFFFFF0] =	vst v61  }
0x40f: {  	v63 =	vadd.f32 v5, v59;
	[tilespmem:s28+$0x0] =	vst v62  }
0x410: {  	[tilespmem:s28+$0xFFFFFFE0] =	vst v3;
	v3 =	vadd.f32 v60, v58  }
0x411: {  	[tilespmem:s28+$0x30] =	vst v63  }
0x412: {  	[tilespmem:s28+$0x10] =	vst v3  }
.LBB2_70:
0x413: {  	v2 =	vsel vm8, $0x0, v2  }
0x414: {  	(xrf2) =	vadd.scan.msk.f32 $0xffff, v2;
	_ =	sdelay $0x9  }
0x415: {  	v2, _, _ =	vpop (xrf2)  }
0x416: {  	(v2sf) =	vpush v2, $0xF;
	_ =	sdelay $0xe  }
0x417: {  	s0 =	spop (v2sf)  }
0x418: {  	p0 =	slt.f32 s0, $0.0e+00;
	p1 =	sgt.f32 s0, $0.0e+00  }
0x419: {  	_ = 	snop  }
0x41a: {  	p0 =	por p1, p0  }
0x41b: {  	p0 =	por !p0, !p0  }
.Ltmp40:
0x41c: {  	_ = 	snop;
	(pc) =	sbr.rel @p0 .LBB2_74-.Ltmp40, $1  }
0x41d: {  	_ =	sdelay $0x3  }
0x41e: {  	v1 =	vsel vm8, $0x0, v1  }
0x41f: {  	(xrf0) =	vadd.scan.msk.s32 $0xffff, v1;
	_ =	sdelay $0x5  }
0x420: {  	v1, _, _ =	vpop (xrf0)  }
0x421: {  	v1 =	vbroadcast v1, $0xF;
	_ =	sdelay $0x1  }
0x422: {  	s2 =	simm.s32 $0x60;
	v1 =	vadd.s32 v0, v1  }
0x423: {  	s0 =	simm.s32 $0x70;
	v4 =	vadd.s32 s2, v1  }
0x424: {  	v3 =	vadd.s32 s0, v1;
	s2 =	simm.s32 $0x0;
	v4 =	vand.u32 $0xFFF, v4  }
0x425: {  	s6 =	simm.s32 $0x10;
	v3 =	vand.u32 $0xFFF, v3;
	v5 =	vadd.s32 s2, v1  }
0x426: {  	s7 =	simm.s32 $0x20;
	s26 =	simm.s32 $0x40;
	v6 =	vadd.s32 s6, v1;
	v5 =	vand.u32 $0xFFF, v5  }
0x427: {  	s8 =	simm.s32 $0x30;
	v7 =	vadd.s32 s7, v1;
	v9 =	vadd.s32 s26, v1;
	s26 =	simm.s32 $0x4040;
	v6 =	vand.u32 $0xFFF, v6  }
0x428: {  	v8 =	vadd.s32 s8, v1;
	v7 =	vand.u32 $0xFFF, v7;
	v13 =	vld [tilespmem:s26+$0x20]  }
0x429: {  	s31 =	simm.s32 $0x50;
	v8 =	vand.u32 $0xFFF, v8;
	v10 =	vld.idx.msk [tilespmem:v4+s15+$0x0], $0xffff  }
0x42a: {  	v9 =	vand.u32 $0xFFF, v9;
	v3 =	vld.idx.msk [tilespmem:v3+s15+$0x0], $0xffff;
	v4 =	vadd.s32 s31, v1  }
0x42b: {  	v11 =	vld.idx.msk [tilespmem:v5+s15+$0x0], $0xffff;
	v12 =	vand.u32 $0xFFF, v4  }
0x42c: {  	v2 =	vbroadcast v2, $0xF;
	v4 =	vld.idx.msk [tilespmem:v6+s15+$0x0], $0xffff  }
0x42d: {  	v5 =	vld.idx.msk [tilespmem:v7+s15+$0x0], $0xffff  }
0x42e: {  	v6 =	vld.idx.msk [tilespmem:v8+s15+$0x0], $0xffff;
	v10 =	vmul.f32 v10, v2  }
0x42f: {  	v7 =	vld.idx.msk [tilespmem:v9+s15+$0x0], $0xffff  }
0x430: {  	s29 =	simm.s32 $0x0;
	s30 =	simm.s32 $0xF0;
	s28 =	simm.s32 $0x4040;
	v3 =	vmul.f32 v3, v2;
	v9 =	vmul.f32 v11, v2;
	v8 =	vld.idx.msk [tilespmem:v12+s15+$0x0], $0xffff;
	v10 =	vadd.f32 v10, v13  }
.LBB2_72:
0x431: {  	s0 =	sadd.s32 $0xFFFFFFA0, s30;
	s2 =	sadd.s32 $0xFFFFFFF0, s30;
	v11 =	vadd.s32 s30, v1;
	s29 =	sadd.s32 $0x8, s29;
	v12 =	vld [tilespmem:s26+$0xFFFFFFC0]  }
0x432: {  	s6 =	sadd.s32 $0xFFFFFFC0, s30;
	v13 =	vadd.s32 s0, v1;
	s0 =	sadd.s32 $0xFFFFFFB0, s30;
	v14 =	vadd.s32 s2, v1;
	v11 =	vand.u32 $0xFFF, v11;
	p0 =	slt.u32 s29, $0xF8;
	v15 =	vld [tilespmem:s26+$0xFFFFFFD0];
	[tilespmem:s26+$0x20] =	vst v10  }
0x433: {  	s2 =	sadd.s32 $0xFFFFFF90, s30;
	v16 =	vadd.s32 s6, v1;
	s6 =	sadd.s32 $0xFFFFFFE0, s30;
	v10 =	vadd.s32 s0, v1;
	s0 =	sadd.s32 $0xFFFFFFD0, s30;
	v14 =	vand.u32 $0xFFF, v14;
	v17 =	vld [tilespmem:s26+$0xFFFFFFE0]  }
0x434: {  	v18 =	vadd.s32 s2, v1;
	v20 =	vadd.s32 s6, v1;
	v19 =	vadd.s32 s0, v1;
	v21 =	vld [tilespmem:s26+$0xFFFFFFF0]  }
0x435: {  	v13 =	vand.u32 $0xFFF, v13;
	v18 =	vand.u32 $0xFFF, v18;
	v10 =	vand.u32 $0xFFF, v10;
	v22 =	vld [tilespmem:s26+$0x0]  }
0x436: {  	v16 =	vand.u32 $0xFFF, v16;
	v20 =	vand.u32 $0xFFF, v20;
	v19 =	vand.u32 $0xFFF, v19;
	v23 =	vld [tilespmem:s26+$0x10]  }
0x437: {  	v4 =	vmul.f32 v4, v2;
	v5 =	vmul.f32 v5, v2;
	v9 =	vadd.f32 v9, v12;
	v11 =	vld.idx.msk [tilespmem:v11+s15+$0x0], $0xffff  }
0x438: {  	v6 =	vmul.f32 v6, v2;
	v7 =	vmul.f32 v7, v2;
	v12 =	vld.idx.msk [tilespmem:v14+s15+$0x0], $0xffff  }
0x439: {  	v8 =	vmul.f32 v8, v2;
	v4 =	vadd.f32 v4, v15;
	v5 =	vadd.f32 v5, v17;
	[tilespmem:s26+$0xFFFFFFC0] =	vst v9;
	v9 =	vld [tilespmem:s26+$0x30]  }
0x43a: {  	v6 =	vadd.f32 v6, v21;
	s26 =	sadd.s32 $0x80, s26;
	v14 =	vld.idx.msk [tilespmem:v18+s15+$0x0], $0xffff;
	v7 =	vadd.f32 v7, v22  }
0x43b: {  	v15 =	vld [tilespmem:s26+$0x20];
	[tilespmem:s28+$0xFFFFFFD0] =	vst v4;
	v8 =	vadd.f32 v8, v23  }
.Ltmp41:
0x43c: {  	v4 =	vld.idx.msk [tilespmem:v13+s15+$0x0], $0xffff;
	[tilespmem:s28+$0xFFFFFFE0] =	vst v5;
	(pc) =	sbr.rel @p0 .LBB2_72-.Ltmp41, $4  }
0x43d: {  	v5 =	vld.idx.msk [tilespmem:v10+s15+$0x0], $0xffff;
	v10 =	vmul.f32 v11, v2;
	[tilespmem:s28+$0xFFFFFFF0] =	vst v6  }
0x43e: {  	v11 =	vmul.f32 v12, v2;
	v6 =	vld.idx.msk [tilespmem:v16+s15+$0x0], $0xffff;
	[tilespmem:s28+$0x0] =	vst v7;
	v12 =	vadd.f32 v3, v9  }
0x43f: {  	v7 =	vld.idx.msk [tilespmem:v19+s15+$0x0], $0xffff;
	[tilespmem:s28+$0x10] =	vst v8;
	v3 =	vmov v10  }
0x440: {  	s30 =	sadd.s32 $0x80, s30;
	v9 =	vmul.f32 v14, v2;
	v8 =	vld.idx.msk [tilespmem:v20+s15+$0x0], $0xffff;
	v10 =	vadd.f32 v11, v15;
	[tilespmem:s28+$0x30] =	vst v12;
	s28 =	smov.u32 s26  }
0x441: {  	v1 =	vld [tilespmem:s26+$0xFFFFFFC0]  }
0x442: {  	v11 =	vld [tilespmem:s26+$0xFFFFFFD0]  }
0x443: {  	v13 =	vld [tilespmem:s26+$0xFFFFFFF0]  }
0x444: {  	v12 =	vld [tilespmem:s26+$0xFFFFFFE0]  }
0x445: {  	v14 =	vld [tilespmem:s26+$0x0];
	v4 =	vmul.f32 v4, v2  }
0x446: {  	v60 =	vld [tilespmem:s26+$0x10];
	v6 =	vmul.f32 v6, v2;
	v1 =	vadd.f32 v9, v1  }
0x447: {  	v61 =	vld [tilespmem:s26+$0x30];
	v5 =	vmul.f32 v5, v2;
	[tilespmem:s26+$0x20] =	vst v10;
	v4 =	vadd.f32 v4, v11  }
0x448: {  	v7 =	vmul.f32 v7, v2;
	v62 =	vadd.f32 v6, v13;
	[tilespmem:s26+$0xFFFFFFC0] =	vst v1  }
0x449: {  	v2 =	vmul.f32 v8, v2;
	v1 =	vadd.f32 v5, v12;
	[tilespmem:s28+$0xFFFFFFD0] =	vst v4  }
.Ltmp42:
0x44a: {  	v63 =	vadd.f32 v7, v14;
	[tilespmem:s28+$0xFFFFFFF0] =	vst v62;
	(pc) =	sbr.rel .LBB2_74-.Ltmp42, $4  }
0x44b: {  	[tilespmem:s28+$0xFFFFFFE0] =	vst v1;
	v1 =	vadd.f32 v2, v60  }
0x44c: {  	[tilespmem:s28+$0x0] =	vst v63;
	v2 =	vadd.f32 v3, v61  }
0x44d: {  	[tilespmem:s28+$0x10] =	vst v1  }
0x44e: {  	[tilespmem:s28+$0x30] =	vst v2  }
.LBB2_76:
0x44f: {  	_ =	sfence.sel $0x180000  }
0x450: {  	[bflag:$0x0] =	sbarrier.arrive $0xFFFF  }
0x451: {  	_ =	strace $0x90000047  }
0x452: {  	s0 =	stileid.u32;
	[bflag:$0x2] =	sbarrier.arrive $0xFFFF  }
0x453: {  	p0 =	sne.s32 s0, $0x0;
	s0 =	rddreg [dreg:$0x3]  }
0x454: {  	s0 =	sadd.s32 @!p0 $0x100000, s0  }
0x455: {  	[sflag:s0] =	ssyncadd.tile.s32 @!p0 $0x1;
	_ =	shalt  }
.Lfunc_end2:
_tile_overlayer_lowered:
.L_overlay_start_2:
0x456: {  	(tag) =	ssettag $0x2  }
0x457: {  	s0 =	rddreg [dreg:$0x0];
	s2 =	stileid.u32  }
0x458: {  	s1 =	rddreg [dreg:$0x1];
	p0 =	sne.s32 s2, $0x0  }
0x459: {  	s3 =	rddreg [dreg:$0x2];
	[bflag:$0x3] =	sbarrier.arrive $0xFFFF;
	s2 =	simm.s32 @!p0 $0x1C05  }
0x45a: {  	[timem:s3], [sflag:s2] =	dma.local @!p0 [hbm:s0], s1  }
0x45b: {  	s0 =	simm.s32 @!p0 $0x5  }
0x45c: {  	_ =	swait.ge @!p0 [sflag:s0], s1  }
0x45d: {  	s1 =	ssub.s32 @!p0 $0x0, s1;
	[sflag:s0] =	ssyncset.done @!p0 $0x0  }
0x45e: {  	[sflag:s0] =	ssyncadd.s32 @!p0 s1  }
0x45f: {  	[bflag:$0x3] =	sbarrier.arrive $0xFFFF  }
0x460: {  	_ =	shalt  }

</sc_bundles>
